<compile_context>
chip_gen: v7x
topology: tpu7x:2x2x1
jax: 0.10.2.dev20260603
libtpu: 0.0.44.dev20260713+nightly
codegen_flags: <defaults>
</compile_context>

<pallas_src>
import functools

import jax
import jax.numpy as jnp
from jax import lax
from jax.experimental import pallas as pl
from jax.experimental.pallas import tpu as pltpu
from jax.experimental.pallas import tpu_sc as plsc

N = 10000
NP = 10240
F = 128
FH = 64
E = 320000
EP = 327680
C = 128
NCORE = 2
NSUB = 16
ROWS_PER_SUB = NP // NSUB
CHUNKS = EP // C
CHUNKS_PER_W = CHUNKS // (NCORE * NSUB)
CHUNKS_PER_T = CHUNKS // NSUB

_mesh = plsc.VectorSubcoreMesh(
    core_axis_name="c", subcore_axis_name="s",
    num_cores=NCORE, num_subcores=NSUB)


@functools.partial(
    pl.kernel,
    out_type=jax.ShapeDtypeStruct((NCORE, NP), jnp.float32),
    mesh=_mesh,
    scratch_types=[
        pltpu.VMEM_SHARED((NP,), jnp.float32),
        pltpu.VMEM((CHUNKS_PER_W, C), jnp.int32),
        pltpu.VMEM((C,), jnp.float32),
        pltpu.SemaphoreType.DMA,
    ],
)
def _deg_kernel(dstp, zeros1d, out, deg_sp, dst_v, ones_v, sem):
    c = lax.axis_index("c")
    s = lax.axis_index("s")
    for j in range(C // 16):
        ones_v[pl.ds(j * 16, 16)] = jnp.full((16,), 1.0, jnp.float32)
    base = (c * NSUB + s) * CHUNKS_PER_W
    pltpu.sync_copy(dstp.at[pl.ds(base, CHUNKS_PER_W)], dst_v)
    pltpu.sync_copy(zeros1d.at[pl.ds(s * ROWS_PER_SUB, ROWS_PER_SUB)],
                    deg_sp.at[pl.ds(s * ROWS_PER_SUB, ROWS_PER_SUB)])
    plsc.subcore_barrier()

    @pl.loop(0, CHUNKS_PER_W)
    def _(g):
        pltpu.async_copy(ones_v, deg_sp.at[dst_v.at[g]], sem, add=True)

    @pl.loop(0, CHUNKS_PER_W)
    def _(g):
        pltpu.make_async_copy(ones_v, deg_sp.at[dst_v.at[g]], sem).wait()

    plsc.subcore_barrier()
    pltpu.sync_copy(deg_sp.at[pl.ds(s * ROWS_PER_SUB, ROWS_PER_SUB)],
                    out.at[c, pl.ds(s * ROWS_PER_SUB, ROWS_PER_SUB)])


NGROUP = 4
GC = CHUNKS_PER_T // NGROUP

@functools.partial(
    pl.kernel,
    out_type=jax.ShapeDtypeStruct((NCORE, NP, FH), jnp.float32),
    mesh=_mesh,
    scratch_types=[
        pltpu.VMEM_SHARED((NP, FH), jnp.float32),
        pltpu.VMEM_SHARED((NP, FH), jnp.float32),
        pltpu.VMEM((2, GC, C), jnp.int32),
        pltpu.VMEM((2, GC, C), jnp.int32),
        pltpu.VMEM((3, C, FH), jnp.float32),
        [pltpu.SemaphoreType.DMA] * 2,
        [pltpu.SemaphoreType.DMA] * 3,
        [pltpu.SemaphoreType.DMA] * 3,
    ],
    compiler_params=pltpu.CompilerParams(use_tc_tiling_on_sc=False),
)
def _agg_kernel(hp, srcp, dstp, out, agg_sp, h_sp, src_v, dst_v,
                rows_v, isems, gsems, ssems):
    c = lax.axis_index("c")
    s = lax.axis_index("s")
    base = s * CHUNKS_PER_T
    rows = pl.ds(s * ROWS_PER_SUB, ROWS_PER_SUB)

    def start_group(gi, slot):
        pltpu.async_copy(srcp.at[pl.ds(base + gi * GC, GC)],
                         src_v.at[slot], isems[slot])
        pltpu.async_copy(dstp.at[pl.ds(base + gi * GC, GC)],
                         dst_v.at[slot], isems[slot])

    def wait_group(gi, slot):
        pltpu.make_async_copy(srcp.at[pl.ds(base, GC)], src_v.at[slot],
                              isems[slot]).wait()
        pltpu.make_async_copy(dstp.at[pl.ds(base, GC)], dst_v.at[slot],
                              isems[slot]).wait()

    start_group(0, 0)
    pltpu.sync_copy(hp.at[c].at[rows], h_sp.at[rows])
    pltpu.sync_copy(hp.at[c].at[rows], agg_sp.at[rows])
    plsc.subcore_barrier()

    def start_gather(slot, k, b):
        pltpu.async_copy(h_sp.at[src_v.at[slot, k]], rows_v.at[b], gsems[b])

    def wait_gather(slot, b):
        pltpu.make_async_copy(h_sp.at[src_v.at[slot, 0]], rows_v.at[b],
                              gsems[b]).wait()

    def start_scatter(slot, k, b):
        pltpu.async_copy(rows_v.at[b], agg_sp.at[dst_v.at[slot, k]],
                         ssems[b], add=True)

    def wait_scatter(slot, b):
        pltpu.make_async_copy(rows_v.at[b], agg_sp.at[dst_v.at[slot, 0]],
                              ssems[b]).wait()

    for gi in range(NGROUP):
        slot = gi % 2
        wait_group(gi, slot)
        if gi + 1 < NGROUP:
            start_group(gi + 1, (gi + 1) % 2)

        start_gather(slot, 0, 0)

        @pl.loop(0, GC)
        def _(k, slot=slot):
            b = lax.rem(k, 3)
            for bb in range(3):
                @pl.when(b == bb)
                def _(bb=bb):
                    bn = (bb + 1) % 3
                    @pl.when(k >= 2)
                    def _():
                        wait_scatter(slot, bn)

                    @pl.when(k + 1 < GC)
                    def _():
                        start_gather(slot, k + 1, bn)

                    wait_gather(slot, bb)
                    start_scatter(slot, k, bb)

        wait_scatter(slot, (GC - 2) % 3)
        wait_scatter(slot, (GC - 1) % 3)

    plsc.subcore_barrier()
    pltpu.sync_copy(agg_sp.at[rows], out.at[c, rows])


_RB = 2000


def _dinv_block(deg_ref):
    deg = deg_ref[0] + deg_ref[1] + 1.0
    return lax.rsqrt(deg)


def _tc_a_body(x_ref, w_ref, deg_ref, o_ref):
    dinv = _dinv_block(deg_ref)
    o_ref[0] = jnp.dot(x_ref[...], w_ref[0],
                       preferred_element_type=jnp.float32) * dinv


def _tc_b_body(agg_ref, deg_ref, w_ref, b_ref, o_ref):
    dinv = _dinv_block(deg_ref)
    full = jnp.concatenate([agg_ref[0], agg_ref[1]], axis=1)
    h1 = jnp.maximum(full * dinv + b_ref[...], 0.0)
    o_ref[0] = jnp.dot(h1, w_ref[0],
                       preferred_element_type=jnp.float32) * dinv


def _tc_c_body(agg_ref, deg_ref, b_ref, o_ref):
    dinv = _dinv_block(deg_ref)
    full = jnp.concatenate([agg_ref[0], agg_ref[1]], axis=1)
    o_ref[...] = jnp.maximum(full * dinv + b_ref[...], 0.0)


_row_spec = pl.BlockSpec((_RB, F), lambda i, j: (i, 0))
_half_spec = pl.BlockSpec((1, _RB, FH), lambda i, j: (j, i, 0))
_split_spec = pl.BlockSpec((NCORE, _RB, FH), lambda i, j: (0, i, 0))
_deg_spec = pl.BlockSpec((NCORE, _RB, 1), lambda i, j: (0, i, 0))
_whalf_spec = pl.BlockSpec((1, F, FH), lambda i, j: (j, 0, 0))
_b_spec = pl.BlockSpec((1, F), lambda i, j: (0, 0))
_SPLIT_OUT = jax.ShapeDtypeStruct((NCORE, NP, FH), jnp.float32)

_tc_a = pl.pallas_call(
    _tc_a_body, grid=(N // _RB, NCORE),
    in_specs=[_row_spec, _whalf_spec, _deg_spec],
    out_specs=_half_spec, out_shape=_SPLIT_OUT)

_tc_b = pl.pallas_call(
    _tc_b_body, grid=(N // _RB, NCORE),
    in_specs=[_split_spec, _deg_spec, _whalf_spec, _b_spec],
    out_specs=_half_spec, out_shape=_SPLIT_OUT)

_tc_c = pl.pallas_call(
    _tc_c_body, grid=(N // _RB, 1),
    in_specs=[_split_spec, _deg_spec, _b_spec],
    out_specs=pl.BlockSpec((_RB, F), lambda i, j: (i, 0)),
    out_shape=jax.ShapeDtypeStruct((N, F), jnp.float32))


def kernel(x, edge_index, W1, b1, W2, b2):
    src = edge_index[0]
    dst = edge_index[1]
    pad_idx = jnp.full((EP - E,), N, jnp.int32)
    srcp = jnp.concatenate([src, pad_idx]).reshape(CHUNKS, C)
    dstp = jnp.concatenate([dst, pad_idx]).reshape(CHUNKS, C)
    zeros1d = jnp.zeros((NP,), jnp.float32)
    b1r = b1.reshape(1, F)
    b2r = b2.reshape(1, F)
    W1s = W1.reshape(F, NCORE, FH).transpose(1, 0, 2)
    W2s = W2.reshape(F, NCORE, FH).transpose(1, 0, 2)

    degp = _deg_kernel(dstp, zeros1d).reshape(NCORE, NP, 1)
    h1p = _tc_a(x, W1s, degp)
    agg1 = _agg_kernel(h1p, srcp, dstp)
    h2p = _tc_b(agg1, degp, W2s, b1r)
    agg2 = _agg_kernel(h2p, srcp, dstp)
    return _tc_c(agg2, degp, b2r)

# --- scband reference (transcript-rebuilt; emitter-appended) ---
"""Pipeline reference for scband-gcn-body-37151467111222 (READ-ONLY COPY).

The authoritative reference and input builder live on the scoring server;
editing this copy changes nothing except your own understanding.
"""

import jax, jax.numpy as jnp
import numpy as np

N_NODES = 10000
N_EDGES = 320000
NFEAT = 128
NHID = 128


def _gcn_conv(x, edge_index, W, b, num_nodes):
    # PyG GCNConv with normalize=True: add self-loops, symmetric normalization,
    # linear transform (no bias), scatter-sum aggregation, then bias.
    src = edge_index[0]
    dst = edge_index[1]
    loop = jnp.arange(num_nodes, dtype=src.dtype)
    src = jnp.concatenate([src, loop])
    dst = jnp.concatenate([dst, loop])
    h = x @ W
    ones = jnp.ones(src.shape[0], dtype=h.dtype)
    deg = jax.ops.segment_sum(ones, dst, num_segments=num_nodes)
    deg_inv_sqrt = jnp.where(deg > 0, deg ** -0.5, 0.0)
    norm = deg_inv_sqrt[src] * deg_inv_sqrt[dst]
    msg = h[src] * norm[:, None]
    out = jax.ops.segment_sum(msg, dst, num_segments=num_nodes)
    return out + b


def setup_inputs(seed: int = 0) -> dict:
    key = jax.random.key(seed)
    k1, k2, k3, k4 = jax.random.split(key, 4)
    x = jax.random.normal(k1, (N_NODES, NFEAT), dtype=jnp.float32)
    edge_index = jax.random.randint(k2, (2, N_EDGES), 0, N_NODES, dtype=jnp.int32)
    # glorot-style init for the two GCN layers
    s1 = (6.0 / (NFEAT + NHID)) ** 0.5
    s2 = (6.0 / (NHID + NHID)) ** 0.5
    W1 = jax.random.uniform(k3, (NFEAT, NHID), dtype=jnp.float32, minval=-s1, maxval=s1)
    W2 = jax.random.uniform(k4, (NHID, NHID), dtype=jnp.float32, minval=-s2, maxval=s2)
    b1 = jnp.zeros((NHID,), dtype=jnp.float32)
    b2 = jnp.zeros((NHID,), dtype=jnp.float32)
    return {"x": x, "edge_index": edge_index, "W1": W1, "b1": b1, "W2": W2, "b2": b2}


def reference(x, edge_index, W1, b1, W2, b2):
    # GCN_Body.forward (eval mode: dropout is identity)
    h = _gcn_conv(x, edge_index, W1, b1, N_NODES)
    h = jax.nn.relu(h)
    h = _gcn_conv(h, edge_index, W2, b2, N_NODES)
    return jax.nn.relu(h)

if __name__ == "__main__":
    import jax
    _d = setup_inputs()
    print(jax.jit(kernel)(*tuple(_d.values())))

</pallas_src>

<mosaic_0001>
#map = affine_map<(d0, d1) -> (0, 0, 0)>
#map1 = affine_map<(d0, d1) -> (0, 0)>
module attributes {stable_mosaic.version = 14 : i64} {
  func.func @_agg_kernel(%arg0: i32, %arg1: i32, %arg2: memref<2x10240x64xf32, #tpu.memory_space<hbm>>, %arg3: memref<2560x128xi32, #tpu.memory_space<hbm>>, %arg4: memref<2560x128xi32, #tpu.memory_space<hbm>>, %arg5: memref<2x10240x64xf32, #tpu.memory_space<hbm>>, %arg6: memref<10240x64xf32, #tpu.memory_space<vmem_shared>>, %arg7: memref<10240x64xf32, #tpu.memory_space<vmem_shared>>, %arg8: memref<2x40x128xi32, #tpu.memory_space<vmem>>, %arg9: memref<2x40x128xi32, #tpu.memory_space<vmem>>, %arg10: memref<3x128x64xf32, #tpu.memory_space<vmem>>, %arg11: memref<!tpu.dma_semaphore, #tpu.memory_space<semaphore_mem>>, %arg12: memref<!tpu.dma_semaphore, #tpu.memory_space<semaphore_mem>>, %arg13: memref<!tpu.dma_semaphore, #tpu.memory_space<semaphore_mem>>, %arg14: memref<!tpu.dma_semaphore, #tpu.memory_space<semaphore_mem>>, %arg15: memref<!tpu.dma_semaphore, #tpu.memory_space<semaphore_mem>>, %arg16: memref<!tpu.dma_semaphore, #tpu.memory_space<semaphore_mem>>, %arg17: memref<!tpu.dma_semaphore, #tpu.memory_space<semaphore_mem>>, %arg18: memref<!tpu.dma_semaphore, #tpu.memory_space<semaphore_mem>>) attributes {dimension_semantics = [#tpu.dimension_semantics<core_parallel>, #tpu.dimension_semantics<subcore_parallel>], iteration_bounds = array<i64: 2, 16>, scalar_prefetch = 0 : i64, scratch_operands = 13 : i64, tpu.core_type = #tpu.core_type<sc_vector_subcore>, window_params = [{transform_indices = #map}, {transform_indices = #map1}, {transform_indices = #map1}, {transform_indices = #map}]} {
    %mul3A = arith.constant 160 : i32
    %mul3A_0 = arith.muli %arg1, %mul3A : i32
    %mul3A_1 = arith.constant 640 : i32
    %mul3A_2 = arith.muli %arg1, %mul3A_1 : i32
    %add3A = arith.constant 0 : i32
    %add3A_3 = arith.addi %mul3A_0, %add3A : i32
    %dma_start3A = arith.constant 0 : i32
    %dma_start3A_4 = arith.constant 0 : i32
    %dma_start3A_5 = arith.constant 0 : i32
    %dma_start3A_6 = tpu.memref_slice %arg8[%dma_start3A, %dma_start3A_4, %dma_start3A_5] : memref<2x40x128xi32, #tpu.memory_space<vmem>> -> memref<1x40x128xi32, #tpu.memory_space<vmem>>
    %dma_start3A_7 = tpu.memref_squeeze %dma_start3A_6 : memref<1x40x128xi32, #tpu.memory_space<vmem>> -> memref<40x128xi32, #tpu.memory_space<vmem>>
    %dma_start3A_8 = arith.constant 0 : i32
    %dma_start3A_9 = tpu.memref_slice %arg3[%add3A_3, %dma_start3A_8] : memref<2560x128xi32, #tpu.memory_space<hbm>> -> memref<40x128xi32, #tpu.memory_space<hbm>>
    %dma_start3A_10 = arith.constant 0 : i32
    %dma_start3A_11 = arith.constant 0 : i32
    %dma_start3A_12 = tpu.memref_slice %arg8[%dma_start3A, %dma_start3A_10, %dma_start3A_11] : memref<2x40x128xi32, #tpu.memory_space<vmem>> -> memref<1x40x128xi32, #tpu.memory_space<vmem>>
    %dma_start3A_13 = tpu.memref_squeeze %dma_start3A_12 : memref<1x40x128xi32, #tpu.memory_space<vmem>> -> memref<40x128xi32, #tpu.memory_space<vmem>>
    %dma_start3A_14 = arith.constant 0 : i32
    %dma_start3A_15 = tpu.memref_slice %arg3[%add3A_3, %dma_start3A_14] : memref<2560x128xi32, #tpu.memory_space<hbm>> -> memref<40x128xi32, #tpu.memory_space<hbm>>
    tpu.enqueue_dma source(%dma_start3A_15 : memref<40x128xi32, #tpu.memory_space<hbm>>) target(%dma_start3A_13 : memref<40x128xi32, #tpu.memory_space<vmem>>) target_semaphore(%arg11 : memref<!tpu.dma_semaphore, #tpu.memory_space<semaphore_mem>>)
    %add3A_16 = arith.constant 0 : i32
    %add3A_17 = arith.addi %mul3A_0, %add3A_16 : i32
    %dma_start3A_18 = arith.constant 0 : i32
    %dma_start3A_19 = arith.constant 0 : i32
    %dma_start3A_20 = arith.constant 0 : i32
    %dma_start3A_21 = tpu.memref_slice %arg9[%dma_start3A_18, %dma_start3A_19, %dma_start3A_20] : memref<2x40x128xi32, #tpu.memory_space<vmem>> -> memref<1x40x128xi32, #tpu.memory_space<vmem>>
    %dma_start3A_22 = tpu.memref_squeeze %dma_start3A_21 : memref<1x40x128xi32, #tpu.memory_space<vmem>> -> memref<40x128xi32, #tpu.memory_space<vmem>>
    %dma_start3A_23 = arith.constant 0 : i32
    %dma_start3A_24 = tpu.memref_slice %arg4[%add3A_17, %dma_start3A_23] : memref<2560x128xi32, #tpu.memory_space<hbm>> -> memref<40x128xi32, #tpu.memory_space<hbm>>
    %dma_start3A_25 = arith.constant 0 : i32
    %dma_start3A_26 = arith.constant 0 : i32
    %dma_start3A_27 = tpu.memref_slice %arg9[%dma_start3A_18, %dma_start3A_25, %dma_start3A_26] : memref<2x40x128xi32, #tpu.memory_space<vmem>> -> memref<1x40x128xi32, #tpu.memory_space<vmem>>
    %dma_start3A_28 = tpu.memref_squeeze %dma_start3A_27 : memref<1x40x128xi32, #tpu.memory_space<vmem>> -> memref<40x128xi32, #tpu.memory_space<vmem>>
    %dma_start3A_29 = arith.constant 0 : i32
    %dma_start3A_30 = tpu.memref_slice %arg4[%add3A_17, %dma_start3A_29] : memref<2560x128xi32, #tpu.memory_space<hbm>> -> memref<40x128xi32, #tpu.memory_space<hbm>>
    tpu.enqueue_dma source(%dma_start3A_30 : memref<40x128xi32, #tpu.memory_space<hbm>>) target(%dma_start3A_28 : memref<40x128xi32, #tpu.memory_space<vmem>>) target_semaphore(%arg11 : memref<!tpu.dma_semaphore, #tpu.memory_space<semaphore_mem>>)
    "tpu.region"() ({
      %run_scoped3A = tpu.sem_alloc : memref<!tpu.dma_semaphore, #tpu.memory_space<semaphore_mem>>
      %dma_start3A_400 = arith.constant 0 : i32
      %dma_start3A_401 = tpu.memref_slice %arg7[%mul3A_2, %dma_start3A_400] : memref<10240x64xf32, #tpu.memory_space<vmem_shared>> -> memref<640x64xf32, #tpu.memory_space<vmem_shared>>
      %dma_start3A_402 = arith.constant 0 : i32
      %dma_start3A_403 = arith.constant 0 : i32
      %dma_start3A_404 = tpu.memref_slice %arg2[%arg0, %dma_start3A_402, %dma_start3A_403] : memref<2x10240x64xf32, #tpu.memory_space<hbm>> -> memref<1x10240x64xf32, #tpu.memory_space<hbm>>
      %dma_start3A_405 = tpu.memref_squeeze %dma_start3A_404 : memref<1x10240x64xf32, #tpu.memory_space<hbm>> -> memref<10240x64xf32, #tpu.memory_space<hbm>>
      %dma_start3A_406 = arith.constant 0 : i32
      %dma_start3A_407 = tpu.memref_slice %dma_start3A_405[%mul3A_2, %dma_start3A_406] : memref<10240x64xf32, #tpu.memory_space<hbm>> -> memref<640x64xf32, #tpu.memory_space<hbm>>
      tpu.enqueue_dma source(%dma_start3A_407 : memref<640x64xf32, #tpu.memory_space<hbm>>) target(%dma_start3A_401 : memref<640x64xf32, #tpu.memory_space<vmem_shared>>) target_semaphore(%run_scoped3A : memref<!tpu.dma_semaphore, #tpu.memory_space<semaphore_mem>>)
      %dma_wait3A_408 = arith.constant 0 : i32
      %dma_wait3A_409 = tpu.memref_slice %arg7[%mul3A_2, %dma_wait3A_408] : memref<10240x64xf32, #tpu.memory_space<vmem_shared>> -> memref<640x64xf32, #tpu.memory_space<vmem_shared>>
      %dma_wait3A_410 = arith.constant 0 : i32
      %dma_wait3A_411 = arith.constant 0 : i32
      %dma_wait3A_412 = tpu.memref_slice %arg2[%arg0, %dma_wait3A_410, %dma_wait3A_411] : memref<2x10240x64xf32, #tpu.memory_space<hbm>> -> memref<1x10240x64xf32, #tpu.memory_space<hbm>>
      %dma_wait3A_413 = tpu.memref_squeeze %dma_wait3A_412 : memref<1x10240x64xf32, #tpu.memory_space<hbm>> -> memref<10240x64xf32, #tpu.memory_space<hbm>>
      %dma_wait3A_414 = arith.constant 0 : i32
      %dma_wait3A_415 = tpu.memref_slice %dma_wait3A_413[%mul3A_2, %dma_wait3A_414] : memref<10240x64xf32, #tpu.memory_space<hbm>> -> memref<640x64xf32, #tpu.memory_space<hbm>>
      tpu.wait_dma2 semaphore(%run_scoped3A : memref<!tpu.dma_semaphore, #tpu.memory_space<semaphore_mem>>) src(%dma_wait3A_415 : memref<640x64xf32, #tpu.memory_space<hbm>>) dst(%dma_wait3A_409 : memref<640x64xf32, #tpu.memory_space<vmem_shared>>)
      tpu.yield
    }) : () -> ()
    "tpu.region"() ({
      %run_scoped3A = tpu.sem_alloc : memref<!tpu.dma_semaphore, #tpu.memory_space<semaphore_mem>>
      %dma_start3A_400 = arith.constant 0 : i32
      %dma_start3A_401 = tpu.memref_slice %arg6[%mul3A_2, %dma_start3A_400] : memref<10240x64xf32, #tpu.memory_space<vmem_shared>> -> memref<640x64xf32, #tpu.memory_space<vmem_shared>>
      %dma_start3A_402 = arith.constant 0 : i32
      %dma_start3A_403 = arith.constant 0 : i32
      %dma_start3A_404 = tpu.memref_slice %arg2[%arg0, %dma_start3A_402, %dma_start3A_403] : memref<2x10240x64xf32, #tpu.memory_space<hbm>> -> memref<1x10240x64xf32, #tpu.memory_space<hbm>>
      %dma_start3A_405 = tpu.memref_squeeze %dma_start3A_404 : memref<1x10240x64xf32, #tpu.memory_space<hbm>> -> memref<10240x64xf32, #tpu.memory_space<hbm>>
      %dma_start3A_406 = arith.constant 0 : i32
      %dma_start3A_407 = tpu.memref_slice %dma_start3A_405[%mul3A_2, %dma_start3A_406] : memref<10240x64xf32, #tpu.memory_space<hbm>> -> memref<640x64xf32, #tpu.memory_space<hbm>>
      tpu.enqueue_dma source(%dma_start3A_407 : memref<640x64xf32, #tpu.memory_space<hbm>>) target(%dma_start3A_401 : memref<640x64xf32, #tpu.memory_space<vmem_shared>>) target_semaphore(%run_scoped3A : memref<!tpu.dma_semaphore, #tpu.memory_space<semaphore_mem>>)
      %dma_wait3A_408 = arith.constant 0 : i32
      %dma_wait3A_409 = tpu.memref_slice %arg6[%mul3A_2, %dma_wait3A_408] : memref<10240x64xf32, #tpu.memory_space<vmem_shared>> -> memref<640x64xf32, #tpu.memory_space<vmem_shared>>
      %dma_wait3A_410 = arith.constant 0 : i32
      %dma_wait3A_411 = arith.constant 0 : i32
      %dma_wait3A_412 = tpu.memref_slice %arg2[%arg0, %dma_wait3A_410, %dma_wait3A_411] : memref<2x10240x64xf32, #tpu.memory_space<hbm>> -> memref<1x10240x64xf32, #tpu.memory_space<hbm>>
      %dma_wait3A_413 = tpu.memref_squeeze %dma_wait3A_412 : memref<1x10240x64xf32, #tpu.memory_space<hbm>> -> memref<10240x64xf32, #tpu.memory_space<hbm>>
      %dma_wait3A_414 = arith.constant 0 : i32
      %dma_wait3A_415 = tpu.memref_slice %dma_wait3A_413[%mul3A_2, %dma_wait3A_414] : memref<10240x64xf32, #tpu.memory_space<hbm>> -> memref<640x64xf32, #tpu.memory_space<hbm>>
      tpu.wait_dma2 semaphore(%run_scoped3A : memref<!tpu.dma_semaphore, #tpu.memory_space<semaphore_mem>>) src(%dma_wait3A_415 : memref<640x64xf32, #tpu.memory_space<hbm>>) dst(%dma_wait3A_409 : memref<640x64xf32, #tpu.memory_space<vmem_shared>>)
      tpu.yield
    }) : () -> ()
    %barrier3A = arith.constant 0 : index
    tpu.barrier barrier_id(%barrier3A)
    %dma_wait3A = arith.constant 0 : i32
    %dma_wait3A_31 = arith.constant 0 : i32
    %dma_wait3A_32 = arith.constant 0 : i32
    %dma_wait3A_33 = tpu.memref_slice %arg8[%dma_wait3A, %dma_wait3A_31, %dma_wait3A_32] : memref<2x40x128xi32, #tpu.memory_space<vmem>> -> memref<1x40x128xi32, #tpu.memory_space<vmem>>
    %dma_wait3A_34 = tpu.memref_squeeze %dma_wait3A_33 : memref<1x40x128xi32, #tpu.memory_space<vmem>> -> memref<40x128xi32, #tpu.memory_space<vmem>>
    %dma_wait3A_35 = arith.constant 0 : i32
    %dma_wait3A_36 = tpu.memref_slice %arg3[%mul3A_0, %dma_wait3A_35] : memref<2560x128xi32, #tpu.memory_space<hbm>> -> memref<40x128xi32, #tpu.memory_space<hbm>>
    %dma_wait3A_37 = arith.constant 0 : i32
    %dma_wait3A_38 = arith.constant 0 : i32
    %dma_wait3A_39 = tpu.memref_slice %arg8[%dma_wait3A, %dma_wait3A_37, %dma_wait3A_38] : memref<2x40x128xi32, #tpu.memory_space<vmem>> -> memref<1x40x128xi32, #tpu.memory_space<vmem>>
    %dma_wait3A_40 = tpu.memref_squeeze %dma_wait3A_39 : memref<1x40x128xi32, #tpu.memory_space<vmem>> -> memref<40x128xi32, #tpu.memory_space<vmem>>
    %dma_wait3A_41 = arith.constant 0 : i32
    %dma_wait3A_42 = tpu.memref_slice %arg3[%mul3A_0, %dma_wait3A_41] : memref<2560x128xi32, #tpu.memory_space<hbm>> -> memref<40x128xi32, #tpu.memory_space<hbm>>
    tpu.wait_dma2 semaphore(%arg11 : memref<!tpu.dma_semaphore, #tpu.memory_space<semaphore_mem>>) src(%dma_wait3A_42 : memref<40x128xi32, #tpu.memory_space<hbm>>) dst(%dma_wait3A_40 : memref<40x128xi32, #tpu.memory_space<vmem>>)
    %dma_wait3A_43 = arith.constant 0 : i32
    %dma_wait3A_44 = arith.constant 0 : i32
    %dma_wait3A_45 = arith.constant 0 : i32
    %dma_wait3A_46 = tpu.memref_slice %arg9[%dma_wait3A_43, %dma_wait3A_44, %dma_wait3A_45] : memref<2x40x128xi32, #tpu.memory_space<vmem>> -> memref<1x40x128xi32, #tpu.memory_space<vmem>>
    %dma_wait3A_47 = tpu.memref_squeeze %dma_wait3A_46 : memref<1x40x128xi32, #tpu.memory_space<vmem>> -> memref<40x128xi32, #tpu.memory_space<vmem>>
    %dma_wait3A_48 = arith.constant 0 : i32
    %dma_wait3A_49 = tpu.memref_slice %arg4[%mul3A_0, %dma_wait3A_48] : memref<2560x128xi32, #tpu.memory_space<hbm>> -> memref<40x128xi32, #tpu.memory_space<hbm>>
    %dma_wait3A_50 = arith.constant 0 : i32
    %dma_wait3A_51 = arith.constant 0 : i32
    %dma_wait3A_52 = tpu.memref_slice %arg9[%dma_wait3A_43, %dma_wait3A_50, %dma_wait3A_51] : memref<2x40x128xi32, #tpu.memory_space<vmem>> -> memref<1x40x128xi32, #tpu.memory_space<vmem>>
    %dma_wait3A_53 = tpu.memref_squeeze %dma_wait3A_52 : memref<1x40x128xi32, #tpu.memory_space<vmem>> -> memref<40x128xi32, #tpu.memory_space<vmem>>
    %dma_wait3A_54 = arith.constant 0 : i32
    %dma_wait3A_55 = tpu.memref_slice %arg4[%mul3A_0, %dma_wait3A_54] : memref<2560x128xi32, #tpu.memory_space<hbm>> -> memref<40x128xi32, #tpu.memory_space<hbm>>
    tpu.wait_dma2 semaphore(%arg11 : memref<!tpu.dma_semaphore, #tpu.memory_space<semaphore_mem>>) src(%dma_wait3A_55 : memref<40x128xi32, #tpu.memory_space<hbm>>) dst(%dma_wait3A_53 : memref<40x128xi32, #tpu.memory_space<vmem>>)
    %add3A_56 = arith.constant 40 : i32
    %add3A_57 = arith.addi %mul3A_0, %add3A_56 : i32
    %dma_start3A_58 = arith.constant 1 : i32
    %dma_start3A_59 = arith.constant 0 : i32
    %dma_start3A_60 = arith.constant 0 : i32
    %dma_start3A_61 = tpu.memref_slice %arg8[%dma_start3A_58, %dma_start3A_59, %dma_start3A_60] : memref<2x40x128xi32, #tpu.memory_space<vmem>> -> memref<1x40x128xi32, #tpu.memory_space<vmem>>
    %dma_start3A_62 = tpu.memref_squeeze %dma_start3A_61 : memref<1x40x128xi32, #tpu.memory_space<vmem>> -> memref<40x128xi32, #tpu.memory_space<vmem>>
    %dma_start3A_63 = arith.constant 0 : i32
    %dma_start3A_64 = tpu.memref_slice %arg3[%add3A_57, %dma_start3A_63] : memref<2560x128xi32, #tpu.memory_space<hbm>> -> memref<40x128xi32, #tpu.memory_space<hbm>>
    %dma_start3A_65 = arith.constant 0 : i32
    %dma_start3A_66 = arith.constant 0 : i32
    %dma_start3A_67 = tpu.memref_slice %arg8[%dma_start3A_58, %dma_start3A_65, %dma_start3A_66] : memref<2x40x128xi32, #tpu.memory_space<vmem>> -> memref<1x40x128xi32, #tpu.memory_space<vmem>>
    %dma_start3A_68 = tpu.memref_squeeze %dma_start3A_67 : memref<1x40x128xi32, #tpu.memory_space<vmem>> -> memref<40x128xi32, #tpu.memory_space<vmem>>
    %dma_start3A_69 = arith.constant 0 : i32
    %dma_start3A_70 = tpu.memref_slice %arg3[%add3A_57, %dma_start3A_69] : memref<2560x128xi32, #tpu.memory_space<hbm>> -> memref<40x128xi32, #tpu.memory_space<hbm>>
    tpu.enqueue_dma source(%dma_start3A_70 : memref<40x128xi32, #tpu.memory_space<hbm>>) target(%dma_start3A_68 : memref<40x128xi32, #tpu.memory_space<vmem>>) target_semaphore(%arg12 : memref<!tpu.dma_semaphore, #tpu.memory_space<semaphore_mem>>)
    %add3A_71 = arith.constant 40 : i32
    %add3A_72 = arith.addi %mul3A_0, %add3A_71 : i32
    %dma_start3A_73 = arith.constant 1 : i32
    %dma_start3A_74 = arith.constant 0 : i32
    %dma_start3A_75 = arith.constant 0 : i32
    %dma_start3A_76 = tpu.memref_slice %arg9[%dma_start3A_73, %dma_start3A_74, %dma_start3A_75] : memref<2x40x128xi32, #tpu.memory_space<vmem>> -> memref<1x40x128xi32, #tpu.memory_space<vmem>>
    %dma_start3A_77 = tpu.memref_squeeze %dma_start3A_76 : memref<1x40x128xi32, #tpu.memory_space<vmem>> -> memref<40x128xi32, #tpu.memory_space<vmem>>
    %dma_start3A_78 = arith.constant 0 : i32
    %dma_start3A_79 = tpu.memref_slice %arg4[%add3A_72, %dma_start3A_78] : memref<2560x128xi32, #tpu.memory_space<hbm>> -> memref<40x128xi32, #tpu.memory_space<hbm>>
    %dma_start3A_80 = arith.constant 0 : i32
    %dma_start3A_81 = arith.constant 0 : i32
    %dma_start3A_82 = tpu.memref_slice %arg9[%dma_start3A_73, %dma_start3A_80, %dma_start3A_81] : memref<2x40x128xi32, #tpu.memory_space<vmem>> -> memref<1x40x128xi32, #tpu.memory_space<vmem>>
    %dma_start3A_83 = tpu.memref_squeeze %dma_start3A_82 : memref<1x40x128xi32, #tpu.memory_space<vmem>> -> memref<40x128xi32, #tpu.memory_space<vmem>>
    %dma_start3A_84 = arith.constant 0 : i32
    %dma_start3A_85 = tpu.memref_slice %arg4[%add3A_72, %dma_start3A_84] : memref<2560x128xi32, #tpu.memory_space<hbm>> -> memref<40x128xi32, #tpu.memory_space<hbm>>
    tpu.enqueue_dma source(%dma_start3A_85 : memref<40x128xi32, #tpu.memory_space<hbm>>) target(%dma_start3A_83 : memref<40x128xi32, #tpu.memory_space<vmem>>) target_semaphore(%arg12 : memref<!tpu.dma_semaphore, #tpu.memory_space<semaphore_mem>>)
    %dma_start3A_86 = arith.constant 0 : i32
    %dma_start3A_87 = arith.constant 0 : i32
    %dma_start3A_88 = arith.constant 0 : i32
    %dma_start3A_89 = arith.constant 0 : i32
    %dma_start3A_90 = arith.constant 0 : i32
    %dma_start3A_91 = tpu.memref_slice %arg10[%dma_start3A_88, %dma_start3A_89, %dma_start3A_90] : memref<3x128x64xf32, #tpu.memory_space<vmem>> -> memref<1x128x64xf32, #tpu.memory_space<vmem>>
    %dma_start3A_92 = tpu.memref_squeeze %dma_start3A_91 : memref<1x128x64xf32, #tpu.memory_space<vmem>> -> memref<128x64xf32, #tpu.memory_space<vmem>>
    %dma_start3A_93 = arith.constant 0 : i32
    %dma_start3A_94 = tpu.memref_slice %arg8[%dma_start3A_86, %dma_start3A_87, %dma_start3A_93] : memref<2x40x128xi32, #tpu.memory_space<vmem>> -> memref<1x1x128xi32, #tpu.memory_space<vmem>>
    %dma_start3A_95 = tpu.memref_squeeze %dma_start3A_94 : memref<1x1x128xi32, #tpu.memory_space<vmem>> -> memref<128xi32, #tpu.memory_space<vmem>>
    %dma_start3A_96 = arith.constant 0 : i32
    %dma_start3A_97 = arith.constant 0 : i32
    %dma_start3A_98 = tpu.memref_slice %arg7[%dma_start3A_96, %dma_start3A_97] : memref<10240x64xf32, #tpu.memory_space<vmem_shared>> -> memref<10240x64xf32, #tpu.memory_space<vmem_shared>>
    tpu.enqueue_indirect_dma source(%dma_start3A_98 : memref<10240x64xf32, #tpu.memory_space<vmem_shared>>) target(%dma_start3A_92 : memref<128x64xf32, #tpu.memory_space<vmem>>) offsets(%dma_start3A_95 : memref<128xi32, #tpu.memory_space<vmem>>) semaphore(%arg13 : memref<!tpu.dma_semaphore, #tpu.memory_space<semaphore_mem>>)
    %scan3A = arith.constant 0 : i32
    %scan3A_99 = arith.constant 40 : i32
    %scan3A_100 = arith.addi %scan3A, %scan3A_99 : i32
    %scan3A_101 = arith.constant 1 : i32
    scf.for %scan3A_400 = %scan3A to %scan3A_100 step %scan3A_101  : i32 {
      %mul3A_401 = arith.constant 1 : i32
      %mul3A_402 = arith.muli %scan3A_400, %mul3A_401 : i32
      %add3A_403 = arith.constant 0 : i32
      %add3A_404 = arith.addi %add3A_403, %mul3A_402 : i32
      %rem3A = arith.constant 3 : i32
      %rem3A_405 = arith.remsi %add3A_404, %rem3A : i32
      %eq3A = arith.constant 0 : i32
      %eq3A_406 = arith.cmpi eq, %rem3A_405, %eq3A : i32
      %convert_element_type3A = arith.extui %eq3A_406 : i1 to i32
      %cond3A = arith.constant 0 : i32
      %cond3A_407 = arith.cmpi ne, %convert_element_type3A, %cond3A : i32
      scf.if %cond3A_407 {
        %ge3A = arith.constant 2 : i32
        %ge3A_418 = arith.cmpi sge, %add3A_404, %ge3A : i32
        %convert_element_type3A_419 = arith.extui %ge3A_418 : i1 to i32
        %cond3A_420 = arith.constant 0 : i32
        %cond3A_421 = arith.cmpi ne, %convert_element_type3A_419, %cond3A_420 : i32
        scf.if %cond3A_421 {
          %dma_wait3A_453 = arith.constant 1 : i32
          %dma_wait3A_454 = arith.constant 0 : i32
          %dma_wait3A_455 = arith.constant 0 : i32
          %dma_wait3A_456 = arith.constant 0 : i32
          %dma_wait3A_457 = arith.constant 0 : i32
          %dma_wait3A_458 = tpu.memref_slice %arg10[%dma_wait3A_453, %dma_wait3A_456, %dma_wait3A_457] : memref<3x128x64xf32, #tpu.memory_space<vmem>> -> memref<1x128x64xf32, #tpu.memory_space<vmem>>
          %dma_wait3A_459 = tpu.memref_squeeze %dma_wait3A_458 : memref<1x128x64xf32, #tpu.memory_space<vmem>> -> memref<128x64xf32, #tpu.memory_space<vmem>>
          %dma_wait3A_460 = arith.constant 0 : i32
          %dma_wait3A_461 = tpu.memref_slice %arg9[%dma_wait3A_454, %dma_wait3A_455, %dma_wait3A_460] : memref<2x40x128xi32, #tpu.memory_space<vmem>> -> memref<1x1x128xi32, #tpu.memory_space<vmem>>
          %dma_wait3A_462 = tpu.memref_squeeze %dma_wait3A_461 : memref<1x1x128xi32, #tpu.memory_space<vmem>> -> memref<128xi32, #tpu.memory_space<vmem>>
          %dma_wait3A_463 = arith.constant 0 : i32
          %dma_wait3A_464 = arith.constant 0 : i32
          %dma_wait3A_465 = tpu.memref_slice %arg6[%dma_wait3A_463, %dma_wait3A_464] : memref<10240x64xf32, #tpu.memory_space<vmem_shared>> -> memref<10240x64xf32, #tpu.memory_space<vmem_shared>>
          tpu.wait_indirect_dma semaphore(%arg17 : memref<!tpu.dma_semaphore, #tpu.memory_space<semaphore_mem>>) src(%dma_wait3A_459 : memref<128x64xf32, #tpu.memory_space<vmem>>) dst(%dma_wait3A_465 : memref<10240x64xf32, #tpu.memory_space<vmem_shared>>)
        } else {
        }
        %add3A_422 = arith.constant 1 : i32
        %add3A_423 = arith.addi %add3A_404, %add3A_422 : i32
        %lt3A = arith.constant 40 : i32
        %lt3A_424 = arith.cmpi slt, %add3A_423, %lt3A : i32
        %convert_element_type3A_425 = arith.extui %lt3A_424 : i1 to i32
        %cond3A_426 = arith.constant 0 : i32
        %cond3A_427 = arith.cmpi ne, %convert_element_type3A_425, %cond3A_426 : i32
        scf.if %cond3A_427 {
          %add3A_453 = arith.constant 1 : i32
          %add3A_454 = arith.addi %add3A_404, %add3A_453 : i32
          %dma_start3A_455 = arith.constant 0 : i32
          %dma_start3A_456 = arith.constant 1 : i32
          %dma_start3A_457 = arith.constant 0 : i32
          %dma_start3A_458 = arith.constant 0 : i32
          %dma_start3A_459 = tpu.memref_slice %arg10[%dma_start3A_456, %dma_start3A_457, %dma_start3A_458] : memref<3x128x64xf32, #tpu.memory_space<vmem>> -> memref<1x128x64xf32, #tpu.memory_space<vmem>>
          %dma_start3A_460 = tpu.memref_squeeze %dma_start3A_459 : memref<1x128x64xf32, #tpu.memory_space<vmem>> -> memref<128x64xf32, #tpu.memory_space<vmem>>
          %dma_start3A_461 = arith.constant 0 : i32
          %dma_start3A_462 = tpu.memref_slice %arg8[%dma_start3A_455, %add3A_454, %dma_start3A_461] : memref<2x40x128xi32, #tpu.memory_space<vmem>> -> memref<1x1x128xi32, #tpu.memory_space<vmem>>
          %dma_start3A_463 = tpu.memref_squeeze %dma_start3A_462 : memref<1x1x128xi32, #tpu.memory_space<vmem>> -> memref<128xi32, #tpu.memory_space<vmem>>
          %dma_start3A_464 = arith.constant 0 : i32
          %dma_start3A_465 = arith.constant 0 : i32
          %dma_start3A_466 = tpu.memref_slice %arg7[%dma_start3A_464, %dma_start3A_465] : memref<10240x64xf32, #tpu.memory_space<vmem_shared>> -> memref<10240x64xf32, #tpu.memory_space<vmem_shared>>
          tpu.enqueue_indirect_dma source(%dma_start3A_466 : memref<10240x64xf32, #tpu.memory_space<vmem_shared>>) target(%dma_start3A_460 : memref<128x64xf32, #tpu.memory_space<vmem>>) offsets(%dma_start3A_463 : memref<128xi32, #tpu.memory_space<vmem>>) semaphore(%arg14 : memref<!tpu.dma_semaphore, #tpu.memory_space<semaphore_mem>>)
        } else {
        }
        %dma_wait3A_428 = arith.constant 0 : i32
        %dma_wait3A_429 = arith.constant 0 : i32
        %dma_wait3A_430 = arith.constant 0 : i32
        %dma_wait3A_431 = arith.constant 0 : i32
        %dma_wait3A_432 = arith.constant 0 : i32
        %dma_wait3A_433 = tpu.memref_slice %arg10[%dma_wait3A_430, %dma_wait3A_431, %dma_wait3A_432] : memref<3x128x64xf32, #tpu.memory_space<vmem>> -> memref<1x128x64xf32, #tpu.memory_space<vmem>>
        %dma_wait3A_434 = tpu.memref_squeeze %dma_wait3A_433 : memref<1x128x64xf32, #tpu.memory_space<vmem>> -> memref<128x64xf32, #tpu.memory_space<vmem>>
        %dma_wait3A_435 = arith.constant 0 : i32
        %dma_wait3A_436 = tpu.memref_slice %arg8[%dma_wait3A_428, %dma_wait3A_429, %dma_wait3A_435] : memref<2x40x128xi32, #tpu.memory_space<vmem>> -> memref<1x1x128xi32, #tpu.memory_space<vmem>>
        %dma_wait3A_437 = tpu.memref_squeeze %dma_wait3A_436 : memref<1x1x128xi32, #tpu.memory_space<vmem>> -> memref<128xi32, #tpu.memory_space<vmem>>
        %dma_wait3A_438 = arith.constant 0 : i32
        %dma_wait3A_439 = arith.constant 0 : i32
        %dma_wait3A_440 = tpu.memref_slice %arg7[%dma_wait3A_438, %dma_wait3A_439] : memref<10240x64xf32, #tpu.memory_space<vmem_shared>> -> memref<10240x64xf32, #tpu.memory_space<vmem_shared>>
        tpu.wait_indirect_dma semaphore(%arg13 : memref<!tpu.dma_semaphore, #tpu.memory_space<semaphore_mem>>) src(%dma_wait3A_440 : memref<10240x64xf32, #tpu.memory_space<vmem_shared>>) dst(%dma_wait3A_434 : memref<128x64xf32, #tpu.memory_space<vmem>>)
        %dma_start3A_441 = arith.constant 0 : i32
        %dma_start3A_442 = arith.constant 0 : i32
        %dma_start3A_443 = arith.constant 0 : i32
        %dma_start3A_444 = arith.constant 0 : i32
        %dma_start3A_445 = tpu.memref_slice %arg10[%dma_start3A_441, %dma_start3A_443, %dma_start3A_444] : memref<3x128x64xf32, #tpu.memory_space<vmem>> -> memref<1x128x64xf32, #tpu.memory_space<vmem>>
        %dma_start3A_446 = tpu.memref_squeeze %dma_start3A_445 : memref<1x128x64xf32, #tpu.memory_space<vmem>> -> memref<128x64xf32, #tpu.memory_space<vmem>>
        %dma_start3A_447 = arith.constant 0 : i32
        %dma_start3A_448 = tpu.memref_slice %arg9[%dma_start3A_442, %add3A_404, %dma_start3A_447] : memref<2x40x128xi32, #tpu.memory_space<vmem>> -> memref<1x1x128xi32, #tpu.memory_space<vmem>>
        %dma_start3A_449 = tpu.memref_squeeze %dma_start3A_448 : memref<1x1x128xi32, #tpu.memory_space<vmem>> -> memref<128xi32, #tpu.memory_space<vmem>>
        %dma_start3A_450 = arith.constant 0 : i32
        %dma_start3A_451 = arith.constant 0 : i32
        %dma_start3A_452 = tpu.memref_slice %arg6[%dma_start3A_450, %dma_start3A_451] : memref<10240x64xf32, #tpu.memory_space<vmem_shared>> -> memref<10240x64xf32, #tpu.memory_space<vmem_shared>>
        tpu.enqueue_indirect_dma source(%dma_start3A_446 : memref<128x64xf32, #tpu.memory_space<vmem>>) target(%dma_start3A_452 : memref<10240x64xf32, #tpu.memory_space<vmem_shared>>) offsets(%dma_start3A_449 : memref<128xi32, #tpu.memory_space<vmem>>) semaphore(%arg16 : memref<!tpu.dma_semaphore, #tpu.memory_space<semaphore_mem>>) {add = true}
      } else {
      }
      %eq3A_408 = arith.constant 1 : i32
      %eq3A_409 = arith.cmpi eq, %rem3A_405, %eq3A_408 : i32
      %convert_element_type3A_410 = arith.extui %eq3A_409 : i1 to i32
      %cond3A_411 = arith.constant 0 : i32
      %cond3A_412 = arith.cmpi ne, %convert_element_type3A_410, %cond3A_411 : i32
      scf.if %cond3A_412 {
        %ge3A = arith.constant 2 : i32
        %ge3A_418 = arith.cmpi sge, %add3A_404, %ge3A : i32
        %convert_element_type3A_419 = arith.extui %ge3A_418 : i1 to i32
        %cond3A_420 = arith.constant 0 : i32
        %cond3A_421 = arith.cmpi ne, %convert_element_type3A_419, %cond3A_420 : i32
        scf.if %cond3A_421 {
          %dma_wait3A_453 = arith.constant 2 : i32
          %dma_wait3A_454 = arith.constant 0 : i32
          %dma_wait3A_455 = arith.constant 0 : i32
          %dma_wait3A_456 = arith.constant 0 : i32
          %dma_wait3A_457 = arith.constant 0 : i32
          %dma_wait3A_458 = tpu.memref_slice %arg10[%dma_wait3A_453, %dma_wait3A_456, %dma_wait3A_457] : memref<3x128x64xf32, #tpu.memory_space<vmem>> -> memref<1x128x64xf32, #tpu.memory_space<vmem>>
          %dma_wait3A_459 = tpu.memref_squeeze %dma_wait3A_458 : memref<1x128x64xf32, #tpu.memory_space<vmem>> -> memref<128x64xf32, #tpu.memory_space<vmem>>
          %dma_wait3A_460 = arith.constant 0 : i32
          %dma_wait3A_461 = tpu.memref_slice %arg9[%dma_wait3A_454, %dma_wait3A_455, %dma_wait3A_460] : memref<2x40x128xi32, #tpu.memory_space<vmem>> -> memref<1x1x128xi32, #tpu.memory_space<vmem>>
          %dma_wait3A_462 = tpu.memref_squeeze %dma_wait3A_461 : memref<1x1x128xi32, #tpu.memory_space<vmem>> -> memref<128xi32, #tpu.memory_space<vmem>>
          %dma_wait3A_463 = arith.constant 0 : i32
          %dma_wait3A_464 = arith.constant 0 : i32
          %dma_wait3A_465 = tpu.memref_slice %arg6[%dma_wait3A_463, %dma_wait3A_464] : memref<10240x64xf32, #tpu.memory_space<vmem_shared>> -> memref<10240x64xf32, #tpu.memory_space<vmem_shared>>
          tpu.wait_indirect_dma semaphore(%arg18 : memref<!tpu.dma_semaphore, #tpu.memory_space<semaphore_mem>>) src(%dma_wait3A_459 : memref<128x64xf32, #tpu.memory_space<vmem>>) dst(%dma_wait3A_465 : memref<10240x64xf32, #tpu.memory_space<vmem_shared>>)
        } else {
        }
        %add3A_422 = arith.constant 1 : i32
        %add3A_423 = arith.addi %add3A_404, %add3A_422 : i32
        %lt3A = arith.constant 40 : i32
        %lt3A_424 = arith.cmpi slt, %add3A_423, %lt3A : i32
        %convert_element_type3A_425 = arith.extui %lt3A_424 : i1 to i32
        %cond3A_426 = arith.constant 0 : i32
        %cond3A_427 = arith.cmpi ne, %convert_element_type3A_425, %cond3A_426 : i32
        scf.if %cond3A_427 {
          %add3A_453 = arith.constant 1 : i32
          %add3A_454 = arith.addi %add3A_404, %add3A_453 : i32
          %dma_start3A_455 = arith.constant 0 : i32
          %dma_start3A_456 = arith.constant 2 : i32
          %dma_start3A_457 = arith.constant 0 : i32
          %dma_start3A_458 = arith.constant 0 : i32
          %dma_start3A_459 = tpu.memref_slice %arg10[%dma_start3A_456, %dma_start3A_457, %dma_start3A_458] : memref<3x128x64xf32, #tpu.memory_space<vmem>> -> memref<1x128x64xf32, #tpu.memory_space<vmem>>
          %dma_start3A_460 = tpu.memref_squeeze %dma_start3A_459 : memref<1x128x64xf32, #tpu.memory_space<vmem>> -> memref<128x64xf32, #tpu.memory_space<vmem>>
          %dma_start3A_461 = arith.constant 0 : i32
          %dma_start3A_462 = tpu.memref_slice %arg8[%dma_start3A_455, %add3A_454, %dma_start3A_461] : memref<2x40x128xi32, #tpu.memory_space<vmem>> -> memref<1x1x128xi32, #tpu.memory_space<vmem>>
          %dma_start3A_463 = tpu.memref_squeeze %dma_start3A_462 : memref<1x1x128xi32, #tpu.memory_space<vmem>> -> memref<128xi32, #tpu.memory_space<vmem>>
          %dma_start3A_464 = arith.constant 0 : i32
          %dma_start3A_465 = arith.constant 0 : i32
          %dma_start3A_466 = tpu.memref_slice %arg7[%dma_start3A_464, %dma_start3A_465] : memref<10240x64xf32, #tpu.memory_space<vmem_shared>> -> memref<10240x64xf32, #tpu.memory_space<vmem_shared>>
          tpu.enqueue_indirect_dma source(%dma_start3A_466 : memref<10240x64xf32, #tpu.memory_space<vmem_shared>>) target(%dma_start3A_460 : memref<128x64xf32, #tpu.memory_space<vmem>>) offsets(%dma_start3A_463 : memref<128xi32, #tpu.memory_space<vmem>>) semaphore(%arg15 : memref<!tpu.dma_semaphore, #tpu.memory_space<semaphore_mem>>)
        } else {
        }
        %dma_wait3A_428 = arith.constant 0 : i32
        %dma_wait3A_429 = arith.constant 0 : i32
        %dma_wait3A_430 = arith.constant 1 : i32
        %dma_wait3A_431 = arith.constant 0 : i32
        %dma_wait3A_432 = arith.constant 0 : i32
        %dma_wait3A_433 = tpu.memref_slice %arg10[%dma_wait3A_430, %dma_wait3A_431, %dma_wait3A_432] : memref<3x128x64xf32, #tpu.memory_space<vmem>> -> memref<1x128x64xf32, #tpu.memory_space<vmem>>
        %dma_wait3A_434 = tpu.memref_squeeze %dma_wait3A_433 : memref<1x128x64xf32, #tpu.memory_space<vmem>> -> memref<128x64xf32, #tpu.memory_space<vmem>>
        %dma_wait3A_435 = arith.constant 0 : i32
        %dma_wait3A_436 = tpu.memref_slice %arg8[%dma_wait3A_428, %dma_wait3A_429, %dma_wait3A_435] : memref<2x40x128xi32, #tpu.memory_space<vmem>> -> memref<1x1x128xi32, #tpu.memory_space<vmem>>
        %dma_wait3A_437 = tpu.memref_squeeze %dma_wait3A_436 : memref<1x1x128xi32, #tpu.memory_space<vmem>> -> memref<128xi32, #tpu.memory_space<vmem>>
        %dma_wait3A_438 = arith.constant 0 : i32
        %dma_wait3A_439 = arith.constant 0 : i32
        %dma_wait3A_440 = tpu.memref_slice %arg7[%dma_wait3A_438, %dma_wait3A_439] : memref<10240x64xf32, #tpu.memory_space<vmem_shared>> -> memref<10240x64xf32, #tpu.memory_space<vmem_shared>>
        tpu.wait_indirect_dma semaphore(%arg14 : memref<!tpu.dma_semaphore, #tpu.memory_space<semaphore_mem>>) src(%dma_wait3A_440 : memref<10240x64xf32, #tpu.memory_space<vmem_shared>>) dst(%dma_wait3A_434 : memref<128x64xf32, #tpu.memory_space<vmem>>)
        %dma_start3A_441 = arith.constant 1 : i32
        %dma_start3A_442 = arith.constant 0 : i32
        %dma_start3A_443 = arith.constant 0 : i32
        %dma_start3A_444 = arith.constant 0 : i32
        %dma_start3A_445 = tpu.memref_slice %arg10[%dma_start3A_441, %dma_start3A_443, %dma_start3A_444] : memref<3x128x64xf32, #tpu.memory_space<vmem>> -> memref<1x128x64xf32, #tpu.memory_space<vmem>>
        %dma_start3A_446 = tpu.memref_squeeze %dma_start3A_445 : memref<1x128x64xf32, #tpu.memory_space<vmem>> -> memref<128x64xf32, #tpu.memory_space<vmem>>
        %dma_start3A_447 = arith.constant 0 : i32
        %dma_start3A_448 = tpu.memref_slice %arg9[%dma_start3A_442, %add3A_404, %dma_start3A_447] : memref<2x40x128xi32, #tpu.memory_space<vmem>> -> memref<1x1x128xi32, #tpu.memory_space<vmem>>
        %dma_start3A_449 = tpu.memref_squeeze %dma_start3A_448 : memref<1x1x128xi32, #tpu.memory_space<vmem>> -> memref<128xi32, #tpu.memory_space<vmem>>
        %dma_start3A_450 = arith.constant 0 : i32
        %dma_start3A_451 = arith.constant 0 : i32
        %dma_start3A_452 = tpu.memref_slice %arg6[%dma_start3A_450, %dma_start3A_451] : memref<10240x64xf32, #tpu.memory_space<vmem_shared>> -> memref<10240x64xf32, #tpu.memory_space<vmem_shared>>
        tpu.enqueue_indirect_dma source(%dma_start3A_446 : memref<128x64xf32, #tpu.memory_space<vmem>>) target(%dma_start3A_452 : memref<10240x64xf32, #tpu.memory_space<vmem_shared>>) offsets(%dma_start3A_449 : memref<128xi32, #tpu.memory_space<vmem>>) semaphore(%arg17 : memref<!tpu.dma_semaphore, #tpu.memory_space<semaphore_mem>>) {add = true}
      } else {
      }
      %eq3A_413 = arith.constant 2 : i32
      %eq3A_414 = arith.cmpi eq, %rem3A_405, %eq3A_413 : i32
      %convert_element_type3A_415 = arith.extui %eq3A_414 : i1 to i32
      %cond3A_416 = arith.constant 0 : i32
      %cond3A_417 = arith.cmpi ne, %convert_element_type3A_415, %cond3A_416 : i32
      scf.if %cond3A_417 {
        %ge3A = arith.constant 2 : i32
        %ge3A_418 = arith.cmpi sge, %add3A_404, %ge3A : i32
        %convert_element_type3A_419 = arith.extui %ge3A_418 : i1 to i32
        %cond3A_420 = arith.constant 0 : i32
        %cond3A_421 = arith.cmpi ne, %convert_element_type3A_419, %cond3A_420 : i32
        scf.if %cond3A_421 {
          %dma_wait3A_453 = arith.constant 0 : i32
          %dma_wait3A_454 = arith.constant 0 : i32
          %dma_wait3A_455 = arith.constant 0 : i32
          %dma_wait3A_456 = arith.constant 0 : i32
          %dma_wait3A_457 = arith.constant 0 : i32
          %dma_wait3A_458 = tpu.memref_slice %arg10[%dma_wait3A_453, %dma_wait3A_456, %dma_wait3A_457] : memref<3x128x64xf32, #tpu.memory_space<vmem>> -> memref<1x128x64xf32, #tpu.memory_space<vmem>>
          %dma_wait3A_459 = tpu.memref_squeeze %dma_wait3A_458 : memref<1x128x64xf32, #tpu.memory_space<vmem>> -> memref<128x64xf32, #tpu.memory_space<vmem>>
          %dma_wait3A_460 = arith.constant 0 : i32
          %dma_wait3A_461 = tpu.memref_slice %arg9[%dma_wait3A_454, %dma_wait3A_455, %dma_wait3A_460] : memref<2x40x128xi32, #tpu.memory_space<vmem>> -> memref<1x1x128xi32, #tpu.memory_space<vmem>>
          %dma_wait3A_462 = tpu.memref_squeeze %dma_wait3A_461 : memref<1x1x128xi32, #tpu.memory_space<vmem>> -> memref<128xi32, #tpu.memory_space<vmem>>
          %dma_wait3A_463 = arith.constant 0 : i32
          %dma_wait3A_464 = arith.constant 0 : i32
          %dma_wait3A_465 = tpu.memref_slice %arg6[%dma_wait3A_463, %dma_wait3A_464] : memref<10240x64xf32, #tpu.memory_space<vmem_shared>> -> memref<10240x64xf32, #tpu.memory_space<vmem_shared>>
          tpu.wait_indirect_dma semaphore(%arg16 : memref<!tpu.dma_semaphore, #tpu.memory_space<semaphore_mem>>) src(%dma_wait3A_459 : memref<128x64xf32, #tpu.memory_space<vmem>>) dst(%dma_wait3A_465 : memref<10240x64xf32, #tpu.memory_space<vmem_shared>>)
        } else {
        }
        %add3A_422 = arith.constant 1 : i32
        %add3A_423 = arith.addi %add3A_404, %add3A_422 : i32
        %lt3A = arith.constant 40 : i32
        %lt3A_424 = arith.cmpi slt, %add3A_423, %lt3A : i32
        %convert_element_type3A_425 = arith.extui %lt3A_424 : i1 to i32
        %cond3A_426 = arith.constant 0 : i32
        %cond3A_427 = arith.cmpi ne, %convert_element_type3A_425, %cond3A_426 : i32
        scf.if %cond3A_427 {
          %add3A_453 = arith.constant 1 : i32
          %add3A_454 = arith.addi %add3A_404, %add3A_453 : i32
          %dma_start3A_455 = arith.constant 0 : i32
          %dma_start3A_456 = arith.constant 0 : i32
          %dma_start3A_457 = arith.constant 0 : i32
          %dma_start3A_458 = arith.constant 0 : i32
          %dma_start3A_459 = tpu.memref_slice %arg10[%dma_start3A_456, %dma_start3A_457, %dma_start3A_458] : memref<3x128x64xf32, #tpu.memory_space<vmem>> -> memref<1x128x64xf32, #tpu.memory_space<vmem>>
          %dma_start3A_460 = tpu.memref_squeeze %dma_start3A_459 : memref<1x128x64xf32, #tpu.memory_space<vmem>> -> memref<128x64xf32, #tpu.memory_space<vmem>>
          %dma_start3A_461 = arith.constant 0 : i32
          %dma_start3A_462 = tpu.memref_slice %arg8[%dma_start3A_455, %add3A_454, %dma_start3A_461] : memref<2x40x128xi32, #tpu.memory_space<vmem>> -> memref<1x1x128xi32, #tpu.memory_space<vmem>>
          %dma_start3A_463 = tpu.memref_squeeze %dma_start3A_462 : memref<1x1x128xi32, #tpu.memory_space<vmem>> -> memref<128xi32, #tpu.memory_space<vmem>>
          %dma_start3A_464 = arith.constant 0 : i32
          %dma_start3A_465 = arith.constant 0 : i32
          %dma_start3A_466 = tpu.memref_slice %arg7[%dma_start3A_464, %dma_start3A_465] : memref<10240x64xf32, #tpu.memory_space<vmem_shared>> -> memref<10240x64xf32, #tpu.memory_space<vmem_shared>>
          tpu.enqueue_indirect_dma source(%dma_start3A_466 : memref<10240x64xf32, #tpu.memory_space<vmem_shared>>) target(%dma_start3A_460 : memref<128x64xf32, #tpu.memory_space<vmem>>) offsets(%dma_start3A_463 : memref<128xi32, #tpu.memory_space<vmem>>) semaphore(%arg13 : memref<!tpu.dma_semaphore, #tpu.memory_space<semaphore_mem>>)
        } else {
        }
        %dma_wait3A_428 = arith.constant 0 : i32
        %dma_wait3A_429 = arith.constant 0 : i32
        %dma_wait3A_430 = arith.constant 2 : i32
        %dma_wait3A_431 = arith.constant 0 : i32
        %dma_wait3A_432 = arith.constant 0 : i32
        %dma_wait3A_433 = tpu.memref_slice %arg10[%dma_wait3A_430, %dma_wait3A_431, %dma_wait3A_432] : memref<3x128x64xf32, #tpu.memory_space<vmem>> -> memref<1x128x64xf32, #tpu.memory_space<vmem>>
        %dma_wait3A_434 = tpu.memref_squeeze %dma_wait3A_433 : memref<1x128x64xf32, #tpu.memory_space<vmem>> -> memref<128x64xf32, #tpu.memory_space<vmem>>
        %dma_wait3A_435 = arith.constant 0 : i32
        %dma_wait3A_436 = tpu.memref_slice %arg8[%dma_wait3A_428, %dma_wait3A_429, %dma_wait3A_435] : memref<2x40x128xi32, #tpu.memory_space<vmem>> -> memref<1x1x128xi32, #tpu.memory_space<vmem>>
        %dma_wait3A_437 = tpu.memref_squeeze %dma_wait3A_436 : memref<1x1x128xi32, #tpu.memory_space<vmem>> -> memref<128xi32, #tpu.memory_space<vmem>>
        %dma_wait3A_438 = arith.constant 0 : i32
        %dma_wait3A_439 = arith.constant 0 : i32
        %dma_wait3A_440 = tpu.memref_slice %arg7[%dma_wait3A_438, %dma_wait3A_439] : memref<10240x64xf32, #tpu.memory_space<vmem_shared>> -> memref<10240x64xf32, #tpu.memory_space<vmem_shared>>
        tpu.wait_indirect_dma semaphore(%arg15 : memref<!tpu.dma_semaphore, #tpu.memory_space<semaphore_mem>>) src(%dma_wait3A_440 : memref<10240x64xf32, #tpu.memory_space<vmem_shared>>) dst(%dma_wait3A_434 : memref<128x64xf32, #tpu.memory_space<vmem>>)
        %dma_start3A_441 = arith.constant 2 : i32
        %dma_start3A_442 = arith.constant 0 : i32
        %dma_start3A_443 = arith.constant 0 : i32
        %dma_start3A_444 = arith.constant 0 : i32
        %dma_start3A_445 = tpu.memref_slice %arg10[%dma_start3A_441, %dma_start3A_443, %dma_start3A_444] : memref<3x128x64xf32, #tpu.memory_space<vmem>> -> memref<1x128x64xf32, #tpu.memory_space<vmem>>
        %dma_start3A_446 = tpu.memref_squeeze %dma_start3A_445 : memref<1x128x64xf32, #tpu.memory_space<vmem>> -> memref<128x64xf32, #tpu.memory_space<vmem>>
        %dma_start3A_447 = arith.constant 0 : i32
        %dma_start3A_448 = tpu.memref_slice %arg9[%dma_start3A_442, %add3A_404, %dma_start3A_447] : memref<2x40x128xi32, #tpu.memory_space<vmem>> -> memref<1x1x128xi32, #tpu.memory_space<vmem>>
        %dma_start3A_449 = tpu.memref_squeeze %dma_start3A_448 : memref<1x1x128xi32, #tpu.memory_space<vmem>> -> memref<128xi32, #tpu.memory_space<vmem>>
        %dma_start3A_450 = arith.constant 0 : i32
        %dma_start3A_451 = arith.constant 0 : i32
        %dma_start3A_452 = tpu.memref_slice %arg6[%dma_start3A_450, %dma_start3A_451] : memref<10240x64xf32, #tpu.memory_space<vmem_shared>> -> memref<10240x64xf32, #tpu.memory_space<vmem_shared>>
        tpu.enqueue_indirect_dma source(%dma_start3A_446 : memref<128x64xf32, #tpu.memory_space<vmem>>) target(%dma_start3A_452 : memref<10240x64xf32, #tpu.memory_space<vmem_shared>>) offsets(%dma_start3A_449 : memref<128xi32, #tpu.memory_space<vmem>>) semaphore(%arg18 : memref<!tpu.dma_semaphore, #tpu.memory_space<semaphore_mem>>) {add = true}
      } else {
      }
    }
    %scan3A_102 = arith.constant 40 : i32
    %dma_wait3A_103 = arith.constant 2 : i32
    %dma_wait3A_104 = arith.constant 0 : i32
    %dma_wait3A_105 = arith.constant 0 : i32
    %dma_wait3A_106 = arith.constant 0 : i32
    %dma_wait3A_107 = arith.constant 0 : i32
    %dma_wait3A_108 = tpu.memref_slice %arg10[%dma_wait3A_103, %dma_wait3A_106, %dma_wait3A_107] : memref<3x128x64xf32, #tpu.memory_space<vmem>> -> memref<1x128x64xf32, #tpu.memory_space<vmem>>
    %dma_wait3A_109 = tpu.memref_squeeze %dma_wait3A_108 : memref<1x128x64xf32, #tpu.memory_space<vmem>> -> memref<128x64xf32, #tpu.memory_space<vmem>>
    %dma_wait3A_110 = arith.constant 0 : i32
    %dma_wait3A_111 = tpu.memref_slice %arg9[%dma_wait3A_104, %dma_wait3A_105, %dma_wait3A_110] : memref<2x40x128xi32, #tpu.memory_space<vmem>> -> memref<1x1x128xi32, #tpu.memory_space<vmem>>
    %dma_wait3A_112 = tpu.memref_squeeze %dma_wait3A_111 : memref<1x1x128xi32, #tpu.memory_space<vmem>> -> memref<128xi32, #tpu.memory_space<vmem>>
    %dma_wait3A_113 = arith.constant 0 : i32
    %dma_wait3A_114 = arith.constant 0 : i32
    %dma_wait3A_115 = tpu.memref_slice %arg6[%dma_wait3A_113, %dma_wait3A_114] : memref<10240x64xf32, #tpu.memory_space<vmem_shared>> -> memref<10240x64xf32, #tpu.memory_space<vmem_shared>>
    tpu.wait_indirect_dma semaphore(%arg18 : memref<!tpu.dma_semaphore, #tpu.memory_space<semaphore_mem>>) src(%dma_wait3A_109 : memref<128x64xf32, #tpu.memory_space<vmem>>) dst(%dma_wait3A_115 : memref<10240x64xf32, #tpu.memory_space<vmem_shared>>)
    %dma_wait3A_116 = arith.constant 0 : i32
    %dma_wait3A_117 = arith.constant 0 : i32
    %dma_wait3A_118 = arith.constant 0 : i32
    %dma_wait3A_119 = arith.constant 0 : i32
    %dma_wait3A_120 = arith.constant 0 : i32
    %dma_wait3A_121 = tpu.memref_slice %arg10[%dma_wait3A_116, %dma_wait3A_119, %dma_wait3A_120] : memref<3x128x64xf32, #tpu.memory_space<vmem>> -> memref<1x128x64xf32, #tpu.memory_space<vmem>>
    %dma_wait3A_122 = tpu.memref_squeeze %dma_wait3A_121 : memref<1x128x64xf32, #tpu.memory_space<vmem>> -> memref<128x64xf32, #tpu.memory_space<vmem>>
    %dma_wait3A_123 = arith.constant 0 : i32
    %dma_wait3A_124 = tpu.memref_slice %arg9[%dma_wait3A_117, %dma_wait3A_118, %dma_wait3A_123] : memref<2x40x128xi32, #tpu.memory_space<vmem>> -> memref<1x1x128xi32, #tpu.memory_space<vmem>>
    %dma_wait3A_125 = tpu.memref_squeeze %dma_wait3A_124 : memref<1x1x128xi32, #tpu.memory_space<vmem>> -> memref<128xi32, #tpu.memory_space<vmem>>
    %dma_wait3A_126 = arith.constant 0 : i32
    %dma_wait3A_127 = arith.constant 0 : i32
    %dma_wait3A_128 = tpu.memref_slice %arg6[%dma_wait3A_126, %dma_wait3A_127] : memref<10240x64xf32, #tpu.memory_space<vmem_shared>> -> memref<10240x64xf32, #tpu.memory_space<vmem_shared>>
    tpu.wait_indirect_dma semaphore(%arg16 : memref<!tpu.dma_semaphore, #tpu.memory_space<semaphore_mem>>) src(%dma_wait3A_122 : memref<128x64xf32, #tpu.memory_space<vmem>>) dst(%dma_wait3A_128 : memref<10240x64xf32, #tpu.memory_space<vmem_shared>>)
    %dma_wait3A_129 = arith.constant 1 : i32
    %dma_wait3A_130 = arith.constant 0 : i32
    %dma_wait3A_131 = arith.constant 0 : i32
    %dma_wait3A_132 = tpu.memref_slice %arg8[%dma_wait3A_129, %dma_wait3A_130, %dma_wait3A_131] : memref<2x40x128xi32, #tpu.memory_space<vmem>> -> memref<1x40x128xi32, #tpu.memory_space<vmem>>
    %dma_wait3A_133 = tpu.memref_squeeze %dma_wait3A_132 : memref<1x40x128xi32, #tpu.memory_space<vmem>> -> memref<40x128xi32, #tpu.memory_space<vmem>>
    %dma_wait3A_134 = arith.constant 0 : i32
    %dma_wait3A_135 = tpu.memref_slice %arg3[%mul3A_0, %dma_wait3A_134] : memref<2560x128xi32, #tpu.memory_space<hbm>> -> memref<40x128xi32, #tpu.memory_space<hbm>>
    %dma_wait3A_136 = arith.constant 0 : i32
    %dma_wait3A_137 = arith.constant 0 : i32
    %dma_wait3A_138 = tpu.memref_slice %arg8[%dma_wait3A_129, %dma_wait3A_136, %dma_wait3A_137] : memref<2x40x128xi32, #tpu.memory_space<vmem>> -> memref<1x40x128xi32, #tpu.memory_space<vmem>>
    %dma_wait3A_139 = tpu.memref_squeeze %dma_wait3A_138 : memref<1x40x128xi32, #tpu.memory_space<vmem>> -> memref<40x128xi32, #tpu.memory_space<vmem>>
    %dma_wait3A_140 = arith.constant 0 : i32
    %dma_wait3A_141 = tpu.memref_slice %arg3[%mul3A_0, %dma_wait3A_140] : memref<2560x128xi32, #tpu.memory_space<hbm>> -> memref<40x128xi32, #tpu.memory_space<hbm>>
    tpu.wait_dma2 semaphore(%arg12 : memref<!tpu.dma_semaphore, #tpu.memory_space<semaphore_mem>>) src(%dma_wait3A_141 : memref<40x128xi32, #tpu.memory_space<hbm>>) dst(%dma_wait3A_139 : memref<40x128xi32, #tpu.memory_space<vmem>>)
    %dma_wait3A_142 = arith.constant 1 : i32
    %dma_wait3A_143 = arith.constant 0 : i32
    %dma_wait3A_144 = arith.constant 0 : i32
    %dma_wait3A_145 = tpu.memref_slice %arg9[%dma_wait3A_142, %dma_wait3A_143, %dma_wait3A_144] : memref<2x40x128xi32, #tpu.memory_space<vmem>> -> memref<1x40x128xi32, #tpu.memory_space<vmem>>
    %dma_wait3A_146 = tpu.memref_squeeze %dma_wait3A_145 : memref<1x40x128xi32, #tpu.memory_space<vmem>> -> memref<40x128xi32, #tpu.memory_space<vmem>>
    %dma_wait3A_147 = arith.constant 0 : i32
    %dma_wait3A_148 = tpu.memref_slice %arg4[%mul3A_0, %dma_wait3A_147] : memref<2560x128xi32, #tpu.memory_space<hbm>> -> memref<40x128xi32, #tpu.memory_space<hbm>>
    %dma_wait3A_149 = arith.constant 0 : i32
    %dma_wait3A_150 = arith.constant 0 : i32
    %dma_wait3A_151 = tpu.memref_slice %arg9[%dma_wait3A_142, %dma_wait3A_149, %dma_wait3A_150] : memref<2x40x128xi32, #tpu.memory_space<vmem>> -> memref<1x40x128xi32, #tpu.memory_space<vmem>>
    %dma_wait3A_152 = tpu.memref_squeeze %dma_wait3A_151 : memref<1x40x128xi32, #tpu.memory_space<vmem>> -> memref<40x128xi32, #tpu.memory_space<vmem>>
    %dma_wait3A_153 = arith.constant 0 : i32
    %dma_wait3A_154 = tpu.memref_slice %arg4[%mul3A_0, %dma_wait3A_153] : memref<2560x128xi32, #tpu.memory_space<hbm>> -> memref<40x128xi32, #tpu.memory_space<hbm>>
    tpu.wait_dma2 semaphore(%arg12 : memref<!tpu.dma_semaphore, #tpu.memory_space<semaphore_mem>>) src(%dma_wait3A_154 : memref<40x128xi32, #tpu.memory_space<hbm>>) dst(%dma_wait3A_152 : memref<40x128xi32, #tpu.memory_space<vmem>>)
    %add3A_155 = arith.constant 80 : i32
    %add3A_156 = arith.addi %mul3A_0, %add3A_155 : i32
    %dma_start3A_157 = arith.constant 0 : i32
    %dma_start3A_158 = arith.constant 0 : i32
    %dma_start3A_159 = arith.constant 0 : i32
    %dma_start3A_160 = tpu.memref_slice %arg8[%dma_start3A_157, %dma_start3A_158, %dma_start3A_159] : memref<2x40x128xi32, #tpu.memory_space<vmem>> -> memref<1x40x128xi32, #tpu.memory_space<vmem>>
    %dma_start3A_161 = tpu.memref_squeeze %dma_start3A_160 : memref<1x40x128xi32, #tpu.memory_space<vmem>> -> memref<40x128xi32, #tpu.memory_space<vmem>>
    %dma_start3A_162 = arith.constant 0 : i32
    %dma_start3A_163 = tpu.memref_slice %arg3[%add3A_156, %dma_start3A_162] : memref<2560x128xi32, #tpu.memory_space<hbm>> -> memref<40x128xi32, #tpu.memory_space<hbm>>
    %dma_start3A_164 = arith.constant 0 : i32
    %dma_start3A_165 = arith.constant 0 : i32
    %dma_start3A_166 = tpu.memref_slice %arg8[%dma_start3A_157, %dma_start3A_164, %dma_start3A_165] : memref<2x40x128xi32, #tpu.memory_space<vmem>> -> memref<1x40x128xi32, #tpu.memory_space<vmem>>
    %dma_start3A_167 = tpu.memref_squeeze %dma_start3A_166 : memref<1x40x128xi32, #tpu.memory_space<vmem>> -> memref<40x128xi32, #tpu.memory_space<vmem>>
    %dma_start3A_168 = arith.constant 0 : i32
    %dma_start3A_169 = tpu.memref_slice %arg3[%add3A_156, %dma_start3A_168] : memref<2560x128xi32, #tpu.memory_space<hbm>> -> memref<40x128xi32, #tpu.memory_space<hbm>>
    tpu.enqueue_dma source(%dma_start3A_169 : memref<40x128xi32, #tpu.memory_space<hbm>>) target(%dma_start3A_167 : memref<40x128xi32, #tpu.memory_space<vmem>>) target_semaphore(%arg11 : memref<!tpu.dma_semaphore, #tpu.memory_space<semaphore_mem>>)
    %add3A_170 = arith.constant 80 : i32
    %add3A_171 = arith.addi %mul3A_0, %add3A_170 : i32
    %dma_start3A_172 = arith.constant 0 : i32
    %dma_start3A_173 = arith.constant 0 : i32
    %dma_start3A_174 = arith.constant 0 : i32
    %dma_start3A_175 = tpu.memref_slice %arg9[%dma_start3A_172, %dma_start3A_173, %dma_start3A_174] : memref<2x40x128xi32, #tpu.memory_space<vmem>> -> memref<1x40x128xi32, #tpu.memory_space<vmem>>
    %dma_start3A_176 = tpu.memref_squeeze %dma_start3A_175 : memref<1x40x128xi32, #tpu.memory_space<vmem>> -> memref<40x128xi32, #tpu.memory_space<vmem>>
    %dma_start3A_177 = arith.constant 0 : i32
    %dma_start3A_178 = tpu.memref_slice %arg4[%add3A_171, %dma_start3A_177] : memref<2560x128xi32, #tpu.memory_space<hbm>> -> memref<40x128xi32, #tpu.memory_space<hbm>>
    %dma_start3A_179 = arith.constant 0 : i32
    %dma_start3A_180 = arith.constant 0 : i32
    %dma_start3A_181 = tpu.memref_slice %arg9[%dma_start3A_172, %dma_start3A_179, %dma_start3A_180] : memref<2x40x128xi32, #tpu.memory_space<vmem>> -> memref<1x40x128xi32, #tpu.memory_space<vmem>>
    %dma_start3A_182 = tpu.memref_squeeze %dma_start3A_181 : memref<1x40x128xi32, #tpu.memory_space<vmem>> -> memref<40x128xi32, #tpu.memory_space<vmem>>
    %dma_start3A_183 = arith.constant 0 : i32
    %dma_start3A_184 = tpu.memref_slice %arg4[%add3A_171, %dma_start3A_183] : memref<2560x128xi32, #tpu.memory_space<hbm>> -> memref<40x128xi32, #tpu.memory_space<hbm>>
    tpu.enqueue_dma source(%dma_start3A_184 : memref<40x128xi32, #tpu.memory_space<hbm>>) target(%dma_start3A_182 : memref<40x128xi32, #tpu.memory_space<vmem>>) target_semaphore(%arg11 : memref<!tpu.dma_semaphore, #tpu.memory_space<semaphore_mem>>)
    %dma_start3A_185 = arith.constant 1 : i32
    %dma_start3A_186 = arith.constant 0 : i32
    %dma_start3A_187 = arith.constant 0 : i32
    %dma_start3A_188 = arith.constant 0 : i32
    %dma_start3A_189 = arith.constant 0 : i32
    %dma_start3A_190 = tpu.memref_slice %arg10[%dma_start3A_187, %dma_start3A_188, %dma_start3A_189] : memref<3x128x64xf32, #tpu.memory_space<vmem>> -> memref<1x128x64xf32, #tpu.memory_space<vmem>>
    %dma_start3A_191 = tpu.memref_squeeze %dma_start3A_190 : memref<1x128x64xf32, #tpu.memory_space<vmem>> -> memref<128x64xf32, #tpu.memory_space<vmem>>
    %dma_start3A_192 = arith.constant 0 : i32
    %dma_start3A_193 = tpu.memref_slice %arg8[%dma_start3A_185, %dma_start3A_186, %dma_start3A_192] : memref<2x40x128xi32, #tpu.memory_space<vmem>> -> memref<1x1x128xi32, #tpu.memory_space<vmem>>
    %dma_start3A_194 = tpu.memref_squeeze %dma_start3A_193 : memref<1x1x128xi32, #tpu.memory_space<vmem>> -> memref<128xi32, #tpu.memory_space<vmem>>
    %dma_start3A_195 = arith.constant 0 : i32
    %dma_start3A_196 = arith.constant 0 : i32
    %dma_start3A_197 = tpu.memref_slice %arg7[%dma_start3A_195, %dma_start3A_196] : memref<10240x64xf32, #tpu.memory_space<vmem_shared>> -> memref<10240x64xf32, #tpu.memory_space<vmem_shared>>
    tpu.enqueue_indirect_dma source(%dma_start3A_197 : memref<10240x64xf32, #tpu.memory_space<vmem_shared>>) target(%dma_start3A_191 : memref<128x64xf32, #tpu.memory_space<vmem>>) offsets(%dma_start3A_194 : memref<128xi32, #tpu.memory_space<vmem>>) semaphore(%arg13 : memref<!tpu.dma_semaphore, #tpu.memory_space<semaphore_mem>>)
    %scan3A_198 = arith.constant 0 : i32
    %scan3A_199 = arith.constant 40 : i32
    %scan3A_200 = arith.addi %scan3A_198, %scan3A_199 : i32
    %scan3A_201 = arith.constant 1 : i32
    scf.for %scan3A_400 = %scan3A_198 to %scan3A_200 step %scan3A_201  : i32 {
      %mul3A_401 = arith.constant 1 : i32
      %mul3A_402 = arith.muli %scan3A_400, %mul3A_401 : i32
      %add3A_403 = arith.constant 0 : i32
      %add3A_404 = arith.addi %add3A_403, %mul3A_402 : i32
      %rem3A = arith.constant 3 : i32
      %rem3A_405 = arith.remsi %add3A_404, %rem3A : i32
      %eq3A = arith.constant 0 : i32
      %eq3A_406 = arith.cmpi eq, %rem3A_405, %eq3A : i32
      %convert_element_type3A = arith.extui %eq3A_406 : i1 to i32
      %cond3A = arith.constant 0 : i32
      %cond3A_407 = arith.cmpi ne, %convert_element_type3A, %cond3A : i32
      scf.if %cond3A_407 {
        %ge3A = arith.constant 2 : i32
        %ge3A_418 = arith.cmpi sge, %add3A_404, %ge3A : i32
        %convert_element_type3A_419 = arith.extui %ge3A_418 : i1 to i32
        %cond3A_420 = arith.constant 0 : i32
        %cond3A_421 = arith.cmpi ne, %convert_element_type3A_419, %cond3A_420 : i32
        scf.if %cond3A_421 {
          %dma_wait3A_453 = arith.constant 1 : i32
          %dma_wait3A_454 = arith.constant 1 : i32
          %dma_wait3A_455 = arith.constant 0 : i32
          %dma_wait3A_456 = arith.constant 0 : i32
          %dma_wait3A_457 = arith.constant 0 : i32
          %dma_wait3A_458 = tpu.memref_slice %arg10[%dma_wait3A_453, %dma_wait3A_456, %dma_wait3A_457] : memref<3x128x64xf32, #tpu.memory_space<vmem>> -> memref<1x128x64xf32, #tpu.memory_space<vmem>>
          %dma_wait3A_459 = tpu.memref_squeeze %dma_wait3A_458 : memref<1x128x64xf32, #tpu.memory_space<vmem>> -> memref<128x64xf32, #tpu.memory_space<vmem>>
          %dma_wait3A_460 = arith.constant 0 : i32
          %dma_wait3A_461 = tpu.memref_slice %arg9[%dma_wait3A_454, %dma_wait3A_455, %dma_wait3A_460] : memref<2x40x128xi32, #tpu.memory_space<vmem>> -> memref<1x1x128xi32, #tpu.memory_space<vmem>>
          %dma_wait3A_462 = tpu.memref_squeeze %dma_wait3A_461 : memref<1x1x128xi32, #tpu.memory_space<vmem>> -> memref<128xi32, #tpu.memory_space<vmem>>
          %dma_wait3A_463 = arith.constant 0 : i32
          %dma_wait3A_464 = arith.constant 0 : i32
          %dma_wait3A_465 = tpu.memref_slice %arg6[%dma_wait3A_463, %dma_wait3A_464] : memref<10240x64xf32, #tpu.memory_space<vmem_shared>> -> memref<10240x64xf32, #tpu.memory_space<vmem_shared>>
          tpu.wait_indirect_dma semaphore(%arg17 : memref<!tpu.dma_semaphore, #tpu.memory_space<semaphore_mem>>) src(%dma_wait3A_459 : memref<128x64xf32, #tpu.memory_space<vmem>>) dst(%dma_wait3A_465 : memref<10240x64xf32, #tpu.memory_space<vmem_shared>>)
        } else {
        }
        %add3A_422 = arith.constant 1 : i32
        %add3A_423 = arith.addi %add3A_404, %add3A_422 : i32
        %lt3A = arith.constant 40 : i32
        %lt3A_424 = arith.cmpi slt, %add3A_423, %lt3A : i32
        %convert_element_type3A_425 = arith.extui %lt3A_424 : i1 to i32
        %cond3A_426 = arith.constant 0 : i32
        %cond3A_427 = arith.cmpi ne, %convert_element_type3A_425, %cond3A_426 : i32
        scf.if %cond3A_427 {
          %add3A_453 = arith.constant 1 : i32
          %add3A_454 = arith.addi %add3A_404, %add3A_453 : i32
          %dma_start3A_455 = arith.constant 1 : i32
          %dma_start3A_456 = arith.constant 1 : i32
          %dma_start3A_457 = arith.constant 0 : i32
          %dma_start3A_458 = arith.constant 0 : i32
          %dma_start3A_459 = tpu.memref_slice %arg10[%dma_start3A_456, %dma_start3A_457, %dma_start3A_458] : memref<3x128x64xf32, #tpu.memory_space<vmem>> -> memref<1x128x64xf32, #tpu.memory_space<vmem>>
          %dma_start3A_460 = tpu.memref_squeeze %dma_start3A_459 : memref<1x128x64xf32, #tpu.memory_space<vmem>> -> memref<128x64xf32, #tpu.memory_space<vmem>>
          %dma_start3A_461 = arith.constant 0 : i32
          %dma_start3A_462 = tpu.memref_slice %arg8[%dma_start3A_455, %add3A_454, %dma_start3A_461] : memref<2x40x128xi32, #tpu.memory_space<vmem>> -> memref<1x1x128xi32, #tpu.memory_space<vmem>>
          %dma_start3A_463 = tpu.memref_squeeze %dma_start3A_462 : memref<1x1x128xi32, #tpu.memory_space<vmem>> -> memref<128xi32, #tpu.memory_space<vmem>>
          %dma_start3A_464 = arith.constant 0 : i32
          %dma_start3A_465 = arith.constant 0 : i32
          %dma_start3A_466 = tpu.memref_slice %arg7[%dma_start3A_464, %dma_start3A_465] : memref<10240x64xf32, #tpu.memory_space<vmem_shared>> -> memref<10240x64xf32, #tpu.memory_space<vmem_shared>>
          tpu.enqueue_indirect_dma source(%dma_start3A_466 : memref<10240x64xf32, #tpu.memory_space<vmem_shared>>) target(%dma_start3A_460 : memref<128x64xf32, #tpu.memory_space<vmem>>) offsets(%dma_start3A_463 : memref<128xi32, #tpu.memory_space<vmem>>) semaphore(%arg14 : memref<!tpu.dma_semaphore, #tpu.memory_space<semaphore_mem>>)
        } else {
        }
        %dma_wait3A_428 = arith.constant 1 : i32
        %dma_wait3A_429 = arith.constant 0 : i32
        %dma_wait3A_430 = arith.constant 0 : i32
        %dma_wait3A_431 = arith.constant 0 : i32
        %dma_wait3A_432 = arith.constant 0 : i32
        %dma_wait3A_433 = tpu.memref_slice %arg10[%dma_wait3A_430, %dma_wait3A_431, %dma_wait3A_432] : memref<3x128x64xf32, #tpu.memory_space<vmem>> -> memref<1x128x64xf32, #tpu.memory_space<vmem>>
        %dma_wait3A_434 = tpu.memref_squeeze %dma_wait3A_433 : memref<1x128x64xf32, #tpu.memory_space<vmem>> -> memref<128x64xf32, #tpu.memory_space<vmem>>
        %dma_wait3A_435 = arith.constant 0 : i32
        %dma_wait3A_436 = tpu.memref_slice %arg8[%dma_wait3A_428, %dma_wait3A_429, %dma_wait3A_435] : memref<2x40x128xi32, #tpu.memory_space<vmem>> -> memref<1x1x128xi32, #tpu.memory_space<vmem>>
        %dma_wait3A_437 = tpu.memref_squeeze %dma_wait3A_436 : memref<1x1x128xi32, #tpu.memory_space<vmem>> -> memref<128xi32, #tpu.memory_space<vmem>>
        %dma_wait3A_438 = arith.constant 0 : i32
        %dma_wait3A_439 = arith.constant 0 : i32
        %dma_wait3A_440 = tpu.memref_slice %arg7[%dma_wait3A_438, %dma_wait3A_439] : memref<10240x64xf32, #tpu.memory_space<vmem_shared>> -> memref<10240x64xf32, #tpu.memory_space<vmem_shared>>
        tpu.wait_indirect_dma semaphore(%arg13 : memref<!tpu.dma_semaphore, #tpu.memory_space<semaphore_mem>>) src(%dma_wait3A_440 : memref<10240x64xf32, #tpu.memory_space<vmem_shared>>) dst(%dma_wait3A_434 : memref<128x64xf32, #tpu.memory_space<vmem>>)
        %dma_start3A_441 = arith.constant 0 : i32
        %dma_start3A_442 = arith.constant 1 : i32
        %dma_start3A_443 = arith.constant 0 : i32
        %dma_start3A_444 = arith.constant 0 : i32
        %dma_start3A_445 = tpu.memref_slice %arg10[%dma_start3A_441, %dma_start3A_443, %dma_start3A_444] : memref<3x128x64xf32, #tpu.memory_space<vmem>> -> memref<1x128x64xf32, #tpu.memory_space<vmem>>
        %dma_start3A_446 = tpu.memref_squeeze %dma_start3A_445 : memref<1x128x64xf32, #tpu.memory_space<vmem>> -> memref<128x64xf32, #tpu.memory_space<vmem>>
        %dma_start3A_447 = arith.constant 0 : i32
        %dma_start3A_448 = tpu.memref_slice %arg9[%dma_start3A_442, %add3A_404, %dma_start3A_447] : memref<2x40x128xi32, #tpu.memory_space<vmem>> -> memref<1x1x128xi32, #tpu.memory_space<vmem>>
        %dma_start3A_449 = tpu.memref_squeeze %dma_start3A_448 : memref<1x1x128xi32, #tpu.memory_space<vmem>> -> memref<128xi32, #tpu.memory_space<vmem>>
        %dma_start3A_450 = arith.constant 0 : i32
        %dma_start3A_451 = arith.constant 0 : i32
        %dma_start3A_452 = tpu.memref_slice %arg6[%dma_start3A_450, %dma_start3A_451] : memref<10240x64xf32, #tpu.memory_space<vmem_shared>> -> memref<10240x64xf32, #tpu.memory_space<vmem_shared>>
        tpu.enqueue_indirect_dma source(%dma_start3A_446 : memref<128x64xf32, #tpu.memory_space<vmem>>) target(%dma_start3A_452 : memref<10240x64xf32, #tpu.memory_space<vmem_shared>>) offsets(%dma_start3A_449 : memref<128xi32, #tpu.memory_space<vmem>>) semaphore(%arg16 : memref<!tpu.dma_semaphore, #tpu.memory_space<semaphore_mem>>) {add = true}
      } else {
      }
      %eq3A_408 = arith.constant 1 : i32
      %eq3A_409 = arith.cmpi eq, %rem3A_405, %eq3A_408 : i32
      %convert_element_type3A_410 = arith.extui %eq3A_409 : i1 to i32
      %cond3A_411 = arith.constant 0 : i32
      %cond3A_412 = arith.cmpi ne, %convert_element_type3A_410, %cond3A_411 : i32
      scf.if %cond3A_412 {
        %ge3A = arith.constant 2 : i32
        %ge3A_418 = arith.cmpi sge, %add3A_404, %ge3A : i32
        %convert_element_type3A_419 = arith.extui %ge3A_418 : i1 to i32
        %cond3A_420 = arith.constant 0 : i32
        %cond3A_421 = arith.cmpi ne, %convert_element_type3A_419, %cond3A_420 : i32
        scf.if %cond3A_421 {
          %dma_wait3A_453 = arith.constant 2 : i32
          %dma_wait3A_454 = arith.constant 1 : i32
          %dma_wait3A_455 = arith.constant 0 : i32
          %dma_wait3A_456 = arith.constant 0 : i32
          %dma_wait3A_457 = arith.constant 0 : i32
          %dma_wait3A_458 = tpu.memref_slice %arg10[%dma_wait3A_453, %dma_wait3A_456, %dma_wait3A_457] : memref<3x128x64xf32, #tpu.memory_space<vmem>> -> memref<1x128x64xf32, #tpu.memory_space<vmem>>
          %dma_wait3A_459 = tpu.memref_squeeze %dma_wait3A_458 : memref<1x128x64xf32, #tpu.memory_space<vmem>> -> memref<128x64xf32, #tpu.memory_space<vmem>>
          %dma_wait3A_460 = arith.constant 0 : i32
          %dma_wait3A_461 = tpu.memref_slice %arg9[%dma_wait3A_454, %dma_wait3A_455, %dma_wait3A_460] : memref<2x40x128xi32, #tpu.memory_space<vmem>> -> memref<1x1x128xi32, #tpu.memory_space<vmem>>
          %dma_wait3A_462 = tpu.memref_squeeze %dma_wait3A_461 : memref<1x1x128xi32, #tpu.memory_space<vmem>> -> memref<128xi32, #tpu.memory_space<vmem>>
          %dma_wait3A_463 = arith.constant 0 : i32
          %dma_wait3A_464 = arith.constant 0 : i32
          %dma_wait3A_465 = tpu.memref_slice %arg6[%dma_wait3A_463, %dma_wait3A_464] : memref<10240x64xf32, #tpu.memory_space<vmem_shared>> -> memref<10240x64xf32, #tpu.memory_space<vmem_shared>>
          tpu.wait_indirect_dma semaphore(%arg18 : memref<!tpu.dma_semaphore, #tpu.memory_space<semaphore_mem>>) src(%dma_wait3A_459 : memref<128x64xf32, #tpu.memory_space<vmem>>) dst(%dma_wait3A_465 : memref<10240x64xf32, #tpu.memory_space<vmem_shared>>)
        } else {
        }
        %add3A_422 = arith.constant 1 : i32
        %add3A_423 = arith.addi %add3A_404, %add3A_422 : i32
        %lt3A = arith.constant 40 : i32
        %lt3A_424 = arith.cmpi slt, %add3A_423, %lt3A : i32
        %convert_element_type3A_425 = arith.extui %lt3A_424 : i1 to i32
        %cond3A_426 = arith.constant 0 : i32
        %cond3A_427 = arith.cmpi ne, %convert_element_type3A_425, %cond3A_426 : i32
        scf.if %cond3A_427 {
          %add3A_453 = arith.constant 1 : i32
          %add3A_454 = arith.addi %add3A_404, %add3A_453 : i32
          %dma_start3A_455 = arith.constant 1 : i32
          %dma_start3A_456 = arith.constant 2 : i32
          %dma_start3A_457 = arith.constant 0 : i32
          %dma_start3A_458 = arith.constant 0 : i32
          %dma_start3A_459 = tpu.memref_slice %arg10[%dma_start3A_456, %dma_start3A_457, %dma_start3A_458] : memref<3x128x64xf32, #tpu.memory_space<vmem>> -> memref<1x128x64xf32, #tpu.memory_space<vmem>>
          %dma_start3A_460 = tpu.memref_squeeze %dma_start3A_459 : memref<1x128x64xf32, #tpu.memory_space<vmem>> -> memref<128x64xf32, #tpu.memory_space<vmem>>
          %dma_start3A_461 = arith.constant 0 : i32
          %dma_start3A_462 = tpu.memref_slice %arg8[%dma_start3A_455, %add3A_454, %dma_start3A_461] : memref<2x40x128xi32, #tpu.memory_space<vmem>> -> memref<1x1x128xi32, #tpu.memory_space<vmem>>
          %dma_start3A_463 = tpu.memref_squeeze %dma_start3A_462 : memref<1x1x128xi32, #tpu.memory_space<vmem>> -> memref<128xi32, #tpu.memory_space<vmem>>
          %dma_start3A_464 = arith.constant 0 : i32
          %dma_start3A_465 = arith.constant 0 : i32
          %dma_start3A_466 = tpu.memref_slice %arg7[%dma_start3A_464, %dma_start3A_465] : memref<10240x64xf32, #tpu.memory_space<vmem_shared>> -> memref<10240x64xf32, #tpu.memory_space<vmem_shared>>
          tpu.enqueue_indirect_dma source(%dma_start3A_466 : memref<10240x64xf32, #tpu.memory_space<vmem_shared>>) target(%dma_start3A_460 : memref<128x64xf32, #tpu.memory_space<vmem>>) offsets(%dma_start3A_463 : memref<128xi32, #tpu.memory_space<vmem>>) semaphore(%arg15 : memref<!tpu.dma_semaphore, #tpu.memory_space<semaphore_mem>>)
        } else {
        }
        %dma_wait3A_428 = arith.constant 1 : i32
        %dma_wait3A_429 = arith.constant 0 : i32
        %dma_wait3A_430 = arith.constant 1 : i32
        %dma_wait3A_431 = arith.constant 0 : i32
        %dma_wait3A_432 = arith.constant 0 : i32
        %dma_wait3A_433 = tpu.memref_slice %arg10[%dma_wait3A_430, %dma_wait3A_431, %dma_wait3A_432] : memref<3x128x64xf32, #tpu.memory_space<vmem>> -> memref<1x128x64xf32, #tpu.memory_space<vmem>>
        %dma_wait3A_434 = tpu.memref_squeeze %dma_wait3A_433 : memref<1x128x64xf32, #tpu.memory_space<vmem>> -> memref<128x64xf32, #tpu.memory_space<vmem>>
        %dma_wait3A_435 = arith.constant 0 : i32
        %dma_wait3A_436 = tpu.memref_slice %arg8[%dma_wait3A_428, %dma_wait3A_429, %dma_wait3A_435] : memref<2x40x128xi32, #tpu.memory_space<vmem>> -> memref<1x1x128xi32, #tpu.memory_space<vmem>>
        %dma_wait3A_437 = tpu.memref_squeeze %dma_wait3A_436 : memref<1x1x128xi32, #tpu.memory_space<vmem>> -> memref<128xi32, #tpu.memory_space<vmem>>
        %dma_wait3A_438 = arith.constant 0 : i32
        %dma_wait3A_439 = arith.constant 0 : i32
        %dma_wait3A_440 = tpu.memref_slice %arg7[%dma_wait3A_438, %dma_wait3A_439] : memref<10240x64xf32, #tpu.memory_space<vmem_shared>> -> memref<10240x64xf32, #tpu.memory_space<vmem_shared>>
        tpu.wait_indirect_dma semaphore(%arg14 : memref<!tpu.dma_semaphore, #tpu.memory_space<semaphore_mem>>) src(%dma_wait3A_440 : memref<10240x64xf32, #tpu.memory_space<vmem_shared>>) dst(%dma_wait3A_434 : memref<128x64xf32, #tpu.memory_space<vmem>>)
        %dma_start3A_441 = arith.constant 1 : i32
        %dma_start3A_442 = arith.constant 1 : i32
        %dma_start3A_443 = arith.constant 0 : i32
        %dma_start3A_444 = arith.constant 0 : i32
        %dma_start3A_445 = tpu.memref_slice %arg10[%dma_start3A_441, %dma_start3A_443, %dma_start3A_444] : memref<3x128x64xf32, #tpu.memory_space<vmem>> -> memref<1x128x64xf32, #tpu.memory_space<vmem>>
        %dma_start3A_446 = tpu.memref_squeeze %dma_start3A_445 : memref<1x128x64xf32, #tpu.memory_space<vmem>> -> memref<128x64xf32, #tpu.memory_space<vmem>>
        %dma_start3A_447 = arith.constant 0 : i32
        %dma_start3A_448 = tpu.memref_slice %arg9[%dma_start3A_442, %add3A_404, %dma_start3A_447] : memref<2x40x128xi32, #tpu.memory_space<vmem>> -> memref<1x1x128xi32, #tpu.memory_space<vmem>>
        %dma_start3A_449 = tpu.memref_squeeze %dma_start3A_448 : memref<1x1x128xi32, #tpu.memory_space<vmem>> -> memref<128xi32, #tpu.memory_space<vmem>>
        %dma_start3A_450 = arith.constant 0 : i32
        %dma_start3A_451 = arith.constant 0 : i32
        %dma_start3A_452 = tpu.memref_slice %arg6[%dma_start3A_450, %dma_start3A_451] : memref<10240x64xf32, #tpu.memory_space<vmem_shared>> -> memref<10240x64xf32, #tpu.memory_space<vmem_shared>>
        tpu.enqueue_indirect_dma source(%dma_start3A_446 : memref<128x64xf32, #tpu.memory_space<vmem>>) target(%dma_start3A_452 : memref<10240x64xf32, #tpu.memory_space<vmem_shared>>) offsets(%dma_start3A_449 : memref<128xi32, #tpu.memory_space<vmem>>) semaphore(%arg17 : memref<!tpu.dma_semaphore, #tpu.memory_space<semaphore_mem>>) {add = true}
      } else {
      }
      %eq3A_413 = arith.constant 2 : i32
      %eq3A_414 = arith.cmpi eq, %rem3A_405, %eq3A_413 : i32
      %convert_element_type3A_415 = arith.extui %eq3A_414 : i1 to i32
      %cond3A_416 = arith.constant 0 : i32
      %cond3A_417 = arith.cmpi ne, %convert_element_type3A_415, %cond3A_416 : i32
      scf.if %cond3A_417 {
        %ge3A = arith.constant 2 : i32
        %ge3A_418 = arith.cmpi sge, %add3A_404, %ge3A : i32
        %convert_element_type3A_419 = arith.extui %ge3A_418 : i1 to i32
        %cond3A_420 = arith.constant 0 : i32
        %cond3A_421 = arith.cmpi ne, %convert_element_type3A_419, %cond3A_420 : i32
        scf.if %cond3A_421 {
          %dma_wait3A_453 = arith.constant 0 : i32
          %dma_wait3A_454 = arith.constant 1 : i32
          %dma_wait3A_455 = arith.constant 0 : i32
          %dma_wait3A_456 = arith.constant 0 : i32
          %dma_wait3A_457 = arith.constant 0 : i32
          %dma_wait3A_458 = tpu.memref_slice %arg10[%dma_wait3A_453, %dma_wait3A_456, %dma_wait3A_457] : memref<3x128x64xf32, #tpu.memory_space<vmem>> -> memref<1x128x64xf32, #tpu.memory_space<vmem>>
          %dma_wait3A_459 = tpu.memref_squeeze %dma_wait3A_458 : memref<1x128x64xf32, #tpu.memory_space<vmem>> -> memref<128x64xf32, #tpu.memory_space<vmem>>
          %dma_wait3A_460 = arith.constant 0 : i32
          %dma_wait3A_461 = tpu.memref_slice %arg9[%dma_wait3A_454, %dma_wait3A_455, %dma_wait3A_460] : memref<2x40x128xi32, #tpu.memory_space<vmem>> -> memref<1x1x128xi32, #tpu.memory_space<vmem>>
          %dma_wait3A_462 = tpu.memref_squeeze %dma_wait3A_461 : memref<1x1x128xi32, #tpu.memory_space<vmem>> -> memref<128xi32, #tpu.memory_space<vmem>>
          %dma_wait3A_463 = arith.constant 0 : i32
          %dma_wait3A_464 = arith.constant 0 : i32
          %dma_wait3A_465 = tpu.memref_slice %arg6[%dma_wait3A_463, %dma_wait3A_464] : memref<10240x64xf32, #tpu.memory_space<vmem_shared>> -> memref<10240x64xf32, #tpu.memory_space<vmem_shared>>
          tpu.wait_indirect_dma semaphore(%arg16 : memref<!tpu.dma_semaphore, #tpu.memory_space<semaphore_mem>>) src(%dma_wait3A_459 : memref<128x64xf32, #tpu.memory_space<vmem>>) dst(%dma_wait3A_465 : memref<10240x64xf32, #tpu.memory_space<vmem_shared>>)
        } else {
        }
        %add3A_422 = arith.constant 1 : i32
        %add3A_423 = arith.addi %add3A_404, %add3A_422 : i32
        %lt3A = arith.constant 40 : i32
        %lt3A_424 = arith.cmpi slt, %add3A_423, %lt3A : i32
        %convert_element_type3A_425 = arith.extui %lt3A_424 : i1 to i32
        %cond3A_426 = arith.constant 0 : i32
        %cond3A_427 = arith.cmpi ne, %convert_element_type3A_425, %cond3A_426 : i32
        scf.if %cond3A_427 {
          %add3A_453 = arith.constant 1 : i32
          %add3A_454 = arith.addi %add3A_404, %add3A_453 : i32
          %dma_start3A_455 = arith.constant 1 : i32
          %dma_start3A_456 = arith.constant 0 : i32
          %dma_start3A_457 = arith.constant 0 : i32
          %dma_start3A_458 = arith.constant 0 : i32
          %dma_start3A_459 = tpu.memref_slice %arg10[%dma_start3A_456, %dma_start3A_457, %dma_start3A_458] : memref<3x128x64xf32, #tpu.memory_space<vmem>> -> memref<1x128x64xf32, #tpu.memory_space<vmem>>
          %dma_start3A_460 = tpu.memref_squeeze %dma_start3A_459 : memref<1x128x64xf32, #tpu.memory_space<vmem>> -> memref<128x64xf32, #tpu.memory_space<vmem>>
          %dma_start3A_461 = arith.constant 0 : i32
          %dma_start3A_462 = tpu.memref_slice %arg8[%dma_start3A_455, %add3A_454, %dma_start3A_461] : memref<2x40x128xi32, #tpu.memory_space<vmem>> -> memref<1x1x128xi32, #tpu.memory_space<vmem>>
          %dma_start3A_463 = tpu.memref_squeeze %dma_start3A_462 : memref<1x1x128xi32, #tpu.memory_space<vmem>> -> memref<128xi32, #tpu.memory_space<vmem>>
          %dma_start3A_464 = arith.constant 0 : i32
          %dma_start3A_465 = arith.constant 0 : i32
          %dma_start3A_466 = tpu.memref_slice %arg7[%dma_start3A_464, %dma_start3A_465] : memref<10240x64xf32, #tpu.memory_space<vmem_shared>> -> memref<10240x64xf32, #tpu.memory_space<vmem_shared>>
          tpu.enqueue_indirect_dma source(%dma_start3A_466 : memref<10240x64xf32, #tpu.memory_space<vmem_shared>>) target(%dma_start3A_460 : memref<128x64xf32, #tpu.memory_space<vmem>>) offsets(%dma_start3A_463 : memref<128xi32, #tpu.memory_space<vmem>>) semaphore(%arg13 : memref<!tpu.dma_semaphore, #tpu.memory_space<semaphore_mem>>)
        } else {
        }
        %dma_wait3A_428 = arith.constant 1 : i32
        %dma_wait3A_429 = arith.constant 0 : i32
        %dma_wait3A_430 = arith.constant 2 : i32
        %dma_wait3A_431 = arith.constant 0 : i32
        %dma_wait3A_432 = arith.constant 0 : i32
        %dma_wait3A_433 = tpu.memref_slice %arg10[%dma_wait3A_430, %dma_wait3A_431, %dma_wait3A_432] : memref<3x128x64xf32, #tpu.memory_space<vmem>> -> memref<1x128x64xf32, #tpu.memory_space<vmem>>
        %dma_wait3A_434 = tpu.memref_squeeze %dma_wait3A_433 : memref<1x128x64xf32, #tpu.memory_space<vmem>> -> memref<128x64xf32, #tpu.memory_space<vmem>>
        %dma_wait3A_435 = arith.constant 0 : i32
        %dma_wait3A_436 = tpu.memref_slice %arg8[%dma_wait3A_428, %dma_wait3A_429, %dma_wait3A_435] : memref<2x40x128xi32, #tpu.memory_space<vmem>> -> memref<1x1x128xi32, #tpu.memory_space<vmem>>
        %dma_wait3A_437 = tpu.memref_squeeze %dma_wait3A_436 : memref<1x1x128xi32, #tpu.memory_space<vmem>> -> memref<128xi32, #tpu.memory_space<vmem>>
        %dma_wait3A_438 = arith.constant 0 : i32
        %dma_wait3A_439 = arith.constant 0 : i32
        %dma_wait3A_440 = tpu.memref_slice %arg7[%dma_wait3A_438, %dma_wait3A_439] : memref<10240x64xf32, #tpu.memory_space<vmem_shared>> -> memref<10240x64xf32, #tpu.memory_space<vmem_shared>>
        tpu.wait_indirect_dma semaphore(%arg15 : memref<!tpu.dma_semaphore, #tpu.memory_space<semaphore_mem>>) src(%dma_wait3A_440 : memref<10240x64xf32, #tpu.memory_space<vmem_shared>>) dst(%dma_wait3A_434 : memref<128x64xf32, #tpu.memory_space<vmem>>)
        %dma_start3A_441 = arith.constant 2 : i32
        %dma_start3A_442 = arith.constant 1 : i32
        %dma_start3A_443 = arith.constant 0 : i32
        %dma_start3A_444 = arith.constant 0 : i32
        %dma_start3A_445 = tpu.memref_slice %arg10[%dma_start3A_441, %dma_start3A_443, %dma_start3A_444] : memref<3x128x64xf32, #tpu.memory_space<vmem>> -> memref<1x128x64xf32, #tpu.memory_space<vmem>>
        %dma_start3A_446 = tpu.memref_squeeze %dma_start3A_445 : memref<1x128x64xf32, #tpu.memory_space<vmem>> -> memref<128x64xf32, #tpu.memory_space<vmem>>
        %dma_start3A_447 = arith.constant 0 : i32
        %dma_start3A_448 = tpu.memref_slice %arg9[%dma_start3A_442, %add3A_404, %dma_start3A_447] : memref<2x40x128xi32, #tpu.memory_space<vmem>> -> memref<1x1x128xi32, #tpu.memory_space<vmem>>
        %dma_start3A_449 = tpu.memref_squeeze %dma_start3A_448 : memref<1x1x128xi32, #tpu.memory_space<vmem>> -> memref<128xi32, #tpu.memory_space<vmem>>
        %dma_start3A_450 = arith.constant 0 : i32
        %dma_start3A_451 = arith.constant 0 : i32
        %dma_start3A_452 = tpu.memref_slice %arg6[%dma_start3A_450, %dma_start3A_451] : memref<10240x64xf32, #tpu.memory_space<vmem_shared>> -> memref<10240x64xf32, #tpu.memory_space<vmem_shared>>
        tpu.enqueue_indirect_dma source(%dma_start3A_446 : memref<128x64xf32, #tpu.memory_space<vmem>>) target(%dma_start3A_452 : memref<10240x64xf32, #tpu.memory_space<vmem_shared>>) offsets(%dma_start3A_449 : memref<128xi32, #tpu.memory_space<vmem>>) semaphore(%arg18 : memref<!tpu.dma_semaphore, #tpu.memory_space<semaphore_mem>>) {add = true}
      } else {
      }
    }
    %scan3A_202 = arith.constant 40 : i32
    %dma_wait3A_203 = arith.constant 2 : i32
    %dma_wait3A_204 = arith.constant 1 : i32
    %dma_wait3A_205 = arith.constant 0 : i32
    %dma_wait3A_206 = arith.constant 0 : i32
    %dma_wait3A_207 = arith.constant 0 : i32
    %dma_wait3A_208 = tpu.memref_slice %arg10[%dma_wait3A_203, %dma_wait3A_206, %dma_wait3A_207] : memref<3x128x64xf32, #tpu.memory_space<vmem>> -> memref<1x128x64xf32, #tpu.memory_space<vmem>>
    %dma_wait3A_209 = tpu.memref_squeeze %dma_wait3A_208 : memref<1x128x64xf32, #tpu.memory_space<vmem>> -> memref<128x64xf32, #tpu.memory_space<vmem>>
    %dma_wait3A_210 = arith.constant 0 : i32
    %dma_wait3A_211 = tpu.memref_slice %arg9[%dma_wait3A_204, %dma_wait3A_205, %dma_wait3A_210] : memref<2x40x128xi32, #tpu.memory_space<vmem>> -> memref<1x1x128xi32, #tpu.memory_space<vmem>>
    %dma_wait3A_212 = tpu.memref_squeeze %dma_wait3A_211 : memref<1x1x128xi32, #tpu.memory_space<vmem>> -> memref<128xi32, #tpu.memory_space<vmem>>
    %dma_wait3A_213 = arith.constant 0 : i32
    %dma_wait3A_214 = arith.constant 0 : i32
    %dma_wait3A_215 = tpu.memref_slice %arg6[%dma_wait3A_213, %dma_wait3A_214] : memref<10240x64xf32, #tpu.memory_space<vmem_shared>> -> memref<10240x64xf32, #tpu.memory_space<vmem_shared>>
    tpu.wait_indirect_dma semaphore(%arg18 : memref<!tpu.dma_semaphore, #tpu.memory_space<semaphore_mem>>) src(%dma_wait3A_209 : memref<128x64xf32, #tpu.memory_space<vmem>>) dst(%dma_wait3A_215 : memref<10240x64xf32, #tpu.memory_space<vmem_shared>>)
    %dma_wait3A_216 = arith.constant 0 : i32
    %dma_wait3A_217 = arith.constant 1 : i32
    %dma_wait3A_218 = arith.constant 0 : i32
    %dma_wait3A_219 = arith.constant 0 : i32
    %dma_wait3A_220 = arith.constant 0 : i32
    %dma_wait3A_221 = tpu.memref_slice %arg10[%dma_wait3A_216, %dma_wait3A_219, %dma_wait3A_220] : memref<3x128x64xf32, #tpu.memory_space<vmem>> -> memref<1x128x64xf32, #tpu.memory_space<vmem>>
    %dma_wait3A_222 = tpu.memref_squeeze %dma_wait3A_221 : memref<1x128x64xf32, #tpu.memory_space<vmem>> -> memref<128x64xf32, #tpu.memory_space<vmem>>
    %dma_wait3A_223 = arith.constant 0 : i32
    %dma_wait3A_224 = tpu.memref_slice %arg9[%dma_wait3A_217, %dma_wait3A_218, %dma_wait3A_223] : memref<2x40x128xi32, #tpu.memory_space<vmem>> -> memref<1x1x128xi32, #tpu.memory_space<vmem>>
    %dma_wait3A_225 = tpu.memref_squeeze %dma_wait3A_224 : memref<1x1x128xi32, #tpu.memory_space<vmem>> -> memref<128xi32, #tpu.memory_space<vmem>>
    %dma_wait3A_226 = arith.constant 0 : i32
    %dma_wait3A_227 = arith.constant 0 : i32
    %dma_wait3A_228 = tpu.memref_slice %arg6[%dma_wait3A_226, %dma_wait3A_227] : memref<10240x64xf32, #tpu.memory_space<vmem_shared>> -> memref<10240x64xf32, #tpu.memory_space<vmem_shared>>
    tpu.wait_indirect_dma semaphore(%arg16 : memref<!tpu.dma_semaphore, #tpu.memory_space<semaphore_mem>>) src(%dma_wait3A_222 : memref<128x64xf32, #tpu.memory_space<vmem>>) dst(%dma_wait3A_228 : memref<10240x64xf32, #tpu.memory_space<vmem_shared>>)
    %dma_wait3A_229 = arith.constant 0 : i32
    %dma_wait3A_230 = arith.constant 0 : i32
    %dma_wait3A_231 = arith.constant 0 : i32
    %dma_wait3A_232 = tpu.memref_slice %arg8[%dma_wait3A_229, %dma_wait3A_230, %dma_wait3A_231] : memref<2x40x128xi32, #tpu.memory_space<vmem>> -> memref<1x40x128xi32, #tpu.memory_space<vmem>>
    %dma_wait3A_233 = tpu.memref_squeeze %dma_wait3A_232 : memref<1x40x128xi32, #tpu.memory_space<vmem>> -> memref<40x128xi32, #tpu.memory_space<vmem>>
    %dma_wait3A_234 = arith.constant 0 : i32
    %dma_wait3A_235 = tpu.memref_slice %arg3[%mul3A_0, %dma_wait3A_234] : memref<2560x128xi32, #tpu.memory_space<hbm>> -> memref<40x128xi32, #tpu.memory_space<hbm>>
    %dma_wait3A_236 = arith.constant 0 : i32
    %dma_wait3A_237 = arith.constant 0 : i32
    %dma_wait3A_238 = tpu.memref_slice %arg8[%dma_wait3A_229, %dma_wait3A_236, %dma_wait3A_237] : memref<2x40x128xi32, #tpu.memory_space<vmem>> -> memref<1x40x128xi32, #tpu.memory_space<vmem>>
    %dma_wait3A_239 = tpu.memref_squeeze %dma_wait3A_238 : memref<1x40x128xi32, #tpu.memory_space<vmem>> -> memref<40x128xi32, #tpu.memory_space<vmem>>
    %dma_wait3A_240 = arith.constant 0 : i32
    %dma_wait3A_241 = tpu.memref_slice %arg3[%mul3A_0, %dma_wait3A_240] : memref<2560x128xi32, #tpu.memory_space<hbm>> -> memref<40x128xi32, #tpu.memory_space<hbm>>
    tpu.wait_dma2 semaphore(%arg11 : memref<!tpu.dma_semaphore, #tpu.memory_space<semaphore_mem>>) src(%dma_wait3A_241 : memref<40x128xi32, #tpu.memory_space<hbm>>) dst(%dma_wait3A_239 : memref<40x128xi32, #tpu.memory_space<vmem>>)
    %dma_wait3A_242 = arith.constant 0 : i32
    %dma_wait3A_243 = arith.constant 0 : i32
    %dma_wait3A_244 = arith.constant 0 : i32
    %dma_wait3A_245 = tpu.memref_slice %arg9[%dma_wait3A_242, %dma_wait3A_243, %dma_wait3A_244] : memref<2x40x128xi32, #tpu.memory_space<vmem>> -> memref<1x40x128xi32, #tpu.memory_space<vmem>>
    %dma_wait3A_246 = tpu.memref_squeeze %dma_wait3A_245 : memref<1x40x128xi32, #tpu.memory_space<vmem>> -> memref<40x128xi32, #tpu.memory_space<vmem>>
    %dma_wait3A_247 = arith.constant 0 : i32
    %dma_wait3A_248 = tpu.memref_slice %arg4[%mul3A_0, %dma_wait3A_247] : memref<2560x128xi32, #tpu.memory_space<hbm>> -> memref<40x128xi32, #tpu.memory_space<hbm>>
    %dma_wait3A_249 = arith.constant 0 : i32
    %dma_wait3A_250 = arith.constant 0 : i32
    %dma_wait3A_251 = tpu.memref_slice %arg9[%dma_wait3A_242, %dma_wait3A_249, %dma_wait3A_250] : memref<2x40x128xi32, #tpu.memory_space<vmem>> -> memref<1x40x128xi32, #tpu.memory_space<vmem>>
    %dma_wait3A_252 = tpu.memref_squeeze %dma_wait3A_251 : memref<1x40x128xi32, #tpu.memory_space<vmem>> -> memref<40x128xi32, #tpu.memory_space<vmem>>
    %dma_wait3A_253 = arith.constant 0 : i32
    %dma_wait3A_254 = tpu.memref_slice %arg4[%mul3A_0, %dma_wait3A_253] : memref<2560x128xi32, #tpu.memory_space<hbm>> -> memref<40x128xi32, #tpu.memory_space<hbm>>
    tpu.wait_dma2 semaphore(%arg11 : memref<!tpu.dma_semaphore, #tpu.memory_space<semaphore_mem>>) src(%dma_wait3A_254 : memref<40x128xi32, #tpu.memory_space<hbm>>) dst(%dma_wait3A_252 : memref<40x128xi32, #tpu.memory_space<vmem>>)
    %add3A_255 = arith.constant 120 : i32
    %add3A_256 = arith.addi %mul3A_0, %add3A_255 : i32
    %dma_start3A_257 = arith.constant 1 : i32
    %dma_start3A_258 = arith.constant 0 : i32
    %dma_start3A_259 = arith.constant 0 : i32
    %dma_start3A_260 = tpu.memref_slice %arg8[%dma_start3A_257, %dma_start3A_258, %dma_start3A_259] : memref<2x40x128xi32, #tpu.memory_space<vmem>> -> memref<1x40x128xi32, #tpu.memory_space<vmem>>
    %dma_start3A_261 = tpu.memref_squeeze %dma_start3A_260 : memref<1x40x128xi32, #tpu.memory_space<vmem>> -> memref<40x128xi32, #tpu.memory_space<vmem>>
    %dma_start3A_262 = arith.constant 0 : i32
    %dma_start3A_263 = tpu.memref_slice %arg3[%add3A_256, %dma_start3A_262] : memref<2560x128xi32, #tpu.memory_space<hbm>> -> memref<40x128xi32, #tpu.memory_space<hbm>>
    %dma_start3A_264 = arith.constant 0 : i32
    %dma_start3A_265 = arith.constant 0 : i32
    %dma_start3A_266 = tpu.memref_slice %arg8[%dma_start3A_257, %dma_start3A_264, %dma_start3A_265] : memref<2x40x128xi32, #tpu.memory_space<vmem>> -> memref<1x40x128xi32, #tpu.memory_space<vmem>>
    %dma_start3A_267 = tpu.memref_squeeze %dma_start3A_266 : memref<1x40x128xi32, #tpu.memory_space<vmem>> -> memref<40x128xi32, #tpu.memory_space<vmem>>
    %dma_start3A_268 = arith.constant 0 : i32
    %dma_start3A_269 = tpu.memref_slice %arg3[%add3A_256, %dma_start3A_268] : memref<2560x128xi32, #tpu.memory_space<hbm>> -> memref<40x128xi32, #tpu.memory_space<hbm>>
    tpu.enqueue_dma source(%dma_start3A_269 : memref<40x128xi32, #tpu.memory_space<hbm>>) target(%dma_start3A_267 : memref<40x128xi32, #tpu.memory_space<vmem>>) target_semaphore(%arg12 : memref<!tpu.dma_semaphore, #tpu.memory_space<semaphore_mem>>)
    %add3A_270 = arith.constant 120 : i32
    %add3A_271 = arith.addi %mul3A_0, %add3A_270 : i32
    %dma_start3A_272 = arith.constant 1 : i32
    %dma_start3A_273 = arith.constant 0 : i32
    %dma_start3A_274 = arith.constant 0 : i32
    %dma_start3A_275 = tpu.memref_slice %arg9[%dma_start3A_272, %dma_start3A_273, %dma_start3A_274] : memref<2x40x128xi32, #tpu.memory_space<vmem>> -> memref<1x40x128xi32, #tpu.memory_space<vmem>>
    %dma_start3A_276 = tpu.memref_squeeze %dma_start3A_275 : memref<1x40x128xi32, #tpu.memory_space<vmem>> -> memref<40x128xi32, #tpu.memory_space<vmem>>
    %dma_start3A_277 = arith.constant 0 : i32
    %dma_start3A_278 = tpu.memref_slice %arg4[%add3A_271, %dma_start3A_277] : memref<2560x128xi32, #tpu.memory_space<hbm>> -> memref<40x128xi32, #tpu.memory_space<hbm>>
    %dma_start3A_279 = arith.constant 0 : i32
    %dma_start3A_280 = arith.constant 0 : i32
    %dma_start3A_281 = tpu.memref_slice %arg9[%dma_start3A_272, %dma_start3A_279, %dma_start3A_280] : memref<2x40x128xi32, #tpu.memory_space<vmem>> -> memref<1x40x128xi32, #tpu.memory_space<vmem>>
    %dma_start3A_282 = tpu.memref_squeeze %dma_start3A_281 : memref<1x40x128xi32, #tpu.memory_space<vmem>> -> memref<40x128xi32, #tpu.memory_space<vmem>>
    %dma_start3A_283 = arith.constant 0 : i32
    %dma_start3A_284 = tpu.memref_slice %arg4[%add3A_271, %dma_start3A_283] : memref<2560x128xi32, #tpu.memory_space<hbm>> -> memref<40x128xi32, #tpu.memory_space<hbm>>
    tpu.enqueue_dma source(%dma_start3A_284 : memref<40x128xi32, #tpu.memory_space<hbm>>) target(%dma_start3A_282 : memref<40x128xi32, #tpu.memory_space<vmem>>) target_semaphore(%arg12 : memref<!tpu.dma_semaphore, #tpu.memory_space<semaphore_mem>>)
    %dma_start3A_285 = arith.constant 0 : i32
    %dma_start3A_286 = arith.constant 0 : i32
    %dma_start3A_287 = arith.constant 0 : i32
    %dma_start3A_288 = arith.constant 0 : i32
    %dma_start3A_289 = arith.constant 0 : i32
    %dma_start3A_290 = tpu.memref_slice %arg10[%dma_start3A_287, %dma_start3A_288, %dma_start3A_289] : memref<3x128x64xf32, #tpu.memory_space<vmem>> -> memref<1x128x64xf32, #tpu.memory_space<vmem>>
    %dma_start3A_291 = tpu.memref_squeeze %dma_start3A_290 : memref<1x128x64xf32, #tpu.memory_space<vmem>> -> memref<128x64xf32, #tpu.memory_space<vmem>>
    %dma_start3A_292 = arith.constant 0 : i32
    %dma_start3A_293 = tpu.memref_slice %arg8[%dma_start3A_285, %dma_start3A_286, %dma_start3A_292] : memref<2x40x128xi32, #tpu.memory_space<vmem>> -> memref<1x1x128xi32, #tpu.memory_space<vmem>>
    %dma_start3A_294 = tpu.memref_squeeze %dma_start3A_293 : memref<1x1x128xi32, #tpu.memory_space<vmem>> -> memref<128xi32, #tpu.memory_space<vmem>>
    %dma_start3A_295 = arith.constant 0 : i32
    %dma_start3A_296 = arith.constant 0 : i32
    %dma_start3A_297 = tpu.memref_slice %arg7[%dma_start3A_295, %dma_start3A_296] : memref<10240x64xf32, #tpu.memory_space<vmem_shared>> -> memref<10240x64xf32, #tpu.memory_space<vmem_shared>>
    tpu.enqueue_indirect_dma source(%dma_start3A_297 : memref<10240x64xf32, #tpu.memory_space<vmem_shared>>) target(%dma_start3A_291 : memref<128x64xf32, #tpu.memory_space<vmem>>) offsets(%dma_start3A_294 : memref<128xi32, #tpu.memory_space<vmem>>) semaphore(%arg13 : memref<!tpu.dma_semaphore, #tpu.memory_space<semaphore_mem>>)
    %scan3A_298 = arith.constant 0 : i32
    %scan3A_299 = arith.constant 40 : i32
    %scan3A_300 = arith.addi %scan3A_298, %scan3A_299 : i32
    %scan3A_301 = arith.constant 1 : i32
    scf.for %scan3A_400 = %scan3A_298 to %scan3A_300 step %scan3A_301  : i32 {
      %mul3A_401 = arith.constant 1 : i32
      %mul3A_402 = arith.muli %scan3A_400, %mul3A_401 : i32
      %add3A_403 = arith.constant 0 : i32
      %add3A_404 = arith.addi %add3A_403, %mul3A_402 : i32
      %rem3A = arith.constant 3 : i32
      %rem3A_405 = arith.remsi %add3A_404, %rem3A : i32
      %eq3A = arith.constant 0 : i32
      %eq3A_406 = arith.cmpi eq, %rem3A_405, %eq3A : i32
      %convert_element_type3A = arith.extui %eq3A_406 : i1 to i32
      %cond3A = arith.constant 0 : i32
      %cond3A_407 = arith.cmpi ne, %convert_element_type3A, %cond3A : i32
      scf.if %cond3A_407 {
        %ge3A = arith.constant 2 : i32
        %ge3A_418 = arith.cmpi sge, %add3A_404, %ge3A : i32
        %convert_element_type3A_419 = arith.extui %ge3A_418 : i1 to i32
        %cond3A_420 = arith.constant 0 : i32
        %cond3A_421 = arith.cmpi ne, %convert_element_type3A_419, %cond3A_420 : i32
        scf.if %cond3A_421 {
          %dma_wait3A_453 = arith.constant 1 : i32
          %dma_wait3A_454 = arith.constant 0 : i32
          %dma_wait3A_455 = arith.constant 0 : i32
          %dma_wait3A_456 = arith.constant 0 : i32
          %dma_wait3A_457 = arith.constant 0 : i32
          %dma_wait3A_458 = tpu.memref_slice %arg10[%dma_wait3A_453, %dma_wait3A_456, %dma_wait3A_457] : memref<3x128x64xf32, #tpu.memory_space<vmem>> -> memref<1x128x64xf32, #tpu.memory_space<vmem>>
          %dma_wait3A_459 = tpu.memref_squeeze %dma_wait3A_458 : memref<1x128x64xf32, #tpu.memory_space<vmem>> -> memref<128x64xf32, #tpu.memory_space<vmem>>
          %dma_wait3A_460 = arith.constant 0 : i32
          %dma_wait3A_461 = tpu.memref_slice %arg9[%dma_wait3A_454, %dma_wait3A_455, %dma_wait3A_460] : memref<2x40x128xi32, #tpu.memory_space<vmem>> -> memref<1x1x128xi32, #tpu.memory_space<vmem>>
          %dma_wait3A_462 = tpu.memref_squeeze %dma_wait3A_461 : memref<1x1x128xi32, #tpu.memory_space<vmem>> -> memref<128xi32, #tpu.memory_space<vmem>>
          %dma_wait3A_463 = arith.constant 0 : i32
          %dma_wait3A_464 = arith.constant 0 : i32
          %dma_wait3A_465 = tpu.memref_slice %arg6[%dma_wait3A_463, %dma_wait3A_464] : memref<10240x64xf32, #tpu.memory_space<vmem_shared>> -> memref<10240x64xf32, #tpu.memory_space<vmem_shared>>
          tpu.wait_indirect_dma semaphore(%arg17 : memref<!tpu.dma_semaphore, #tpu.memory_space<semaphore_mem>>) src(%dma_wait3A_459 : memref<128x64xf32, #tpu.memory_space<vmem>>) dst(%dma_wait3A_465 : memref<10240x64xf32, #tpu.memory_space<vmem_shared>>)
        } else {
        }
        %add3A_422 = arith.constant 1 : i32
        %add3A_423 = arith.addi %add3A_404, %add3A_422 : i32
        %lt3A = arith.constant 40 : i32
        %lt3A_424 = arith.cmpi slt, %add3A_423, %lt3A : i32
        %convert_element_type3A_425 = arith.extui %lt3A_424 : i1 to i32
        %cond3A_426 = arith.constant 0 : i32
        %cond3A_427 = arith.cmpi ne, %convert_element_type3A_425, %cond3A_426 : i32
        scf.if %cond3A_427 {
          %add3A_453 = arith.constant 1 : i32
          %add3A_454 = arith.addi %add3A_404, %add3A_453 : i32
          %dma_start3A_455 = arith.constant 0 : i32
          %dma_start3A_456 = arith.constant 1 : i32
          %dma_start3A_457 = arith.constant 0 : i32
          %dma_start3A_458 = arith.constant 0 : i32
          %dma_start3A_459 = tpu.memref_slice %arg10[%dma_start3A_456, %dma_start3A_457, %dma_start3A_458] : memref<3x128x64xf32, #tpu.memory_space<vmem>> -> memref<1x128x64xf32, #tpu.memory_space<vmem>>
          %dma_start3A_460 = tpu.memref_squeeze %dma_start3A_459 : memref<1x128x64xf32, #tpu.memory_space<vmem>> -> memref<128x64xf32, #tpu.memory_space<vmem>>
          %dma_start3A_461 = arith.constant 0 : i32
          %dma_start3A_462 = tpu.memref_slice %arg8[%dma_start3A_455, %add3A_454, %dma_start3A_461] : memref<2x40x128xi32, #tpu.memory_space<vmem>> -> memref<1x1x128xi32, #tpu.memory_space<vmem>>
          %dma_start3A_463 = tpu.memref_squeeze %dma_start3A_462 : memref<1x1x128xi32, #tpu.memory_space<vmem>> -> memref<128xi32, #tpu.memory_space<vmem>>
          %dma_start3A_464 = arith.constant 0 : i32
          %dma_start3A_465 = arith.constant 0 : i32
          %dma_start3A_466 = tpu.memref_slice %arg7[%dma_start3A_464, %dma_start3A_465] : memref<10240x64xf32, #tpu.memory_space<vmem_shared>> -> memref<10240x64xf32, #tpu.memory_space<vmem_shared>>
          tpu.enqueue_indirect_dma source(%dma_start3A_466 : memref<10240x64xf32, #tpu.memory_space<vmem_shared>>) target(%dma_start3A_460 : memref<128x64xf32, #tpu.memory_space<vmem>>) offsets(%dma_start3A_463 : memref<128xi32, #tpu.memory_space<vmem>>) semaphore(%arg14 : memref<!tpu.dma_semaphore, #tpu.memory_space<semaphore_mem>>)
        } else {
        }
        %dma_wait3A_428 = arith.constant 0 : i32
        %dma_wait3A_429 = arith.constant 0 : i32
        %dma_wait3A_430 = arith.constant 0 : i32
        %dma_wait3A_431 = arith.constant 0 : i32
        %dma_wait3A_432 = arith.constant 0 : i32
        %dma_wait3A_433 = tpu.memref_slice %arg10[%dma_wait3A_430, %dma_wait3A_431, %dma_wait3A_432] : memref<3x128x64xf32, #tpu.memory_space<vmem>> -> memref<1x128x64xf32, #tpu.memory_space<vmem>>
        %dma_wait3A_434 = tpu.memref_squeeze %dma_wait3A_433 : memref<1x128x64xf32, #tpu.memory_space<vmem>> -> memref<128x64xf32, #tpu.memory_space<vmem>>
        %dma_wait3A_435 = arith.constant 0 : i32
        %dma_wait3A_436 = tpu.memref_slice %arg8[%dma_wait3A_428, %dma_wait3A_429, %dma_wait3A_435] : memref<2x40x128xi32, #tpu.memory_space<vmem>> -> memref<1x1x128xi32, #tpu.memory_space<vmem>>
        %dma_wait3A_437 = tpu.memref_squeeze %dma_wait3A_436 : memref<1x1x128xi32, #tpu.memory_space<vmem>> -> memref<128xi32, #tpu.memory_space<vmem>>
        %dma_wait3A_438 = arith.constant 0 : i32
        %dma_wait3A_439 = arith.constant 0 : i32
        %dma_wait3A_440 = tpu.memref_slice %arg7[%dma_wait3A_438, %dma_wait3A_439] : memref<10240x64xf32, #tpu.memory_space<vmem_shared>> -> memref<10240x64xf32, #tpu.memory_space<vmem_shared>>
        tpu.wait_indirect_dma semaphore(%arg13 : memref<!tpu.dma_semaphore, #tpu.memory_space<semaphore_mem>>) src(%dma_wait3A_440 : memref<10240x64xf32, #tpu.memory_space<vmem_shared>>) dst(%dma_wait3A_434 : memref<128x64xf32, #tpu.memory_space<vmem>>)
        %dma_start3A_441 = arith.constant 0 : i32
        %dma_start3A_442 = arith.constant 0 : i32
        %dma_start3A_443 = arith.constant 0 : i32
        %dma_start3A_444 = arith.constant 0 : i32
        %dma_start3A_445 = tpu.memref_slice %arg10[%dma_start3A_441, %dma_start3A_443, %dma_start3A_444] : memref<3x128x64xf32, #tpu.memory_space<vmem>> -> memref<1x128x64xf32, #tpu.memory_space<vmem>>
        %dma_start3A_446 = tpu.memref_squeeze %dma_start3A_445 : memref<1x128x64xf32, #tpu.memory_space<vmem>> -> memref<128x64xf32, #tpu.memory_space<vmem>>
        %dma_start3A_447 = arith.constant 0 : i32
        %dma_start3A_448 = tpu.memref_slice %arg9[%dma_start3A_442, %add3A_404, %dma_start3A_447] : memref<2x40x128xi32, #tpu.memory_space<vmem>> -> memref<1x1x128xi32, #tpu.memory_space<vmem>>
        %dma_start3A_449 = tpu.memref_squeeze %dma_start3A_448 : memref<1x1x128xi32, #tpu.memory_space<vmem>> -> memref<128xi32, #tpu.memory_space<vmem>>
        %dma_start3A_450 = arith.constant 0 : i32
        %dma_start3A_451 = arith.constant 0 : i32
        %dma_start3A_452 = tpu.memref_slice %arg6[%dma_start3A_450, %dma_start3A_451] : memref<10240x64xf32, #tpu.memory_space<vmem_shared>> -> memref<10240x64xf32, #tpu.memory_space<vmem_shared>>
        tpu.enqueue_indirect_dma source(%dma_start3A_446 : memref<128x64xf32, #tpu.memory_space<vmem>>) target(%dma_start3A_452 : memref<10240x64xf32, #tpu.memory_space<vmem_shared>>) offsets(%dma_start3A_449 : memref<128xi32, #tpu.memory_space<vmem>>) semaphore(%arg16 : memref<!tpu.dma_semaphore, #tpu.memory_space<semaphore_mem>>) {add = true}
      } else {
      }
      %eq3A_408 = arith.constant 1 : i32
      %eq3A_409 = arith.cmpi eq, %rem3A_405, %eq3A_408 : i32
      %convert_element_type3A_410 = arith.extui %eq3A_409 : i1 to i32
      %cond3A_411 = arith.constant 0 : i32
      %cond3A_412 = arith.cmpi ne, %convert_element_type3A_410, %cond3A_411 : i32
      scf.if %cond3A_412 {
        %ge3A = arith.constant 2 : i32
        %ge3A_418 = arith.cmpi sge, %add3A_404, %ge3A : i32
        %convert_element_type3A_419 = arith.extui %ge3A_418 : i1 to i32
        %cond3A_420 = arith.constant 0 : i32
        %cond3A_421 = arith.cmpi ne, %convert_element_type3A_419, %cond3A_420 : i32
        scf.if %cond3A_421 {
          %dma_wait3A_453 = arith.constant 2 : i32
          %dma_wait3A_454 = arith.constant 0 : i32
          %dma_wait3A_455 = arith.constant 0 : i32
          %dma_wait3A_456 = arith.constant 0 : i32
          %dma_wait3A_457 = arith.constant 0 : i32
          %dma_wait3A_458 = tpu.memref_slice %arg10[%dma_wait3A_453, %dma_wait3A_456, %dma_wait3A_457] : memref<3x128x64xf32, #tpu.memory_space<vmem>> -> memref<1x128x64xf32, #tpu.memory_space<vmem>>
          %dma_wait3A_459 = tpu.memref_squeeze %dma_wait3A_458 : memref<1x128x64xf32, #tpu.memory_space<vmem>> -> memref<128x64xf32, #tpu.memory_space<vmem>>
          %dma_wait3A_460 = arith.constant 0 : i32
          %dma_wait3A_461 = tpu.memref_slice %arg9[%dma_wait3A_454, %dma_wait3A_455, %dma_wait3A_460] : memref<2x40x128xi32, #tpu.memory_space<vmem>> -> memref<1x1x128xi32, #tpu.memory_space<vmem>>
          %dma_wait3A_462 = tpu.memref_squeeze %dma_wait3A_461 : memref<1x1x128xi32, #tpu.memory_space<vmem>> -> memref<128xi32, #tpu.memory_space<vmem>>
          %dma_wait3A_463 = arith.constant 0 : i32
          %dma_wait3A_464 = arith.constant 0 : i32
          %dma_wait3A_465 = tpu.memref_slice %arg6[%dma_wait3A_463, %dma_wait3A_464] : memref<10240x64xf32, #tpu.memory_space<vmem_shared>> -> memref<10240x64xf32, #tpu.memory_space<vmem_shared>>
          tpu.wait_indirect_dma semaphore(%arg18 : memref<!tpu.dma_semaphore, #tpu.memory_space<semaphore_mem>>) src(%dma_wait3A_459 : memref<128x64xf32, #tpu.memory_space<vmem>>) dst(%dma_wait3A_465 : memref<10240x64xf32, #tpu.memory_space<vmem_shared>>)
        } else {
        }
        %add3A_422 = arith.constant 1 : i32
        %add3A_423 = arith.addi %add3A_404, %add3A_422 : i32
        %lt3A = arith.constant 40 : i32
        %lt3A_424 = arith.cmpi slt, %add3A_423, %lt3A : i32
        %convert_element_type3A_425 = arith.extui %lt3A_424 : i1 to i32
        %cond3A_426 = arith.constant 0 : i32
        %cond3A_427 = arith.cmpi ne, %convert_element_type3A_425, %cond3A_426 : i32
        scf.if %cond3A_427 {
          %add3A_453 = arith.constant 1 : i32
          %add3A_454 = arith.addi %add3A_404, %add3A_453 : i32
          %dma_start3A_455 = arith.constant 0 : i32
          %dma_start3A_456 = arith.constant 2 : i32
          %dma_start3A_457 = arith.constant 0 : i32
          %dma_start3A_458 = arith.constant 0 : i32
          %dma_start3A_459 = tpu.memref_slice %arg10[%dma_start3A_456, %dma_start3A_457, %dma_start3A_458] : memref<3x128x64xf32, #tpu.memory_space<vmem>> -> memref<1x128x64xf32, #tpu.memory_space<vmem>>
          %dma_start3A_460 = tpu.memref_squeeze %dma_start3A_459 : memref<1x128x64xf32, #tpu.memory_space<vmem>> -> memref<128x64xf32, #tpu.memory_space<vmem>>
          %dma_start3A_461 = arith.constant 0 : i32
          %dma_start3A_462 = tpu.memref_slice %arg8[%dma_start3A_455, %add3A_454, %dma_start3A_461] : memref<2x40x128xi32, #tpu.memory_space<vmem>> -> memref<1x1x128xi32, #tpu.memory_space<vmem>>
          %dma_start3A_463 = tpu.memref_squeeze %dma_start3A_462 : memref<1x1x128xi32, #tpu.memory_space<vmem>> -> memref<128xi32, #tpu.memory_space<vmem>>
          %dma_start3A_464 = arith.constant 0 : i32
          %dma_start3A_465 = arith.constant 0 : i32
          %dma_start3A_466 = tpu.memref_slice %arg7[%dma_start3A_464, %dma_start3A_465] : memref<10240x64xf32, #tpu.memory_space<vmem_shared>> -> memref<10240x64xf32, #tpu.memory_space<vmem_shared>>
          tpu.enqueue_indirect_dma source(%dma_start3A_466 : memref<10240x64xf32, #tpu.memory_space<vmem_shared>>) target(%dma_start3A_460 : memref<128x64xf32, #tpu.memory_space<vmem>>) offsets(%dma_start3A_463 : memref<128xi32, #tpu.memory_space<vmem>>) semaphore(%arg15 : memref<!tpu.dma_semaphore, #tpu.memory_space<semaphore_mem>>)
        } else {
        }
        %dma_wait3A_428 = arith.constant 0 : i32
        %dma_wait3A_429 = arith.constant 0 : i32
        %dma_wait3A_430 = arith.constant 1 : i32
        %dma_wait3A_431 = arith.constant 0 : i32
        %dma_wait3A_432 = arith.constant 0 : i32
        %dma_wait3A_433 = tpu.memref_slice %arg10[%dma_wait3A_430, %dma_wait3A_431, %dma_wait3A_432] : memref<3x128x64xf32, #tpu.memory_space<vmem>> -> memref<1x128x64xf32, #tpu.memory_space<vmem>>
        %dma_wait3A_434 = tpu.memref_squeeze %dma_wait3A_433 : memref<1x128x64xf32, #tpu.memory_space<vmem>> -> memref<128x64xf32, #tpu.memory_space<vmem>>
        %dma_wait3A_435 = arith.constant 0 : i32
        %dma_wait3A_436 = tpu.memref_slice %arg8[%dma_wait3A_428, %dma_wait3A_429, %dma_wait3A_435] : memref<2x40x128xi32, #tpu.memory_space<vmem>> -> memref<1x1x128xi32, #tpu.memory_space<vmem>>
        %dma_wait3A_437 = tpu.memref_squeeze %dma_wait3A_436 : memref<1x1x128xi32, #tpu.memory_space<vmem>> -> memref<128xi32, #tpu.memory_space<vmem>>
        %dma_wait3A_438 = arith.constant 0 : i32
        %dma_wait3A_439 = arith.constant 0 : i32
        %dma_wait3A_440 = tpu.memref_slice %arg7[%dma_wait3A_438, %dma_wait3A_439] : memref<10240x64xf32, #tpu.memory_space<vmem_shared>> -> memref<10240x64xf32, #tpu.memory_space<vmem_shared>>
        tpu.wait_indirect_dma semaphore(%arg14 : memref<!tpu.dma_semaphore, #tpu.memory_space<semaphore_mem>>) src(%dma_wait3A_440 : memref<10240x64xf32, #tpu.memory_space<vmem_shared>>) dst(%dma_wait3A_434 : memref<128x64xf32, #tpu.memory_space<vmem>>)
        %dma_start3A_441 = arith.constant 1 : i32
        %dma_start3A_442 = arith.constant 0 : i32
        %dma_start3A_443 = arith.constant 0 : i32
        %dma_start3A_444 = arith.constant 0 : i32
        %dma_start3A_445 = tpu.memref_slice %arg10[%dma_start3A_441, %dma_start3A_443, %dma_start3A_444] : memref<3x128x64xf32, #tpu.memory_space<vmem>> -> memref<1x128x64xf32, #tpu.memory_space<vmem>>
        %dma_start3A_446 = tpu.memref_squeeze %dma_start3A_445 : memref<1x128x64xf32, #tpu.memory_space<vmem>> -> memref<128x64xf32, #tpu.memory_space<vmem>>
        %dma_start3A_447 = arith.constant 0 : i32
        %dma_start3A_448 = tpu.memref_slice %arg9[%dma_start3A_442, %add3A_404, %dma_start3A_447] : memref<2x40x128xi32, #tpu.memory_space<vmem>> -> memref<1x1x128xi32, #tpu.memory_space<vmem>>
        %dma_start3A_449 = tpu.memref_squeeze %dma_start3A_448 : memref<1x1x128xi32, #tpu.memory_space<vmem>> -> memref<128xi32, #tpu.memory_space<vmem>>
        %dma_start3A_450 = arith.constant 0 : i32
        %dma_start3A_451 = arith.constant 0 : i32
        %dma_start3A_452 = tpu.memref_slice %arg6[%dma_start3A_450, %dma_start3A_451] : memref<10240x64xf32, #tpu.memory_space<vmem_shared>> -> memref<10240x64xf32, #tpu.memory_space<vmem_shared>>
        tpu.enqueue_indirect_dma source(%dma_start3A_446 : memref<128x64xf32, #tpu.memory_space<vmem>>) target(%dma_start3A_452 : memref<10240x64xf32, #tpu.memory_space<vmem_shared>>) offsets(%dma_start3A_449 : memref<128xi32, #tpu.memory_space<vmem>>) semaphore(%arg17 : memref<!tpu.dma_semaphore, #tpu.memory_space<semaphore_mem>>) {add = true}
      } else {
      }
      %eq3A_413 = arith.constant 2 : i32
      %eq3A_414 = arith.cmpi eq, %rem3A_405, %eq3A_413 : i32
      %convert_element_type3A_415 = arith.extui %eq3A_414 : i1 to i32
      %cond3A_416 = arith.constant 0 : i32
      %cond3A_417 = arith.cmpi ne, %convert_element_type3A_415, %cond3A_416 : i32
      scf.if %cond3A_417 {
        %ge3A = arith.constant 2 : i32
        %ge3A_418 = arith.cmpi sge, %add3A_404, %ge3A : i32
        %convert_element_type3A_419 = arith.extui %ge3A_418 : i1 to i32
        %cond3A_420 = arith.constant 0 : i32
        %cond3A_421 = arith.cmpi ne, %convert_element_type3A_419, %cond3A_420 : i32
        scf.if %cond3A_421 {
          %dma_wait3A_453 = arith.constant 0 : i32
          %dma_wait3A_454 = arith.constant 0 : i32
          %dma_wait3A_455 = arith.constant 0 : i32
          %dma_wait3A_456 = arith.constant 0 : i32
          %dma_wait3A_457 = arith.constant 0 : i32
          %dma_wait3A_458 = tpu.memref_slice %arg10[%dma_wait3A_453, %dma_wait3A_456, %dma_wait3A_457] : memref<3x128x64xf32, #tpu.memory_space<vmem>> -> memref<1x128x64xf32, #tpu.memory_space<vmem>>
          %dma_wait3A_459 = tpu.memref_squeeze %dma_wait3A_458 : memref<1x128x64xf32, #tpu.memory_space<vmem>> -> memref<128x64xf32, #tpu.memory_space<vmem>>
          %dma_wait3A_460 = arith.constant 0 : i32
          %dma_wait3A_461 = tpu.memref_slice %arg9[%dma_wait3A_454, %dma_wait3A_455, %dma_wait3A_460] : memref<2x40x128xi32, #tpu.memory_space<vmem>> -> memref<1x1x128xi32, #tpu.memory_space<vmem>>
          %dma_wait3A_462 = tpu.memref_squeeze %dma_wait3A_461 : memref<1x1x128xi32, #tpu.memory_space<vmem>> -> memref<128xi32, #tpu.memory_space<vmem>>
          %dma_wait3A_463 = arith.constant 0 : i32
          %dma_wait3A_464 = arith.constant 0 : i32
          %dma_wait3A_465 = tpu.memref_slice %arg6[%dma_wait3A_463, %dma_wait3A_464] : memref<10240x64xf32, #tpu.memory_space<vmem_shared>> -> memref<10240x64xf32, #tpu.memory_space<vmem_shared>>
          tpu.wait_indirect_dma semaphore(%arg16 : memref<!tpu.dma_semaphore, #tpu.memory_space<semaphore_mem>>) src(%dma_wait3A_459 : memref<128x64xf32, #tpu.memory_space<vmem>>) dst(%dma_wait3A_465 : memref<10240x64xf32, #tpu.memory_space<vmem_shared>>)
        } else {
        }
        %add3A_422 = arith.constant 1 : i32
        %add3A_423 = arith.addi %add3A_404, %add3A_422 : i32
        %lt3A = arith.constant 40 : i32
        %lt3A_424 = arith.cmpi slt, %add3A_423, %lt3A : i32
        %convert_element_type3A_425 = arith.extui %lt3A_424 : i1 to i32
        %cond3A_426 = arith.constant 0 : i32
        %cond3A_427 = arith.cmpi ne, %convert_element_type3A_425, %cond3A_426 : i32
        scf.if %cond3A_427 {
          %add3A_453 = arith.constant 1 : i32
          %add3A_454 = arith.addi %add3A_404, %add3A_453 : i32
          %dma_start3A_455 = arith.constant 0 : i32
          %dma_start3A_456 = arith.constant 0 : i32
          %dma_start3A_457 = arith.constant 0 : i32
          %dma_start3A_458 = arith.constant 0 : i32
          %dma_start3A_459 = tpu.memref_slice %arg10[%dma_start3A_456, %dma_start3A_457, %dma_start3A_458] : memref<3x128x64xf32, #tpu.memory_space<vmem>> -> memref<1x128x64xf32, #tpu.memory_space<vmem>>
          %dma_start3A_460 = tpu.memref_squeeze %dma_start3A_459 : memref<1x128x64xf32, #tpu.memory_space<vmem>> -> memref<128x64xf32, #tpu.memory_space<vmem>>
          %dma_start3A_461 = arith.constant 0 : i32
          %dma_start3A_462 = tpu.memref_slice %arg8[%dma_start3A_455, %add3A_454, %dma_start3A_461] : memref<2x40x128xi32, #tpu.memory_space<vmem>> -> memref<1x1x128xi32, #tpu.memory_space<vmem>>
          %dma_start3A_463 = tpu.memref_squeeze %dma_start3A_462 : memref<1x1x128xi32, #tpu.memory_space<vmem>> -> memref<128xi32, #tpu.memory_space<vmem>>
          %dma_start3A_464 = arith.constant 0 : i32
          %dma_start3A_465 = arith.constant 0 : i32
          %dma_start3A_466 = tpu.memref_slice %arg7[%dma_start3A_464, %dma_start3A_465] : memref<10240x64xf32, #tpu.memory_space<vmem_shared>> -> memref<10240x64xf32, #tpu.memory_space<vmem_shared>>
          tpu.enqueue_indirect_dma source(%dma_start3A_466 : memref<10240x64xf32, #tpu.memory_space<vmem_shared>>) target(%dma_start3A_460 : memref<128x64xf32, #tpu.memory_space<vmem>>) offsets(%dma_start3A_463 : memref<128xi32, #tpu.memory_space<vmem>>) semaphore(%arg13 : memref<!tpu.dma_semaphore, #tpu.memory_space<semaphore_mem>>)
        } else {
        }
        %dma_wait3A_428 = arith.constant 0 : i32
        %dma_wait3A_429 = arith.constant 0 : i32
        %dma_wait3A_430 = arith.constant 2 : i32
        %dma_wait3A_431 = arith.constant 0 : i32
        %dma_wait3A_432 = arith.constant 0 : i32
        %dma_wait3A_433 = tpu.memref_slice %arg10[%dma_wait3A_430, %dma_wait3A_431, %dma_wait3A_432] : memref<3x128x64xf32, #tpu.memory_space<vmem>> -> memref<1x128x64xf32, #tpu.memory_space<vmem>>
        %dma_wait3A_434 = tpu.memref_squeeze %dma_wait3A_433 : memref<1x128x64xf32, #tpu.memory_space<vmem>> -> memref<128x64xf32, #tpu.memory_space<vmem>>
        %dma_wait3A_435 = arith.constant 0 : i32
        %dma_wait3A_436 = tpu.memref_slice %arg8[%dma_wait3A_428, %dma_wait3A_429, %dma_wait3A_435] : memref<2x40x128xi32, #tpu.memory_space<vmem>> -> memref<1x1x128xi32, #tpu.memory_space<vmem>>
        %dma_wait3A_437 = tpu.memref_squeeze %dma_wait3A_436 : memref<1x1x128xi32, #tpu.memory_space<vmem>> -> memref<128xi32, #tpu.memory_space<vmem>>
        %dma_wait3A_438 = arith.constant 0 : i32
        %dma_wait3A_439 = arith.constant 0 : i32
        %dma_wait3A_440 = tpu.memref_slice %arg7[%dma_wait3A_438, %dma_wait3A_439] : memref<10240x64xf32, #tpu.memory_space<vmem_shared>> -> memref<10240x64xf32, #tpu.memory_space<vmem_shared>>
        tpu.wait_indirect_dma semaphore(%arg15 : memref<!tpu.dma_semaphore, #tpu.memory_space<semaphore_mem>>) src(%dma_wait3A_440 : memref<10240x64xf32, #tpu.memory_space<vmem_shared>>) dst(%dma_wait3A_434 : memref<128x64xf32, #tpu.memory_space<vmem>>)
        %dma_start3A_441 = arith.constant 2 : i32
        %dma_start3A_442 = arith.constant 0 : i32
        %dma_start3A_443 = arith.constant 0 : i32
        %dma_start3A_444 = arith.constant 0 : i32
        %dma_start3A_445 = tpu.memref_slice %arg10[%dma_start3A_441, %dma_start3A_443, %dma_start3A_444] : memref<3x128x64xf32, #tpu.memory_space<vmem>> -> memref<1x128x64xf32, #tpu.memory_space<vmem>>
        %dma_start3A_446 = tpu.memref_squeeze %dma_start3A_445 : memref<1x128x64xf32, #tpu.memory_space<vmem>> -> memref<128x64xf32, #tpu.memory_space<vmem>>
        %dma_start3A_447 = arith.constant 0 : i32
        %dma_start3A_448 = tpu.memref_slice %arg9[%dma_start3A_442, %add3A_404, %dma_start3A_447] : memref<2x40x128xi32, #tpu.memory_space<vmem>> -> memref<1x1x128xi32, #tpu.memory_space<vmem>>
        %dma_start3A_449 = tpu.memref_squeeze %dma_start3A_448 : memref<1x1x128xi32, #tpu.memory_space<vmem>> -> memref<128xi32, #tpu.memory_space<vmem>>
        %dma_start3A_450 = arith.constant 0 : i32
        %dma_start3A_451 = arith.constant 0 : i32
        %dma_start3A_452 = tpu.memref_slice %arg6[%dma_start3A_450, %dma_start3A_451] : memref<10240x64xf32, #tpu.memory_space<vmem_shared>> -> memref<10240x64xf32, #tpu.memory_space<vmem_shared>>
        tpu.enqueue_indirect_dma source(%dma_start3A_446 : memref<128x64xf32, #tpu.memory_space<vmem>>) target(%dma_start3A_452 : memref<10240x64xf32, #tpu.memory_space<vmem_shared>>) offsets(%dma_start3A_449 : memref<128xi32, #tpu.memory_space<vmem>>) semaphore(%arg18 : memref<!tpu.dma_semaphore, #tpu.memory_space<semaphore_mem>>) {add = true}
      } else {
      }
    }
    %scan3A_302 = arith.constant 40 : i32
    %dma_wait3A_303 = arith.constant 2 : i32
    %dma_wait3A_304 = arith.constant 0 : i32
    %dma_wait3A_305 = arith.constant 0 : i32
    %dma_wait3A_306 = arith.constant 0 : i32
    %dma_wait3A_307 = arith.constant 0 : i32
    %dma_wait3A_308 = tpu.memref_slice %arg10[%dma_wait3A_303, %dma_wait3A_306, %dma_wait3A_307] : memref<3x128x64xf32, #tpu.memory_space<vmem>> -> memref<1x128x64xf32, #tpu.memory_space<vmem>>
    %dma_wait3A_309 = tpu.memref_squeeze %dma_wait3A_308 : memref<1x128x64xf32, #tpu.memory_space<vmem>> -> memref<128x64xf32, #tpu.memory_space<vmem>>
    %dma_wait3A_310 = arith.constant 0 : i32
    %dma_wait3A_311 = tpu.memref_slice %arg9[%dma_wait3A_304, %dma_wait3A_305, %dma_wait3A_310] : memref<2x40x128xi32, #tpu.memory_space<vmem>> -> memref<1x1x128xi32, #tpu.memory_space<vmem>>
    %dma_wait3A_312 = tpu.memref_squeeze %dma_wait3A_311 : memref<1x1x128xi32, #tpu.memory_space<vmem>> -> memref<128xi32, #tpu.memory_space<vmem>>
    %dma_wait3A_313 = arith.constant 0 : i32
    %dma_wait3A_314 = arith.constant 0 : i32
    %dma_wait3A_315 = tpu.memref_slice %arg6[%dma_wait3A_313, %dma_wait3A_314] : memref<10240x64xf32, #tpu.memory_space<vmem_shared>> -> memref<10240x64xf32, #tpu.memory_space<vmem_shared>>
    tpu.wait_indirect_dma semaphore(%arg18 : memref<!tpu.dma_semaphore, #tpu.memory_space<semaphore_mem>>) src(%dma_wait3A_309 : memref<128x64xf32, #tpu.memory_space<vmem>>) dst(%dma_wait3A_315 : memref<10240x64xf32, #tpu.memory_space<vmem_shared>>)
    %dma_wait3A_316 = arith.constant 0 : i32
    %dma_wait3A_317 = arith.constant 0 : i32
    %dma_wait3A_318 = arith.constant 0 : i32
    %dma_wait3A_319 = arith.constant 0 : i32
    %dma_wait3A_320 = arith.constant 0 : i32
    %dma_wait3A_321 = tpu.memref_slice %arg10[%dma_wait3A_316, %dma_wait3A_319, %dma_wait3A_320] : memref<3x128x64xf32, #tpu.memory_space<vmem>> -> memref<1x128x64xf32, #tpu.memory_space<vmem>>
    %dma_wait3A_322 = tpu.memref_squeeze %dma_wait3A_321 : memref<1x128x64xf32, #tpu.memory_space<vmem>> -> memref<128x64xf32, #tpu.memory_space<vmem>>
    %dma_wait3A_323 = arith.constant 0 : i32
    %dma_wait3A_324 = tpu.memref_slice %arg9[%dma_wait3A_317, %dma_wait3A_318, %dma_wait3A_323] : memref<2x40x128xi32, #tpu.memory_space<vmem>> -> memref<1x1x128xi32, #tpu.memory_space<vmem>>
    %dma_wait3A_325 = tpu.memref_squeeze %dma_wait3A_324 : memref<1x1x128xi32, #tpu.memory_space<vmem>> -> memref<128xi32, #tpu.memory_space<vmem>>
    %dma_wait3A_326 = arith.constant 0 : i32
    %dma_wait3A_327 = arith.constant 0 : i32
    %dma_wait3A_328 = tpu.memref_slice %arg6[%dma_wait3A_326, %dma_wait3A_327] : memref<10240x64xf32, #tpu.memory_space<vmem_shared>> -> memref<10240x64xf32, #tpu.memory_space<vmem_shared>>
    tpu.wait_indirect_dma semaphore(%arg16 : memref<!tpu.dma_semaphore, #tpu.memory_space<semaphore_mem>>) src(%dma_wait3A_322 : memref<128x64xf32, #tpu.memory_space<vmem>>) dst(%dma_wait3A_328 : memref<10240x64xf32, #tpu.memory_space<vmem_shared>>)
    %dma_wait3A_329 = arith.constant 1 : i32
    %dma_wait3A_330 = arith.constant 0 : i32
    %dma_wait3A_331 = arith.constant 0 : i32
    %dma_wait3A_332 = tpu.memref_slice %arg8[%dma_wait3A_329, %dma_wait3A_330, %dma_wait3A_331] : memref<2x40x128xi32, #tpu.memory_space<vmem>> -> memref<1x40x128xi32, #tpu.memory_space<vmem>>
    %dma_wait3A_333 = tpu.memref_squeeze %dma_wait3A_332 : memref<1x40x128xi32, #tpu.memory_space<vmem>> -> memref<40x128xi32, #tpu.memory_space<vmem>>
    %dma_wait3A_334 = arith.constant 0 : i32
    %dma_wait3A_335 = tpu.memref_slice %arg3[%mul3A_0, %dma_wait3A_334] : memref<2560x128xi32, #tpu.memory_space<hbm>> -> memref<40x128xi32, #tpu.memory_space<hbm>>
    %dma_wait3A_336 = arith.constant 0 : i32
    %dma_wait3A_337 = arith.constant 0 : i32
    %dma_wait3A_338 = tpu.memref_slice %arg8[%dma_wait3A_329, %dma_wait3A_336, %dma_wait3A_337] : memref<2x40x128xi32, #tpu.memory_space<vmem>> -> memref<1x40x128xi32, #tpu.memory_space<vmem>>
    %dma_wait3A_339 = tpu.memref_squeeze %dma_wait3A_338 : memref<1x40x128xi32, #tpu.memory_space<vmem>> -> memref<40x128xi32, #tpu.memory_space<vmem>>
    %dma_wait3A_340 = arith.constant 0 : i32
    %dma_wait3A_341 = tpu.memref_slice %arg3[%mul3A_0, %dma_wait3A_340] : memref<2560x128xi32, #tpu.memory_space<hbm>> -> memref<40x128xi32, #tpu.memory_space<hbm>>
    tpu.wait_dma2 semaphore(%arg12 : memref<!tpu.dma_semaphore, #tpu.memory_space<semaphore_mem>>) src(%dma_wait3A_341 : memref<40x128xi32, #tpu.memory_space<hbm>>) dst(%dma_wait3A_339 : memref<40x128xi32, #tpu.memory_space<vmem>>)
    %dma_wait3A_342 = arith.constant 1 : i32
    %dma_wait3A_343 = arith.constant 0 : i32
    %dma_wait3A_344 = arith.constant 0 : i32
    %dma_wait3A_345 = tpu.memref_slice %arg9[%dma_wait3A_342, %dma_wait3A_343, %dma_wait3A_344] : memref<2x40x128xi32, #tpu.memory_space<vmem>> -> memref<1x40x128xi32, #tpu.memory_space<vmem>>
    %dma_wait3A_346 = tpu.memref_squeeze %dma_wait3A_345 : memref<1x40x128xi32, #tpu.memory_space<vmem>> -> memref<40x128xi32, #tpu.memory_space<vmem>>
    %dma_wait3A_347 = arith.constant 0 : i32
    %dma_wait3A_348 = tpu.memref_slice %arg4[%mul3A_0, %dma_wait3A_347] : memref<2560x128xi32, #tpu.memory_space<hbm>> -> memref<40x128xi32, #tpu.memory_space<hbm>>
    %dma_wait3A_349 = arith.constant 0 : i32
    %dma_wait3A_350 = arith.constant 0 : i32
    %dma_wait3A_351 = tpu.memref_slice %arg9[%dma_wait3A_342, %dma_wait3A_349, %dma_wait3A_350] : memref<2x40x128xi32, #tpu.memory_space<vmem>> -> memref<1x40x128xi32, #tpu.memory_space<vmem>>
    %dma_wait3A_352 = tpu.memref_squeeze %dma_wait3A_351 : memref<1x40x128xi32, #tpu.memory_space<vmem>> -> memref<40x128xi32, #tpu.memory_space<vmem>>
    %dma_wait3A_353 = arith.constant 0 : i32
    %dma_wait3A_354 = tpu.memref_slice %arg4[%mul3A_0, %dma_wait3A_353] : memref<2560x128xi32, #tpu.memory_space<hbm>> -> memref<40x128xi32, #tpu.memory_space<hbm>>
    tpu.wait_dma2 semaphore(%arg12 : memref<!tpu.dma_semaphore, #tpu.memory_space<semaphore_mem>>) src(%dma_wait3A_354 : memref<40x128xi32, #tpu.memory_space<hbm>>) dst(%dma_wait3A_352 : memref<40x128xi32, #tpu.memory_space<vmem>>)
    %dma_start3A_355 = arith.constant 1 : i32
    %dma_start3A_356 = arith.constant 0 : i32
    %dma_start3A_357 = arith.constant 0 : i32
    %dma_start3A_358 = arith.constant 0 : i32
    %dma_start3A_359 = arith.constant 0 : i32
    %dma_start3A_360 = tpu.memref_slice %arg10[%dma_start3A_357, %dma_start3A_358, %dma_start3A_359] : memref<3x128x64xf32, #tpu.memory_space<vmem>> -> memref<1x128x64xf32, #tpu.memory_space<vmem>>
    %dma_start3A_361 = tpu.memref_squeeze %dma_start3A_360 : memref<1x128x64xf32, #tpu.memory_space<vmem>> -> memref<128x64xf32, #tpu.memory_space<vmem>>
    %dma_start3A_362 = arith.constant 0 : i32
    %dma_start3A_363 = tpu.memref_slice %arg8[%dma_start3A_355, %dma_start3A_356, %dma_start3A_362] : memref<2x40x128xi32, #tpu.memory_space<vmem>> -> memref<1x1x128xi32, #tpu.memory_space<vmem>>
    %dma_start3A_364 = tpu.memref_squeeze %dma_start3A_363 : memref<1x1x128xi32, #tpu.memory_space<vmem>> -> memref<128xi32, #tpu.memory_space<vmem>>
    %dma_start3A_365 = arith.constant 0 : i32
    %dma_start3A_366 = arith.constant 0 : i32
    %dma_start3A_367 = tpu.memref_slice %arg7[%dma_start3A_365, %dma_start3A_366] : memref<10240x64xf32, #tpu.memory_space<vmem_shared>> -> memref<10240x64xf32, #tpu.memory_space<vmem_shared>>
    tpu.enqueue_indirect_dma source(%dma_start3A_367 : memref<10240x64xf32, #tpu.memory_space<vmem_shared>>) target(%dma_start3A_361 : memref<128x64xf32, #tpu.memory_space<vmem>>) offsets(%dma_start3A_364 : memref<128xi32, #tpu.memory_space<vmem>>) semaphore(%arg13 : memref<!tpu.dma_semaphore, #tpu.memory_space<semaphore_mem>>)
    %scan3A_368 = arith.constant 0 : i32
    %scan3A_369 = arith.constant 40 : i32
    %scan3A_370 = arith.addi %scan3A_368, %scan3A_369 : i32
    %scan3A_371 = arith.constant 1 : i32
    scf.for %scan3A_400 = %scan3A_368 to %scan3A_370 step %scan3A_371  : i32 {
      %mul3A_401 = arith.constant 1 : i32
      %mul3A_402 = arith.muli %scan3A_400, %mul3A_401 : i32
      %add3A_403 = arith.constant 0 : i32
      %add3A_404 = arith.addi %add3A_403, %mul3A_402 : i32
      %rem3A = arith.constant 3 : i32
      %rem3A_405 = arith.remsi %add3A_404, %rem3A : i32
      %eq3A = arith.constant 0 : i32
      %eq3A_406 = arith.cmpi eq, %rem3A_405, %eq3A : i32
      %convert_element_type3A = arith.extui %eq3A_406 : i1 to i32
      %cond3A = arith.constant 0 : i32
      %cond3A_407 = arith.cmpi ne, %convert_element_type3A, %cond3A : i32
      scf.if %cond3A_407 {
        %ge3A = arith.constant 2 : i32
        %ge3A_418 = arith.cmpi sge, %add3A_404, %ge3A : i32
        %convert_element_type3A_419 = arith.extui %ge3A_418 : i1 to i32
        %cond3A_420 = arith.constant 0 : i32
        %cond3A_421 = arith.cmpi ne, %convert_element_type3A_419, %cond3A_420 : i32
        scf.if %cond3A_421 {
          %dma_wait3A_453 = arith.constant 1 : i32
          %dma_wait3A_454 = arith.constant 1 : i32
          %dma_wait3A_455 = arith.constant 0 : i32
          %dma_wait3A_456 = arith.constant 0 : i32
          %dma_wait3A_457 = arith.constant 0 : i32
          %dma_wait3A_458 = tpu.memref_slice %arg10[%dma_wait3A_453, %dma_wait3A_456, %dma_wait3A_457] : memref<3x128x64xf32, #tpu.memory_space<vmem>> -> memref<1x128x64xf32, #tpu.memory_space<vmem>>
          %dma_wait3A_459 = tpu.memref_squeeze %dma_wait3A_458 : memref<1x128x64xf32, #tpu.memory_space<vmem>> -> memref<128x64xf32, #tpu.memory_space<vmem>>
          %dma_wait3A_460 = arith.constant 0 : i32
          %dma_wait3A_461 = tpu.memref_slice %arg9[%dma_wait3A_454, %dma_wait3A_455, %dma_wait3A_460] : memref<2x40x128xi32, #tpu.memory_space<vmem>> -> memref<1x1x128xi32, #tpu.memory_space<vmem>>
          %dma_wait3A_462 = tpu.memref_squeeze %dma_wait3A_461 : memref<1x1x128xi32, #tpu.memory_space<vmem>> -> memref<128xi32, #tpu.memory_space<vmem>>
          %dma_wait3A_463 = arith.constant 0 : i32
          %dma_wait3A_464 = arith.constant 0 : i32
          %dma_wait3A_465 = tpu.memref_slice %arg6[%dma_wait3A_463, %dma_wait3A_464] : memref<10240x64xf32, #tpu.memory_space<vmem_shared>> -> memref<10240x64xf32, #tpu.memory_space<vmem_shared>>
          tpu.wait_indirect_dma semaphore(%arg17 : memref<!tpu.dma_semaphore, #tpu.memory_space<semaphore_mem>>) src(%dma_wait3A_459 : memref<128x64xf32, #tpu.memory_space<vmem>>) dst(%dma_wait3A_465 : memref<10240x64xf32, #tpu.memory_space<vmem_shared>>)
        } else {
        }
        %add3A_422 = arith.constant 1 : i32
        %add3A_423 = arith.addi %add3A_404, %add3A_422 : i32
        %lt3A = arith.constant 40 : i32
        %lt3A_424 = arith.cmpi slt, %add3A_423, %lt3A : i32
        %convert_element_type3A_425 = arith.extui %lt3A_424 : i1 to i32
        %cond3A_426 = arith.constant 0 : i32
        %cond3A_427 = arith.cmpi ne, %convert_element_type3A_425, %cond3A_426 : i32
        scf.if %cond3A_427 {
          %add3A_453 = arith.constant 1 : i32
          %add3A_454 = arith.addi %add3A_404, %add3A_453 : i32
          %dma_start3A_455 = arith.constant 1 : i32
          %dma_start3A_456 = arith.constant 1 : i32
          %dma_start3A_457 = arith.constant 0 : i32
          %dma_start3A_458 = arith.constant 0 : i32
          %dma_start3A_459 = tpu.memref_slice %arg10[%dma_start3A_456, %dma_start3A_457, %dma_start3A_458] : memref<3x128x64xf32, #tpu.memory_space<vmem>> -> memref<1x128x64xf32, #tpu.memory_space<vmem>>
          %dma_start3A_460 = tpu.memref_squeeze %dma_start3A_459 : memref<1x128x64xf32, #tpu.memory_space<vmem>> -> memref<128x64xf32, #tpu.memory_space<vmem>>
          %dma_start3A_461 = arith.constant 0 : i32
          %dma_start3A_462 = tpu.memref_slice %arg8[%dma_start3A_455, %add3A_454, %dma_start3A_461] : memref<2x40x128xi32, #tpu.memory_space<vmem>> -> memref<1x1x128xi32, #tpu.memory_space<vmem>>
          %dma_start3A_463 = tpu.memref_squeeze %dma_start3A_462 : memref<1x1x128xi32, #tpu.memory_space<vmem>> -> memref<128xi32, #tpu.memory_space<vmem>>
          %dma_start3A_464 = arith.constant 0 : i32
          %dma_start3A_465 = arith.constant 0 : i32
          %dma_start3A_466 = tpu.memref_slice %arg7[%dma_start3A_464, %dma_start3A_465] : memref<10240x64xf32, #tpu.memory_space<vmem_shared>> -> memref<10240x64xf32, #tpu.memory_space<vmem_shared>>
          tpu.enqueue_indirect_dma source(%dma_start3A_466 : memref<10240x64xf32, #tpu.memory_space<vmem_shared>>) target(%dma_start3A_460 : memref<128x64xf32, #tpu.memory_space<vmem>>) offsets(%dma_start3A_463 : memref<128xi32, #tpu.memory_space<vmem>>) semaphore(%arg14 : memref<!tpu.dma_semaphore, #tpu.memory_space<semaphore_mem>>)
        } else {
        }
        %dma_wait3A_428 = arith.constant 1 : i32
        %dma_wait3A_429 = arith.constant 0 : i32
        %dma_wait3A_430 = arith.constant 0 : i32
        %dma_wait3A_431 = arith.constant 0 : i32
        %dma_wait3A_432 = arith.constant 0 : i32
        %dma_wait3A_433 = tpu.memref_slice %arg10[%dma_wait3A_430, %dma_wait3A_431, %dma_wait3A_432] : memref<3x128x64xf32, #tpu.memory_space<vmem>> -> memref<1x128x64xf32, #tpu.memory_space<vmem>>
        %dma_wait3A_434 = tpu.memref_squeeze %dma_wait3A_433 : memref<1x128x64xf32, #tpu.memory_space<vmem>> -> memref<128x64xf32, #tpu.memory_space<vmem>>
        %dma_wait3A_435 = arith.constant 0 : i32
        %dma_wait3A_436 = tpu.memref_slice %arg8[%dma_wait3A_428, %dma_wait3A_429, %dma_wait3A_435] : memref<2x40x128xi32, #tpu.memory_space<vmem>> -> memref<1x1x128xi32, #tpu.memory_space<vmem>>
        %dma_wait3A_437 = tpu.memref_squeeze %dma_wait3A_436 : memref<1x1x128xi32, #tpu.memory_space<vmem>> -> memref<128xi32, #tpu.memory_space<vmem>>
        %dma_wait3A_438 = arith.constant 0 : i32
        %dma_wait3A_439 = arith.constant 0 : i32
        %dma_wait3A_440 = tpu.memref_slice %arg7[%dma_wait3A_438, %dma_wait3A_439] : memref<10240x64xf32, #tpu.memory_space<vmem_shared>> -> memref<10240x64xf32, #tpu.memory_space<vmem_shared>>
        tpu.wait_indirect_dma semaphore(%arg13 : memref<!tpu.dma_semaphore, #tpu.memory_space<semaphore_mem>>) src(%dma_wait3A_440 : memref<10240x64xf32, #tpu.memory_space<vmem_shared>>) dst(%dma_wait3A_434 : memref<128x64xf32, #tpu.memory_space<vmem>>)
        %dma_start3A_441 = arith.constant 0 : i32
        %dma_start3A_442 = arith.constant 1 : i32
        %dma_start3A_443 = arith.constant 0 : i32
        %dma_start3A_444 = arith.constant 0 : i32
        %dma_start3A_445 = tpu.memref_slice %arg10[%dma_start3A_441, %dma_start3A_443, %dma_start3A_444] : memref<3x128x64xf32, #tpu.memory_space<vmem>> -> memref<1x128x64xf32, #tpu.memory_space<vmem>>
        %dma_start3A_446 = tpu.memref_squeeze %dma_start3A_445 : memref<1x128x64xf32, #tpu.memory_space<vmem>> -> memref<128x64xf32, #tpu.memory_space<vmem>>
        %dma_start3A_447 = arith.constant 0 : i32
        %dma_start3A_448 = tpu.memref_slice %arg9[%dma_start3A_442, %add3A_404, %dma_start3A_447] : memref<2x40x128xi32, #tpu.memory_space<vmem>> -> memref<1x1x128xi32, #tpu.memory_space<vmem>>
        %dma_start3A_449 = tpu.memref_squeeze %dma_start3A_448 : memref<1x1x128xi32, #tpu.memory_space<vmem>> -> memref<128xi32, #tpu.memory_space<vmem>>
        %dma_start3A_450 = arith.constant 0 : i32
        %dma_start3A_451 = arith.constant 0 : i32
        %dma_start3A_452 = tpu.memref_slice %arg6[%dma_start3A_450, %dma_start3A_451] : memref<10240x64xf32, #tpu.memory_space<vmem_shared>> -> memref<10240x64xf32, #tpu.memory_space<vmem_shared>>
        tpu.enqueue_indirect_dma source(%dma_start3A_446 : memref<128x64xf32, #tpu.memory_space<vmem>>) target(%dma_start3A_452 : memref<10240x64xf32, #tpu.memory_space<vmem_shared>>) offsets(%dma_start3A_449 : memref<128xi32, #tpu.memory_space<vmem>>) semaphore(%arg16 : memref<!tpu.dma_semaphore, #tpu.memory_space<semaphore_mem>>) {add = true}
      } else {
      }
      %eq3A_408 = arith.constant 1 : i32
      %eq3A_409 = arith.cmpi eq, %rem3A_405, %eq3A_408 : i32
      %convert_element_type3A_410 = arith.extui %eq3A_409 : i1 to i32
      %cond3A_411 = arith.constant 0 : i32
      %cond3A_412 = arith.cmpi ne, %convert_element_type3A_410, %cond3A_411 : i32
      scf.if %cond3A_412 {
        %ge3A = arith.constant 2 : i32
        %ge3A_418 = arith.cmpi sge, %add3A_404, %ge3A : i32
        %convert_element_type3A_419 = arith.extui %ge3A_418 : i1 to i32
        %cond3A_420 = arith.constant 0 : i32
        %cond3A_421 = arith.cmpi ne, %convert_element_type3A_419, %cond3A_420 : i32
        scf.if %cond3A_421 {
          %dma_wait3A_453 = arith.constant 2 : i32
          %dma_wait3A_454 = arith.constant 1 : i32
          %dma_wait3A_455 = arith.constant 0 : i32
          %dma_wait3A_456 = arith.constant 0 : i32
          %dma_wait3A_457 = arith.constant 0 : i32
          %dma_wait3A_458 = tpu.memref_slice %arg10[%dma_wait3A_453, %dma_wait3A_456, %dma_wait3A_457] : memref<3x128x64xf32, #tpu.memory_space<vmem>> -> memref<1x128x64xf32, #tpu.memory_space<vmem>>
          %dma_wait3A_459 = tpu.memref_squeeze %dma_wait3A_458 : memref<1x128x64xf32, #tpu.memory_space<vmem>> -> memref<128x64xf32, #tpu.memory_space<vmem>>
          %dma_wait3A_460 = arith.constant 0 : i32
          %dma_wait3A_461 = tpu.memref_slice %arg9[%dma_wait3A_454, %dma_wait3A_455, %dma_wait3A_460] : memref<2x40x128xi32, #tpu.memory_space<vmem>> -> memref<1x1x128xi32, #tpu.memory_space<vmem>>
          %dma_wait3A_462 = tpu.memref_squeeze %dma_wait3A_461 : memref<1x1x128xi32, #tpu.memory_space<vmem>> -> memref<128xi32, #tpu.memory_space<vmem>>
          %dma_wait3A_463 = arith.constant 0 : i32
          %dma_wait3A_464 = arith.constant 0 : i32
          %dma_wait3A_465 = tpu.memref_slice %arg6[%dma_wait3A_463, %dma_wait3A_464] : memref<10240x64xf32, #tpu.memory_space<vmem_shared>> -> memref<10240x64xf32, #tpu.memory_space<vmem_shared>>
          tpu.wait_indirect_dma semaphore(%arg18 : memref<!tpu.dma_semaphore, #tpu.memory_space<semaphore_mem>>) src(%dma_wait3A_459 : memref<128x64xf32, #tpu.memory_space<vmem>>) dst(%dma_wait3A_465 : memref<10240x64xf32, #tpu.memory_space<vmem_shared>>)
        } else {
        }
        %add3A_422 = arith.constant 1 : i32
        %add3A_423 = arith.addi %add3A_404, %add3A_422 : i32
        %lt3A = arith.constant 40 : i32
        %lt3A_424 = arith.cmpi slt, %add3A_423, %lt3A : i32
        %convert_element_type3A_425 = arith.extui %lt3A_424 : i1 to i32
        %cond3A_426 = arith.constant 0 : i32
        %cond3A_427 = arith.cmpi ne, %convert_element_type3A_425, %cond3A_426 : i32
        scf.if %cond3A_427 {
          %add3A_453 = arith.constant 1 : i32
          %add3A_454 = arith.addi %add3A_404, %add3A_453 : i32
          %dma_start3A_455 = arith.constant 1 : i32
          %dma_start3A_456 = arith.constant 2 : i32
          %dma_start3A_457 = arith.constant 0 : i32
          %dma_start3A_458 = arith.constant 0 : i32
          %dma_start3A_459 = tpu.memref_slice %arg10[%dma_start3A_456, %dma_start3A_457, %dma_start3A_458] : memref<3x128x64xf32, #tpu.memory_space<vmem>> -> memref<1x128x64xf32, #tpu.memory_space<vmem>>
          %dma_start3A_460 = tpu.memref_squeeze %dma_start3A_459 : memref<1x128x64xf32, #tpu.memory_space<vmem>> -> memref<128x64xf32, #tpu.memory_space<vmem>>
          %dma_start3A_461 = arith.constant 0 : i32
          %dma_start3A_462 = tpu.memref_slice %arg8[%dma_start3A_455, %add3A_454, %dma_start3A_461] : memref<2x40x128xi32, #tpu.memory_space<vmem>> -> memref<1x1x128xi32, #tpu.memory_space<vmem>>
          %dma_start3A_463 = tpu.memref_squeeze %dma_start3A_462 : memref<1x1x128xi32, #tpu.memory_space<vmem>> -> memref<128xi32, #tpu.memory_space<vmem>>
          %dma_start3A_464 = arith.constant 0 : i32
          %dma_start3A_465 = arith.constant 0 : i32
          %dma_start3A_466 = tpu.memref_slice %arg7[%dma_start3A_464, %dma_start3A_465] : memref<10240x64xf32, #tpu.memory_space<vmem_shared>> -> memref<10240x64xf32, #tpu.memory_space<vmem_shared>>
          tpu.enqueue_indirect_dma source(%dma_start3A_466 : memref<10240x64xf32, #tpu.memory_space<vmem_shared>>) target(%dma_start3A_460 : memref<128x64xf32, #tpu.memory_space<vmem>>) offsets(%dma_start3A_463 : memref<128xi32, #tpu.memory_space<vmem>>) semaphore(%arg15 : memref<!tpu.dma_semaphore, #tpu.memory_space<semaphore_mem>>)
        } else {
        }
        %dma_wait3A_428 = arith.constant 1 : i32
        %dma_wait3A_429 = arith.constant 0 : i32
        %dma_wait3A_430 = arith.constant 1 : i32
        %dma_wait3A_431 = arith.constant 0 : i32
        %dma_wait3A_432 = arith.constant 0 : i32
        %dma_wait3A_433 = tpu.memref_slice %arg10[%dma_wait3A_430, %dma_wait3A_431, %dma_wait3A_432] : memref<3x128x64xf32, #tpu.memory_space<vmem>> -> memref<1x128x64xf32, #tpu.memory_space<vmem>>
        %dma_wait3A_434 = tpu.memref_squeeze %dma_wait3A_433 : memref<1x128x64xf32, #tpu.memory_space<vmem>> -> memref<128x64xf32, #tpu.memory_space<vmem>>
        %dma_wait3A_435 = arith.constant 0 : i32
        %dma_wait3A_436 = tpu.memref_slice %arg8[%dma_wait3A_428, %dma_wait3A_429, %dma_wait3A_435] : memref<2x40x128xi32, #tpu.memory_space<vmem>> -> memref<1x1x128xi32, #tpu.memory_space<vmem>>
        %dma_wait3A_437 = tpu.memref_squeeze %dma_wait3A_436 : memref<1x1x128xi32, #tpu.memory_space<vmem>> -> memref<128xi32, #tpu.memory_space<vmem>>
        %dma_wait3A_438 = arith.constant 0 : i32
        %dma_wait3A_439 = arith.constant 0 : i32
        %dma_wait3A_440 = tpu.memref_slice %arg7[%dma_wait3A_438, %dma_wait3A_439] : memref<10240x64xf32, #tpu.memory_space<vmem_shared>> -> memref<10240x64xf32, #tpu.memory_space<vmem_shared>>
        tpu.wait_indirect_dma semaphore(%arg14 : memref<!tpu.dma_semaphore, #tpu.memory_space<semaphore_mem>>) src(%dma_wait3A_440 : memref<10240x64xf32, #tpu.memory_space<vmem_shared>>) dst(%dma_wait3A_434 : memref<128x64xf32, #tpu.memory_space<vmem>>)
        %dma_start3A_441 = arith.constant 1 : i32
        %dma_start3A_442 = arith.constant 1 : i32
        %dma_start3A_443 = arith.constant 0 : i32
        %dma_start3A_444 = arith.constant 0 : i32
        %dma_start3A_445 = tpu.memref_slice %arg10[%dma_start3A_441, %dma_start3A_443, %dma_start3A_444] : memref<3x128x64xf32, #tpu.memory_space<vmem>> -> memref<1x128x64xf32, #tpu.memory_space<vmem>>
        %dma_start3A_446 = tpu.memref_squeeze %dma_start3A_445 : memref<1x128x64xf32, #tpu.memory_space<vmem>> -> memref<128x64xf32, #tpu.memory_space<vmem>>
        %dma_start3A_447 = arith.constant 0 : i32
        %dma_start3A_448 = tpu.memref_slice %arg9[%dma_start3A_442, %add3A_404, %dma_start3A_447] : memref<2x40x128xi32, #tpu.memory_space<vmem>> -> memref<1x1x128xi32, #tpu.memory_space<vmem>>
        %dma_start3A_449 = tpu.memref_squeeze %dma_start3A_448 : memref<1x1x128xi32, #tpu.memory_space<vmem>> -> memref<128xi32, #tpu.memory_space<vmem>>
        %dma_start3A_450 = arith.constant 0 : i32
        %dma_start3A_451 = arith.constant 0 : i32
        %dma_start3A_452 = tpu.memref_slice %arg6[%dma_start3A_450, %dma_start3A_451] : memref<10240x64xf32, #tpu.memory_space<vmem_shared>> -> memref<10240x64xf32, #tpu.memory_space<vmem_shared>>
        tpu.enqueue_indirect_dma source(%dma_start3A_446 : memref<128x64xf32, #tpu.memory_space<vmem>>) target(%dma_start3A_452 : memref<10240x64xf32, #tpu.memory_space<vmem_shared>>) offsets(%dma_start3A_449 : memref<128xi32, #tpu.memory_space<vmem>>) semaphore(%arg17 : memref<!tpu.dma_semaphore, #tpu.memory_space<semaphore_mem>>) {add = true}
      } else {
      }
      %eq3A_413 = arith.constant 2 : i32
      %eq3A_414 = arith.cmpi eq, %rem3A_405, %eq3A_413 : i32
      %convert_element_type3A_415 = arith.extui %eq3A_414 : i1 to i32
      %cond3A_416 = arith.constant 0 : i32
      %cond3A_417 = arith.cmpi ne, %convert_element_type3A_415, %cond3A_416 : i32
      scf.if %cond3A_417 {
        %ge3A = arith.constant 2 : i32
        %ge3A_418 = arith.cmpi sge, %add3A_404, %ge3A : i32
        %convert_element_type3A_419 = arith.extui %ge3A_418 : i1 to i32
        %cond3A_420 = arith.constant 0 : i32
        %cond3A_421 = arith.cmpi ne, %convert_element_type3A_419, %cond3A_420 : i32
        scf.if %cond3A_421 {
          %dma_wait3A_453 = arith.constant 0 : i32
          %dma_wait3A_454 = arith.constant 1 : i32
          %dma_wait3A_455 = arith.constant 0 : i32
          %dma_wait3A_456 = arith.constant 0 : i32
          %dma_wait3A_457 = arith.constant 0 : i32
          %dma_wait3A_458 = tpu.memref_slice %arg10[%dma_wait3A_453, %dma_wait3A_456, %dma_wait3A_457] : memref<3x128x64xf32, #tpu.memory_space<vmem>> -> memref<1x128x64xf32, #tpu.memory_space<vmem>>
          %dma_wait3A_459 = tpu.memref_squeeze %dma_wait3A_458 : memref<1x128x64xf32, #tpu.memory_space<vmem>> -> memref<128x64xf32, #tpu.memory_space<vmem>>
          %dma_wait3A_460 = arith.constant 0 : i32
          %dma_wait3A_461 = tpu.memref_slice %arg9[%dma_wait3A_454, %dma_wait3A_455, %dma_wait3A_460] : memref<2x40x128xi32, #tpu.memory_space<vmem>> -> memref<1x1x128xi32, #tpu.memory_space<vmem>>
          %dma_wait3A_462 = tpu.memref_squeeze %dma_wait3A_461 : memref<1x1x128xi32, #tpu.memory_space<vmem>> -> memref<128xi32, #tpu.memory_space<vmem>>
          %dma_wait3A_463 = arith.constant 0 : i32
          %dma_wait3A_464 = arith.constant 0 : i32
          %dma_wait3A_465 = tpu.memref_slice %arg6[%dma_wait3A_463, %dma_wait3A_464] : memref<10240x64xf32, #tpu.memory_space<vmem_shared>> -> memref<10240x64xf32, #tpu.memory_space<vmem_shared>>
          tpu.wait_indirect_dma semaphore(%arg16 : memref<!tpu.dma_semaphore, #tpu.memory_space<semaphore_mem>>) src(%dma_wait3A_459 : memref<128x64xf32, #tpu.memory_space<vmem>>) dst(%dma_wait3A_465 : memref<10240x64xf32, #tpu.memory_space<vmem_shared>>)
        } else {
        }
        %add3A_422 = arith.constant 1 : i32
        %add3A_423 = arith.addi %add3A_404, %add3A_422 : i32
        %lt3A = arith.constant 40 : i32
        %lt3A_424 = arith.cmpi slt, %add3A_423, %lt3A : i32
        %convert_element_type3A_425 = arith.extui %lt3A_424 : i1 to i32
        %cond3A_426 = arith.constant 0 : i32
        %cond3A_427 = arith.cmpi ne, %convert_element_type3A_425, %cond3A_426 : i32
        scf.if %cond3A_427 {
          %add3A_453 = arith.constant 1 : i32
          %add3A_454 = arith.addi %add3A_404, %add3A_453 : i32
          %dma_start3A_455 = arith.constant 1 : i32
          %dma_start3A_456 = arith.constant 0 : i32
          %dma_start3A_457 = arith.constant 0 : i32
          %dma_start3A_458 = arith.constant 0 : i32
          %dma_start3A_459 = tpu.memref_slice %arg10[%dma_start3A_456, %dma_start3A_457, %dma_start3A_458] : memref<3x128x64xf32, #tpu.memory_space<vmem>> -> memref<1x128x64xf32, #tpu.memory_space<vmem>>
          %dma_start3A_460 = tpu.memref_squeeze %dma_start3A_459 : memref<1x128x64xf32, #tpu.memory_space<vmem>> -> memref<128x64xf32, #tpu.memory_space<vmem>>
          %dma_start3A_461 = arith.constant 0 : i32
          %dma_start3A_462 = tpu.memref_slice %arg8[%dma_start3A_455, %add3A_454, %dma_start3A_461] : memref<2x40x128xi32, #tpu.memory_space<vmem>> -> memref<1x1x128xi32, #tpu.memory_space<vmem>>
          %dma_start3A_463 = tpu.memref_squeeze %dma_start3A_462 : memref<1x1x128xi32, #tpu.memory_space<vmem>> -> memref<128xi32, #tpu.memory_space<vmem>>
          %dma_start3A_464 = arith.constant 0 : i32
          %dma_start3A_465 = arith.constant 0 : i32
          %dma_start3A_466 = tpu.memref_slice %arg7[%dma_start3A_464, %dma_start3A_465] : memref<10240x64xf32, #tpu.memory_space<vmem_shared>> -> memref<10240x64xf32, #tpu.memory_space<vmem_shared>>
          tpu.enqueue_indirect_dma source(%dma_start3A_466 : memref<10240x64xf32, #tpu.memory_space<vmem_shared>>) target(%dma_start3A_460 : memref<128x64xf32, #tpu.memory_space<vmem>>) offsets(%dma_start3A_463 : memref<128xi32, #tpu.memory_space<vmem>>) semaphore(%arg13 : memref<!tpu.dma_semaphore, #tpu.memory_space<semaphore_mem>>)
        } else {
        }
        %dma_wait3A_428 = arith.constant 1 : i32
        %dma_wait3A_429 = arith.constant 0 : i32
        %dma_wait3A_430 = arith.constant 2 : i32
        %dma_wait3A_431 = arith.constant 0 : i32
        %dma_wait3A_432 = arith.constant 0 : i32
        %dma_wait3A_433 = tpu.memref_slice %arg10[%dma_wait3A_430, %dma_wait3A_431, %dma_wait3A_432] : memref<3x128x64xf32, #tpu.memory_space<vmem>> -> memref<1x128x64xf32, #tpu.memory_space<vmem>>
        %dma_wait3A_434 = tpu.memref_squeeze %dma_wait3A_433 : memref<1x128x64xf32, #tpu.memory_space<vmem>> -> memref<128x64xf32, #tpu.memory_space<vmem>>
        %dma_wait3A_435 = arith.constant 0 : i32
        %dma_wait3A_436 = tpu.memref_slice %arg8[%dma_wait3A_428, %dma_wait3A_429, %dma_wait3A_435] : memref<2x40x128xi32, #tpu.memory_space<vmem>> -> memref<1x1x128xi32, #tpu.memory_space<vmem>>
        %dma_wait3A_437 = tpu.memref_squeeze %dma_wait3A_436 : memref<1x1x128xi32, #tpu.memory_space<vmem>> -> memref<128xi32, #tpu.memory_space<vmem>>
        %dma_wait3A_438 = arith.constant 0 : i32
        %dma_wait3A_439 = arith.constant 0 : i32
        %dma_wait3A_440 = tpu.memref_slice %arg7[%dma_wait3A_438, %dma_wait3A_439] : memref<10240x64xf32, #tpu.memory_space<vmem_shared>> -> memref<10240x64xf32, #tpu.memory_space<vmem_shared>>
        tpu.wait_indirect_dma semaphore(%arg15 : memref<!tpu.dma_semaphore, #tpu.memory_space<semaphore_mem>>) src(%dma_wait3A_440 : memref<10240x64xf32, #tpu.memory_space<vmem_shared>>) dst(%dma_wait3A_434 : memref<128x64xf32, #tpu.memory_space<vmem>>)
        %dma_start3A_441 = arith.constant 2 : i32
        %dma_start3A_442 = arith.constant 1 : i32
        %dma_start3A_443 = arith.constant 0 : i32
        %dma_start3A_444 = arith.constant 0 : i32
        %dma_start3A_445 = tpu.memref_slice %arg10[%dma_start3A_441, %dma_start3A_443, %dma_start3A_444] : memref<3x128x64xf32, #tpu.memory_space<vmem>> -> memref<1x128x64xf32, #tpu.memory_space<vmem>>
        %dma_start3A_446 = tpu.memref_squeeze %dma_start3A_445 : memref<1x128x64xf32, #tpu.memory_space<vmem>> -> memref<128x64xf32, #tpu.memory_space<vmem>>
        %dma_start3A_447 = arith.constant 0 : i32
        %dma_start3A_448 = tpu.memref_slice %arg9[%dma_start3A_442, %add3A_404, %dma_start3A_447] : memref<2x40x128xi32, #tpu.memory_space<vmem>> -> memref<1x1x128xi32, #tpu.memory_space<vmem>>
        %dma_start3A_449 = tpu.memref_squeeze %dma_start3A_448 : memref<1x1x128xi32, #tpu.memory_space<vmem>> -> memref<128xi32, #tpu.memory_space<vmem>>
        %dma_start3A_450 = arith.constant 0 : i32
        %dma_start3A_451 = arith.constant 0 : i32
        %dma_start3A_452 = tpu.memref_slice %arg6[%dma_start3A_450, %dma_start3A_451] : memref<10240x64xf32, #tpu.memory_space<vmem_shared>> -> memref<10240x64xf32, #tpu.memory_space<vmem_shared>>
        tpu.enqueue_indirect_dma source(%dma_start3A_446 : memref<128x64xf32, #tpu.memory_space<vmem>>) target(%dma_start3A_452 : memref<10240x64xf32, #tpu.memory_space<vmem_shared>>) offsets(%dma_start3A_449 : memref<128xi32, #tpu.memory_space<vmem>>) semaphore(%arg18 : memref<!tpu.dma_semaphore, #tpu.memory_space<semaphore_mem>>) {add = true}
      } else {
      }
    }
    %scan3A_372 = arith.constant 40 : i32
    %dma_wait3A_373 = arith.constant 2 : i32
    %dma_wait3A_374 = arith.constant 1 : i32
    %dma_wait3A_375 = arith.constant 0 : i32
    %dma_wait3A_376 = arith.constant 0 : i32
    %dma_wait3A_377 = arith.constant 0 : i32
    %dma_wait3A_378 = tpu.memref_slice %arg10[%dma_wait3A_373, %dma_wait3A_376, %dma_wait3A_377] : memref<3x128x64xf32, #tpu.memory_space<vmem>> -> memref<1x128x64xf32, #tpu.memory_space<vmem>>
    %dma_wait3A_379 = tpu.memref_squeeze %dma_wait3A_378 : memref<1x128x64xf32, #tpu.memory_space<vmem>> -> memref<128x64xf32, #tpu.memory_space<vmem>>
    %dma_wait3A_380 = arith.constant 0 : i32
    %dma_wait3A_381 = tpu.memref_slice %arg9[%dma_wait3A_374, %dma_wait3A_375, %dma_wait3A_380] : memref<2x40x128xi32, #tpu.memory_space<vmem>> -> memref<1x1x128xi32, #tpu.memory_space<vmem>>
    %dma_wait3A_382 = tpu.memref_squeeze %dma_wait3A_381 : memref<1x1x128xi32, #tpu.memory_space<vmem>> -> memref<128xi32, #tpu.memory_space<vmem>>
    %dma_wait3A_383 = arith.constant 0 : i32
    %dma_wait3A_384 = arith.constant 0 : i32
    %dma_wait3A_385 = tpu.memref_slice %arg6[%dma_wait3A_383, %dma_wait3A_384] : memref<10240x64xf32, #tpu.memory_space<vmem_shared>> -> memref<10240x64xf32, #tpu.memory_space<vmem_shared>>
    tpu.wait_indirect_dma semaphore(%arg18 : memref<!tpu.dma_semaphore, #tpu.memory_space<semaphore_mem>>) src(%dma_wait3A_379 : memref<128x64xf32, #tpu.memory_space<vmem>>) dst(%dma_wait3A_385 : memref<10240x64xf32, #tpu.memory_space<vmem_shared>>)
    %dma_wait3A_386 = arith.constant 0 : i32
    %dma_wait3A_387 = arith.constant 1 : i32
    %dma_wait3A_388 = arith.constant 0 : i32
    %dma_wait3A_389 = arith.constant 0 : i32
    %dma_wait3A_390 = arith.constant 0 : i32
    %dma_wait3A_391 = tpu.memref_slice %arg10[%dma_wait3A_386, %dma_wait3A_389, %dma_wait3A_390] : memref<3x128x64xf32, #tpu.memory_space<vmem>> -> memref<1x128x64xf32, #tpu.memory_space<vmem>>
    %dma_wait3A_392 = tpu.memref_squeeze %dma_wait3A_391 : memref<1x128x64xf32, #tpu.memory_space<vmem>> -> memref<128x64xf32, #tpu.memory_space<vmem>>
    %dma_wait3A_393 = arith.constant 0 : i32
    %dma_wait3A_394 = tpu.memref_slice %arg9[%dma_wait3A_387, %dma_wait3A_388, %dma_wait3A_393] : memref<2x40x128xi32, #tpu.memory_space<vmem>> -> memref<1x1x128xi32, #tpu.memory_space<vmem>>
    %dma_wait3A_395 = tpu.memref_squeeze %dma_wait3A_394 : memref<1x1x128xi32, #tpu.memory_space<vmem>> -> memref<128xi32, #tpu.memory_space<vmem>>
    %dma_wait3A_396 = arith.constant 0 : i32
    %dma_wait3A_397 = arith.constant 0 : i32
    %dma_wait3A_398 = tpu.memref_slice %arg6[%dma_wait3A_396, %dma_wait3A_397] : memref<10240x64xf32, #tpu.memory_space<vmem_shared>> -> memref<10240x64xf32, #tpu.memory_space<vmem_shared>>
    tpu.wait_indirect_dma semaphore(%arg16 : memref<!tpu.dma_semaphore, #tpu.memory_space<semaphore_mem>>) src(%dma_wait3A_392 : memref<128x64xf32, #tpu.memory_space<vmem>>) dst(%dma_wait3A_398 : memref<10240x64xf32, #tpu.memory_space<vmem_shared>>)
    %barrier3A_399 = arith.constant 0 : index
    tpu.barrier barrier_id(%barrier3A_399)
    "tpu.region"() ({
      %run_scoped3A = tpu.sem_alloc : memref<!tpu.dma_semaphore, #tpu.memory_space<semaphore_mem>>
      %dma_start3A_400 = arith.constant 0 : i32
      %dma_start3A_401 = tpu.memref_slice %arg5[%arg0, %mul3A_2, %dma_start3A_400] : memref<2x10240x64xf32, #tpu.memory_space<hbm>> -> memref<1x640x64xf32, #tpu.memory_space<hbm>>
      %dma_start3A_402 = tpu.memref_squeeze %dma_start3A_401 : memref<1x640x64xf32, #tpu.memory_space<hbm>> -> memref<640x64xf32, #tpu.memory_space<hbm>>
      %dma_start3A_403 = arith.constant 0 : i32
      %dma_start3A_404 = tpu.memref_slice %arg6[%mul3A_2, %dma_start3A_403] : memref<10240x64xf32, #tpu.memory_space<vmem_shared>> -> memref<640x64xf32, #tpu.memory_space<vmem_shared>>
      tpu.enqueue_dma source(%dma_start3A_404 : memref<640x64xf32, #tpu.memory_space<vmem_shared>>) target(%dma_start3A_402 : memref<640x64xf32, #tpu.memory_space<hbm>>) target_semaphore(%run_scoped3A : memref<!tpu.dma_semaphore, #tpu.memory_space<semaphore_mem>>)
      %dma_wait3A_405 = arith.constant 0 : i32
      %dma_wait3A_406 = tpu.memref_slice %arg5[%arg0, %mul3A_2, %dma_wait3A_405] : memref<2x10240x64xf32, #tpu.memory_space<hbm>> -> memref<1x640x64xf32, #tpu.memory_space<hbm>>
      %dma_wait3A_407 = tpu.memref_squeeze %dma_wait3A_406 : memref<1x640x64xf32, #tpu.memory_space<hbm>> -> memref<640x64xf32, #tpu.memory_space<hbm>>
      %dma_wait3A_408 = arith.constant 0 : i32
      %dma_wait3A_409 = tpu.memref_slice %arg6[%mul3A_2, %dma_wait3A_408] : memref<10240x64xf32, #tpu.memory_space<vmem_shared>> -> memref<640x64xf32, #tpu.memory_space<vmem_shared>>
      tpu.wait_dma2 semaphore(%run_scoped3A : memref<!tpu.dma_semaphore, #tpu.memory_space<semaphore_mem>>) src(%dma_wait3A_409 : memref<640x64xf32, #tpu.memory_space<vmem_shared>>) dst(%dma_wait3A_407 : memref<640x64xf32, #tpu.memory_space<hbm>>)
      tpu.yield
    }) : () -> ()
    return
  }
}

#map = affine_map<(d0, d1) -> (0, 0, 0)>
#map1 = affine_map<(d0, d1) -> (0, 0)>
module attributes {stable_mosaic.version = 14 : i64} {
  func.func @_agg_kernel(%arg0: i32, %arg1: i32, %arg2: memref<2x10240x64xf32, #tpu.memory_space<hbm>>, %arg3: memref<2560x128xi32, #tpu.memory_space<hbm>>, %arg4: memref<2560x128xi32, #tpu.memory_space<hbm>>, %arg5: memref<2x10240x64xf32, #tpu.memory_space<hbm>>, %arg6: memref<10240x64xf32, #tpu.memory_space<vmem_shared>>, %arg7: memref<10240x64xf32, #tpu.memory_space<vmem_shared>>, %arg8: memref<2x40x128xi32, #tpu.memory_space<vmem>>, %arg9: memref<2x40x128xi32, #tpu.memory_space<vmem>>, %arg10: memref<3x128x64xf32, #tpu.memory_space<vmem>>, %arg11: memref<!tpu.dma_semaphore, #tpu.memory_space<semaphore_mem>>, %arg12: memref<!tpu.dma_semaphore, #tpu.memory_space<semaphore_mem>>, %arg13: memref<!tpu.dma_semaphore, #tpu.memory_space<semaphore_mem>>, %arg14: memref<!tpu.dma_semaphore, #tpu.memory_space<semaphore_mem>>, %arg15: memref<!tpu.dma_semaphore, #tpu.memory_space<semaphore_mem>>, %arg16: memref<!tpu.dma_semaphore, #tpu.memory_space<semaphore_mem>>, %arg17: memref<!tpu.dma_semaphore, #tpu.memory_space<semaphore_mem>>, %arg18: memref<!tpu.dma_semaphore, #tpu.memory_space<semaphore_mem>>) attributes {dimension_semantics = [#tpu.dimension_semantics<core_parallel>, #tpu.dimension_semantics<subcore_parallel>], iteration_bounds = array<i64: 2, 16>, scalar_prefetch = 0 : i64, scratch_operands = 13 : i64, tpu.core_type = #tpu.core_type<sc_vector_subcore>, window_params = [{transform_indices = #map}, {transform_indices = #map1}, {transform_indices = #map1}, {transform_indices = #map}]} {
    %mul3A = arith.constant 160 : i32
    %mul3A_0 = arith.muli %arg1, %mul3A : i32
    %mul3A_1 = arith.constant 640 : i32
    %mul3A_2 = arith.muli %arg1, %mul3A_1 : i32
    %add3A = arith.constant 0 : i32
    %add3A_3 = arith.addi %mul3A_0, %add3A : i32
    %dma_start3A = arith.constant 0 : i32
    %dma_start3A_4 = arith.constant 0 : i32
    %dma_start3A_5 = arith.constant 0 : i32
    %dma_start3A_6 = tpu.memref_slice %arg8[%dma_start3A, %dma_start3A_4, %dma_start3A_5] : memref<2x40x128xi32, #tpu.memory_space<vmem>> -> memref<1x40x128xi32, #tpu.memory_space<vmem>>
    %dma_start3A_7 = tpu.memref_squeeze %dma_start3A_6 : memref<1x40x128xi32, #tpu.memory_space<vmem>> -> memref<40x128xi32, #tpu.memory_space<vmem>>
    %dma_start3A_8 = arith.constant 0 : i32
    %dma_start3A_9 = tpu.memref_slice %arg3[%add3A_3, %dma_start3A_8] : memref<2560x128xi32, #tpu.memory_space<hbm>> -> memref<40x128xi32, #tpu.memory_space<hbm>>
    %dma_start3A_10 = arith.constant 0 : i32
    %dma_start3A_11 = arith.constant 0 : i32
    %dma_start3A_12 = tpu.memref_slice %arg8[%dma_start3A, %dma_start3A_10, %dma_start3A_11] : memref<2x40x128xi32, #tpu.memory_space<vmem>> -> memref<1x40x128xi32, #tpu.memory_space<vmem>>
    %dma_start3A_13 = tpu.memref_squeeze %dma_start3A_12 : memref<1x40x128xi32, #tpu.memory_space<vmem>> -> memref<40x128xi32, #tpu.memory_space<vmem>>
    %dma_start3A_14 = arith.constant 0 : i32
    %dma_start3A_15 = tpu.memref_slice %arg3[%add3A_3, %dma_start3A_14] : memref<2560x128xi32, #tpu.memory_space<hbm>> -> memref<40x128xi32, #tpu.memory_space<hbm>>
    tpu.enqueue_dma source(%dma_start3A_15 : memref<40x128xi32, #tpu.memory_space<hbm>>) target(%dma_start3A_13 : memref<40x128xi32, #tpu.memory_space<vmem>>) target_semaphore(%arg11 : memref<!tpu.dma_semaphore, #tpu.memory_space<semaphore_mem>>)
    %add3A_16 = arith.constant 0 : i32
    %add3A_17 = arith.addi %mul3A_0, %add3A_16 : i32
    %dma_start3A_18 = arith.constant 0 : i32
    %dma_start3A_19 = arith.constant 0 : i32
    %dma_start3A_20 = arith.constant 0 : i32
    %dma_start3A_21 = tpu.memref_slice %arg9[%dma_start3A_18, %dma_start3A_19, %dma_start3A_20] : memref<2x40x128xi32, #tpu.memory_space<vmem>> -> memref<1x40x128xi32, #tpu.memory_space<vmem>>
    %dma_start3A_22 = tpu.memref_squeeze %dma_start3A_21 : memref<1x40x128xi32, #tpu.memory_space<vmem>> -> memref<40x128xi32, #tpu.memory_space<vmem>>
    %dma_start3A_23 = arith.constant 0 : i32
    %dma_start3A_24 = tpu.memref_slice %arg4[%add3A_17, %dma_start3A_23] : memref<2560x128xi32, #tpu.memory_space<hbm>> -> memref<40x128xi32, #tpu.memory_space<hbm>>
    %dma_start3A_25 = arith.constant 0 : i32
    %dma_start3A_26 = arith.constant 0 : i32
    %dma_start3A_27 = tpu.memref_slice %arg9[%dma_start3A_18, %dma_start3A_25, %dma_start3A_26] : memref<2x40x128xi32, #tpu.memory_space<vmem>> -> memref<1x40x128xi32, #tpu.memory_space<vmem>>
    %dma_start3A_28 = tpu.memref_squeeze %dma_start3A_27 : memref<1x40x128xi32, #tpu.memory_space<vmem>> -> memref<40x128xi32, #tpu.memory_space<vmem>>
    %dma_start3A_29 = arith.constant 0 : i32
    %dma_start3A_30 = tpu.memref_slice %arg4[%add3A_17, %dma_start3A_29] : memref<2560x128xi32, #tpu.memory_space<hbm>> -> memref<40x128xi32, #tpu.memory_space<hbm>>
    tpu.enqueue_dma source(%dma_start3A_30 : memref<40x128xi32, #tpu.memory_space<hbm>>) target(%dma_start3A_28 : memref<40x128xi32, #tpu.memory_space<vmem>>) target_semaphore(%arg11 : memref<!tpu.dma_semaphore, #tpu.memory_space<semaphore_mem>>)
    "tpu.region"() ({
      %run_scoped3A = tpu.sem_alloc : memref<!tpu.dma_semaphore, #tpu.memory_space<semaphore_mem>>
      %dma_start3A_400 = arith.constant 0 : i32
      %dma_start3A_401 = tpu.memref_slice %arg7[%mul3A_2, %dma_start3A_400] : memref<10240x64xf32, #tpu.memory_space<vmem_shared>> -> memref<640x64xf32, #tpu.memory_space<vmem_shared>>
      %dma_start3A_402 = arith.constant 0 : i32
      %dma_start3A_403 = arith.constant 0 : i32
      %dma_start3A_404 = tpu.memref_slice %arg2[%arg0, %dma_start3A_402, %dma_start3A_403] : memref<2x10240x64xf32, #tpu.memory_space<hbm>> -> memref<1x10240x64xf32, #tpu.memory_space<hbm>>
      %dma_start3A_405 = tpu.memref_squeeze %dma_start3A_404 : memref<1x10240x64xf32, #tpu.memory_space<hbm>> -> memref<10240x64xf32, #tpu.memory_space<hbm>>
      %dma_start3A_406 = arith.constant 0 : i32
      %dma_start3A_407 = tpu.memref_slice %dma_start3A_405[%mul3A_2, %dma_start3A_406] : memref<10240x64xf32, #tpu.memory_space<hbm>> -> memref<640x64xf32, #tpu.memory_space<hbm>>
      tpu.enqueue_dma source(%dma_start3A_407 : memref<640x64xf32, #tpu.memory_space<hbm>>) target(%dma_start3A_401 : memref<640x64xf32, #tpu.memory_space<vmem_shared>>) target_semaphore(%run_scoped3A : memref<!tpu.dma_semaphore, #tpu.memory_space<semaphore_mem>>)
      %dma_wait3A_408 = arith.constant 0 : i32
      %dma_wait3A_409 = tpu.memref_slice %arg7[%mul3A_2, %dma_wait3A_408] : memref<10240x64xf32, #tpu.memory_space<vmem_shared>> -> memref<640x64xf32, #tpu.memory_space<vmem_shared>>
      %dma_wait3A_410 = arith.constant 0 : i32
      %dma_wait3A_411 = arith.constant 0 : i32
      %dma_wait3A_412 = tpu.memref_slice %arg2[%arg0, %dma_wait3A_410, %dma_wait3A_411] : memref<2x10240x64xf32, #tpu.memory_space<hbm>> -> memref<1x10240x64xf32, #tpu.memory_space<hbm>>
      %dma_wait3A_413 = tpu.memref_squeeze %dma_wait3A_412 : memref<1x10240x64xf32, #tpu.memory_space<hbm>> -> memref<10240x64xf32, #tpu.memory_space<hbm>>
      %dma_wait3A_414 = arith.constant 0 : i32
      %dma_wait3A_415 = tpu.memref_slice %dma_wait3A_413[%mul3A_2, %dma_wait3A_414] : memref<10240x64xf32, #tpu.memory_space<hbm>> -> memref<640x64xf32, #tpu.memory_space<hbm>>
      tpu.wait_dma2 semaphore(%run_scoped3A : memref<!tpu.dma_semaphore, #tpu.memory_space<semaphore_mem>>) src(%dma_wait3A_415 : memref<640x64xf32, #tpu.memory_space<hbm>>) dst(%dma_wait3A_409 : memref<640x64xf32, #tpu.memory_space<vmem_shared>>)
      tpu.yield
    }) : () -> ()
    "tpu.region"() ({
      %run_scoped3A = tpu.sem_alloc : memref<!tpu.dma_semaphore, #tpu.memory_space<semaphore_mem>>
      %dma_start3A_400 = arith.constant 0 : i32
      %dma_start3A_401 = tpu.memref_slice %arg6[%mul3A_2, %dma_start3A_400] : memref<10240x64xf32, #tpu.memory_space<vmem_shared>> -> memref<640x64xf32, #tpu.memory_space<vmem_shared>>
      %dma_start3A_402 = arith.constant 0 : i32
      %dma_start3A_403 = arith.constant 0 : i32
      %dma_start3A_404 = tpu.memref_slice %arg2[%arg0, %dma_start3A_402, %dma_start3A_403] : memref<2x10240x64xf32, #tpu.memory_space<hbm>> -> memref<1x10240x64xf32, #tpu.memory_space<hbm>>
      %dma_start3A_405 = tpu.memref_squeeze %dma_start3A_404 : memref<1x10240x64xf32, #tpu.memory_space<hbm>> -> memref<10240x64xf32, #tpu.memory_space<hbm>>
      %dma_start3A_406 = arith.constant 0 : i32
      %dma_start3A_407 = tpu.memref_slice %dma_start3A_405[%mul3A_2, %dma_start3A_406] : memref<10240x64xf32, #tpu.memory_space<hbm>> -> memref<640x64xf32, #tpu.memory_space<hbm>>
      tpu.enqueue_dma source(%dma_start3A_407 : memref<640x64xf32, #tpu.memory_space<hbm>>) target(%dma_start3A_401 : memref<640x64xf32, #tpu.memory_space<vmem_shared>>) target_semaphore(%run_scoped3A : memref<!tpu.dma_semaphore, #tpu.memory_space<semaphore_mem>>)
      %dma_wait3A_408 = arith.constant 0 : i32
      %dma_wait3A_409 = tpu.memref_slice %arg6[%mul3A_2, %dma_wait3A_408] : memref<10240x64xf32, #tpu.memory_space<vmem_shared>> -> memref<640x64xf32, #tpu.memory_space<vmem_shared>>
      %dma_wait3A_410 = arith.constant 0 : i32
      %dma_wait3A_411 = arith.constant 0 : i32
      %dma_wait3A_412 = tpu.memref_slice %arg2[%arg0, %dma_wait3A_410, %dma_wait3A_411] : memref<2x10240x64xf32, #tpu.memory_space<hbm>> -> memref<1x10240x64xf32, #tpu.memory_space<hbm>>
      %dma_wait3A_413 = tpu.memref_squeeze %dma_wait3A_412 : memref<1x10240x64xf32, #tpu.memory_space<hbm>> -> memref<10240x64xf32, #tpu.memory_space<hbm>>
      %dma_wait3A_414 = arith.constant 0 : i32
      %dma_wait3A_415 = tpu.memref_slice %dma_wait3A_413[%mul3A_2, %dma_wait3A_414] : memref<10240x64xf32, #tpu.memory_space<hbm>> -> memref<640x64xf32, #tpu.memory_space<hbm>>
      tpu.wait_dma2 semaphore(%run_scoped3A : memref<!tpu.dma_semaphore, #tpu.memory_space<semaphore_mem>>) src(%dma_wait3A_415 : memref<640x64xf32, #tpu.memory_space<hbm>>) dst(%dma_wait3A_409 : memref<640x64xf32, #tpu.memory_space<vmem_shared>>)
      tpu.yield
    }) : () -> ()
    %barrier3A = arith.constant 0 : index
    tpu.barrier barrier_id(%barrier3A)
    %dma_wait3A = arith.constant 0 : i32
    %dma_wait3A_31 = arith.constant 0 : i32
    %dma_wait3A_32 = arith.constant 0 : i32
    %dma_wait3A_33 = tpu.memref_slice %arg8[%dma_wait3A, %dma_wait3A_31, %dma_wait3A_32] : memref<2x40x128xi32, #tpu.memory_space<vmem>> -> memref<1x40x128xi32, #tpu.memory_space<vmem>>
    %dma_wait3A_34 = tpu.memref_squeeze %dma_wait3A_33 : memref<1x40x128xi32, #tpu.memory_space<vmem>> -> memref<40x128xi32, #tpu.memory_space<vmem>>
    %dma_wait3A_35 = arith.constant 0 : i32
    %dma_wait3A_36 = tpu.memref_slice %arg3[%mul3A_0, %dma_wait3A_35] : memref<2560x128xi32, #tpu.memory_space<hbm>> -> memref<40x128xi32, #tpu.memory_space<hbm>>
    %dma_wait3A_37 = arith.constant 0 : i32
    %dma_wait3A_38 = arith.constant 0 : i32
    %dma_wait3A_39 = tpu.memref_slice %arg8[%dma_wait3A, %dma_wait3A_37, %dma_wait3A_38] : memref<2x40x128xi32, #tpu.memory_space<vmem>> -> memref<1x40x128xi32, #tpu.memory_space<vmem>>
    %dma_wait3A_40 = tpu.memref_squeeze %dma_wait3A_39 : memref<1x40x128xi32, #tpu.memory_space<vmem>> -> memref<40x128xi32, #tpu.memory_space<vmem>>
    %dma_wait3A_41 = arith.constant 0 : i32
    %dma_wait3A_42 = tpu.memref_slice %arg3[%mul3A_0, %dma_wait3A_41] : memref<2560x128xi32, #tpu.memory_space<hbm>> -> memref<40x128xi32, #tpu.memory_space<hbm>>
    tpu.wait_dma2 semaphore(%arg11 : memref<!tpu.dma_semaphore, #tpu.memory_space<semaphore_mem>>) src(%dma_wait3A_42 : memref<40x128xi32, #tpu.memory_space<hbm>>) dst(%dma_wait3A_40 : memref<40x128xi32, #tpu.memory_space<vmem>>)
    %dma_wait3A_43 = arith.constant 0 : i32
    %dma_wait3A_44 = arith.constant 0 : i32
    %dma_wait3A_45 = arith.constant 0 : i32
    %dma_wait3A_46 = tpu.memref_slice %arg9[%dma_wait3A_43, %dma_wait3A_44, %dma_wait3A_45] : memref<2x40x128xi32, #tpu.memory_space<vmem>> -> memref<1x40x128xi32, #tpu.memory_space<vmem>>
    %dma_wait3A_47 = tpu.memref_squeeze %dma_wait3A_46 : memref<1x40x128xi32, #tpu.memory_space<vmem>> -> memref<40x128xi32, #tpu.memory_space<vmem>>
    %dma_wait3A_48 = arith.constant 0 : i32
    %dma_wait3A_49 = tpu.memref_slice %arg4[%mul3A_0, %dma_wait3A_48] : memref<2560x128xi32, #tpu.memory_space<hbm>> -> memref<40x128xi32, #tpu.memory_space<hbm>>
    %dma_wait3A_50 = arith.constant 0 : i32
    %dma_wait3A_51 = arith.constant 0 : i32
    %dma_wait3A_52 = tpu.memref_slice %arg9[%dma_wait3A_43, %dma_wait3A_50, %dma_wait3A_51] : memref<2x40x128xi32, #tpu.memory_space<vmem>> -> memref<1x40x128xi32, #tpu.memory_space<vmem>>
    %dma_wait3A_53 = tpu.memref_squeeze %dma_wait3A_52 : memref<1x40x128xi32, #tpu.memory_space<vmem>> -> memref<40x128xi32, #tpu.memory_space<vmem>>
    %dma_wait3A_54 = arith.constant 0 : i32
    %dma_wait3A_55 = tpu.memref_slice %arg4[%mul3A_0, %dma_wait3A_54] : memref<2560x128xi32, #tpu.memory_space<hbm>> -> memref<40x128xi32, #tpu.memory_space<hbm>>
    tpu.wait_dma2 semaphore(%arg11 : memref<!tpu.dma_semaphore, #tpu.memory_space<semaphore_mem>>) src(%dma_wait3A_55 : memref<40x128xi32, #tpu.memory_space<hbm>>) dst(%dma_wait3A_53 : memref<40x128xi32, #tpu.memory_space<vmem>>)
    %add3A_56 = arith.constant 40 : i32
    %add3A_57 = arith.addi %mul3A_0, %add3A_56 : i32
    %dma_start3A_58 = arith.constant 1 : i32
    %dma_start3A_59 = arith.constant 0 : i32
    %dma_start3A_60 = arith.constant 0 : i32
    %dma_start3A_61 = tpu.memref_slice %arg8[%dma_start3A_58, %dma_start3A_59, %dma_start3A_60] : memref<2x40x128xi32, #tpu.memory_space<vmem>> -> memref<1x40x128xi32, #tpu.memory_space<vmem>>
    %dma_start3A_62 = tpu.memref_squeeze %dma_start3A_61 : memref<1x40x128xi32, #tpu.memory_space<vmem>> -> memref<40x128xi32, #tpu.memory_space<vmem>>
    %dma_start3A_63 = arith.constant 0 : i32
    %dma_start3A_64 = tpu.memref_slice %arg3[%add3A_57, %dma_start3A_63] : memref<2560x128xi32, #tpu.memory_space<hbm>> -> memref<40x128xi32, #tpu.memory_space<hbm>>
    %dma_start3A_65 = arith.constant 0 : i32
    %dma_start3A_66 = arith.constant 0 : i32
    %dma_start3A_67 = tpu.memref_slice %arg8[%dma_start3A_58, %dma_start3A_65, %dma_start3A_66] : memref<2x40x128xi32, #tpu.memory_space<vmem>> -> memref<1x40x128xi32, #tpu.memory_space<vmem>>
    %dma_start3A_68 = tpu.memref_squeeze %dma_start3A_67 : memref<1x40x128xi32, #tpu.memory_space<vmem>> -> memref<40x128xi32, #tpu.memory_space<vmem>>
    %dma_start3A_69 = arith.constant 0 : i32
    %dma_start3A_70 = tpu.memref_slice %arg3[%add3A_57, %dma_start3A_69] : memref<2560x128xi32, #tpu.memory_space<hbm>> -> memref<40x128xi32, #tpu.memory_space<hbm>>
    tpu.enqueue_dma source(%dma_start3A_70 : memref<40x128xi32, #tpu.memory_space<hbm>>) target(%dma_start3A_68 : memref<40x128xi32, #tpu.memory_space<vmem>>) target_semaphore(%arg12 : memref<!tpu.dma_semaphore, #tpu.memory_space<semaphore_mem>>)
    %add3A_71 = arith.constant 40 : i32
    %add3A_72 = arith.addi %mul3A_0, %add3A_71 : i32
    %dma_start3A_73 = arith.constant 1 : i32
    %dma_start3A_74 = arith.constant 0 : i32
    %dma_start3A_75 = arith.constant 0 : i32
    %dma_start3A_76 = tpu.memref_slice %arg9[%dma_start3A_73, %dma_start3A_74, %dma_start3A_75] : memref<2x40x128xi32, #tpu.memory_space<vmem>> -> memref<1x40x128xi32, #tpu.memory_space<vmem>>
    %dma_start3A_77 = tpu.memref_squeeze %dma_start3A_76 : memref<1x40x128xi32, #tpu.memory_space<vmem>> -> memref<40x128xi32, #tpu.memory_space<vmem>>
    %dma_start3A_78 = arith.constant 0 : i32
    %dma_start3A_79 = tpu.memref_slice %arg4[%add3A_72, %dma_start3A_78] : memref<2560x128xi32, #tpu.memory_space<hbm>> -> memref<40x128xi32, #tpu.memory_space<hbm>>
    %dma_start3A_80 = arith.constant 0 : i32
    %dma_start3A_81 = arith.constant 0 : i32
    %dma_start3A_82 = tpu.memref_slice %arg9[%dma_start3A_73, %dma_start3A_80, %dma_start3A_81] : memref<2x40x128xi32, #tpu.memory_space<vmem>> -> memref<1x40x128xi32, #tpu.memory_space<vmem>>
    %dma_start3A_83 = tpu.memref_squeeze %dma_start3A_82 : memref<1x40x128xi32, #tpu.memory_space<vmem>> -> memref<40x128xi32, #tpu.memory_space<vmem>>
    %dma_start3A_84 = arith.constant 0 : i32
    %dma_start3A_85 = tpu.memref_slice %arg4[%add3A_72, %dma_start3A_84] : memref<2560x128xi32, #tpu.memory_space<hbm>> -> memref<40x128xi32, #tpu.memory_space<hbm>>
    tpu.enqueue_dma source(%dma_start3A_85 : memref<40x128xi32, #tpu.memory_space<hbm>>) target(%dma_start3A_83 : memref<40x128xi32, #tpu.memory_space<vmem>>) target_semaphore(%arg12 : memref<!tpu.dma_semaphore, #tpu.memory_space<semaphore_mem>>)
    %dma_start3A_86 = arith.constant 0 : i32
    %dma_start3A_87 = arith.constant 0 : i32
    %dma_start3A_88 = arith.constant 0 : i32
    %dma_start3A_89 = arith.constant 0 : i32
    %dma_start3A_90 = arith.constant 0 : i32
    %dma_start3A_91 = tpu.memref_slice %arg10[%dma_start3A_88, %dma_start3A_89, %dma_start3A_90] : memref<3x128x64xf32, #tpu.memory_space<vmem>> -> memref<1x128x64xf32, #tpu.memory_space<vmem>>
    %dma_start3A_92 = tpu.memref_squeeze %dma_start3A_91 : memref<1x128x64xf32, #tpu.memory_space<vmem>> -> memref<128x64xf32, #tpu.memory_space<vmem>>
    %dma_start3A_93 = arith.constant 0 : i32
    %dma_start3A_94 = tpu.memref_slice %arg8[%dma_start3A_86, %dma_start3A_87, %dma_start3A_93] : memref<2x40x128xi32, #tpu.memory_space<vmem>> -> memref<1x1x128xi32, #tpu.memory_space<vmem>>
    %dma_start3A_95 = tpu.memref_squeeze %dma_start3A_94 : memref<1x1x128xi32, #tpu.memory_space<vmem>> -> memref<128xi32, #tpu.memory_space<vmem>>
    %dma_start3A_96 = arith.constant 0 : i32
    %dma_start3A_97 = arith.constant 0 : i32
    %dma_start3A_98 = tpu.memref_slice %arg7[%dma_start3A_96, %dma_start3A_97] : memref<10240x64xf32, #tpu.memory_space<vmem_shared>> -> memref<10240x64xf32, #tpu.memory_space<vmem_shared>>
    tpu.enqueue_indirect_dma source(%dma_start3A_98 : memref<10240x64xf32, #tpu.memory_space<vmem_shared>>) target(%dma_start3A_92 : memref<128x64xf32, #tpu.memory_space<vmem>>) offsets(%dma_start3A_95 : memref<128xi32, #tpu.memory_space<vmem>>) semaphore(%arg13 : memref<!tpu.dma_semaphore, #tpu.memory_space<semaphore_mem>>)
    %scan3A = arith.constant 0 : i32
    %scan3A_99 = arith.constant 40 : i32
    %scan3A_100 = arith.addi %scan3A, %scan3A_99 : i32
    %scan3A_101 = arith.constant 1 : i32
    scf.for %scan3A_400 = %scan3A to %scan3A_100 step %scan3A_101  : i32 {
      %mul3A_401 = arith.constant 1 : i32
      %mul3A_402 = arith.muli %scan3A_400, %mul3A_401 : i32
      %add3A_403 = arith.constant 0 : i32
      %add3A_404 = arith.addi %add3A_403, %mul3A_402 : i32
      %rem3A = arith.constant 3 : i32
      %rem3A_405 = arith.remsi %add3A_404, %rem3A : i32
      %eq3A = arith.constant 0 : i32
      %eq3A_406 = arith.cmpi eq, %rem3A_405, %eq3A : i32
      %convert_element_type3A = arith.extui %eq3A_406 : i1 to i32
      %cond3A = arith.constant 0 : i32
      %cond3A_407 = arith.cmpi ne, %convert_element_type3A, %cond3A : i32
      scf.if %cond3A_407 {
        %ge3A = arith.constant 2 : i32
        %ge3A_418 = arith.cmpi sge, %add3A_404, %ge3A : i32
        %convert_element_type3A_419 = arith.extui %ge3A_418 : i1 to i32
        %cond3A_420 = arith.constant 0 : i32
        %cond3A_421 = arith.cmpi ne, %convert_element_type3A_419, %cond3A_420 : i32
        scf.if %cond3A_421 {
          %dma_wait3A_453 = arith.constant 1 : i32
          %dma_wait3A_454 = arith.constant 0 : i32
          %dma_wait3A_455 = arith.constant 0 : i32
          %dma_wait3A_456 = arith.constant 0 : i32
          %dma_wait3A_457 = arith.constant 0 : i32
          %dma_wait3A_458 = tpu.memref_slice %arg10[%dma_wait3A_453, %dma_wait3A_456, %dma_wait3A_457] : memref<3x128x64xf32, #tpu.memory_space<vmem>> -> memref<1x128x64xf32, #tpu.memory_space<vmem>>
          %dma_wait3A_459 = tpu.memref_squeeze %dma_wait3A_458 : memref<1x128x64xf32, #tpu.memory_space<vmem>> -> memref<128x64xf32, #tpu.memory_space<vmem>>
          %dma_wait3A_460 = arith.constant 0 : i32
          %dma_wait3A_461 = tpu.memref_slice %arg9[%dma_wait3A_454, %dma_wait3A_455, %dma_wait3A_460] : memref<2x40x128xi32, #tpu.memory_space<vmem>> -> memref<1x1x128xi32, #tpu.memory_space<vmem>>
          %dma_wait3A_462 = tpu.memref_squeeze %dma_wait3A_461 : memref<1x1x128xi32, #tpu.memory_space<vmem>> -> memref<128xi32, #tpu.memory_space<vmem>>
          %dma_wait3A_463 = arith.constant 0 : i32
          %dma_wait3A_464 = arith.constant 0 : i32
          %dma_wait3A_465 = tpu.memref_slice %arg6[%dma_wait3A_463, %dma_wait3A_464] : memref<10240x64xf32, #tpu.memory_space<vmem_shared>> -> memref<10240x64xf32, #tpu.memory_space<vmem_shared>>
          tpu.wait_indirect_dma semaphore(%arg17 : memref<!tpu.dma_semaphore, #tpu.memory_space<semaphore_mem>>) src(%dma_wait3A_459 : memref<128x64xf32, #tpu.memory_space<vmem>>) dst(%dma_wait3A_465 : memref<10240x64xf32, #tpu.memory_space<vmem_shared>>)
        } else {
        }
        %add3A_422 = arith.constant 1 : i32
        %add3A_423 = arith.addi %add3A_404, %add3A_422 : i32
        %lt3A = arith.constant 40 : i32
        %lt3A_424 = arith.cmpi slt, %add3A_423, %lt3A : i32
        %convert_element_type3A_425 = arith.extui %lt3A_424 : i1 to i32
        %cond3A_426 = arith.constant 0 : i32
        %cond3A_427 = arith.cmpi ne, %convert_element_type3A_425, %cond3A_426 : i32
        scf.if %cond3A_427 {
          %add3A_453 = arith.constant 1 : i32
          %add3A_454 = arith.addi %add3A_404, %add3A_453 : i32
          %dma_start3A_455 = arith.constant 0 : i32
          %dma_start3A_456 = arith.constant 1 : i32
          %dma_start3A_457 = arith.constant 0 : i32
          %dma_start3A_458 = arith.constant 0 : i32
          %dma_start3A_459 = tpu.memref_slice %arg10[%dma_start3A_456, %dma_start3A_457, %dma_start3A_458] : memref<3x128x64xf32, #tpu.memory_space<vmem>> -> memref<1x128x64xf32, #tpu.memory_space<vmem>>
          %dma_start3A_460 = tpu.memref_squeeze %dma_start3A_459 : memref<1x128x64xf32, #tpu.memory_space<vmem>> -> memref<128x64xf32, #tpu.memory_space<vmem>>
          %dma_start3A_461 = arith.constant 0 : i32
          %dma_start3A_462 = tpu.memref_slice %arg8[%dma_start3A_455, %add3A_454, %dma_start3A_461] : memref<2x40x128xi32, #tpu.memory_space<vmem>> -> memref<1x1x128xi32, #tpu.memory_space<vmem>>
          %dma_start3A_463 = tpu.memref_squeeze %dma_start3A_462 : memref<1x1x128xi32, #tpu.memory_space<vmem>> -> memref<128xi32, #tpu.memory_space<vmem>>
          %dma_start3A_464 = arith.constant 0 : i32
          %dma_start3A_465 = arith.constant 0 : i32
          %dma_start3A_466 = tpu.memref_slice %arg7[%dma_start3A_464, %dma_start3A_465] : memref<10240x64xf32, #tpu.memory_space<vmem_shared>> -> memref<10240x64xf32, #tpu.memory_space<vmem_shared>>
          tpu.enqueue_indirect_dma source(%dma_start3A_466 : memref<10240x64xf32, #tpu.memory_space<vmem_shared>>) target(%dma_start3A_460 : memref<128x64xf32, #tpu.memory_space<vmem>>) offsets(%dma_start3A_463 : memref<128xi32, #tpu.memory_space<vmem>>) semaphore(%arg14 : memref<!tpu.dma_semaphore, #tpu.memory_space<semaphore_mem>>)
        } else {
        }
        %dma_wait3A_428 = arith.constant 0 : i32
        %dma_wait3A_429 = arith.constant 0 : i32
        %dma_wait3A_430 = arith.constant 0 : i32
        %dma_wait3A_431 = arith.constant 0 : i32
        %dma_wait3A_432 = arith.constant 0 : i32
        %dma_wait3A_433 = tpu.memref_slice %arg10[%dma_wait3A_430, %dma_wait3A_431, %dma_wait3A_432] : memref<3x128x64xf32, #tpu.memory_space<vmem>> -> memref<1x128x64xf32, #tpu.memory_space<vmem>>
        %dma_wait3A_434 = tpu.memref_squeeze %dma_wait3A_433 : memref<1x128x64xf32, #tpu.memory_space<vmem>> -> memref<128x64xf32, #tpu.memory_space<vmem>>
        %dma_wait3A_435 = arith.constant 0 : i32
        %dma_wait3A_436 = tpu.memref_slice %arg8[%dma_wait3A_428, %dma_wait3A_429, %dma_wait3A_435] : memref<2x40x128xi32, #tpu.memory_space<vmem>> -> memref<1x1x128xi32, #tpu.memory_space<vmem>>
        %dma_wait3A_437 = tpu.memref_squeeze %dma_wait3A_436 : memref<1x1x128xi32, #tpu.memory_space<vmem>> -> memref<128xi32, #tpu.memory_space<vmem>>
        %dma_wait3A_438 = arith.constant 0 : i32
        %dma_wait3A_439 = arith.constant 0 : i32
        %dma_wait3A_440 = tpu.memref_slice %arg7[%dma_wait3A_438, %dma_wait3A_439] : memref<10240x64xf32, #tpu.memory_space<vmem_shared>> -> memref<10240x64xf32, #tpu.memory_space<vmem_shared>>
        tpu.wait_indirect_dma semaphore(%arg13 : memref<!tpu.dma_semaphore, #tpu.memory_space<semaphore_mem>>) src(%dma_wait3A_440 : memref<10240x64xf32, #tpu.memory_space<vmem_shared>>) dst(%dma_wait3A_434 : memref<128x64xf32, #tpu.memory_space<vmem>>)
        %dma_start3A_441 = arith.constant 0 : i32
        %dma_start3A_442 = arith.constant 0 : i32
        %dma_start3A_443 = arith.constant 0 : i32
        %dma_start3A_444 = arith.constant 0 : i32
        %dma_start3A_445 = tpu.memref_slice %arg10[%dma_start3A_441, %dma_start3A_443, %dma_start3A_444] : memref<3x128x64xf32, #tpu.memory_space<vmem>> -> memref<1x128x64xf32, #tpu.memory_space<vmem>>
        %dma_start3A_446 = tpu.memref_squeeze %dma_start3A_445 : memref<1x128x64xf32, #tpu.memory_space<vmem>> -> memref<128x64xf32, #tpu.memory_space<vmem>>
        %dma_start3A_447 = arith.constant 0 : i32
        %dma_start3A_448 = tpu.memref_slice %arg9[%dma_start3A_442, %add3A_404, %dma_start3A_447] : memref<2x40x128xi32, #tpu.memory_space<vmem>> -> memref<1x1x128xi32, #tpu.memory_space<vmem>>
        %dma_start3A_449 = tpu.memref_squeeze %dma_start3A_448 : memref<1x1x128xi32, #tpu.memory_space<vmem>> -> memref<128xi32, #tpu.memory_space<vmem>>
        %dma_start3A_450 = arith.constant 0 : i32
        %dma_start3A_451 = arith.constant 0 : i32
        %dma_start3A_452 = tpu.memref_slice %arg6[%dma_start3A_450, %dma_start3A_451] : memref<10240x64xf32, #tpu.memory_space<vmem_shared>> -> memref<10240x64xf32, #tpu.memory_space<vmem_shared>>
        tpu.enqueue_indirect_dma source(%dma_start3A_446 : memref<128x64xf32, #tpu.memory_space<vmem>>) target(%dma_start3A_452 : memref<10240x64xf32, #tpu.memory_space<vmem_shared>>) offsets(%dma_start3A_449 : memref<128xi32, #tpu.memory_space<vmem>>) semaphore(%arg16 : memref<!tpu.dma_semaphore, #tpu.memory_space<semaphore_mem>>) {add = true}
      } else {
      }
      %eq3A_408 = arith.constant 1 : i32
      %eq3A_409 = arith.cmpi eq, %rem3A_405, %eq3A_408 : i32
      %convert_element_type3A_410 = arith.extui %eq3A_409 : i1 to i32
      %cond3A_411 = arith.constant 0 : i32
      %cond3A_412 = arith.cmpi ne, %convert_element_type3A_410, %cond3A_411 : i32
      scf.if %cond3A_412 {
        %ge3A = arith.constant 2 : i32
        %ge3A_418 = arith.cmpi sge, %add3A_404, %ge3A : i32
        %convert_element_type3A_419 = arith.extui %ge3A_418 : i1 to i32
        %cond3A_420 = arith.constant 0 : i32
        %cond3A_421 = arith.cmpi ne, %convert_element_type3A_419, %cond3A_420 : i32
        scf.if %cond3A_421 {
          %dma_wait3A_453 = arith.constant 2 : i32
          %dma_wait3A_454 = arith.constant 0 : i32
          %dma_wait3A_455 = arith.constant 0 : i32
          %dma_wait3A_456 = arith.constant 0 : i32
          %dma_wait3A_457 = arith.constant 0 : i32
          %dma_wait3A_458 = tpu.memref_slice %arg10[%dma_wait3A_453, %dma_wait3A_456, %dma_wait3A_457] : memref<3x128x64xf32, #tpu.memory_space<vmem>> -> memref<1x128x64xf32, #tpu.memory_space<vmem>>
          %dma_wait3A_459 = tpu.memref_squeeze %dma_wait3A_458 : memref<1x128x64xf32, #tpu.memory_space<vmem>> -> memref<128x64xf32, #tpu.memory_space<vmem>>
          %dma_wait3A_460 = arith.constant 0 : i32
          %dma_wait3A_461 = tpu.memref_slice %arg9[%dma_wait3A_454, %dma_wait3A_455, %dma_wait3A_460] : memref<2x40x128xi32, #tpu.memory_space<vmem>> -> memref<1x1x128xi32, #tpu.memory_space<vmem>>
          %dma_wait3A_462 = tpu.memref_squeeze %dma_wait3A_461 : memref<1x1x128xi32, #tpu.memory_space<vmem>> -> memref<128xi32, #tpu.memory_space<vmem>>
          %dma_wait3A_463 = arith.constant 0 : i32
          %dma_wait3A_464 = arith.constant 0 : i32
          %dma_wait3A_465 = tpu.memref_slice %arg6[%dma_wait3A_463, %dma_wait3A_464] : memref<10240x64xf32, #tpu.memory_space<vmem_shared>> -> memref<10240x64xf32, #tpu.memory_space<vmem_shared>>
          tpu.wait_indirect_dma semaphore(%arg18 : memref<!tpu.dma_semaphore, #tpu.memory_space<semaphore_mem>>) src(%dma_wait3A_459 : memref<128x64xf32, #tpu.memory_space<vmem>>) dst(%dma_wait3A_465 : memref<10240x64xf32, #tpu.memory_space<vmem_shared>>)
        } else {
        }
        %add3A_422 = arith.constant 1 : i32
        %add3A_423 = arith.addi %add3A_404, %add3A_422 : i32
        %lt3A = arith.constant 40 : i32
        %lt3A_424 = arith.cmpi slt, %add3A_423, %lt3A : i32
        %convert_element_type3A_425 = arith.extui %lt3A_424 : i1 to i32
        %cond3A_426 = arith.constant 0 : i32
        %cond3A_427 = arith.cmpi ne, %convert_element_type3A_425, %cond3A_426 : i32
        scf.if %cond3A_427 {
          %add3A_453 = arith.constant 1 : i32
          %add3A_454 = arith.addi %add3A_404, %add3A_453 : i32
          %dma_start3A_455 = arith.constant 0 : i32
          %dma_start3A_456 = arith.constant 2 : i32
          %dma_start3A_457 = arith.constant 0 : i32
          %dma_start3A_458 = arith.constant 0 : i32
          %dma_start3A_459 = tpu.memref_slice %arg10[%dma_start3A_456, %dma_start3A_457, %dma_start3A_458] : memref<3x128x64xf32, #tpu.memory_space<vmem>> -> memref<1x128x64xf32, #tpu.memory_space<vmem>>
          %dma_start3A_460 = tpu.memref_squeeze %dma_start3A_459 : memref<1x128x64xf32, #tpu.memory_space<vmem>> -> memref<128x64xf32, #tpu.memory_space<vmem>>
          %dma_start3A_461 = arith.constant 0 : i32
          %dma_start3A_462 = tpu.memref_slice %arg8[%dma_start3A_455, %add3A_454, %dma_start3A_461] : memref<2x40x128xi32, #tpu.memory_space<vmem>> -> memref<1x1x128xi32, #tpu.memory_space<vmem>>
          %dma_start3A_463 = tpu.memref_squeeze %dma_start3A_462 : memref<1x1x128xi32, #tpu.memory_space<vmem>> -> memref<128xi32, #tpu.memory_space<vmem>>
          %dma_start3A_464 = arith.constant 0 : i32
          %dma_start3A_465 = arith.constant 0 : i32
          %dma_start3A_466 = tpu.memref_slice %arg7[%dma_start3A_464, %dma_start3A_465] : memref<10240x64xf32, #tpu.memory_space<vmem_shared>> -> memref<10240x64xf32, #tpu.memory_space<vmem_shared>>
          tpu.enqueue_indirect_dma source(%dma_start3A_466 : memref<10240x64xf32, #tpu.memory_space<vmem_shared>>) target(%dma_start3A_460 : memref<128x64xf32, #tpu.memory_space<vmem>>) offsets(%dma_start3A_463 : memref<128xi32, #tpu.memory_space<vmem>>) semaphore(%arg15 : memref<!tpu.dma_semaphore, #tpu.memory_space<semaphore_mem>>)
        } else {
        }
        %dma_wait3A_428 = arith.constant 0 : i32
        %dma_wait3A_429 = arith.constant 0 : i32
        %dma_wait3A_430 = arith.constant 1 : i32
        %dma_wait3A_431 = arith.constant 0 : i32
        %dma_wait3A_432 = arith.constant 0 : i32
        %dma_wait3A_433 = tpu.memref_slice %arg10[%dma_wait3A_430, %dma_wait3A_431, %dma_wait3A_432] : memref<3x128x64xf32, #tpu.memory_space<vmem>> -> memref<1x128x64xf32, #tpu.memory_space<vmem>>
        %dma_wait3A_434 = tpu.memref_squeeze %dma_wait3A_433 : memref<1x128x64xf32, #tpu.memory_space<vmem>> -> memref<128x64xf32, #tpu.memory_space<vmem>>
        %dma_wait3A_435 = arith.constant 0 : i32
        %dma_wait3A_436 = tpu.memref_slice %arg8[%dma_wait3A_428, %dma_wait3A_429, %dma_wait3A_435] : memref<2x40x128xi32, #tpu.memory_space<vmem>> -> memref<1x1x128xi32, #tpu.memory_space<vmem>>
        %dma_wait3A_437 = tpu.memref_squeeze %dma_wait3A_436 : memref<1x1x128xi32, #tpu.memory_space<vmem>> -> memref<128xi32, #tpu.memory_space<vmem>>
        %dma_wait3A_438 = arith.constant 0 : i32
        %dma_wait3A_439 = arith.constant 0 : i32
        %dma_wait3A_440 = tpu.memref_slice %arg7[%dma_wait3A_438, %dma_wait3A_439] : memref<10240x64xf32, #tpu.memory_space<vmem_shared>> -> memref<10240x64xf32, #tpu.memory_space<vmem_shared>>
        tpu.wait_indirect_dma semaphore(%arg14 : memref<!tpu.dma_semaphore, #tpu.memory_space<semaphore_mem>>) src(%dma_wait3A_440 : memref<10240x64xf32, #tpu.memory_space<vmem_shared>>) dst(%dma_wait3A_434 : memref<128x64xf32, #tpu.memory_space<vmem>>)
        %dma_start3A_441 = arith.constant 1 : i32
        %dma_start3A_442 = arith.constant 0 : i32
        %dma_start3A_443 = arith.constant 0 : i32
        %dma_start3A_444 = arith.constant 0 : i32
        %dma_start3A_445 = tpu.memref_slice %arg10[%dma_start3A_441, %dma_start3A_443, %dma_start3A_444] : memref<3x128x64xf32, #tpu.memory_space<vmem>> -> memref<1x128x64xf32, #tpu.memory_space<vmem>>
        %dma_start3A_446 = tpu.memref_squeeze %dma_start3A_445 : memref<1x128x64xf32, #tpu.memory_space<vmem>> -> memref<128x64xf32, #tpu.memory_space<vmem>>
        %dma_start3A_447 = arith.constant 0 : i32
        %dma_start3A_448 = tpu.memref_slice %arg9[%dma_start3A_442, %add3A_404, %dma_start3A_447] : memref<2x40x128xi32, #tpu.memory_space<vmem>> -> memref<1x1x128xi32, #tpu.memory_space<vmem>>
        %dma_start3A_449 = tpu.memref_squeeze %dma_start3A_448 : memref<1x1x128xi32, #tpu.memory_space<vmem>> -> memref<128xi32, #tpu.memory_space<vmem>>
        %dma_start3A_450 = arith.constant 0 : i32
        %dma_start3A_451 = arith.constant 0 : i32
        %dma_start3A_452 = tpu.memref_slice %arg6[%dma_start3A_450, %dma_start3A_451] : memref<10240x64xf32, #tpu.memory_space<vmem_shared>> -> memref<10240x64xf32, #tpu.memory_space<vmem_shared>>
        tpu.enqueue_indirect_dma source(%dma_start3A_446 : memref<128x64xf32, #tpu.memory_space<vmem>>) target(%dma_start3A_452 : memref<10240x64xf32, #tpu.memory_space<vmem_shared>>) offsets(%dma_start3A_449 : memref<128xi32, #tpu.memory_space<vmem>>) semaphore(%arg17 : memref<!tpu.dma_semaphore, #tpu.memory_space<semaphore_mem>>) {add = true}
      } else {
      }
      %eq3A_413 = arith.constant 2 : i32
      %eq3A_414 = arith.cmpi eq, %rem3A_405, %eq3A_413 : i32
      %convert_element_type3A_415 = arith.extui %eq3A_414 : i1 to i32
      %cond3A_416 = arith.constant 0 : i32
      %cond3A_417 = arith.cmpi ne, %convert_element_type3A_415, %cond3A_416 : i32
      scf.if %cond3A_417 {
        %ge3A = arith.constant 2 : i32
        %ge3A_418 = arith.cmpi sge, %add3A_404, %ge3A : i32
        %convert_element_type3A_419 = arith.extui %ge3A_418 : i1 to i32
        %cond3A_420 = arith.constant 0 : i32
        %cond3A_421 = arith.cmpi ne, %convert_element_type3A_419, %cond3A_420 : i32
        scf.if %cond3A_421 {
          %dma_wait3A_453 = arith.constant 0 : i32
          %dma_wait3A_454 = arith.constant 0 : i32
          %dma_wait3A_455 = arith.constant 0 : i32
          %dma_wait3A_456 = arith.constant 0 : i32
          %dma_wait3A_457 = arith.constant 0 : i32
          %dma_wait3A_458 = tpu.memref_slice %arg10[%dma_wait3A_453, %dma_wait3A_456, %dma_wait3A_457] : memref<3x128x64xf32, #tpu.memory_space<vmem>> -> memref<1x128x64xf32, #tpu.memory_space<vmem>>
          %dma_wait3A_459 = tpu.memref_squeeze %dma_wait3A_458 : memref<1x128x64xf32, #tpu.memory_space<vmem>> -> memref<128x64xf32, #tpu.memory_space<vmem>>
          %dma_wait3A_460 = arith.constant 0 : i32
          %dma_wait3A_461 = tpu.memref_slice %arg9[%dma_wait3A_454, %dma_wait3A_455, %dma_wait3A_460] : memref<2x40x128xi32, #tpu.memory_space<vmem>> -> memref<1x1x128xi32, #tpu.memory_space<vmem>>
          %dma_wait3A_462 = tpu.memref_squeeze %dma_wait3A_461 : memref<1x1x128xi32, #tpu.memory_space<vmem>> -> memref<128xi32, #tpu.memory_space<vmem>>
          %dma_wait3A_463 = arith.constant 0 : i32
          %dma_wait3A_464 = arith.constant 0 : i32
          %dma_wait3A_465 = tpu.memref_slice %arg6[%dma_wait3A_463, %dma_wait3A_464] : memref<10240x64xf32, #tpu.memory_space<vmem_shared>> -> memref<10240x64xf32, #tpu.memory_space<vmem_shared>>
          tpu.wait_indirect_dma semaphore(%arg16 : memref<!tpu.dma_semaphore, #tpu.memory_space<semaphore_mem>>) src(%dma_wait3A_459 : memref<128x64xf32, #tpu.memory_space<vmem>>) dst(%dma_wait3A_465 : memref<10240x64xf32, #tpu.memory_space<vmem_shared>>)
        } else {
        }
        %add3A_422 = arith.constant 1 : i32
        %add3A_423 = arith.addi %add3A_404, %add3A_422 : i32
        %lt3A = arith.constant 40 : i32
        %lt3A_424 = arith.cmpi slt, %add3A_423, %lt3A : i32
        %convert_element_type3A_425 = arith.extui %lt3A_424 : i1 to i32
        %cond3A_426 = arith.constant 0 : i32
        %cond3A_427 = arith.cmpi ne, %convert_element_type3A_425, %cond3A_426 : i32
        scf.if %cond3A_427 {
          %add3A_453 = arith.constant 1 : i32
          %add3A_454 = arith.addi %add3A_404, %add3A_453 : i32
          %dma_start3A_455 = arith.constant 0 : i32
          %dma_start3A_456 = arith.constant 0 : i32
          %dma_start3A_457 = arith.constant 0 : i32
          %dma_start3A_458 = arith.constant 0 : i32
          %dma_start3A_459 = tpu.memref_slice %arg10[%dma_start3A_456, %dma_start3A_457, %dma_start3A_458] : memref<3x128x64xf32, #tpu.memory_space<vmem>> -> memref<1x128x64xf32, #tpu.memory_space<vmem>>
          %dma_start3A_460 = tpu.memref_squeeze %dma_start3A_459 : memref<1x128x64xf32, #tpu.memory_space<vmem>> -> memref<128x64xf32, #tpu.memory_space<vmem>>
          %dma_start3A_461 = arith.constant 0 : i32
          %dma_start3A_462 = tpu.memref_slice %arg8[%dma_start3A_455, %add3A_454, %dma_start3A_461] : memref<2x40x128xi32, #tpu.memory_space<vmem>> -> memref<1x1x128xi32, #tpu.memory_space<vmem>>
          %dma_start3A_463 = tpu.memref_squeeze %dma_start3A_462 : memref<1x1x128xi32, #tpu.memory_space<vmem>> -> memref<128xi32, #tpu.memory_space<vmem>>
          %dma_start3A_464 = arith.constant 0 : i32
          %dma_start3A_465 = arith.constant 0 : i32
          %dma_start3A_466 = tpu.memref_slice %arg7[%dma_start3A_464, %dma_start3A_465] : memref<10240x64xf32, #tpu.memory_space<vmem_shared>> -> memref<10240x64xf32, #tpu.memory_space<vmem_shared>>
          tpu.enqueue_indirect_dma source(%dma_start3A_466 : memref<10240x64xf32, #tpu.memory_space<vmem_shared>>) target(%dma_start3A_460 : memref<128x64xf32, #tpu.memory_space<vmem>>) offsets(%dma_start3A_463 : memref<128xi32, #tpu.memory_space<vmem>>) semaphore(%arg13 : memref<!tpu.dma_semaphore, #tpu.memory_space<semaphore_mem>>)
        } else {
        }
        %dma_wait3A_428 = arith.constant 0 : i32
        %dma_wait3A_429 = arith.constant 0 : i32
        %dma_wait3A_430 = arith.constant 2 : i32
        %dma_wait3A_431 = arith.constant 0 : i32
        %dma_wait3A_432 = arith.constant 0 : i32
        %dma_wait3A_433 = tpu.memref_slice %arg10[%dma_wait3A_430, %dma_wait3A_431, %dma_wait3A_432] : memref<3x128x64xf32, #tpu.memory_space<vmem>> -> memref<1x128x64xf32, #tpu.memory_space<vmem>>
        %dma_wait3A_434 = tpu.memref_squeeze %dma_wait3A_433 : memref<1x128x64xf32, #tpu.memory_space<vmem>> -> memref<128x64xf32, #tpu.memory_space<vmem>>
        %dma_wait3A_435 = arith.constant 0 : i32
        %dma_wait3A_436 = tpu.memref_slice %arg8[%dma_wait3A_428, %dma_wait3A_429, %dma_wait3A_435] : memref<2x40x128xi32, #tpu.memory_space<vmem>> -> memref<1x1x128xi32, #tpu.memory_space<vmem>>
        %dma_wait3A_437 = tpu.memref_squeeze %dma_wait3A_436 : memref<1x1x128xi32, #tpu.memory_space<vmem>> -> memref<128xi32, #tpu.memory_space<vmem>>
        %dma_wait3A_438 = arith.constant 0 : i32
        %dma_wait3A_439 = arith.constant 0 : i32
        %dma_wait3A_440 = tpu.memref_slice %arg7[%dma_wait3A_438, %dma_wait3A_439] : memref<10240x64xf32, #tpu.memory_space<vmem_shared>> -> memref<10240x64xf32, #tpu.memory_space<vmem_shared>>
        tpu.wait_indirect_dma semaphore(%arg15 : memref<!tpu.dma_semaphore, #tpu.memory_space<semaphore_mem>>) src(%dma_wait3A_440 : memref<10240x64xf32, #tpu.memory_space<vmem_shared>>) dst(%dma_wait3A_434 : memref<128x64xf32, #tpu.memory_space<vmem>>)
        %dma_start3A_441 = arith.constant 2 : i32
        %dma_start3A_442 = arith.constant 0 : i32
        %dma_start3A_443 = arith.constant 0 : i32
        %dma_start3A_444 = arith.constant 0 : i32
        %dma_start3A_445 = tpu.memref_slice %arg10[%dma_start3A_441, %dma_start3A_443, %dma_start3A_444] : memref<3x128x64xf32, #tpu.memory_space<vmem>> -> memref<1x128x64xf32, #tpu.memory_space<vmem>>
        %dma_start3A_446 = tpu.memref_squeeze %dma_start3A_445 : memref<1x128x64xf32, #tpu.memory_space<vmem>> -> memref<128x64xf32, #tpu.memory_space<vmem>>
        %dma_start3A_447 = arith.constant 0 : i32
        %dma_start3A_448 = tpu.memref_slice %arg9[%dma_start3A_442, %add3A_404, %dma_start3A_447] : memref<2x40x128xi32, #tpu.memory_space<vmem>> -> memref<1x1x128xi32, #tpu.memory_space<vmem>>
        %dma_start3A_449 = tpu.memref_squeeze %dma_start3A_448 : memref<1x1x128xi32, #tpu.memory_space<vmem>> -> memref<128xi32, #tpu.memory_space<vmem>>
        %dma_start3A_450 = arith.constant 0 : i32
        %dma_start3A_451 = arith.constant 0 : i32
        %dma_start3A_452 = tpu.memref_slice %arg6[%dma_start3A_450, %dma_start3A_451] : memref<10240x64xf32, #tpu.memory_space<vmem_shared>> -> memref<10240x64xf32, #tpu.memory_space<vmem_shared>>
        tpu.enqueue_indirect_dma source(%dma_start3A_446 : memref<128x64xf32, #tpu.memory_space<vmem>>) target(%dma_start3A_452 : memref<10240x64xf32, #tpu.memory_space<vmem_shared>>) offsets(%dma_start3A_449 : memref<128xi32, #tpu.memory_space<vmem>>) semaphore(%arg18 : memref<!tpu.dma_semaphore, #tpu.memory_space<semaphore_mem>>) {add = true}
      } else {
      }
    }
    %scan3A_102 = arith.constant 40 : i32
    %dma_wait3A_103 = arith.constant 2 : i32
    %dma_wait3A_104 = arith.constant 0 : i32
    %dma_wait3A_105 = arith.constant 0 : i32
    %dma_wait3A_106 = arith.constant 0 : i32
    %dma_wait3A_107 = arith.constant 0 : i32
    %dma_wait3A_108 = tpu.memref_slice %arg10[%dma_wait3A_103, %dma_wait3A_106, %dma_wait3A_107] : memref<3x128x64xf32, #tpu.memory_space<vmem>> -> memref<1x128x64xf32, #tpu.memory_space<vmem>>
    %dma_wait3A_109 = tpu.memref_squeeze %dma_wait3A_108 : memref<1x128x64xf32, #tpu.memory_space<vmem>> -> memref<128x64xf32, #tpu.memory_space<vmem>>
    %dma_wait3A_110 = arith.constant 0 : i32
    %dma_wait3A_111 = tpu.memref_slice %arg9[%dma_wait3A_104, %dma_wait3A_105, %dma_wait3A_110] : memref<2x40x128xi32, #tpu.memory_space<vmem>> -> memref<1x1x128xi32, #tpu.memory_space<vmem>>
    %dma_wait3A_112 = tpu.memref_squeeze %dma_wait3A_111 : memref<1x1x128xi32, #tpu.memory_space<vmem>> -> memref<128xi32, #tpu.memory_space<vmem>>
    %dma_wait3A_113 = arith.constant 0 : i32
    %dma_wait3A_114 = arith.constant 0 : i32
    %dma_wait3A_115 = tpu.memref_slice %arg6[%dma_wait3A_113, %dma_wait3A_114] : memref<10240x64xf32, #tpu.memory_space<vmem_shared>> -> memref<10240x64xf32, #tpu.memory_space<vmem_shared>>
    tpu.wait_indirect_dma semaphore(%arg18 : memref<!tpu.dma_semaphore, #tpu.memory_space<semaphore_mem>>) src(%dma_wait3A_109 : memref<128x64xf32, #tpu.memory_space<vmem>>) dst(%dma_wait3A_115 : memref<10240x64xf32, #tpu.memory_space<vmem_shared>>)
    %dma_wait3A_116 = arith.constant 0 : i32
    %dma_wait3A_117 = arith.constant 0 : i32
    %dma_wait3A_118 = arith.constant 0 : i32
    %dma_wait3A_119 = arith.constant 0 : i32
    %dma_wait3A_120 = arith.constant 0 : i32
    %dma_wait3A_121 = tpu.memref_slice %arg10[%dma_wait3A_116, %dma_wait3A_119, %dma_wait3A_120] : memref<3x128x64xf32, #tpu.memory_space<vmem>> -> memref<1x128x64xf32, #tpu.memory_space<vmem>>
    %dma_wait3A_122 = tpu.memref_squeeze %dma_wait3A_121 : memref<1x128x64xf32, #tpu.memory_space<vmem>> -> memref<128x64xf32, #tpu.memory_space<vmem>>
    %dma_wait3A_123 = arith.constant 0 : i32
    %dma_wait3A_124 = tpu.memref_slice %arg9[%dma_wait3A_117, %dma_wait3A_118, %dma_wait3A_123] : memref<2x40x128xi32, #tpu.memory_space<vmem>> -> memref<1x1x128xi32, #tpu.memory_space<vmem>>
    %dma_wait3A_125 = tpu.memref_squeeze %dma_wait3A_124 : memref<1x1x128xi32, #tpu.memory_space<vmem>> -> memref<128xi32, #tpu.memory_space<vmem>>
    %dma_wait3A_126 = arith.constant 0 : i32
    %dma_wait3A_127 = arith.constant 0 : i32
    %dma_wait3A_128 = tpu.memref_slice %arg6[%dma_wait3A_126, %dma_wait3A_127] : memref<10240x64xf32, #tpu.memory_space<vmem_shared>> -> memref<10240x64xf32, #tpu.memory_space<vmem_shared>>
    tpu.wait_indirect_dma semaphore(%arg16 : memref<!tpu.dma_semaphore, #tpu.memory_space<semaphore_mem>>) src(%dma_wait3A_122 : memref<128x64xf32, #tpu.memory_space<vmem>>) dst(%dma_wait3A_128 : memref<10240x64xf32, #tpu.memory_space<vmem_shared>>)
    %dma_wait3A_129 = arith.constant 1 : i32
    %dma_wait3A_130 = arith.constant 0 : i32
    %dma_wait3A_131 = arith.constant 0 : i32
    %dma_wait3A_132 = tpu.memref_slice %arg8[%dma_wait3A_129, %dma_wait3A_130, %dma_wait3A_131] : memref<2x40x128xi32, #tpu.memory_space<vmem>> -> memref<1x40x128xi32, #tpu.memory_space<vmem>>
    %dma_wait3A_133 = tpu.memref_squeeze %dma_wait3A_132 : memref<1x40x128xi32, #tpu.memory_space<vmem>> -> memref<40x128xi32, #tpu.memory_space<vmem>>
    %dma_wait3A_134 = arith.constant 0 : i32
    %dma_wait3A_135 = tpu.memref_slice %arg3[%mul3A_0, %dma_wait3A_134] : memref<2560x128xi32, #tpu.memory_space<hbm>> -> memref<40x128xi32, #tpu.memory_space<hbm>>
    %dma_wait3A_136 = arith.constant 0 : i32
    %dma_wait3A_137 = arith.constant 0 : i32
    %dma_wait3A_138 = tpu.memref_slice %arg8[%dma_wait3A_129, %dma_wait3A_136, %dma_wait3A_137] : memref<2x40x128xi32, #tpu.memory_space<vmem>> -> memref<1x40x128xi32, #tpu.memory_space<vmem>>
    %dma_wait3A_139 = tpu.memref_squeeze %dma_wait3A_138 : memref<1x40x128xi32, #tpu.memory_space<vmem>> -> memref<40x128xi32, #tpu.memory_space<vmem>>
    %dma_wait3A_140 = arith.constant 0 : i32
    %dma_wait3A_141 = tpu.memref_slice %arg3[%mul3A_0, %dma_wait3A_140] : memref<2560x128xi32, #tpu.memory_space<hbm>> -> memref<40x128xi32, #tpu.memory_space<hbm>>
    tpu.wait_dma2 semaphore(%arg12 : memref<!tpu.dma_semaphore, #tpu.memory_space<semaphore_mem>>) src(%dma_wait3A_141 : memref<40x128xi32, #tpu.memory_space<hbm>>) dst(%dma_wait3A_139 : memref<40x128xi32, #tpu.memory_space<vmem>>)
    %dma_wait3A_142 = arith.constant 1 : i32
    %dma_wait3A_143 = arith.constant 0 : i32
    %dma_wait3A_144 = arith.constant 0 : i32
    %dma_wait3A_145 = tpu.memref_slice %arg9[%dma_wait3A_142, %dma_wait3A_143, %dma_wait3A_144] : memref<2x40x128xi32, #tpu.memory_space<vmem>> -> memref<1x40x128xi32, #tpu.memory_space<vmem>>
    %dma_wait3A_146 = tpu.memref_squeeze %dma_wait3A_145 : memref<1x40x128xi32, #tpu.memory_space<vmem>> -> memref<40x128xi32, #tpu.memory_space<vmem>>
    %dma_wait3A_147 = arith.constant 0 : i32
    %dma_wait3A_148 = tpu.memref_slice %arg4[%mul3A_0, %dma_wait3A_147] : memref<2560x128xi32, #tpu.memory_space<hbm>> -> memref<40x128xi32, #tpu.memory_space<hbm>>
    %dma_wait3A_149 = arith.constant 0 : i32
    %dma_wait3A_150 = arith.constant 0 : i32
    %dma_wait3A_151 = tpu.memref_slice %arg9[%dma_wait3A_142, %dma_wait3A_149, %dma_wait3A_150] : memref<2x40x128xi32, #tpu.memory_space<vmem>> -> memref<1x40x128xi32, #tpu.memory_space<vmem>>
    %dma_wait3A_152 = tpu.memref_squeeze %dma_wait3A_151 : memref<1x40x128xi32, #tpu.memory_space<vmem>> -> memref<40x128xi32, #tpu.memory_space<vmem>>
    %dma_wait3A_153 = arith.constant 0 : i32
    %dma_wait3A_154 = tpu.memref_slice %arg4[%mul3A_0, %dma_wait3A_153] : memref<2560x128xi32, #tpu.memory_space<hbm>> -> memref<40x128xi32, #tpu.memory_space<hbm>>
    tpu.wait_dma2 semaphore(%arg12 : memref<!tpu.dma_semaphore, #tpu.memory_space<semaphore_mem>>) src(%dma_wait3A_154 : memref<40x128xi32, #tpu.memory_space<hbm>>) dst(%dma_wait3A_152 : memref<40x128xi32, #tpu.memory_space<vmem>>)
    %add3A_155 = arith.constant 80 : i32
    %add3A_156 = arith.addi %mul3A_0, %add3A_155 : i32
    %dma_start3A_157 = arith.constant 0 : i32
    %dma_start3A_158 = arith.constant 0 : i32
    %dma_start3A_159 = arith.constant 0 : i32
    %dma_start3A_160 = tpu.memref_slice %arg8[%dma_start3A_157, %dma_start3A_158, %dma_start3A_159] : memref<2x40x128xi32, #tpu.memory_space<vmem>> -> memref<1x40x128xi32, #tpu.memory_space<vmem>>
    %dma_start3A_161 = tpu.memref_squeeze %dma_start3A_160 : memref<1x40x128xi32, #tpu.memory_space<vmem>> -> memref<40x128xi32, #tpu.memory_space<vmem>>
    %dma_start3A_162 = arith.constant 0 : i32
    %dma_start3A_163 = tpu.memref_slice %arg3[%add3A_156, %dma_start3A_162] : memref<2560x128xi32, #tpu.memory_space<hbm>> -> memref<40x128xi32, #tpu.memory_space<hbm>>
    %dma_start3A_164 = arith.constant 0 : i32
    %dma_start3A_165 = arith.constant 0 : i32
    %dma_start3A_166 = tpu.memref_slice %arg8[%dma_start3A_157, %dma_start3A_164, %dma_start3A_165] : memref<2x40x128xi32, #tpu.memory_space<vmem>> -> memref<1x40x128xi32, #tpu.memory_space<vmem>>
    %dma_start3A_167 = tpu.memref_squeeze %dma_start3A_166 : memref<1x40x128xi32, #tpu.memory_space<vmem>> -> memref<40x128xi32, #tpu.memory_space<vmem>>
    %dma_start3A_168 = arith.constant 0 : i32
    %dma_start3A_169 = tpu.memref_slice %arg3[%add3A_156, %dma_start3A_168] : memref<2560x128xi32, #tpu.memory_space<hbm>> -> memref<40x128xi32, #tpu.memory_space<hbm>>
    tpu.enqueue_dma source(%dma_start3A_169 : memref<40x128xi32, #tpu.memory_space<hbm>>) target(%dma_start3A_167 : memref<40x128xi32, #tpu.memory_space<vmem>>) target_semaphore(%arg11 : memref<!tpu.dma_semaphore, #tpu.memory_space<semaphore_mem>>)
    %add3A_170 = arith.constant 80 : i32
    %add3A_171 = arith.addi %mul3A_0, %add3A_170 : i32
    %dma_start3A_172 = arith.constant 0 : i32
    %dma_start3A_173 = arith.constant 0 : i32
    %dma_start3A_174 = arith.constant 0 : i32
    %dma_start3A_175 = tpu.memref_slice %arg9[%dma_start3A_172, %dma_start3A_173, %dma_start3A_174] : memref<2x40x128xi32, #tpu.memory_space<vmem>> -> memref<1x40x128xi32, #tpu.memory_space<vmem>>
    %dma_start3A_176 = tpu.memref_squeeze %dma_start3A_175 : memref<1x40x128xi32, #tpu.memory_space<vmem>> -> memref<40x128xi32, #tpu.memory_space<vmem>>
    %dma_start3A_177 = arith.constant 0 : i32
    %dma_start3A_178 = tpu.memref_slice %arg4[%add3A_171, %dma_start3A_177] : memref<2560x128xi32, #tpu.memory_space<hbm>> -> memref<40x128xi32, #tpu.memory_space<hbm>>
    %dma_start3A_179 = arith.constant 0 : i32
    %dma_start3A_180 = arith.constant 0 : i32
    %dma_start3A_181 = tpu.memref_slice %arg9[%dma_start3A_172, %dma_start3A_179, %dma_start3A_180] : memref<2x40x128xi32, #tpu.memory_space<vmem>> -> memref<1x40x128xi32, #tpu.memory_space<vmem>>
    %dma_start3A_182 = tpu.memref_squeeze %dma_start3A_181 : memref<1x40x128xi32, #tpu.memory_space<vmem>> -> memref<40x128xi32, #tpu.memory_space<vmem>>
    %dma_start3A_183 = arith.constant 0 : i32
    %dma_start3A_184 = tpu.memref_slice %arg4[%add3A_171, %dma_start3A_183] : memref<2560x128xi32, #tpu.memory_space<hbm>> -> memref<40x128xi32, #tpu.memory_space<hbm>>
    tpu.enqueue_dma source(%dma_start3A_184 : memref<40x128xi32, #tpu.memory_space<hbm>>) target(%dma_start3A_182 : memref<40x128xi32, #tpu.memory_space<vmem>>) target_semaphore(%arg11 : memref<!tpu.dma_semaphore, #tpu.memory_space<semaphore_mem>>)
    %dma_start3A_185 = arith.constant 1 : i32
    %dma_start3A_186 = arith.constant 0 : i32
    %dma_start3A_187 = arith.constant 0 : i32
    %dma_start3A_188 = arith.constant 0 : i32
    %dma_start3A_189 = arith.constant 0 : i32
    %dma_start3A_190 = tpu.memref_slice %arg10[%dma_start3A_187, %dma_start3A_188, %dma_start3A_189] : memref<3x128x64xf32, #tpu.memory_space<vmem>> -> memref<1x128x64xf32, #tpu.memory_space<vmem>>
    %dma_start3A_191 = tpu.memref_squeeze %dma_start3A_190 : memref<1x128x64xf32, #tpu.memory_space<vmem>> -> memref<128x64xf32, #tpu.memory_space<vmem>>
    %dma_start3A_192 = arith.constant 0 : i32
    %dma_start3A_193 = tpu.memref_slice %arg8[%dma_start3A_185, %dma_start3A_186, %dma_start3A_192] : memref<2x40x128xi32, #tpu.memory_space<vmem>> -> memref<1x1x128xi32, #tpu.memory_space<vmem>>
    %dma_start3A_194 = tpu.memref_squeeze %dma_start3A_193 : memref<1x1x128xi32, #tpu.memory_space<vmem>> -> memref<128xi32, #tpu.memory_space<vmem>>
    %dma_start3A_195 = arith.constant 0 : i32
    %dma_start3A_196 = arith.constant 0 : i32
    %dma_start3A_197 = tpu.memref_slice %arg7[%dma_start3A_195, %dma_start3A_196] : memref<10240x64xf32, #tpu.memory_space<vmem_shared>> -> memref<10240x64xf32, #tpu.memory_space<vmem_shared>>
    tpu.enqueue_indirect_dma source(%dma_start3A_197 : memref<10240x64xf32, #tpu.memory_space<vmem_shared>>) target(%dma_start3A_191 : memref<128x64xf32, #tpu.memory_space<vmem>>) offsets(%dma_start3A_194 : memref<128xi32, #tpu.memory_space<vmem>>) semaphore(%arg13 : memref<!tpu.dma_semaphore, #tpu.memory_space<semaphore_mem>>)
    %scan3A_198 = arith.constant 0 : i32
    %scan3A_199 = arith.constant 40 : i32
    %scan3A_200 = arith.addi %scan3A_198, %scan3A_199 : i32
    %scan3A_201 = arith.constant 1 : i32
    scf.for %scan3A_400 = %scan3A_198 to %scan3A_200 step %scan3A_201  : i32 {
      %mul3A_401 = arith.constant 1 : i32
      %mul3A_402 = arith.muli %scan3A_400, %mul3A_401 : i32
      %add3A_403 = arith.constant 0 : i32
      %add3A_404 = arith.addi %add3A_403, %mul3A_402 : i32
      %rem3A = arith.constant 3 : i32
      %rem3A_405 = arith.remsi %add3A_404, %rem3A : i32
      %eq3A = arith.constant 0 : i32
      %eq3A_406 = arith.cmpi eq, %rem3A_405, %eq3A : i32
      %convert_element_type3A = arith.extui %eq3A_406 : i1 to i32
      %cond3A = arith.constant 0 : i32
      %cond3A_407 = arith.cmpi ne, %convert_element_type3A, %cond3A : i32
      scf.if %cond3A_407 {
        %ge3A = arith.constant 2 : i32
        %ge3A_418 = arith.cmpi sge, %add3A_404, %ge3A : i32
        %convert_element_type3A_419 = arith.extui %ge3A_418 : i1 to i32
        %cond3A_420 = arith.constant 0 : i32
        %cond3A_421 = arith.cmpi ne, %convert_element_type3A_419, %cond3A_420 : i32
        scf.if %cond3A_421 {
          %dma_wait3A_453 = arith.constant 1 : i32
          %dma_wait3A_454 = arith.constant 1 : i32
          %dma_wait3A_455 = arith.constant 0 : i32
          %dma_wait3A_456 = arith.constant 0 : i32
          %dma_wait3A_457 = arith.constant 0 : i32
          %dma_wait3A_458 = tpu.memref_slice %arg10[%dma_wait3A_453, %dma_wait3A_456, %dma_wait3A_457] : memref<3x128x64xf32, #tpu.memory_space<vmem>> -> memref<1x128x64xf32, #tpu.memory_space<vmem>>
          %dma_wait3A_459 = tpu.memref_squeeze %dma_wait3A_458 : memref<1x128x64xf32, #tpu.memory_space<vmem>> -> memref<128x64xf32, #tpu.memory_space<vmem>>
          %dma_wait3A_460 = arith.constant 0 : i32
          %dma_wait3A_461 = tpu.memref_slice %arg9[%dma_wait3A_454, %dma_wait3A_455, %dma_wait3A_460] : memref<2x40x128xi32, #tpu.memory_space<vmem>> -> memref<1x1x128xi32, #tpu.memory_space<vmem>>
          %dma_wait3A_462 = tpu.memref_squeeze %dma_wait3A_461 : memref<1x1x128xi32, #tpu.memory_space<vmem>> -> memref<128xi32, #tpu.memory_space<vmem>>
          %dma_wait3A_463 = arith.constant 0 : i32
          %dma_wait3A_464 = arith.constant 0 : i32
          %dma_wait3A_465 = tpu.memref_slice %arg6[%dma_wait3A_463, %dma_wait3A_464] : memref<10240x64xf32, #tpu.memory_space<vmem_shared>> -> memref<10240x64xf32, #tpu.memory_space<vmem_shared>>
          tpu.wait_indirect_dma semaphore(%arg17 : memref<!tpu.dma_semaphore, #tpu.memory_space<semaphore_mem>>) src(%dma_wait3A_459 : memref<128x64xf32, #tpu.memory_space<vmem>>) dst(%dma_wait3A_465 : memref<10240x64xf32, #tpu.memory_space<vmem_shared>>)
        } else {
        }
        %add3A_422 = arith.constant 1 : i32
        %add3A_423 = arith.addi %add3A_404, %add3A_422 : i32
        %lt3A = arith.constant 40 : i32
        %lt3A_424 = arith.cmpi slt, %add3A_423, %lt3A : i32
        %convert_element_type3A_425 = arith.extui %lt3A_424 : i1 to i32
        %cond3A_426 = arith.constant 0 : i32
        %cond3A_427 = arith.cmpi ne, %convert_element_type3A_425, %cond3A_426 : i32
        scf.if %cond3A_427 {
          %add3A_453 = arith.constant 1 : i32
          %add3A_454 = arith.addi %add3A_404, %add3A_453 : i32
          %dma_start3A_455 = arith.constant 1 : i32
          %dma_start3A_456 = arith.constant 1 : i32
          %dma_start3A_457 = arith.constant 0 : i32
          %dma_start3A_458 = arith.constant 0 : i32
          %dma_start3A_459 = tpu.memref_slice %arg10[%dma_start3A_456, %dma_start3A_457, %dma_start3A_458] : memref<3x128x64xf32, #tpu.memory_space<vmem>> -> memref<1x128x64xf32, #tpu.memory_space<vmem>>
          %dma_start3A_460 = tpu.memref_squeeze %dma_start3A_459 : memref<1x128x64xf32, #tpu.memory_space<vmem>> -> memref<128x64xf32, #tpu.memory_space<vmem>>
          %dma_start3A_461 = arith.constant 0 : i32
          %dma_start3A_462 = tpu.memref_slice %arg8[%dma_start3A_455, %add3A_454, %dma_start3A_461] : memref<2x40x128xi32, #tpu.memory_space<vmem>> -> memref<1x1x128xi32, #tpu.memory_space<vmem>>
          %dma_start3A_463 = tpu.memref_squeeze %dma_start3A_462 : memref<1x1x128xi32, #tpu.memory_space<vmem>> -> memref<128xi32, #tpu.memory_space<vmem>>
          %dma_start3A_464 = arith.constant 0 : i32
          %dma_start3A_465 = arith.constant 0 : i32
          %dma_start3A_466 = tpu.memref_slice %arg7[%dma_start3A_464, %dma_start3A_465] : memref<10240x64xf32, #tpu.memory_space<vmem_shared>> -> memref<10240x64xf32, #tpu.memory_space<vmem_shared>>
          tpu.enqueue_indirect_dma source(%dma_start3A_466 : memref<10240x64xf32, #tpu.memory_space<vmem_shared>>) target(%dma_start3A_460 : memref<128x64xf32, #tpu.memory_space<vmem>>) offsets(%dma_start3A_463 : memref<128xi32, #tpu.memory_space<vmem>>) semaphore(%arg14 : memref<!tpu.dma_semaphore, #tpu.memory_space<semaphore_mem>>)
        } else {
        }
        %dma_wait3A_428 = arith.constant 1 : i32
        %dma_wait3A_429 = arith.constant 0 : i32
        %dma_wait3A_430 = arith.constant 0 : i32
        %dma_wait3A_431 = arith.constant 0 : i32
        %dma_wait3A_432 = arith.constant 0 : i32
        %dma_wait3A_433 = tpu.memref_slice %arg10[%dma_wait3A_430, %dma_wait3A_431, %dma_wait3A_432] : memref<3x128x64xf32, #tpu.memory_space<vmem>> -> memref<1x128x64xf32, #tpu.memory_space<vmem>>
        %dma_wait3A_434 = tpu.memref_squeeze %dma_wait3A_433 : memref<1x128x64xf32, #tpu.memory_space<vmem>> -> memref<128x64xf32, #tpu.memory_space<vmem>>
        %dma_wait3A_435 = arith.constant 0 : i32
        %dma_wait3A_436 = tpu.memref_slice %arg8[%dma_wait3A_428, %dma_wait3A_429, %dma_wait3A_435] : memref<2x40x128xi32, #tpu.memory_space<vmem>> -> memref<1x1x128xi32, #tpu.memory_space<vmem>>
        %dma_wait3A_437 = tpu.memref_squeeze %dma_wait3A_436 : memref<1x1x128xi32, #tpu.memory_space<vmem>> -> memref<128xi32, #tpu.memory_space<vmem>>
        %dma_wait3A_438 = arith.constant 0 : i32
        %dma_wait3A_439 = arith.constant 0 : i32
        %dma_wait3A_440 = tpu.memref_slice %arg7[%dma_wait3A_438, %dma_wait3A_439] : memref<10240x64xf32, #tpu.memory_space<vmem_shared>> -> memref<10240x64xf32, #tpu.memory_space<vmem_shared>>
        tpu.wait_indirect_dma semaphore(%arg13 : memref<!tpu.dma_semaphore, #tpu.memory_space<semaphore_mem>>) src(%dma_wait3A_440 : memref<10240x64xf32, #tpu.memory_space<vmem_shared>>) dst(%dma_wait3A_434 : memref<128x64xf32, #tpu.memory_space<vmem>>)
        %dma_start3A_441 = arith.constant 0 : i32
        %dma_start3A_442 = arith.constant 1 : i32
        %dma_start3A_443 = arith.constant 0 : i32
        %dma_start3A_444 = arith.constant 0 : i32
        %dma_start3A_445 = tpu.memref_slice %arg10[%dma_start3A_441, %dma_start3A_443, %dma_start3A_444] : memref<3x128x64xf32, #tpu.memory_space<vmem>> -> memref<1x128x64xf32, #tpu.memory_space<vmem>>
        %dma_start3A_446 = tpu.memref_squeeze %dma_start3A_445 : memref<1x128x64xf32, #tpu.memory_space<vmem>> -> memref<128x64xf32, #tpu.memory_space<vmem>>
        %dma_start3A_447 = arith.constant 0 : i32
        %dma_start3A_448 = tpu.memref_slice %arg9[%dma_start3A_442, %add3A_404, %dma_start3A_447] : memref<2x40x128xi32, #tpu.memory_space<vmem>> -> memref<1x1x128xi32, #tpu.memory_space<vmem>>
        %dma_start3A_449 = tpu.memref_squeeze %dma_start3A_448 : memref<1x1x128xi32, #tpu.memory_space<vmem>> -> memref<128xi32, #tpu.memory_space<vmem>>
        %dma_start3A_450 = arith.constant 0 : i32
        %dma_start3A_451 = arith.constant 0 : i32
        %dma_start3A_452 = tpu.memref_slice %arg6[%dma_start3A_450, %dma_start3A_451] : memref<10240x64xf32, #tpu.memory_space<vmem_shared>> -> memref<10240x64xf32, #tpu.memory_space<vmem_shared>>
        tpu.enqueue_indirect_dma source(%dma_start3A_446 : memref<128x64xf32, #tpu.memory_space<vmem>>) target(%dma_start3A_452 : memref<10240x64xf32, #tpu.memory_space<vmem_shared>>) offsets(%dma_start3A_449 : memref<128xi32, #tpu.memory_space<vmem>>) semaphore(%arg16 : memref<!tpu.dma_semaphore, #tpu.memory_space<semaphore_mem>>) {add = true}
      } else {
      }
      %eq3A_408 = arith.constant 1 : i32
      %eq3A_409 = arith.cmpi eq, %rem3A_405, %eq3A_408 : i32
      %convert_element_type3A_410 = arith.extui %eq3A_409 : i1 to i32
      %cond3A_411 = arith.constant 0 : i32
      %cond3A_412 = arith.cmpi ne, %convert_element_type3A_410, %cond3A_411 : i32
      scf.if %cond3A_412 {
        %ge3A = arith.constant 2 : i32
        %ge3A_418 = arith.cmpi sge, %add3A_404, %ge3A : i32
        %convert_element_type3A_419 = arith.extui %ge3A_418 : i1 to i32
        %cond3A_420 = arith.constant 0 : i32
        %cond3A_421 = arith.cmpi ne, %convert_element_type3A_419, %cond3A_420 : i32
        scf.if %cond3A_421 {
          %dma_wait3A_453 = arith.constant 2 : i32
          %dma_wait3A_454 = arith.constant 1 : i32
          %dma_wait3A_455 = arith.constant 0 : i32
          %dma_wait3A_456 = arith.constant 0 : i32
          %dma_wait3A_457 = arith.constant 0 : i32
          %dma_wait3A_458 = tpu.memref_slice %arg10[%dma_wait3A_453, %dma_wait3A_456, %dma_wait3A_457] : memref<3x128x64xf32, #tpu.memory_space<vmem>> -> memref<1x128x64xf32, #tpu.memory_space<vmem>>
          %dma_wait3A_459 = tpu.memref_squeeze %dma_wait3A_458 : memref<1x128x64xf32, #tpu.memory_space<vmem>> -> memref<128x64xf32, #tpu.memory_space<vmem>>
          %dma_wait3A_460 = arith.constant 0 : i32
          %dma_wait3A_461 = tpu.memref_slice %arg9[%dma_wait3A_454, %dma_wait3A_455, %dma_wait3A_460] : memref<2x40x128xi32, #tpu.memory_space<vmem>> -> memref<1x1x128xi32, #tpu.memory_space<vmem>>
          %dma_wait3A_462 = tpu.memref_squeeze %dma_wait3A_461 : memref<1x1x128xi32, #tpu.memory_space<vmem>> -> memref<128xi32, #tpu.memory_space<vmem>>
          %dma_wait3A_463 = arith.constant 0 : i32
          %dma_wait3A_464 = arith.constant 0 : i32
          %dma_wait3A_465 = tpu.memref_slice %arg6[%dma_wait3A_463, %dma_wait3A_464] : memref<10240x64xf32, #tpu.memory_space<vmem_shared>> -> memref<10240x64xf32, #tpu.memory_space<vmem_shared>>
          tpu.wait_indirect_dma semaphore(%arg18 : memref<!tpu.dma_semaphore, #tpu.memory_space<semaphore_mem>>) src(%dma_wait3A_459 : memref<128x64xf32, #tpu.memory_space<vmem>>) dst(%dma_wait3A_465 : memref<10240x64xf32, #tpu.memory_space<vmem_shared>>)
        } else {
        }
        %add3A_422 = arith.constant 1 : i32
        %add3A_423 = arith.addi %add3A_404, %add3A_422 : i32
        %lt3A = arith.constant 40 : i32
        %lt3A_424 = arith.cmpi slt, %add3A_423, %lt3A : i32
        %convert_element_type3A_425 = arith.extui %lt3A_424 : i1 to i32
        %cond3A_426 = arith.constant 0 : i32
        %cond3A_427 = arith.cmpi ne, %convert_element_type3A_425, %cond3A_426 : i32
        scf.if %cond3A_427 {
          %add3A_453 = arith.constant 1 : i32
          %add3A_454 = arith.addi %add3A_404, %add3A_453 : i32
          %dma_start3A_455 = arith.constant 1 : i32
          %dma_start3A_456 = arith.constant 2 : i32
          %dma_start3A_457 = arith.constant 0 : i32
          %dma_start3A_458 = arith.constant 0 : i32
          %dma_start3A_459 = tpu.memref_slice %arg10[%dma_start3A_456, %dma_start3A_457, %dma_start3A_458] : memref<3x128x64xf32, #tpu.memory_space<vmem>> -> memref<1x128x64xf32, #tpu.memory_space<vmem>>
          %dma_start3A_460 = tpu.memref_squeeze %dma_start3A_459 : memref<1x128x64xf32, #tpu.memory_space<vmem>> -> memref<128x64xf32, #tpu.memory_space<vmem>>
          %dma_start3A_461 = arith.constant 0 : i32
          %dma_start3A_462 = tpu.memref_slice %arg8[%dma_start3A_455, %add3A_454, %dma_start3A_461] : memref<2x40x128xi32, #tpu.memory_space<vmem>> -> memref<1x1x128xi32, #tpu.memory_space<vmem>>
          %dma_start3A_463 = tpu.memref_squeeze %dma_start3A_462 : memref<1x1x128xi32, #tpu.memory_space<vmem>> -> memref<128xi32, #tpu.memory_space<vmem>>
          %dma_start3A_464 = arith.constant 0 : i32
          %dma_start3A_465 = arith.constant 0 : i32
          %dma_start3A_466 = tpu.memref_slice %arg7[%dma_start3A_464, %dma_start3A_465] : memref<10240x64xf32, #tpu.memory_space<vmem_shared>> -> memref<10240x64xf32, #tpu.memory_space<vmem_shared>>
          tpu.enqueue_indirect_dma source(%dma_start3A_466 : memref<10240x64xf32, #tpu.memory_space<vmem_shared>>) target(%dma_start3A_460 : memref<128x64xf32, #tpu.memory_space<vmem>>) offsets(%dma_start3A_463 : memref<128xi32, #tpu.memory_space<vmem>>) semaphore(%arg15 : memref<!tpu.dma_semaphore, #tpu.memory_space<semaphore_mem>>)
        } else {
        }
        %dma_wait3A_428 = arith.constant 1 : i32
        %dma_wait3A_429 = arith.constant 0 : i32
        %dma_wait3A_430 = arith.constant 1 : i32
        %dma_wait3A_431 = arith.constant 0 : i32
        %dma_wait3A_432 = arith.constant 0 : i32
        %dma_wait3A_433 = tpu.memref_slice %arg10[%dma_wait3A_430, %dma_wait3A_431, %dma_wait3A_432] : memref<3x128x64xf32, #tpu.memory_space<vmem>> -> memref<1x128x64xf32, #tpu.memory_space<vmem>>
        %dma_wait3A_434 = tpu.memref_squeeze %dma_wait3A_433 : memref<1x128x64xf32, #tpu.memory_space<vmem>> -> memref<128x64xf32, #tpu.memory_space<vmem>>
        %dma_wait3A_435 = arith.constant 0 : i32
        %dma_wait3A_436 = tpu.memref_slice %arg8[%dma_wait3A_428, %dma_wait3A_429, %dma_wait3A_435] : memref<2x40x128xi32, #tpu.memory_space<vmem>> -> memref<1x1x128xi32, #tpu.memory_space<vmem>>
        %dma_wait3A_437 = tpu.memref_squeeze %dma_wait3A_436 : memref<1x1x128xi32, #tpu.memory_space<vmem>> -> memref<128xi32, #tpu.memory_space<vmem>>
        %dma_wait3A_438 = arith.constant 0 : i32
        %dma_wait3A_439 = arith.constant 0 : i32
        %dma_wait3A_440 = tpu.memref_slice %arg7[%dma_wait3A_438, %dma_wait3A_439] : memref<10240x64xf32, #tpu.memory_space<vmem_shared>> -> memref<10240x64xf32, #tpu.memory_space<vmem_shared>>
        tpu.wait_indirect_dma semaphore(%arg14 : memref<!tpu.dma_semaphore, #tpu.memory_space<semaphore_mem>>) src(%dma_wait3A_440 : memref<10240x64xf32, #tpu.memory_space<vmem_shared>>) dst(%dma_wait3A_434 : memref<128x64xf32, #tpu.memory_space<vmem>>)
        %dma_start3A_441 = arith.constant 1 : i32
        %dma_start3A_442 = arith.constant 1 : i32
        %dma_start3A_443 = arith.constant 0 : i32
        %dma_start3A_444 = arith.constant 0 : i32
        %dma_start3A_445 = tpu.memref_slice %arg10[%dma_start3A_441, %dma_start3A_443, %dma_start3A_444] : memref<3x128x64xf32, #tpu.memory_space<vmem>> -> memref<1x128x64xf32, #tpu.memory_space<vmem>>
        %dma_start3A_446 = tpu.memref_squeeze %dma_start3A_445 : memref<1x128x64xf32, #tpu.memory_space<vmem>> -> memref<128x64xf32, #tpu.memory_space<vmem>>
        %dma_start3A_447 = arith.constant 0 : i32
        %dma_start3A_448 = tpu.memref_slice %arg9[%dma_start3A_442, %add3A_404, %dma_start3A_447] : memref<2x40x128xi32, #tpu.memory_space<vmem>> -> memref<1x1x128xi32, #tpu.memory_space<vmem>>
        %dma_start3A_449 = tpu.memref_squeeze %dma_start3A_448 : memref<1x1x128xi32, #tpu.memory_space<vmem>> -> memref<128xi32, #tpu.memory_space<vmem>>
        %dma_start3A_450 = arith.constant 0 : i32
        %dma_start3A_451 = arith.constant 0 : i32
        %dma_start3A_452 = tpu.memref_slice %arg6[%dma_start3A_450, %dma_start3A_451] : memref<10240x64xf32, #tpu.memory_space<vmem_shared>> -> memref<10240x64xf32, #tpu.memory_space<vmem_shared>>
        tpu.enqueue_indirect_dma source(%dma_start3A_446 : memref<128x64xf32, #tpu.memory_space<vmem>>) target(%dma_start3A_452 : memref<10240x64xf32, #tpu.memory_space<vmem_shared>>) offsets(%dma_start3A_449 : memref<128xi32, #tpu.memory_space<vmem>>) semaphore(%arg17 : memref<!tpu.dma_semaphore, #tpu.memory_space<semaphore_mem>>) {add = true}
      } else {
      }
      %eq3A_413 = arith.constant 2 : i32
      %eq3A_414 = arith.cmpi eq, %rem3A_405, %eq3A_413 : i32
      %convert_element_type3A_415 = arith.extui %eq3A_414 : i1 to i32
      %cond3A_416 = arith.constant 0 : i32
      %cond3A_417 = arith.cmpi ne, %convert_element_type3A_415, %cond3A_416 : i32
      scf.if %cond3A_417 {
        %ge3A = arith.constant 2 : i32
        %ge3A_418 = arith.cmpi sge, %add3A_404, %ge3A : i32
        %convert_element_type3A_419 = arith.extui %ge3A_418 : i1 to i32
        %cond3A_420 = arith.constant 0 : i32
        %cond3A_421 = arith.cmpi ne, %convert_element_type3A_419, %cond3A_420 : i32
        scf.if %cond3A_421 {
          %dma_wait3A_453 = arith.constant 0 : i32
          %dma_wait3A_454 = arith.constant 1 : i32
          %dma_wait3A_455 = arith.constant 0 : i32
          %dma_wait3A_456 = arith.constant 0 : i32
          %dma_wait3A_457 = arith.constant 0 : i32
          %dma_wait3A_458 = tpu.memref_slice %arg10[%dma_wait3A_453, %dma_wait3A_456, %dma_wait3A_457] : memref<3x128x64xf32, #tpu.memory_space<vmem>> -> memref<1x128x64xf32, #tpu.memory_space<vmem>>
          %dma_wait3A_459 = tpu.memref_squeeze %dma_wait3A_458 : memref<1x128x64xf32, #tpu.memory_space<vmem>> -> memref<128x64xf32, #tpu.memory_space<vmem>>
          %dma_wait3A_460 = arith.constant 0 : i32
          %dma_wait3A_461 = tpu.memref_slice %arg9[%dma_wait3A_454, %dma_wait3A_455, %dma_wait3A_460] : memref<2x40x128xi32, #tpu.memory_space<vmem>> -> memref<1x1x128xi32, #tpu.memory_space<vmem>>
          %dma_wait3A_462 = tpu.memref_squeeze %dma_wait3A_461 : memref<1x1x128xi32, #tpu.memory_space<vmem>> -> memref<128xi32, #tpu.memory_space<vmem>>
          %dma_wait3A_463 = arith.constant 0 : i32
          %dma_wait3A_464 = arith.constant 0 : i32
          %dma_wait3A_465 = tpu.memref_slice %arg6[%dma_wait3A_463, %dma_wait3A_464] : memref<10240x64xf32, #tpu.memory_space<vmem_shared>> -> memref<10240x64xf32, #tpu.memory_space<vmem_shared>>
          tpu.wait_indirect_dma semaphore(%arg16 : memref<!tpu.dma_semaphore, #tpu.memory_space<semaphore_mem>>) src(%dma_wait3A_459 : memref<128x64xf32, #tpu.memory_space<vmem>>) dst(%dma_wait3A_465 : memref<10240x64xf32, #tpu.memory_space<vmem_shared>>)
        } else {
        }
        %add3A_422 = arith.constant 1 : i32
        %add3A_423 = arith.addi %add3A_404, %add3A_422 : i32
        %lt3A = arith.constant 40 : i32
        %lt3A_424 = arith.cmpi slt, %add3A_423, %lt3A : i32
        %convert_element_type3A_425 = arith.extui %lt3A_424 : i1 to i32
        %cond3A_426 = arith.constant 0 : i32
        %cond3A_427 = arith.cmpi ne, %convert_element_type3A_425, %cond3A_426 : i32
        scf.if %cond3A_427 {
          %add3A_453 = arith.constant 1 : i32
          %add3A_454 = arith.addi %add3A_404, %add3A_453 : i32
          %dma_start3A_455 = arith.constant 1 : i32
          %dma_start3A_456 = arith.constant 0 : i32
          %dma_start3A_457 = arith.constant 0 : i32
          %dma_start3A_458 = arith.constant 0 : i32
          %dma_start3A_459 = tpu.memref_slice %arg10[%dma_start3A_456, %dma_start3A_457, %dma_start3A_458] : memref<3x128x64xf32, #tpu.memory_space<vmem>> -> memref<1x128x64xf32, #tpu.memory_space<vmem>>
          %dma_start3A_460 = tpu.memref_squeeze %dma_start3A_459 : memref<1x128x64xf32, #tpu.memory_space<vmem>> -> memref<128x64xf32, #tpu.memory_space<vmem>>
          %dma_start3A_461 = arith.constant 0 : i32
          %dma_start3A_462 = tpu.memref_slice %arg8[%dma_start3A_455, %add3A_454, %dma_start3A_461] : memref<2x40x128xi32, #tpu.memory_space<vmem>> -> memref<1x1x128xi32, #tpu.memory_space<vmem>>
          %dma_start3A_463 = tpu.memref_squeeze %dma_start3A_462 : memref<1x1x128xi32, #tpu.memory_space<vmem>> -> memref<128xi32, #tpu.memory_space<vmem>>
          %dma_start3A_464 = arith.constant 0 : i32
          %dma_start3A_465 = arith.constant 0 : i32
          %dma_start3A_466 = tpu.memref_slice %arg7[%dma_start3A_464, %dma_start3A_465] : memref<10240x64xf32, #tpu.memory_space<vmem_shared>> -> memref<10240x64xf32, #tpu.memory_space<vmem_shared>>
          tpu.enqueue_indirect_dma source(%dma_start3A_466 : memref<10240x64xf32, #tpu.memory_space<vmem_shared>>) target(%dma_start3A_460 : memref<128x64xf32, #tpu.memory_space<vmem>>) offsets(%dma_start3A_463 : memref<128xi32, #tpu.memory_space<vmem>>) semaphore(%arg13 : memref<!tpu.dma_semaphore, #tpu.memory_space<semaphore_mem>>)
        } else {
        }
        %dma_wait3A_428 = arith.constant 1 : i32
        %dma_wait3A_429 = arith.constant 0 : i32
        %dma_wait3A_430 = arith.constant 2 : i32
        %dma_wait3A_431 = arith.constant 0 : i32
        %dma_wait3A_432 = arith.constant 0 : i32
        %dma_wait3A_433 = tpu.memref_slice %arg10[%dma_wait3A_430, %dma_wait3A_431, %dma_wait3A_432] : memref<3x128x64xf32, #tpu.memory_space<vmem>> -> memref<1x128x64xf32, #tpu.memory_space<vmem>>
        %dma_wait3A_434 = tpu.memref_squeeze %dma_wait3A_433 : memref<1x128x64xf32, #tpu.memory_space<vmem>> -> memref<128x64xf32, #tpu.memory_space<vmem>>
        %dma_wait3A_435 = arith.constant 0 : i32
        %dma_wait3A_436 = tpu.memref_slice %arg8[%dma_wait3A_428, %dma_wait3A_429, %dma_wait3A_435] : memref<2x40x128xi32, #tpu.memory_space<vmem>> -> memref<1x1x128xi32, #tpu.memory_space<vmem>>
        %dma_wait3A_437 = tpu.memref_squeeze %dma_wait3A_436 : memref<1x1x128xi32, #tpu.memory_space<vmem>> -> memref<128xi32, #tpu.memory_space<vmem>>
        %dma_wait3A_438 = arith.constant 0 : i32
        %dma_wait3A_439 = arith.constant 0 : i32
        %dma_wait3A_440 = tpu.memref_slice %arg7[%dma_wait3A_438, %dma_wait3A_439] : memref<10240x64xf32, #tpu.memory_space<vmem_shared>> -> memref<10240x64xf32, #tpu.memory_space<vmem_shared>>
        tpu.wait_indirect_dma semaphore(%arg15 : memref<!tpu.dma_semaphore, #tpu.memory_space<semaphore_mem>>) src(%dma_wait3A_440 : memref<10240x64xf32, #tpu.memory_space<vmem_shared>>) dst(%dma_wait3A_434 : memref<128x64xf32, #tpu.memory_space<vmem>>)
        %dma_start3A_441 = arith.constant 2 : i32
        %dma_start3A_442 = arith.constant 1 : i32
        %dma_start3A_443 = arith.constant 0 : i32
        %dma_start3A_444 = arith.constant 0 : i32
        %dma_start3A_445 = tpu.memref_slice %arg10[%dma_start3A_441, %dma_start3A_443, %dma_start3A_444] : memref<3x128x64xf32, #tpu.memory_space<vmem>> -> memref<1x128x64xf32, #tpu.memory_space<vmem>>
        %dma_start3A_446 = tpu.memref_squeeze %dma_start3A_445 : memref<1x128x64xf32, #tpu.memory_space<vmem>> -> memref<128x64xf32, #tpu.memory_space<vmem>>
        %dma_start3A_447 = arith.constant 0 : i32
        %dma_start3A_448 = tpu.memref_slice %arg9[%dma_start3A_442, %add3A_404, %dma_start3A_447] : memref<2x40x128xi32, #tpu.memory_space<vmem>> -> memref<1x1x128xi32, #tpu.memory_space<vmem>>
        %dma_start3A_449 = tpu.memref_squeeze %dma_start3A_448 : memref<1x1x128xi32, #tpu.memory_space<vmem>> -> memref<128xi32, #tpu.memory_space<vmem>>
        %dma_start3A_450 = arith.constant 0 : i32
        %dma_start3A_451 = arith.constant 0 : i32
        %dma_start3A_452 = tpu.memref_slice %arg6[%dma_start3A_450, %dma_start3A_451] : memref<10240x64xf32, #tpu.memory_space<vmem_shared>> -> memref<10240x64xf32, #tpu.memory_space<vmem_shared>>
        tpu.enqueue_indirect_dma source(%dma_start3A_446 : memref<128x64xf32, #tpu.memory_space<vmem>>) target(%dma_start3A_452 : memref<10240x64xf32, #tpu.memory_space<vmem_shared>>) offsets(%dma_start3A_449 : memref<128xi32, #tpu.memory_space<vmem>>) semaphore(%arg18 : memref<!tpu.dma_semaphore, #tpu.memory_space<semaphore_mem>>) {add = true}
      } else {
      }
    }
    %scan3A_202 = arith.constant 40 : i32
    %dma_wait3A_203 = arith.constant 2 : i32
    %dma_wait3A_204 = arith.constant 1 : i32
    %dma_wait3A_205 = arith.constant 0 : i32
    %dma_wait3A_206 = arith.constant 0 : i32
    %dma_wait3A_207 = arith.constant 0 : i32
    %dma_wait3A_208 = tpu.memref_slice %arg10[%dma_wait3A_203, %dma_wait3A_206, %dma_wait3A_207] : memref<3x128x64xf32, #tpu.memory_space<vmem>> -> memref<1x128x64xf32, #tpu.memory_space<vmem>>
    %dma_wait3A_209 = tpu.memref_squeeze %dma_wait3A_208 : memref<1x128x64xf32, #tpu.memory_space<vmem>> -> memref<128x64xf32, #tpu.memory_space<vmem>>
    %dma_wait3A_210 = arith.constant 0 : i32
    %dma_wait3A_211 = tpu.memref_slice %arg9[%dma_wait3A_204, %dma_wait3A_205, %dma_wait3A_210] : memref<2x40x128xi32, #tpu.memory_space<vmem>> -> memref<1x1x128xi32, #tpu.memory_space<vmem>>
    %dma_wait3A_212 = tpu.memref_squeeze %dma_wait3A_211 : memref<1x1x128xi32, #tpu.memory_space<vmem>> -> memref<128xi32, #tpu.memory_space<vmem>>
    %dma_wait3A_213 = arith.constant 0 : i32
    %dma_wait3A_214 = arith.constant 0 : i32
    %dma_wait3A_215 = tpu.memref_slice %arg6[%dma_wait3A_213, %dma_wait3A_214] : memref<10240x64xf32, #tpu.memory_space<vmem_shared>> -> memref<10240x64xf32, #tpu.memory_space<vmem_shared>>
    tpu.wait_indirect_dma semaphore(%arg18 : memref<!tpu.dma_semaphore, #tpu.memory_space<semaphore_mem>>) src(%dma_wait3A_209 : memref<128x64xf32, #tpu.memory_space<vmem>>) dst(%dma_wait3A_215 : memref<10240x64xf32, #tpu.memory_space<vmem_shared>>)
    %dma_wait3A_216 = arith.constant 0 : i32
    %dma_wait3A_217 = arith.constant 1 : i32
    %dma_wait3A_218 = arith.constant 0 : i32
    %dma_wait3A_219 = arith.constant 0 : i32
    %dma_wait3A_220 = arith.constant 0 : i32
    %dma_wait3A_221 = tpu.memref_slice %arg10[%dma_wait3A_216, %dma_wait3A_219, %dma_wait3A_220] : memref<3x128x64xf32, #tpu.memory_space<vmem>> -> memref<1x128x64xf32, #tpu.memory_space<vmem>>
    %dma_wait3A_222 = tpu.memref_squeeze %dma_wait3A_221 : memref<1x128x64xf32, #tpu.memory_space<vmem>> -> memref<128x64xf32, #tpu.memory_space<vmem>>
    %dma_wait3A_223 = arith.constant 0 : i32
    %dma_wait3A_224 = tpu.memref_slice %arg9[%dma_wait3A_217, %dma_wait3A_218, %dma_wait3A_223] : memref<2x40x128xi32, #tpu.memory_space<vmem>> -> memref<1x1x128xi32, #tpu.memory_space<vmem>>
    %dma_wait3A_225 = tpu.memref_squeeze %dma_wait3A_224 : memref<1x1x128xi32, #tpu.memory_space<vmem>> -> memref<128xi32, #tpu.memory_space<vmem>>
    %dma_wait3A_226 = arith.constant 0 : i32
    %dma_wait3A_227 = arith.constant 0 : i32
    %dma_wait3A_228 = tpu.memref_slice %arg6[%dma_wait3A_226, %dma_wait3A_227] : memref<10240x64xf32, #tpu.memory_space<vmem_shared>> -> memref<10240x64xf32, #tpu.memory_space<vmem_shared>>
    tpu.wait_indirect_dma semaphore(%arg16 : memref<!tpu.dma_semaphore, #tpu.memory_space<semaphore_mem>>) src(%dma_wait3A_222 : memref<128x64xf32, #tpu.memory_space<vmem>>) dst(%dma_wait3A_228 : memref<10240x64xf32, #tpu.memory_space<vmem_shared>>)
    %dma_wait3A_229 = arith.constant 0 : i32
    %dma_wait3A_230 = arith.constant 0 : i32
    %dma_wait3A_231 = arith.constant 0 : i32
    %dma_wait3A_232 = tpu.memref_slice %arg8[%dma_wait3A_229, %dma_wait3A_230, %dma_wait3A_231] : memref<2x40x128xi32, #tpu.memory_space<vmem>> -> memref<1x40x128xi32, #tpu.memory_space<vmem>>
    %dma_wait3A_233 = tpu.memref_squeeze %dma_wait3A_232 : memref<1x40x128xi32, #tpu.memory_space<vmem>> -> memref<40x128xi32, #tpu.memory_space<vmem>>
    %dma_wait3A_234 = arith.constant 0 : i32
    %dma_wait3A_235 = tpu.memref_slice %arg3[%mul3A_0, %dma_wait3A_234] : memref<2560x128xi32, #tpu.memory_space<hbm>> -> memref<40x128xi32, #tpu.memory_space<hbm>>
    %dma_wait3A_236 = arith.constant 0 : i32
    %dma_wait3A_237 = arith.constant 0 : i32
    %dma_wait3A_238 = tpu.memref_slice %arg8[%dma_wait3A_229, %dma_wait3A_236, %dma_wait3A_237] : memref<2x40x128xi32, #tpu.memory_space<vmem>> -> memref<1x40x128xi32, #tpu.memory_space<vmem>>
    %dma_wait3A_239 = tpu.memref_squeeze %dma_wait3A_238 : memref<1x40x128xi32, #tpu.memory_space<vmem>> -> memref<40x128xi32, #tpu.memory_space<vmem>>
    %dma_wait3A_240 = arith.constant 0 : i32
    %dma_wait3A_241 = tpu.memref_slice %arg3[%mul3A_0, %dma_wait3A_240] : memref<2560x128xi32, #tpu.memory_space<hbm>> -> memref<40x128xi32, #tpu.memory_space<hbm>>
    tpu.wait_dma2 semaphore(%arg11 : memref<!tpu.dma_semaphore, #tpu.memory_space<semaphore_mem>>) src(%dma_wait3A_241 : memref<40x128xi32, #tpu.memory_space<hbm>>) dst(%dma_wait3A_239 : memref<40x128xi32, #tpu.memory_space<vmem>>)
    %dma_wait3A_242 = arith.constant 0 : i32
    %dma_wait3A_243 = arith.constant 0 : i32
    %dma_wait3A_244 = arith.constant 0 : i32
    %dma_wait3A_245 = tpu.memref_slice %arg9[%dma_wait3A_242, %dma_wait3A_243, %dma_wait3A_244] : memref<2x40x128xi32, #tpu.memory_space<vmem>> -> memref<1x40x128xi32, #tpu.memory_space<vmem>>
    %dma_wait3A_246 = tpu.memref_squeeze %dma_wait3A_245 : memref<1x40x128xi32, #tpu.memory_space<vmem>> -> memref<40x128xi32, #tpu.memory_space<vmem>>
    %dma_wait3A_247 = arith.constant 0 : i32
    %dma_wait3A_248 = tpu.memref_slice %arg4[%mul3A_0, %dma_wait3A_247] : memref<2560x128xi32, #tpu.memory_space<hbm>> -> memref<40x128xi32, #tpu.memory_space<hbm>>
    %dma_wait3A_249 = arith.constant 0 : i32
    %dma_wait3A_250 = arith.constant 0 : i32
    %dma_wait3A_251 = tpu.memref_slice %arg9[%dma_wait3A_242, %dma_wait3A_249, %dma_wait3A_250] : memref<2x40x128xi32, #tpu.memory_space<vmem>> -> memref<1x40x128xi32, #tpu.memory_space<vmem>>
    %dma_wait3A_252 = tpu.memref_squeeze %dma_wait3A_251 : memref<1x40x128xi32, #tpu.memory_space<vmem>> -> memref<40x128xi32, #tpu.memory_space<vmem>>
    %dma_wait3A_253 = arith.constant 0 : i32
    %dma_wait3A_254 = tpu.memref_slice %arg4[%mul3A_0, %dma_wait3A_253] : memref<2560x128xi32, #tpu.memory_space<hbm>> -> memref<40x128xi32, #tpu.memory_space<hbm>>
    tpu.wait_dma2 semaphore(%arg11 : memref<!tpu.dma_semaphore, #tpu.memory_space<semaphore_mem>>) src(%dma_wait3A_254 : memref<40x128xi32, #tpu.memory_space<hbm>>) dst(%dma_wait3A_252 : memref<40x128xi32, #tpu.memory_space<vmem>>)
    %add3A_255 = arith.constant 120 : i32
    %add3A_256 = arith.addi %mul3A_0, %add3A_255 : i32
    %dma_start3A_257 = arith.constant 1 : i32
    %dma_start3A_258 = arith.constant 0 : i32
    %dma_start3A_259 = arith.constant 0 : i32
    %dma_start3A_260 = tpu.memref_slice %arg8[%dma_start3A_257, %dma_start3A_258, %dma_start3A_259] : memref<2x40x128xi32, #tpu.memory_space<vmem>> -> memref<1x40x128xi32, #tpu.memory_space<vmem>>
    %dma_start3A_261 = tpu.memref_squeeze %dma_start3A_260 : memref<1x40x128xi32, #tpu.memory_space<vmem>> -> memref<40x128xi32, #tpu.memory_space<vmem>>
    %dma_start3A_262 = arith.constant 0 : i32
    %dma_start3A_263 = tpu.memref_slice %arg3[%add3A_256, %dma_start3A_262] : memref<2560x128xi32, #tpu.memory_space<hbm>> -> memref<40x128xi32, #tpu.memory_space<hbm>>
    %dma_start3A_264 = arith.constant 0 : i32
    %dma_start3A_265 = arith.constant 0 : i32
    %dma_start3A_266 = tpu.memref_slice %arg8[%dma_start3A_257, %dma_start3A_264, %dma_start3A_265] : memref<2x40x128xi32, #tpu.memory_space<vmem>> -> memref<1x40x128xi32, #tpu.memory_space<vmem>>
    %dma_start3A_267 = tpu.memref_squeeze %dma_start3A_266 : memref<1x40x128xi32, #tpu.memory_space<vmem>> -> memref<40x128xi32, #tpu.memory_space<vmem>>
    %dma_start3A_268 = arith.constant 0 : i32
    %dma_start3A_269 = tpu.memref_slice %arg3[%add3A_256, %dma_start3A_268] : memref<2560x128xi32, #tpu.memory_space<hbm>> -> memref<40x128xi32, #tpu.memory_space<hbm>>
    tpu.enqueue_dma source(%dma_start3A_269 : memref<40x128xi32, #tpu.memory_space<hbm>>) target(%dma_start3A_267 : memref<40x128xi32, #tpu.memory_space<vmem>>) target_semaphore(%arg12 : memref<!tpu.dma_semaphore, #tpu.memory_space<semaphore_mem>>)
    %add3A_270 = arith.constant 120 : i32
    %add3A_271 = arith.addi %mul3A_0, %add3A_270 : i32
    %dma_start3A_272 = arith.constant 1 : i32
    %dma_start3A_273 = arith.constant 0 : i32
    %dma_start3A_274 = arith.constant 0 : i32
    %dma_start3A_275 = tpu.memref_slice %arg9[%dma_start3A_272, %dma_start3A_273, %dma_start3A_274] : memref<2x40x128xi32, #tpu.memory_space<vmem>> -> memref<1x40x128xi32, #tpu.memory_space<vmem>>
    %dma_start3A_276 = tpu.memref_squeeze %dma_start3A_275 : memref<1x40x128xi32, #tpu.memory_space<vmem>> -> memref<40x128xi32, #tpu.memory_space<vmem>>
    %dma_start3A_277 = arith.constant 0 : i32
    %dma_start3A_278 = tpu.memref_slice %arg4[%add3A_271, %dma_start3A_277] : memref<2560x128xi32, #tpu.memory_space<hbm>> -> memref<40x128xi32, #tpu.memory_space<hbm>>
    %dma_start3A_279 = arith.constant 0 : i32
    %dma_start3A_280 = arith.constant 0 : i32
    %dma_start3A_281 = tpu.memref_slice %arg9[%dma_start3A_272, %dma_start3A_279, %dma_start3A_280] : memref<2x40x128xi32, #tpu.memory_space<vmem>> -> memref<1x40x128xi32, #tpu.memory_space<vmem>>
    %dma_start3A_282 = tpu.memref_squeeze %dma_start3A_281 : memref<1x40x128xi32, #tpu.memory_space<vmem>> -> memref<40x128xi32, #tpu.memory_space<vmem>>
    %dma_start3A_283 = arith.constant 0 : i32
    %dma_start3A_284 = tpu.memref_slice %arg4[%add3A_271, %dma_start3A_283] : memref<2560x128xi32, #tpu.memory_space<hbm>> -> memref<40x128xi32, #tpu.memory_space<hbm>>
    tpu.enqueue_dma source(%dma_start3A_284 : memref<40x128xi32, #tpu.memory_space<hbm>>) target(%dma_start3A_282 : memref<40x128xi32, #tpu.memory_space<vmem>>) target_semaphore(%arg12 : memref<!tpu.dma_semaphore, #tpu.memory_space<semaphore_mem>>)
    %dma_start3A_285 = arith.constant 0 : i32
    %dma_start3A_286 = arith.constant 0 : i32
    %dma_start3A_287 = arith.constant 0 : i32
    %dma_start3A_288 = arith.constant 0 : i32
    %dma_start3A_289 = arith.constant 0 : i32
    %dma_start3A_290 = tpu.memref_slice %arg10[%dma_start3A_287, %dma_start3A_288, %dma_start3A_289] : memref<3x128x64xf32, #tpu.memory_space<vmem>> -> memref<1x128x64xf32, #tpu.memory_space<vmem>>
    %dma_start3A_291 = tpu.memref_squeeze %dma_start3A_290 : memref<1x128x64xf32, #tpu.memory_space<vmem>> -> memref<128x64xf32, #tpu.memory_space<vmem>>
    %dma_start3A_292 = arith.constant 0 : i32
    %dma_start3A_293 = tpu.memref_slice %arg8[%dma_start3A_285, %dma_start3A_286, %dma_start3A_292] : memref<2x40x128xi32, #tpu.memory_space<vmem>> -> memref<1x1x128xi32, #tpu.memory_space<vmem>>
    %dma_start3A_294 = tpu.memref_squeeze %dma_start3A_293 : memref<1x1x128xi32, #tpu.memory_space<vmem>> -> memref<128xi32, #tpu.memory_space<vmem>>
    %dma_start3A_295 = arith.constant 0 : i32
    %dma_start3A_296 = arith.constant 0 : i32
    %dma_start3A_297 = tpu.memref_slice %arg7[%dma_start3A_295, %dma_start3A_296] : memref<10240x64xf32, #tpu.memory_space<vmem_shared>> -> memref<10240x64xf32, #tpu.memory_space<vmem_shared>>
    tpu.enqueue_indirect_dma source(%dma_start3A_297 : memref<10240x64xf32, #tpu.memory_space<vmem_shared>>) target(%dma_start3A_291 : memref<128x64xf32, #tpu.memory_space<vmem>>) offsets(%dma_start3A_294 : memref<128xi32, #tpu.memory_space<vmem>>) semaphore(%arg13 : memref<!tpu.dma_semaphore, #tpu.memory_space<semaphore_mem>>)
    %scan3A_298 = arith.constant 0 : i32
    %scan3A_299 = arith.constant 40 : i32
    %scan3A_300 = arith.addi %scan3A_298, %scan3A_299 : i32
    %scan3A_301 = arith.constant 1 : i32
    scf.for %scan3A_400 = %scan3A_298 to %scan3A_300 step %scan3A_301  : i32 {
      %mul3A_401 = arith.constant 1 : i32
      %mul3A_402 = arith.muli %scan3A_400, %mul3A_401 : i32
      %add3A_403 = arith.constant 0 : i32
      %add3A_404 = arith.addi %add3A_403, %mul3A_402 : i32
      %rem3A = arith.constant 3 : i32
      %rem3A_405 = arith.remsi %add3A_404, %rem3A : i32
      %eq3A = arith.constant 0 : i32
      %eq3A_406 = arith.cmpi eq, %rem3A_405, %eq3A : i32
      %convert_element_type3A = arith.extui %eq3A_406 : i1 to i32
      %cond3A = arith.constant 0 : i32
      %cond3A_407 = arith.cmpi ne, %convert_element_type3A, %cond3A : i32
      scf.if %cond3A_407 {
        %ge3A = arith.constant 2 : i32
        %ge3A_418 = arith.cmpi sge, %add3A_404, %ge3A : i32
        %convert_element_type3A_419 = arith.extui %ge3A_418 : i1 to i32
        %cond3A_420 = arith.constant 0 : i32
        %cond3A_421 = arith.cmpi ne, %convert_element_type3A_419, %cond3A_420 : i32
        scf.if %cond3A_421 {
          %dma_wait3A_453 = arith.constant 1 : i32
          %dma_wait3A_454 = arith.constant 0 : i32
          %dma_wait3A_455 = arith.constant 0 : i32
          %dma_wait3A_456 = arith.constant 0 : i32
          %dma_wait3A_457 = arith.constant 0 : i32
          %dma_wait3A_458 = tpu.memref_slice %arg10[%dma_wait3A_453, %dma_wait3A_456, %dma_wait3A_457] : memref<3x128x64xf32, #tpu.memory_space<vmem>> -> memref<1x128x64xf32, #tpu.memory_space<vmem>>
          %dma_wait3A_459 = tpu.memref_squeeze %dma_wait3A_458 : memref<1x128x64xf32, #tpu.memory_space<vmem>> -> memref<128x64xf32, #tpu.memory_space<vmem>>
          %dma_wait3A_460 = arith.constant 0 : i32
          %dma_wait3A_461 = tpu.memref_slice %arg9[%dma_wait3A_454, %dma_wait3A_455, %dma_wait3A_460] : memref<2x40x128xi32, #tpu.memory_space<vmem>> -> memref<1x1x128xi32, #tpu.memory_space<vmem>>
          %dma_wait3A_462 = tpu.memref_squeeze %dma_wait3A_461 : memref<1x1x128xi32, #tpu.memory_space<vmem>> -> memref<128xi32, #tpu.memory_space<vmem>>
          %dma_wait3A_463 = arith.constant 0 : i32
          %dma_wait3A_464 = arith.constant 0 : i32
          %dma_wait3A_465 = tpu.memref_slice %arg6[%dma_wait3A_463, %dma_wait3A_464] : memref<10240x64xf32, #tpu.memory_space<vmem_shared>> -> memref<10240x64xf32, #tpu.memory_space<vmem_shared>>
          tpu.wait_indirect_dma semaphore(%arg17 : memref<!tpu.dma_semaphore, #tpu.memory_space<semaphore_mem>>) src(%dma_wait3A_459 : memref<128x64xf32, #tpu.memory_space<vmem>>) dst(%dma_wait3A_465 : memref<10240x64xf32, #tpu.memory_space<vmem_shared>>)
        } else {
        }
        %add3A_422 = arith.constant 1 : i32
        %add3A_423 = arith.addi %add3A_404, %add3A_422 : i32
        %lt3A = arith.constant 40 : i32
        %lt3A_424 = arith.cmpi slt, %add3A_423, %lt3A : i32
        %convert_element_type3A_425 = arith.extui %lt3A_424 : i1 to i32
        %cond3A_426 = arith.constant 0 : i32
        %cond3A_427 = arith.cmpi ne, %convert_element_type3A_425, %cond3A_426 : i32
        scf.if %cond3A_427 {
          %add3A_453 = arith.constant 1 : i32
          %add3A_454 = arith.addi %add3A_404, %add3A_453 : i32
          %dma_start3A_455 = arith.constant 0 : i32
          %dma_start3A_456 = arith.constant 1 : i32
          %dma_start3A_457 = arith.constant 0 : i32
          %dma_start3A_458 = arith.constant 0 : i32
          %dma_start3A_459 = tpu.memref_slice %arg10[%dma_start3A_456, %dma_start3A_457, %dma_start3A_458] : memref<3x128x64xf32, #tpu.memory_space<vmem>> -> memref<1x128x64xf32, #tpu.memory_space<vmem>>
          %dma_start3A_460 = tpu.memref_squeeze %dma_start3A_459 : memref<1x128x64xf32, #tpu.memory_space<vmem>> -> memref<128x64xf32, #tpu.memory_space<vmem>>
          %dma_start3A_461 = arith.constant 0 : i32
          %dma_start3A_462 = tpu.memref_slice %arg8[%dma_start3A_455, %add3A_454, %dma_start3A_461] : memref<2x40x128xi32, #tpu.memory_space<vmem>> -> memref<1x1x128xi32, #tpu.memory_space<vmem>>
          %dma_start3A_463 = tpu.memref_squeeze %dma_start3A_462 : memref<1x1x128xi32, #tpu.memory_space<vmem>> -> memref<128xi32, #tpu.memory_space<vmem>>
          %dma_start3A_464 = arith.constant 0 : i32
          %dma_start3A_465 = arith.constant 0 : i32
          %dma_start3A_466 = tpu.memref_slice %arg7[%dma_start3A_464, %dma_start3A_465] : memref<10240x64xf32, #tpu.memory_space<vmem_shared>> -> memref<10240x64xf32, #tpu.memory_space<vmem_shared>>
          tpu.enqueue_indirect_dma source(%dma_start3A_466 : memref<10240x64xf32, #tpu.memory_space<vmem_shared>>) target(%dma_start3A_460 : memref<128x64xf32, #tpu.memory_space<vmem>>) offsets(%dma_start3A_463 : memref<128xi32, #tpu.memory_space<vmem>>) semaphore(%arg14 : memref<!tpu.dma_semaphore, #tpu.memory_space<semaphore_mem>>)
        } else {
        }
        %dma_wait3A_428 = arith.constant 0 : i32
        %dma_wait3A_429 = arith.constant 0 : i32
        %dma_wait3A_430 = arith.constant 0 : i32
        %dma_wait3A_431 = arith.constant 0 : i32
        %dma_wait3A_432 = arith.constant 0 : i32
        %dma_wait3A_433 = tpu.memref_slice %arg10[%dma_wait3A_430, %dma_wait3A_431, %dma_wait3A_432] : memref<3x128x64xf32, #tpu.memory_space<vmem>> -> memref<1x128x64xf32, #tpu.memory_space<vmem>>
        %dma_wait3A_434 = tpu.memref_squeeze %dma_wait3A_433 : memref<1x128x64xf32, #tpu.memory_space<vmem>> -> memref<128x64xf32, #tpu.memory_space<vmem>>
        %dma_wait3A_435 = arith.constant 0 : i32
        %dma_wait3A_436 = tpu.memref_slice %arg8[%dma_wait3A_428, %dma_wait3A_429, %dma_wait3A_435] : memref<2x40x128xi32, #tpu.memory_space<vmem>> -> memref<1x1x128xi32, #tpu.memory_space<vmem>>
        %dma_wait3A_437 = tpu.memref_squeeze %dma_wait3A_436 : memref<1x1x128xi32, #tpu.memory_space<vmem>> -> memref<128xi32, #tpu.memory_space<vmem>>
        %dma_wait3A_438 = arith.constant 0 : i32
        %dma_wait3A_439 = arith.constant 0 : i32
        %dma_wait3A_440 = tpu.memref_slice %arg7[%dma_wait3A_438, %dma_wait3A_439] : memref<10240x64xf32, #tpu.memory_space<vmem_shared>> -> memref<10240x64xf32, #tpu.memory_space<vmem_shared>>
        tpu.wait_indirect_dma semaphore(%arg13 : memref<!tpu.dma_semaphore, #tpu.memory_space<semaphore_mem>>) src(%dma_wait3A_440 : memref<10240x64xf32, #tpu.memory_space<vmem_shared>>) dst(%dma_wait3A_434 : memref<128x64xf32, #tpu.memory_space<vmem>>)
        %dma_start3A_441 = arith.constant 0 : i32
        %dma_start3A_442 = arith.constant 0 : i32
        %dma_start3A_443 = arith.constant 0 : i32
        %dma_start3A_444 = arith.constant 0 : i32
        %dma_start3A_445 = tpu.memref_slice %arg10[%dma_start3A_441, %dma_start3A_443, %dma_start3A_444] : memref<3x128x64xf32, #tpu.memory_space<vmem>> -> memref<1x128x64xf32, #tpu.memory_space<vmem>>
        %dma_start3A_446 = tpu.memref_squeeze %dma_start3A_445 : memref<1x128x64xf32, #tpu.memory_space<vmem>> -> memref<128x64xf32, #tpu.memory_space<vmem>>
        %dma_start3A_447 = arith.constant 0 : i32
        %dma_start3A_448 = tpu.memref_slice %arg9[%dma_start3A_442, %add3A_404, %dma_start3A_447] : memref<2x40x128xi32, #tpu.memory_space<vmem>> -> memref<1x1x128xi32, #tpu.memory_space<vmem>>
        %dma_start3A_449 = tpu.memref_squeeze %dma_start3A_448 : memref<1x1x128xi32, #tpu.memory_space<vmem>> -> memref<128xi32, #tpu.memory_space<vmem>>
        %dma_start3A_450 = arith.constant 0 : i32
        %dma_start3A_451 = arith.constant 0 : i32
        %dma_start3A_452 = tpu.memref_slice %arg6[%dma_start3A_450, %dma_start3A_451] : memref<10240x64xf32, #tpu.memory_space<vmem_shared>> -> memref<10240x64xf32, #tpu.memory_space<vmem_shared>>
        tpu.enqueue_indirect_dma source(%dma_start3A_446 : memref<128x64xf32, #tpu.memory_space<vmem>>) target(%dma_start3A_452 : memref<10240x64xf32, #tpu.memory_space<vmem_shared>>) offsets(%dma_start3A_449 : memref<128xi32, #tpu.memory_space<vmem>>) semaphore(%arg16 : memref<!tpu.dma_semaphore, #tpu.memory_space<semaphore_mem>>) {add = true}
      } else {
      }
      %eq3A_408 = arith.constant 1 : i32
      %eq3A_409 = arith.cmpi eq, %rem3A_405, %eq3A_408 : i32
      %convert_element_type3A_410 = arith.extui %eq3A_409 : i1 to i32
      %cond3A_411 = arith.constant 0 : i32
      %cond3A_412 = arith.cmpi ne, %convert_element_type3A_410, %cond3A_411 : i32
      scf.if %cond3A_412 {
        %ge3A = arith.constant 2 : i32
        %ge3A_418 = arith.cmpi sge, %add3A_404, %ge3A : i32
        %convert_element_type3A_419 = arith.extui %ge3A_418 : i1 to i32
        %cond3A_420 = arith.constant 0 : i32
        %cond3A_421 = arith.cmpi ne, %convert_element_type3A_419, %cond3A_420 : i32
        scf.if %cond3A_421 {
          %dma_wait3A_453 = arith.constant 2 : i32
          %dma_wait3A_454 = arith.constant 0 : i32
          %dma_wait3A_455 = arith.constant 0 : i32
          %dma_wait3A_456 = arith.constant 0 : i32
          %dma_wait3A_457 = arith.constant 0 : i32
          %dma_wait3A_458 = tpu.memref_slice %arg10[%dma_wait3A_453, %dma_wait3A_456, %dma_wait3A_457] : memref<3x128x64xf32, #tpu.memory_space<vmem>> -> memref<1x128x64xf32, #tpu.memory_space<vmem>>
          %dma_wait3A_459 = tpu.memref_squeeze %dma_wait3A_458 : memref<1x128x64xf32, #tpu.memory_space<vmem>> -> memref<128x64xf32, #tpu.memory_space<vmem>>
          %dma_wait3A_460 = arith.constant 0 : i32
          %dma_wait3A_461 = tpu.memref_slice %arg9[%dma_wait3A_454, %dma_wait3A_455, %dma_wait3A_460] : memref<2x40x128xi32, #tpu.memory_space<vmem>> -> memref<1x1x128xi32, #tpu.memory_space<vmem>>
          %dma_wait3A_462 = tpu.memref_squeeze %dma_wait3A_461 : memref<1x1x128xi32, #tpu.memory_space<vmem>> -> memref<128xi32, #tpu.memory_space<vmem>>
          %dma_wait3A_463 = arith.constant 0 : i32
          %dma_wait3A_464 = arith.constant 0 : i32
          %dma_wait3A_465 = tpu.memref_slice %arg6[%dma_wait3A_463, %dma_wait3A_464] : memref<10240x64xf32, #tpu.memory_space<vmem_shared>> -> memref<10240x64xf32, #tpu.memory_space<vmem_shared>>
          tpu.wait_indirect_dma semaphore(%arg18 : memref<!tpu.dma_semaphore, #tpu.memory_space<semaphore_mem>>) src(%dma_wait3A_459 : memref<128x64xf32, #tpu.memory_space<vmem>>) dst(%dma_wait3A_465 : memref<10240x64xf32, #tpu.memory_space<vmem_shared>>)
        } else {
        }
        %add3A_422 = arith.constant 1 : i32
        %add3A_423 = arith.addi %add3A_404, %add3A_422 : i32
        %lt3A = arith.constant 40 : i32
        %lt3A_424 = arith.cmpi slt, %add3A_423, %lt3A : i32
        %convert_element_type3A_425 = arith.extui %lt3A_424 : i1 to i32
        %cond3A_426 = arith.constant 0 : i32
        %cond3A_427 = arith.cmpi ne, %convert_element_type3A_425, %cond3A_426 : i32
        scf.if %cond3A_427 {
          %add3A_453 = arith.constant 1 : i32
          %add3A_454 = arith.addi %add3A_404, %add3A_453 : i32
          %dma_start3A_455 = arith.constant 0 : i32
          %dma_start3A_456 = arith.constant 2 : i32
          %dma_start3A_457 = arith.constant 0 : i32
          %dma_start3A_458 = arith.constant 0 : i32
          %dma_start3A_459 = tpu.memref_slice %arg10[%dma_start3A_456, %dma_start3A_457, %dma_start3A_458] : memref<3x128x64xf32, #tpu.memory_space<vmem>> -> memref<1x128x64xf32, #tpu.memory_space<vmem>>
          %dma_start3A_460 = tpu.memref_squeeze %dma_start3A_459 : memref<1x128x64xf32, #tpu.memory_space<vmem>> -> memref<128x64xf32, #tpu.memory_space<vmem>>
          %dma_start3A_461 = arith.constant 0 : i32
          %dma_start3A_462 = tpu.memref_slice %arg8[%dma_start3A_455, %add3A_454, %dma_start3A_461] : memref<2x40x128xi32, #tpu.memory_space<vmem>> -> memref<1x1x128xi32, #tpu.memory_space<vmem>>
          %dma_start3A_463 = tpu.memref_squeeze %dma_start3A_462 : memref<1x1x128xi32, #tpu.memory_space<vmem>> -> memref<128xi32, #tpu.memory_space<vmem>>
          %dma_start3A_464 = arith.constant 0 : i32
          %dma_start3A_465 = arith.constant 0 : i32
          %dma_start3A_466 = tpu.memref_slice %arg7[%dma_start3A_464, %dma_start3A_465] : memref<10240x64xf32, #tpu.memory_space<vmem_shared>> -> memref<10240x64xf32, #tpu.memory_space<vmem_shared>>
          tpu.enqueue_indirect_dma source(%dma_start3A_466 : memref<10240x64xf32, #tpu.memory_space<vmem_shared>>) target(%dma_start3A_460 : memref<128x64xf32, #tpu.memory_space<vmem>>) offsets(%dma_start3A_463 : memref<128xi32, #tpu.memory_space<vmem>>) semaphore(%arg15 : memref<!tpu.dma_semaphore, #tpu.memory_space<semaphore_mem>>)
        } else {
        }
        %dma_wait3A_428 = arith.constant 0 : i32
        %dma_wait3A_429 = arith.constant 0 : i32
        %dma_wait3A_430 = arith.constant 1 : i32
        %dma_wait3A_431 = arith.constant 0 : i32
        %dma_wait3A_432 = arith.constant 0 : i32
        %dma_wait3A_433 = tpu.memref_slice %arg10[%dma_wait3A_430, %dma_wait3A_431, %dma_wait3A_432] : memref<3x128x64xf32, #tpu.memory_space<vmem>> -> memref<1x128x64xf32, #tpu.memory_space<vmem>>
        %dma_wait3A_434 = tpu.memref_squeeze %dma_wait3A_433 : memref<1x128x64xf32, #tpu.memory_space<vmem>> -> memref<128x64xf32, #tpu.memory_space<vmem>>
        %dma_wait3A_435 = arith.constant 0 : i32
        %dma_wait3A_436 = tpu.memref_slice %arg8[%dma_wait3A_428, %dma_wait3A_429, %dma_wait3A_435] : memref<2x40x128xi32, #tpu.memory_space<vmem>> -> memref<1x1x128xi32, #tpu.memory_space<vmem>>
        %dma_wait3A_437 = tpu.memref_squeeze %dma_wait3A_436 : memref<1x1x128xi32, #tpu.memory_space<vmem>> -> memref<128xi32, #tpu.memory_space<vmem>>
        %dma_wait3A_438 = arith.constant 0 : i32
        %dma_wait3A_439 = arith.constant 0 : i32
        %dma_wait3A_440 = tpu.memref_slice %arg7[%dma_wait3A_438, %dma_wait3A_439] : memref<10240x64xf32, #tpu.memory_space<vmem_shared>> -> memref<10240x64xf32, #tpu.memory_space<vmem_shared>>
        tpu.wait_indirect_dma semaphore(%arg14 : memref<!tpu.dma_semaphore, #tpu.memory_space<semaphore_mem>>) src(%dma_wait3A_440 : memref<10240x64xf32, #tpu.memory_space<vmem_shared>>) dst(%dma_wait3A_434 : memref<128x64xf32, #tpu.memory_space<vmem>>)
        %dma_start3A_441 = arith.constant 1 : i32
        %dma_start3A_442 = arith.constant 0 : i32
        %dma_start3A_443 = arith.constant 0 : i32
        %dma_start3A_444 = arith.constant 0 : i32
        %dma_start3A_445 = tpu.memref_slice %arg10[%dma_start3A_441, %dma_start3A_443, %dma_start3A_444] : memref<3x128x64xf32, #tpu.memory_space<vmem>> -> memref<1x128x64xf32, #tpu.memory_space<vmem>>
        %dma_start3A_446 = tpu.memref_squeeze %dma_start3A_445 : memref<1x128x64xf32, #tpu.memory_space<vmem>> -> memref<128x64xf32, #tpu.memory_space<vmem>>
        %dma_start3A_447 = arith.constant 0 : i32
        %dma_start3A_448 = tpu.memref_slice %arg9[%dma_start3A_442, %add3A_404, %dma_start3A_447] : memref<2x40x128xi32, #tpu.memory_space<vmem>> -> memref<1x1x128xi32, #tpu.memory_space<vmem>>
        %dma_start3A_449 = tpu.memref_squeeze %dma_start3A_448 : memref<1x1x128xi32, #tpu.memory_space<vmem>> -> memref<128xi32, #tpu.memory_space<vmem>>
        %dma_start3A_450 = arith.constant 0 : i32
        %dma_start3A_451 = arith.constant 0 : i32
        %dma_start3A_452 = tpu.memref_slice %arg6[%dma_start3A_450, %dma_start3A_451] : memref<10240x64xf32, #tpu.memory_space<vmem_shared>> -> memref<10240x64xf32, #tpu.memory_space<vmem_shared>>
        tpu.enqueue_indirect_dma source(%dma_start3A_446 : memref<128x64xf32, #tpu.memory_space<vmem>>) target(%dma_start3A_452 : memref<10240x64xf32, #tpu.memory_space<vmem_shared>>) offsets(%dma_start3A_449 : memref<128xi32, #tpu.memory_space<vmem>>) semaphore(%arg17 : memref<!tpu.dma_semaphore, #tpu.memory_space<semaphore_mem>>) {add = true}
      } else {
      }
      %eq3A_413 = arith.constant 2 : i32
      %eq3A_414 = arith.cmpi eq, %rem3A_405, %eq3A_413 : i32
      %convert_element_type3A_415 = arith.extui %eq3A_414 : i1 to i32
      %cond3A_416 = arith.constant 0 : i32
      %cond3A_417 = arith.cmpi ne, %convert_element_type3A_415, %cond3A_416 : i32
      scf.if %cond3A_417 {
        %ge3A = arith.constant 2 : i32
        %ge3A_418 = arith.cmpi sge, %add3A_404, %ge3A : i32
        %convert_element_type3A_419 = arith.extui %ge3A_418 : i1 to i32
        %cond3A_420 = arith.constant 0 : i32
        %cond3A_421 = arith.cmpi ne, %convert_element_type3A_419, %cond3A_420 : i32
        scf.if %cond3A_421 {
          %dma_wait3A_453 = arith.constant 0 : i32
          %dma_wait3A_454 = arith.constant 0 : i32
          %dma_wait3A_455 = arith.constant 0 : i32
          %dma_wait3A_456 = arith.constant 0 : i32
          %dma_wait3A_457 = arith.constant 0 : i32
          %dma_wait3A_458 = tpu.memref_slice %arg10[%dma_wait3A_453, %dma_wait3A_456, %dma_wait3A_457] : memref<3x128x64xf32, #tpu.memory_space<vmem>> -> memref<1x128x64xf32, #tpu.memory_space<vmem>>
          %dma_wait3A_459 = tpu.memref_squeeze %dma_wait3A_458 : memref<1x128x64xf32, #tpu.memory_space<vmem>> -> memref<128x64xf32, #tpu.memory_space<vmem>>
          %dma_wait3A_460 = arith.constant 0 : i32
          %dma_wait3A_461 = tpu.memref_slice %arg9[%dma_wait3A_454, %dma_wait3A_455, %dma_wait3A_460] : memref<2x40x128xi32, #tpu.memory_space<vmem>> -> memref<1x1x128xi32, #tpu.memory_space<vmem>>
          %dma_wait3A_462 = tpu.memref_squeeze %dma_wait3A_461 : memref<1x1x128xi32, #tpu.memory_space<vmem>> -> memref<128xi32, #tpu.memory_space<vmem>>
          %dma_wait3A_463 = arith.constant 0 : i32
          %dma_wait3A_464 = arith.constant 0 : i32
          %dma_wait3A_465 = tpu.memref_slice %arg6[%dma_wait3A_463, %dma_wait3A_464] : memref<10240x64xf32, #tpu.memory_space<vmem_shared>> -> memref<10240x64xf32, #tpu.memory_space<vmem_shared>>
          tpu.wait_indirect_dma semaphore(%arg16 : memref<!tpu.dma_semaphore, #tpu.memory_space<semaphore_mem>>) src(%dma_wait3A_459 : memref<128x64xf32, #tpu.memory_space<vmem>>) dst(%dma_wait3A_465 : memref<10240x64xf32, #tpu.memory_space<vmem_shared>>)
        } else {
        }
        %add3A_422 = arith.constant 1 : i32
        %add3A_423 = arith.addi %add3A_404, %add3A_422 : i32
        %lt3A = arith.constant 40 : i32
        %lt3A_424 = arith.cmpi slt, %add3A_423, %lt3A : i32
        %convert_element_type3A_425 = arith.extui %lt3A_424 : i1 to i32
        %cond3A_426 = arith.constant 0 : i32
        %cond3A_427 = arith.cmpi ne, %convert_element_type3A_425, %cond3A_426 : i32
        scf.if %cond3A_427 {
          %add3A_453 = arith.constant 1 : i32
          %add3A_454 = arith.addi %add3A_404, %add3A_453 : i32
          %dma_start3A_455 = arith.constant 0 : i32
          %dma_start3A_456 = arith.constant 0 : i32
          %dma_start3A_457 = arith.constant 0 : i32
          %dma_start3A_458 = arith.constant 0 : i32
          %dma_start3A_459 = tpu.memref_slice %arg10[%dma_start3A_456, %dma_start3A_457, %dma_start3A_458] : memref<3x128x64xf32, #tpu.memory_space<vmem>> -> memref<1x128x64xf32, #tpu.memory_space<vmem>>
          %dma_start3A_460 = tpu.memref_squeeze %dma_start3A_459 : memref<1x128x64xf32, #tpu.memory_space<vmem>> -> memref<128x64xf32, #tpu.memory_space<vmem>>
          %dma_start3A_461 = arith.constant 0 : i32
          %dma_start3A_462 = tpu.memref_slice %arg8[%dma_start3A_455, %add3A_454, %dma_start3A_461] : memref<2x40x128xi32, #tpu.memory_space<vmem>> -> memref<1x1x128xi32, #tpu.memory_space<vmem>>
          %dma_start3A_463 = tpu.memref_squeeze %dma_start3A_462 : memref<1x1x128xi32, #tpu.memory_space<vmem>> -> memref<128xi32, #tpu.memory_space<vmem>>
          %dma_start3A_464 = arith.constant 0 : i32
          %dma_start3A_465 = arith.constant 0 : i32
          %dma_start3A_466 = tpu.memref_slice %arg7[%dma_start3A_464, %dma_start3A_465] : memref<10240x64xf32, #tpu.memory_space<vmem_shared>> -> memref<10240x64xf32, #tpu.memory_space<vmem_shared>>
          tpu.enqueue_indirect_dma source(%dma_start3A_466 : memref<10240x64xf32, #tpu.memory_space<vmem_shared>>) target(%dma_start3A_460 : memref<128x64xf32, #tpu.memory_space<vmem>>) offsets(%dma_start3A_463 : memref<128xi32, #tpu.memory_space<vmem>>) semaphore(%arg13 : memref<!tpu.dma_semaphore, #tpu.memory_space<semaphore_mem>>)
        } else {
        }
        %dma_wait3A_428 = arith.constant 0 : i32
        %dma_wait3A_429 = arith.constant 0 : i32
        %dma_wait3A_430 = arith.constant 2 : i32
        %dma_wait3A_431 = arith.constant 0 : i32
        %dma_wait3A_432 = arith.constant 0 : i32
        %dma_wait3A_433 = tpu.memref_slice %arg10[%dma_wait3A_430, %dma_wait3A_431, %dma_wait3A_432] : memref<3x128x64xf32, #tpu.memory_space<vmem>> -> memref<1x128x64xf32, #tpu.memory_space<vmem>>
        %dma_wait3A_434 = tpu.memref_squeeze %dma_wait3A_433 : memref<1x128x64xf32, #tpu.memory_space<vmem>> -> memref<128x64xf32, #tpu.memory_space<vmem>>
        %dma_wait3A_435 = arith.constant 0 : i32
        %dma_wait3A_436 = tpu.memref_slice %arg8[%dma_wait3A_428, %dma_wait3A_429, %dma_wait3A_435] : memref<2x40x128xi32, #tpu.memory_space<vmem>> -> memref<1x1x128xi32, #tpu.memory_space<vmem>>
        %dma_wait3A_437 = tpu.memref_squeeze %dma_wait3A_436 : memref<1x1x128xi32, #tpu.memory_space<vmem>> -> memref<128xi32, #tpu.memory_space<vmem>>
        %dma_wait3A_438 = arith.constant 0 : i32
        %dma_wait3A_439 = arith.constant 0 : i32
        %dma_wait3A_440 = tpu.memref_slice %arg7[%dma_wait3A_438, %dma_wait3A_439] : memref<10240x64xf32, #tpu.memory_space<vmem_shared>> -> memref<10240x64xf32, #tpu.memory_space<vmem_shared>>
        tpu.wait_indirect_dma semaphore(%arg15 : memref<!tpu.dma_semaphore, #tpu.memory_space<semaphore_mem>>) src(%dma_wait3A_440 : memref<10240x64xf32, #tpu.memory_space<vmem_shared>>) dst(%dma_wait3A_434 : memref<128x64xf32, #tpu.memory_space<vmem>>)
        %dma_start3A_441 = arith.constant 2 : i32
        %dma_start3A_442 = arith.constant 0 : i32
        %dma_start3A_443 = arith.constant 0 : i32
        %dma_start3A_444 = arith.constant 0 : i32
        %dma_start3A_445 = tpu.memref_slice %arg10[%dma_start3A_441, %dma_start3A_443, %dma_start3A_444] : memref<3x128x64xf32, #tpu.memory_space<vmem>> -> memref<1x128x64xf32, #tpu.memory_space<vmem>>
        %dma_start3A_446 = tpu.memref_squeeze %dma_start3A_445 : memref<1x128x64xf32, #tpu.memory_space<vmem>> -> memref<128x64xf32, #tpu.memory_space<vmem>>
        %dma_start3A_447 = arith.constant 0 : i32
        %dma_start3A_448 = tpu.memref_slice %arg9[%dma_start3A_442, %add3A_404, %dma_start3A_447] : memref<2x40x128xi32, #tpu.memory_space<vmem>> -> memref<1x1x128xi32, #tpu.memory_space<vmem>>
        %dma_start3A_449 = tpu.memref_squeeze %dma_start3A_448 : memref<1x1x128xi32, #tpu.memory_space<vmem>> -> memref<128xi32, #tpu.memory_space<vmem>>
        %dma_start3A_450 = arith.constant 0 : i32
        %dma_start3A_451 = arith.constant 0 : i32
        %dma_start3A_452 = tpu.memref_slice %arg6[%dma_start3A_450, %dma_start3A_451] : memref<10240x64xf32, #tpu.memory_space<vmem_shared>> -> memref<10240x64xf32, #tpu.memory_space<vmem_shared>>
        tpu.enqueue_indirect_dma source(%dma_start3A_446 : memref<128x64xf32, #tpu.memory_space<vmem>>) target(%dma_start3A_452 : memref<10240x64xf32, #tpu.memory_space<vmem_shared>>) offsets(%dma_start3A_449 : memref<128xi32, #tpu.memory_space<vmem>>) semaphore(%arg18 : memref<!tpu.dma_semaphore, #tpu.memory_space<semaphore_mem>>) {add = true}
      } else {
      }
    }
    %scan3A_302 = arith.constant 40 : i32
    %dma_wait3A_303 = arith.constant 2 : i32
    %dma_wait3A_304 = arith.constant 0 : i32
    %dma_wait3A_305 = arith.constant 0 : i32
    %dma_wait3A_306 = arith.constant 0 : i32
    %dma_wait3A_307 = arith.constant 0 : i32
    %dma_wait3A_308 = tpu.memref_slice %arg10[%dma_wait3A_303, %dma_wait3A_306, %dma_wait3A_307] : memref<3x128x64xf32, #tpu.memory_space<vmem>> -> memref<1x128x64xf32, #tpu.memory_space<vmem>>
    %dma_wait3A_309 = tpu.memref_squeeze %dma_wait3A_308 : memref<1x128x64xf32, #tpu.memory_space<vmem>> -> memref<128x64xf32, #tpu.memory_space<vmem>>
    %dma_wait3A_310 = arith.constant 0 : i32
    %dma_wait3A_311 = tpu.memref_slice %arg9[%dma_wait3A_304, %dma_wait3A_305, %dma_wait3A_310] : memref<2x40x128xi32, #tpu.memory_space<vmem>> -> memref<1x1x128xi32, #tpu.memory_space<vmem>>
    %dma_wait3A_312 = tpu.memref_squeeze %dma_wait3A_311 : memref<1x1x128xi32, #tpu.memory_space<vmem>> -> memref<128xi32, #tpu.memory_space<vmem>>
    %dma_wait3A_313 = arith.constant 0 : i32
    %dma_wait3A_314 = arith.constant 0 : i32
    %dma_wait3A_315 = tpu.memref_slice %arg6[%dma_wait3A_313, %dma_wait3A_314] : memref<10240x64xf32, #tpu.memory_space<vmem_shared>> -> memref<10240x64xf32, #tpu.memory_space<vmem_shared>>
    tpu.wait_indirect_dma semaphore(%arg18 : memref<!tpu.dma_semaphore, #tpu.memory_space<semaphore_mem>>) src(%dma_wait3A_309 : memref<128x64xf32, #tpu.memory_space<vmem>>) dst(%dma_wait3A_315 : memref<10240x64xf32, #tpu.memory_space<vmem_shared>>)
    %dma_wait3A_316 = arith.constant 0 : i32
    %dma_wait3A_317 = arith.constant 0 : i32
    %dma_wait3A_318 = arith.constant 0 : i32
    %dma_wait3A_319 = arith.constant 0 : i32
    %dma_wait3A_320 = arith.constant 0 : i32
    %dma_wait3A_321 = tpu.memref_slice %arg10[%dma_wait3A_316, %dma_wait3A_319, %dma_wait3A_320] : memref<3x128x64xf32, #tpu.memory_space<vmem>> -> memref<1x128x64xf32, #tpu.memory_space<vmem>>
    %dma_wait3A_322 = tpu.memref_squeeze %dma_wait3A_321 : memref<1x128x64xf32, #tpu.memory_space<vmem>> -> memref<128x64xf32, #tpu.memory_space<vmem>>
    %dma_wait3A_323 = arith.constant 0 : i32
    %dma_wait3A_324 = tpu.memref_slice %arg9[%dma_wait3A_317, %dma_wait3A_318, %dma_wait3A_323] : memref<2x40x128xi32, #tpu.memory_space<vmem>> -> memref<1x1x128xi32, #tpu.memory_space<vmem>>
    %dma_wait3A_325 = tpu.memref_squeeze %dma_wait3A_324 : memref<1x1x128xi32, #tpu.memory_space<vmem>> -> memref<128xi32, #tpu.memory_space<vmem>>
    %dma_wait3A_326 = arith.constant 0 : i32
    %dma_wait3A_327 = arith.constant 0 : i32
    %dma_wait3A_328 = tpu.memref_slice %arg6[%dma_wait3A_326, %dma_wait3A_327] : memref<10240x64xf32, #tpu.memory_space<vmem_shared>> -> memref<10240x64xf32, #tpu.memory_space<vmem_shared>>
    tpu.wait_indirect_dma semaphore(%arg16 : memref<!tpu.dma_semaphore, #tpu.memory_space<semaphore_mem>>) src(%dma_wait3A_322 : memref<128x64xf32, #tpu.memory_space<vmem>>) dst(%dma_wait3A_328 : memref<10240x64xf32, #tpu.memory_space<vmem_shared>>)
    %dma_wait3A_329 = arith.constant 1 : i32
    %dma_wait3A_330 = arith.constant 0 : i32
    %dma_wait3A_331 = arith.constant 0 : i32
    %dma_wait3A_332 = tpu.memref_slice %arg8[%dma_wait3A_329, %dma_wait3A_330, %dma_wait3A_331] : memref<2x40x128xi32, #tpu.memory_space<vmem>> -> memref<1x40x128xi32, #tpu.memory_space<vmem>>
    %dma_wait3A_333 = tpu.memref_squeeze %dma_wait3A_332 : memref<1x40x128xi32, #tpu.memory_space<vmem>> -> memref<40x128xi32, #tpu.memory_space<vmem>>
    %dma_wait3A_334 = arith.constant 0 : i32
    %dma_wait3A_335 = tpu.memref_slice %arg3[%mul3A_0, %dma_wait3A_334] : memref<2560x128xi32, #tpu.memory_space<hbm>> -> memref<40x128xi32, #tpu.memory_space<hbm>>
    %dma_wait3A_336 = arith.constant 0 : i32
    %dma_wait3A_337 = arith.constant 0 : i32
    %dma_wait3A_338 = tpu.memref_slice %arg8[%dma_wait3A_329, %dma_wait3A_336, %dma_wait3A_337] : memref<2x40x128xi32, #tpu.memory_space<vmem>> -> memref<1x40x128xi32, #tpu.memory_space<vmem>>
    %dma_wait3A_339 = tpu.memref_squeeze %dma_wait3A_338 : memref<1x40x128xi32, #tpu.memory_space<vmem>> -> memref<40x128xi32, #tpu.memory_space<vmem>>
    %dma_wait3A_340 = arith.constant 0 : i32
    %dma_wait3A_341 = tpu.memref_slice %arg3[%mul3A_0, %dma_wait3A_340] : memref<2560x128xi32, #tpu.memory_space<hbm>> -> memref<40x128xi32, #tpu.memory_space<hbm>>
    tpu.wait_dma2 semaphore(%arg12 : memref<!tpu.dma_semaphore, #tpu.memory_space<semaphore_mem>>) src(%dma_wait3A_341 : memref<40x128xi32, #tpu.memory_space<hbm>>) dst(%dma_wait3A_339 : memref<40x128xi32, #tpu.memory_space<vmem>>)
    %dma_wait3A_342 = arith.constant 1 : i32
    %dma_wait3A_343 = arith.constant 0 : i32
    %dma_wait3A_344 = arith.constant 0 : i32
    %dma_wait3A_345 = tpu.memref_slice %arg9[%dma_wait3A_342, %dma_wait3A_343, %dma_wait3A_344] : memref<2x40x128xi32, #tpu.memory_space<vmem>> -> memref<1x40x128xi32, #tpu.memory_space<vmem>>
    %dma_wait3A_346 = tpu.memref_squeeze %dma_wait3A_345 : memref<1x40x128xi32, #tpu.memory_space<vmem>> -> memref<40x128xi32, #tpu.memory_space<vmem>>
    %dma_wait3A_347 = arith.constant 0 : i32
    %dma_wait3A_348 = tpu.memref_slice %arg4[%mul3A_0, %dma_wait3A_347] : memref<2560x128xi32, #tpu.memory_space<hbm>> -> memref<40x128xi32, #tpu.memory_space<hbm>>
    %dma_wait3A_349 = arith.constant 0 : i32
    %dma_wait3A_350 = arith.constant 0 : i32
    %dma_wait3A_351 = tpu.memref_slice %arg9[%dma_wait3A_342, %dma_wait3A_349, %dma_wait3A_350] : memref<2x40x128xi32, #tpu.memory_space<vmem>> -> memref<1x40x128xi32, #tpu.memory_space<vmem>>
    %dma_wait3A_352 = tpu.memref_squeeze %dma_wait3A_351 : memref<1x40x128xi32, #tpu.memory_space<vmem>> -> memref<40x128xi32, #tpu.memory_space<vmem>>
    %dma_wait3A_353 = arith.constant 0 : i32
    %dma_wait3A_354 = tpu.memref_slice %arg4[%mul3A_0, %dma_wait3A_353] : memref<2560x128xi32, #tpu.memory_space<hbm>> -> memref<40x128xi32, #tpu.memory_space<hbm>>
    tpu.wait_dma2 semaphore(%arg12 : memref<!tpu.dma_semaphore, #tpu.memory_space<semaphore_mem>>) src(%dma_wait3A_354 : memref<40x128xi32, #tpu.memory_space<hbm>>) dst(%dma_wait3A_352 : memref<40x128xi32, #tpu.memory_space<vmem>>)
    %dma_start3A_355 = arith.constant 1 : i32
    %dma_start3A_356 = arith.constant 0 : i32
    %dma_start3A_357 = arith.constant 0 : i32
    %dma_start3A_358 = arith.constant 0 : i32
    %dma_start3A_359 = arith.constant 0 : i32
    %dma_start3A_360 = tpu.memref_slice %arg10[%dma_start3A_357, %dma_start3A_358, %dma_start3A_359] : memref<3x128x64xf32, #tpu.memory_space<vmem>> -> memref<1x128x64xf32, #tpu.memory_space<vmem>>
    %dma_start3A_361 = tpu.memref_squeeze %dma_start3A_360 : memref<1x128x64xf32, #tpu.memory_space<vmem>> -> memref<128x64xf32, #tpu.memory_space<vmem>>
    %dma_start3A_362 = arith.constant 0 : i32
    %dma_start3A_363 = tpu.memref_slice %arg8[%dma_start3A_355, %dma_start3A_356, %dma_start3A_362] : memref<2x40x128xi32, #tpu.memory_space<vmem>> -> memref<1x1x128xi32, #tpu.memory_space<vmem>>
    %dma_start3A_364 = tpu.memref_squeeze %dma_start3A_363 : memref<1x1x128xi32, #tpu.memory_space<vmem>> -> memref<128xi32, #tpu.memory_space<vmem>>
    %dma_start3A_365 = arith.constant 0 : i32
    %dma_start3A_366 = arith.constant 0 : i32
    %dma_start3A_367 = tpu.memref_slice %arg7[%dma_start3A_365, %dma_start3A_366] : memref<10240x64xf32, #tpu.memory_space<vmem_shared>> -> memref<10240x64xf32, #tpu.memory_space<vmem_shared>>
    tpu.enqueue_indirect_dma source(%dma_start3A_367 : memref<10240x64xf32, #tpu.memory_space<vmem_shared>>) target(%dma_start3A_361 : memref<128x64xf32, #tpu.memory_space<vmem>>) offsets(%dma_start3A_364 : memref<128xi32, #tpu.memory_space<vmem>>) semaphore(%arg13 : memref<!tpu.dma_semaphore, #tpu.memory_space<semaphore_mem>>)
    %scan3A_368 = arith.constant 0 : i32
    %scan3A_369 = arith.constant 40 : i32
    %scan3A_370 = arith.addi %scan3A_368, %scan3A_369 : i32
    %scan3A_371 = arith.constant 1 : i32
    scf.for %scan3A_400 = %scan3A_368 to %scan3A_370 step %scan3A_371  : i32 {
      %mul3A_401 = arith.constant 1 : i32
      %mul3A_402 = arith.muli %scan3A_400, %mul3A_401 : i32
      %add3A_403 = arith.constant 0 : i32
      %add3A_404 = arith.addi %add3A_403, %mul3A_402 : i32
      %rem3A = arith.constant 3 : i32
      %rem3A_405 = arith.remsi %add3A_404, %rem3A : i32
      %eq3A = arith.constant 0 : i32
      %eq3A_406 = arith.cmpi eq, %rem3A_405, %eq3A : i32
      %convert_element_type3A = arith.extui %eq3A_406 : i1 to i32
      %cond3A = arith.constant 0 : i32
      %cond3A_407 = arith.cmpi ne, %convert_element_type3A, %cond3A : i32
      scf.if %cond3A_407 {
        %ge3A = arith.constant 2 : i32
        %ge3A_418 = arith.cmpi sge, %add3A_404, %ge3A : i32
        %convert_element_type3A_419 = arith.extui %ge3A_418 : i1 to i32
        %cond3A_420 = arith.constant 0 : i32
        %cond3A_421 = arith.cmpi ne, %convert_element_type3A_419, %cond3A_420 : i32
        scf.if %cond3A_421 {
          %dma_wait3A_453 = arith.constant 1 : i32
          %dma_wait3A_454 = arith.constant 1 : i32
          %dma_wait3A_455 = arith.constant 0 : i32
          %dma_wait3A_456 = arith.constant 0 : i32
          %dma_wait3A_457 = arith.constant 0 : i32
          %dma_wait3A_458 = tpu.memref_slice %arg10[%dma_wait3A_453, %dma_wait3A_456, %dma_wait3A_457] : memref<3x128x64xf32, #tpu.memory_space<vmem>> -> memref<1x128x64xf32, #tpu.memory_space<vmem>>
          %dma_wait3A_459 = tpu.memref_squeeze %dma_wait3A_458 : memref<1x128x64xf32, #tpu.memory_space<vmem>> -> memref<128x64xf32, #tpu.memory_space<vmem>>
          %dma_wait3A_460 = arith.constant 0 : i32
          %dma_wait3A_461 = tpu.memref_slice %arg9[%dma_wait3A_454, %dma_wait3A_455, %dma_wait3A_460] : memref<2x40x128xi32, #tpu.memory_space<vmem>> -> memref<1x1x128xi32, #tpu.memory_space<vmem>>
          %dma_wait3A_462 = tpu.memref_squeeze %dma_wait3A_461 : memref<1x1x128xi32, #tpu.memory_space<vmem>> -> memref<128xi32, #tpu.memory_space<vmem>>
          %dma_wait3A_463 = arith.constant 0 : i32
          %dma_wait3A_464 = arith.constant 0 : i32
          %dma_wait3A_465 = tpu.memref_slice %arg6[%dma_wait3A_463, %dma_wait3A_464] : memref<10240x64xf32, #tpu.memory_space<vmem_shared>> -> memref<10240x64xf32, #tpu.memory_space<vmem_shared>>
          tpu.wait_indirect_dma semaphore(%arg17 : memref<!tpu.dma_semaphore, #tpu.memory_space<semaphore_mem>>) src(%dma_wait3A_459 : memref<128x64xf32, #tpu.memory_space<vmem>>) dst(%dma_wait3A_465 : memref<10240x64xf32, #tpu.memory_space<vmem_shared>>)
        } else {
        }
        %add3A_422 = arith.constant 1 : i32
        %add3A_423 = arith.addi %add3A_404, %add3A_422 : i32
        %lt3A = arith.constant 40 : i32
        %lt3A_424 = arith.cmpi slt, %add3A_423, %lt3A : i32
        %convert_element_type3A_425 = arith.extui %lt3A_424 : i1 to i32
        %cond3A_426 = arith.constant 0 : i32
        %cond3A_427 = arith.cmpi ne, %convert_element_type3A_425, %cond3A_426 : i32
        scf.if %cond3A_427 {
          %add3A_453 = arith.constant 1 : i32
          %add3A_454 = arith.addi %add3A_404, %add3A_453 : i32
          %dma_start3A_455 = arith.constant 1 : i32
          %dma_start3A_456 = arith.constant 1 : i32
          %dma_start3A_457 = arith.constant 0 : i32
          %dma_start3A_458 = arith.constant 0 : i32
          %dma_start3A_459 = tpu.memref_slice %arg10[%dma_start3A_456, %dma_start3A_457, %dma_start3A_458] : memref<3x128x64xf32, #tpu.memory_space<vmem>> -> memref<1x128x64xf32, #tpu.memory_space<vmem>>
          %dma_start3A_460 = tpu.memref_squeeze %dma_start3A_459 : memref<1x128x64xf32, #tpu.memory_space<vmem>> -> memref<128x64xf32, #tpu.memory_space<vmem>>
          %dma_start3A_461 = arith.constant 0 : i32
          %dma_start3A_462 = tpu.memref_slice %arg8[%dma_start3A_455, %add3A_454, %dma_start3A_461] : memref<2x40x128xi32, #tpu.memory_space<vmem>> -> memref<1x1x128xi32, #tpu.memory_space<vmem>>
          %dma_start3A_463 = tpu.memref_squeeze %dma_start3A_462 : memref<1x1x128xi32, #tpu.memory_space<vmem>> -> memref<128xi32, #tpu.memory_space<vmem>>
          %dma_start3A_464 = arith.constant 0 : i32
          %dma_start3A_465 = arith.constant 0 : i32
          %dma_start3A_466 = tpu.memref_slice %arg7[%dma_start3A_464, %dma_start3A_465] : memref<10240x64xf32, #tpu.memory_space<vmem_shared>> -> memref<10240x64xf32, #tpu.memory_space<vmem_shared>>
          tpu.enqueue_indirect_dma source(%dma_start3A_466 : memref<10240x64xf32, #tpu.memory_space<vmem_shared>>) target(%dma_start3A_460 : memref<128x64xf32, #tpu.memory_space<vmem>>) offsets(%dma_start3A_463 : memref<128xi32, #tpu.memory_space<vmem>>) semaphore(%arg14 : memref<!tpu.dma_semaphore, #tpu.memory_space<semaphore_mem>>)
        } else {
        }
        %dma_wait3A_428 = arith.constant 1 : i32
        %dma_wait3A_429 = arith.constant 0 : i32
        %dma_wait3A_430 = arith.constant 0 : i32
        %dma_wait3A_431 = arith.constant 0 : i32
        %dma_wait3A_432 = arith.constant 0 : i32
        %dma_wait3A_433 = tpu.memref_slice %arg10[%dma_wait3A_430, %dma_wait3A_431, %dma_wait3A_432] : memref<3x128x64xf32, #tpu.memory_space<vmem>> -> memref<1x128x64xf32, #tpu.memory_space<vmem>>
        %dma_wait3A_434 = tpu.memref_squeeze %dma_wait3A_433 : memref<1x128x64xf32, #tpu.memory_space<vmem>> -> memref<128x64xf32, #tpu.memory_space<vmem>>
        %dma_wait3A_435 = arith.constant 0 : i32
        %dma_wait3A_436 = tpu.memref_slice %arg8[%dma_wait3A_428, %dma_wait3A_429, %dma_wait3A_435] : memref<2x40x128xi32, #tpu.memory_space<vmem>> -> memref<1x1x128xi32, #tpu.memory_space<vmem>>
        %dma_wait3A_437 = tpu.memref_squeeze %dma_wait3A_436 : memref<1x1x128xi32, #tpu.memory_space<vmem>> -> memref<128xi32, #tpu.memory_space<vmem>>
        %dma_wait3A_438 = arith.constant 0 : i32
        %dma_wait3A_439 = arith.constant 0 : i32
        %dma_wait3A_440 = tpu.memref_slice %arg7[%dma_wait3A_438, %dma_wait3A_439] : memref<10240x64xf32, #tpu.memory_space<vmem_shared>> -> memref<10240x64xf32, #tpu.memory_space<vmem_shared>>
        tpu.wait_indirect_dma semaphore(%arg13 : memref<!tpu.dma_semaphore, #tpu.memory_space<semaphore_mem>>) src(%dma_wait3A_440 : memref<10240x64xf32, #tpu.memory_space<vmem_shared>>) dst(%dma_wait3A_434 : memref<128x64xf32, #tpu.memory_space<vmem>>)
        %dma_start3A_441 = arith.constant 0 : i32
        %dma_start3A_442 = arith.constant 1 : i32
        %dma_start3A_443 = arith.constant 0 : i32
        %dma_start3A_444 = arith.constant 0 : i32
        %dma_start3A_445 = tpu.memref_slice %arg10[%dma_start3A_441, %dma_start3A_443, %dma_start3A_444] : memref<3x128x64xf32, #tpu.memory_space<vmem>> -> memref<1x128x64xf32, #tpu.memory_space<vmem>>
        %dma_start3A_446 = tpu.memref_squeeze %dma_start3A_445 : memref<1x128x64xf32, #tpu.memory_space<vmem>> -> memref<128x64xf32, #tpu.memory_space<vmem>>
        %dma_start3A_447 = arith.constant 0 : i32
        %dma_start3A_448 = tpu.memref_slice %arg9[%dma_start3A_442, %add3A_404, %dma_start3A_447] : memref<2x40x128xi32, #tpu.memory_space<vmem>> -> memref<1x1x128xi32, #tpu.memory_space<vmem>>
        %dma_start3A_449 = tpu.memref_squeeze %dma_start3A_448 : memref<1x1x128xi32, #tpu.memory_space<vmem>> -> memref<128xi32, #tpu.memory_space<vmem>>
        %dma_start3A_450 = arith.constant 0 : i32
        %dma_start3A_451 = arith.constant 0 : i32
        %dma_start3A_452 = tpu.memref_slice %arg6[%dma_start3A_450, %dma_start3A_451] : memref<10240x64xf32, #tpu.memory_space<vmem_shared>> -> memref<10240x64xf32, #tpu.memory_space<vmem_shared>>
        tpu.enqueue_indirect_dma source(%dma_start3A_446 : memref<128x64xf32, #tpu.memory_space<vmem>>) target(%dma_start3A_452 : memref<10240x64xf32, #tpu.memory_space<vmem_shared>>) offsets(%dma_start3A_449 : memref<128xi32, #tpu.memory_space<vmem>>) semaphore(%arg16 : memref<!tpu.dma_semaphore, #tpu.memory_space<semaphore_mem>>) {add = true}
      } else {
      }
      %eq3A_408 = arith.constant 1 : i32
      %eq3A_409 = arith.cmpi eq, %rem3A_405, %eq3A_408 : i32
      %convert_element_type3A_410 = arith.extui %eq3A_409 : i1 to i32
      %cond3A_411 = arith.constant 0 : i32
      %cond3A_412 = arith.cmpi ne, %convert_element_type3A_410, %cond3A_411 : i32
      scf.if %cond3A_412 {
        %ge3A = arith.constant 2 : i32
        %ge3A_418 = arith.cmpi sge, %add3A_404, %ge3A : i32
        %convert_element_type3A_419 = arith.extui %ge3A_418 : i1 to i32
        %cond3A_420 = arith.constant 0 : i32
        %cond3A_421 = arith.cmpi ne, %convert_element_type3A_419, %cond3A_420 : i32
        scf.if %cond3A_421 {
          %dma_wait3A_453 = arith.constant 2 : i32
          %dma_wait3A_454 = arith.constant 1 : i32
          %dma_wait3A_455 = arith.constant 0 : i32
          %dma_wait3A_456 = arith.constant 0 : i32
          %dma_wait3A_457 = arith.constant 0 : i32
          %dma_wait3A_458 = tpu.memref_slice %arg10[%dma_wait3A_453, %dma_wait3A_456, %dma_wait3A_457] : memref<3x128x64xf32, #tpu.memory_space<vmem>> -> memref<1x128x64xf32, #tpu.memory_space<vmem>>
          %dma_wait3A_459 = tpu.memref_squeeze %dma_wait3A_458 : memref<1x128x64xf32, #tpu.memory_space<vmem>> -> memref<128x64xf32, #tpu.memory_space<vmem>>
          %dma_wait3A_460 = arith.constant 0 : i32
          %dma_wait3A_461 = tpu.memref_slice %arg9[%dma_wait3A_454, %dma_wait3A_455, %dma_wait3A_460] : memref<2x40x128xi32, #tpu.memory_space<vmem>> -> memref<1x1x128xi32, #tpu.memory_space<vmem>>
          %dma_wait3A_462 = tpu.memref_squeeze %dma_wait3A_461 : memref<1x1x128xi32, #tpu.memory_space<vmem>> -> memref<128xi32, #tpu.memory_space<vmem>>
          %dma_wait3A_463 = arith.constant 0 : i32
          %dma_wait3A_464 = arith.constant 0 : i32
          %dma_wait3A_465 = tpu.memref_slice %arg6[%dma_wait3A_463, %dma_wait3A_464] : memref<10240x64xf32, #tpu.memory_space<vmem_shared>> -> memref<10240x64xf32, #tpu.memory_space<vmem_shared>>
          tpu.wait_indirect_dma semaphore(%arg18 : memref<!tpu.dma_semaphore, #tpu.memory_space<semaphore_mem>>) src(%dma_wait3A_459 : memref<128x64xf32, #tpu.memory_space<vmem>>) dst(%dma_wait3A_465 : memref<10240x64xf32, #tpu.memory_space<vmem_shared>>)
        } else {
        }
        %add3A_422 = arith.constant 1 : i32
        %add3A_423 = arith.addi %add3A_404, %add3A_422 : i32
        %lt3A = arith.constant 40 : i32
        %lt3A_424 = arith.cmpi slt, %add3A_423, %lt3A : i32
        %convert_element_type3A_425 = arith.extui %lt3A_424 : i1 to i32
        %cond3A_426 = arith.constant 0 : i32
        %cond3A_427 = arith.cmpi ne, %convert_element_type3A_425, %cond3A_426 : i32
        scf.if %cond3A_427 {
          %add3A_453 = arith.constant 1 : i32
          %add3A_454 = arith.addi %add3A_404, %add3A_453 : i32
          %dma_start3A_455 = arith.constant 1 : i32
          %dma_start3A_456 = arith.constant 2 : i32
          %dma_start3A_457 = arith.constant 0 : i32
          %dma_start3A_458 = arith.constant 0 : i32
          %dma_start3A_459 = tpu.memref_slice %arg10[%dma_start3A_456, %dma_start3A_457, %dma_start3A_458] : memref<3x128x64xf32, #tpu.memory_space<vmem>> -> memref<1x128x64xf32, #tpu.memory_space<vmem>>
          %dma_start3A_460 = tpu.memref_squeeze %dma_start3A_459 : memref<1x128x64xf32, #tpu.memory_space<vmem>> -> memref<128x64xf32, #tpu.memory_space<vmem>>
          %dma_start3A_461 = arith.constant 0 : i32
          %dma_start3A_462 = tpu.memref_slice %arg8[%dma_start3A_455, %add3A_454, %dma_start3A_461] : memref<2x40x128xi32, #tpu.memory_space<vmem>> -> memref<1x1x128xi32, #tpu.memory_space<vmem>>
          %dma_start3A_463 = tpu.memref_squeeze %dma_start3A_462 : memref<1x1x128xi32, #tpu.memory_space<vmem>> -> memref<128xi32, #tpu.memory_space<vmem>>
          %dma_start3A_464 = arith.constant 0 : i32
          %dma_start3A_465 = arith.constant 0 : i32
          %dma_start3A_466 = tpu.memref_slice %arg7[%dma_start3A_464, %dma_start3A_465] : memref<10240x64xf32, #tpu.memory_space<vmem_shared>> -> memref<10240x64xf32, #tpu.memory_space<vmem_shared>>
          tpu.enqueue_indirect_dma source(%dma_start3A_466 : memref<10240x64xf32, #tpu.memory_space<vmem_shared>>) target(%dma_start3A_460 : memref<128x64xf32, #tpu.memory_space<vmem>>) offsets(%dma_start3A_463 : memref<128xi32, #tpu.memory_space<vmem>>) semaphore(%arg15 : memref<!tpu.dma_semaphore, #tpu.memory_space<semaphore_mem>>)
        } else {
        }
        %dma_wait3A_428 = arith.constant 1 : i32
        %dma_wait3A_429 = arith.constant 0 : i32
        %dma_wait3A_430 = arith.constant 1 : i32
        %dma_wait3A_431 = arith.constant 0 : i32
        %dma_wait3A_432 = arith.constant 0 : i32
        %dma_wait3A_433 = tpu.memref_slice %arg10[%dma_wait3A_430, %dma_wait3A_431, %dma_wait3A_432] : memref<3x128x64xf32, #tpu.memory_space<vmem>> -> memref<1x128x64xf32, #tpu.memory_space<vmem>>
        %dma_wait3A_434 = tpu.memref_squeeze %dma_wait3A_433 : memref<1x128x64xf32, #tpu.memory_space<vmem>> -> memref<128x64xf32, #tpu.memory_space<vmem>>
        %dma_wait3A_435 = arith.constant 0 : i32
        %dma_wait3A_436 = tpu.memref_slice %arg8[%dma_wait3A_428, %dma_wait3A_429, %dma_wait3A_435] : memref<2x40x128xi32, #tpu.memory_space<vmem>> -> memref<1x1x128xi32, #tpu.memory_space<vmem>>
        %dma_wait3A_437 = tpu.memref_squeeze %dma_wait3A_436 : memref<1x1x128xi32, #tpu.memory_space<vmem>> -> memref<128xi32, #tpu.memory_space<vmem>>
        %dma_wait3A_438 = arith.constant 0 : i32
        %dma_wait3A_439 = arith.constant 0 : i32
        %dma_wait3A_440 = tpu.memref_slice %arg7[%dma_wait3A_438, %dma_wait3A_439] : memref<10240x64xf32, #tpu.memory_space<vmem_shared>> -> memref<10240x64xf32, #tpu.memory_space<vmem_shared>>
        tpu.wait_indirect_dma semaphore(%arg14 : memref<!tpu.dma_semaphore, #tpu.memory_space<semaphore_mem>>) src(%dma_wait3A_440 : memref<10240x64xf32, #tpu.memory_space<vmem_shared>>) dst(%dma_wait3A_434 : memref<128x64xf32, #tpu.memory_space<vmem>>)
        %dma_start3A_441 = arith.constant 1 : i32
        %dma_start3A_442 = arith.constant 1 : i32
        %dma_start3A_443 = arith.constant 0 : i32
        %dma_start3A_444 = arith.constant 0 : i32
        %dma_start3A_445 = tpu.memref_slice %arg10[%dma_start3A_441, %dma_start3A_443, %dma_start3A_444] : memref<3x128x64xf32, #tpu.memory_space<vmem>> -> memref<1x128x64xf32, #tpu.memory_space<vmem>>
        %dma_start3A_446 = tpu.memref_squeeze %dma_start3A_445 : memref<1x128x64xf32, #tpu.memory_space<vmem>> -> memref<128x64xf32, #tpu.memory_space<vmem>>
        %dma_start3A_447 = arith.constant 0 : i32
        %dma_start3A_448 = tpu.memref_slice %arg9[%dma_start3A_442, %add3A_404, %dma_start3A_447] : memref<2x40x128xi32, #tpu.memory_space<vmem>> -> memref<1x1x128xi32, #tpu.memory_space<vmem>>
        %dma_start3A_449 = tpu.memref_squeeze %dma_start3A_448 : memref<1x1x128xi32, #tpu.memory_space<vmem>> -> memref<128xi32, #tpu.memory_space<vmem>>
        %dma_start3A_450 = arith.constant 0 : i32
        %dma_start3A_451 = arith.constant 0 : i32
        %dma_start3A_452 = tpu.memref_slice %arg6[%dma_start3A_450, %dma_start3A_451] : memref<10240x64xf32, #tpu.memory_space<vmem_shared>> -> memref<10240x64xf32, #tpu.memory_space<vmem_shared>>
        tpu.enqueue_indirect_dma source(%dma_start3A_446 : memref<128x64xf32, #tpu.memory_space<vmem>>) target(%dma_start3A_452 : memref<10240x64xf32, #tpu.memory_space<vmem_shared>>) offsets(%dma_start3A_449 : memref<128xi32, #tpu.memory_space<vmem>>) semaphore(%arg17 : memref<!tpu.dma_semaphore, #tpu.memory_space<semaphore_mem>>) {add = true}
      } else {
      }
      %eq3A_413 = arith.constant 2 : i32
      %eq3A_414 = arith.cmpi eq, %rem3A_405, %eq3A_413 : i32
      %convert_element_type3A_415 = arith.extui %eq3A_414 : i1 to i32
      %cond3A_416 = arith.constant 0 : i32
      %cond3A_417 = arith.cmpi ne, %convert_element_type3A_415, %cond3A_416 : i32
      scf.if %cond3A_417 {
        %ge3A = arith.constant 2 : i32
        %ge3A_418 = arith.cmpi sge, %add3A_404, %ge3A : i32
        %convert_element_type3A_419 = arith.extui %ge3A_418 : i1 to i32
        %cond3A_420 = arith.constant 0 : i32
        %cond3A_421 = arith.cmpi ne, %convert_element_type3A_419, %cond3A_420 : i32
        scf.if %cond3A_421 {
          %dma_wait3A_453 = arith.constant 0 : i32
          %dma_wait3A_454 = arith.constant 1 : i32
          %dma_wait3A_455 = arith.constant 0 : i32
          %dma_wait3A_456 = arith.constant 0 : i32
          %dma_wait3A_457 = arith.constant 0 : i32
          %dma_wait3A_458 = tpu.memref_slice %arg10[%dma_wait3A_453, %dma_wait3A_456, %dma_wait3A_457] : memref<3x128x64xf32, #tpu.memory_space<vmem>> -> memref<1x128x64xf32, #tpu.memory_space<vmem>>
          %dma_wait3A_459 = tpu.memref_squeeze %dma_wait3A_458 : memref<1x128x64xf32, #tpu.memory_space<vmem>> -> memref<128x64xf32, #tpu.memory_space<vmem>>
          %dma_wait3A_460 = arith.constant 0 : i32
          %dma_wait3A_461 = tpu.memref_slice %arg9[%dma_wait3A_454, %dma_wait3A_455, %dma_wait3A_460] : memref<2x40x128xi32, #tpu.memory_space<vmem>> -> memref<1x1x128xi32, #tpu.memory_space<vmem>>
          %dma_wait3A_462 = tpu.memref_squeeze %dma_wait3A_461 : memref<1x1x128xi32, #tpu.memory_space<vmem>> -> memref<128xi32, #tpu.memory_space<vmem>>
          %dma_wait3A_463 = arith.constant 0 : i32
          %dma_wait3A_464 = arith.constant 0 : i32
          %dma_wait3A_465 = tpu.memref_slice %arg6[%dma_wait3A_463, %dma_wait3A_464] : memref<10240x64xf32, #tpu.memory_space<vmem_shared>> -> memref<10240x64xf32, #tpu.memory_space<vmem_shared>>
          tpu.wait_indirect_dma semaphore(%arg16 : memref<!tpu.dma_semaphore, #tpu.memory_space<semaphore_mem>>) src(%dma_wait3A_459 : memref<128x64xf32, #tpu.memory_space<vmem>>) dst(%dma_wait3A_465 : memref<10240x64xf32, #tpu.memory_space<vmem_shared>>)
        } else {
        }
        %add3A_422 = arith.constant 1 : i32
        %add3A_423 = arith.addi %add3A_404, %add3A_422 : i32
        %lt3A = arith.constant 40 : i32
        %lt3A_424 = arith.cmpi slt, %add3A_423, %lt3A : i32
        %convert_element_type3A_425 = arith.extui %lt3A_424 : i1 to i32
        %cond3A_426 = arith.constant 0 : i32
        %cond3A_427 = arith.cmpi ne, %convert_element_type3A_425, %cond3A_426 : i32
        scf.if %cond3A_427 {
          %add3A_453 = arith.constant 1 : i32
          %add3A_454 = arith.addi %add3A_404, %add3A_453 : i32
          %dma_start3A_455 = arith.constant 1 : i32
          %dma_start3A_456 = arith.constant 0 : i32
          %dma_start3A_457 = arith.constant 0 : i32
          %dma_start3A_458 = arith.constant 0 : i32
          %dma_start3A_459 = tpu.memref_slice %arg10[%dma_start3A_456, %dma_start3A_457, %dma_start3A_458] : memref<3x128x64xf32, #tpu.memory_space<vmem>> -> memref<1x128x64xf32, #tpu.memory_space<vmem>>
          %dma_start3A_460 = tpu.memref_squeeze %dma_start3A_459 : memref<1x128x64xf32, #tpu.memory_space<vmem>> -> memref<128x64xf32, #tpu.memory_space<vmem>>
          %dma_start3A_461 = arith.constant 0 : i32
          %dma_start3A_462 = tpu.memref_slice %arg8[%dma_start3A_455, %add3A_454, %dma_start3A_461] : memref<2x40x128xi32, #tpu.memory_space<vmem>> -> memref<1x1x128xi32, #tpu.memory_space<vmem>>
          %dma_start3A_463 = tpu.memref_squeeze %dma_start3A_462 : memref<1x1x128xi32, #tpu.memory_space<vmem>> -> memref<128xi32, #tpu.memory_space<vmem>>
          %dma_start3A_464 = arith.constant 0 : i32
          %dma_start3A_465 = arith.constant 0 : i32
          %dma_start3A_466 = tpu.memref_slice %arg7[%dma_start3A_464, %dma_start3A_465] : memref<10240x64xf32, #tpu.memory_space<vmem_shared>> -> memref<10240x64xf32, #tpu.memory_space<vmem_shared>>
          tpu.enqueue_indirect_dma source(%dma_start3A_466 : memref<10240x64xf32, #tpu.memory_space<vmem_shared>>) target(%dma_start3A_460 : memref<128x64xf32, #tpu.memory_space<vmem>>) offsets(%dma_start3A_463 : memref<128xi32, #tpu.memory_space<vmem>>) semaphore(%arg13 : memref<!tpu.dma_semaphore, #tpu.memory_space<semaphore_mem>>)
        } else {
        }
        %dma_wait3A_428 = arith.constant 1 : i32
        %dma_wait3A_429 = arith.constant 0 : i32
        %dma_wait3A_430 = arith.constant 2 : i32
        %dma_wait3A_431 = arith.constant 0 : i32
        %dma_wait3A_432 = arith.constant 0 : i32
        %dma_wait3A_433 = tpu.memref_slice %arg10[%dma_wait3A_430, %dma_wait3A_431, %dma_wait3A_432] : memref<3x128x64xf32, #tpu.memory_space<vmem>> -> memref<1x128x64xf32, #tpu.memory_space<vmem>>
        %dma_wait3A_434 = tpu.memref_squeeze %dma_wait3A_433 : memref<1x128x64xf32, #tpu.memory_space<vmem>> -> memref<128x64xf32, #tpu.memory_space<vmem>>
        %dma_wait3A_435 = arith.constant 0 : i32
        %dma_wait3A_436 = tpu.memref_slice %arg8[%dma_wait3A_428, %dma_wait3A_429, %dma_wait3A_435] : memref<2x40x128xi32, #tpu.memory_space<vmem>> -> memref<1x1x128xi32, #tpu.memory_space<vmem>>
        %dma_wait3A_437 = tpu.memref_squeeze %dma_wait3A_436 : memref<1x1x128xi32, #tpu.memory_space<vmem>> -> memref<128xi32, #tpu.memory_space<vmem>>
        %dma_wait3A_438 = arith.constant 0 : i32
        %dma_wait3A_439 = arith.constant 0 : i32
        %dma_wait3A_440 = tpu.memref_slice %arg7[%dma_wait3A_438, %dma_wait3A_439] : memref<10240x64xf32, #tpu.memory_space<vmem_shared>> -> memref<10240x64xf32, #tpu.memory_space<vmem_shared>>
        tpu.wait_indirect_dma semaphore(%arg15 : memref<!tpu.dma_semaphore, #tpu.memory_space<semaphore_mem>>) src(%dma_wait3A_440 : memref<10240x64xf32, #tpu.memory_space<vmem_shared>>) dst(%dma_wait3A_434 : memref<128x64xf32, #tpu.memory_space<vmem>>)
        %dma_start3A_441 = arith.constant 2 : i32
        %dma_start3A_442 = arith.constant 1 : i32
        %dma_start3A_443 = arith.constant 0 : i32
        %dma_start3A_444 = arith.constant 0 : i32
        %dma_start3A_445 = tpu.memref_slice %arg10[%dma_start3A_441, %dma_start3A_443, %dma_start3A_444] : memref<3x128x64xf32, #tpu.memory_space<vmem>> -> memref<1x128x64xf32, #tpu.memory_space<vmem>>
        %dma_start3A_446 = tpu.memref_squeeze %dma_start3A_445 : memref<1x128x64xf32, #tpu.memory_space<vmem>> -> memref<128x64xf32, #tpu.memory_space<vmem>>
        %dma_start3A_447 = arith.constant 0 : i32
        %dma_start3A_448 = tpu.memref_slice %arg9[%dma_start3A_442, %add3A_404, %dma_start3A_447] : memref<2x40x128xi32, #tpu.memory_space<vmem>> -> memref<1x1x128xi32, #tpu.memory_space<vmem>>
        %dma_start3A_449 = tpu.memref_squeeze %dma_start3A_448 : memref<1x1x128xi32, #tpu.memory_space<vmem>> -> memref<128xi32, #tpu.memory_space<vmem>>
        %dma_start3A_450 = arith.constant 0 : i32
        %dma_start3A_451 = arith.constant 0 : i32
        %dma_start3A_452 = tpu.memref_slice %arg6[%dma_start3A_450, %dma_start3A_451] : memref<10240x64xf32, #tpu.memory_space<vmem_shared>> -> memref<10240x64xf32, #tpu.memory_space<vmem_shared>>
        tpu.enqueue_indirect_dma source(%dma_start3A_446 : memref<128x64xf32, #tpu.memory_space<vmem>>) target(%dma_start3A_452 : memref<10240x64xf32, #tpu.memory_space<vmem_shared>>) offsets(%dma_start3A_449 : memref<128xi32, #tpu.memory_space<vmem>>) semaphore(%arg18 : memref<!tpu.dma_semaphore, #tpu.memory_space<semaphore_mem>>) {add = true}
      } else {
      }
    }
    %scan3A_372 = arith.constant 40 : i32
    %dma_wait3A_373 = arith.constant 2 : i32
    %dma_wait3A_374 = arith.constant 1 : i32
    %dma_wait3A_375 = arith.constant 0 : i32
    %dma_wait3A_376 = arith.constant 0 : i32
    %dma_wait3A_377 = arith.constant 0 : i32
    %dma_wait3A_378 = tpu.memref_slice %arg10[%dma_wait3A_373, %dma_wait3A_376, %dma_wait3A_377] : memref<3x128x64xf32, #tpu.memory_space<vmem>> -> memref<1x128x64xf32, #tpu.memory_space<vmem>>
    %dma_wait3A_379 = tpu.memref_squeeze %dma_wait3A_378 : memref<1x128x64xf32, #tpu.memory_space<vmem>> -> memref<128x64xf32, #tpu.memory_space<vmem>>
    %dma_wait3A_380 = arith.constant 0 : i32
    %dma_wait3A_381 = tpu.memref_slice %arg9[%dma_wait3A_374, %dma_wait3A_375, %dma_wait3A_380] : memref<2x40x128xi32, #tpu.memory_space<vmem>> -> memref<1x1x128xi32, #tpu.memory_space<vmem>>
    %dma_wait3A_382 = tpu.memref_squeeze %dma_wait3A_381 : memref<1x1x128xi32, #tpu.memory_space<vmem>> -> memref<128xi32, #tpu.memory_space<vmem>>
    %dma_wait3A_383 = arith.constant 0 : i32
    %dma_wait3A_384 = arith.constant 0 : i32
    %dma_wait3A_385 = tpu.memref_slice %arg6[%dma_wait3A_383, %dma_wait3A_384] : memref<10240x64xf32, #tpu.memory_space<vmem_shared>> -> memref<10240x64xf32, #tpu.memory_space<vmem_shared>>
    tpu.wait_indirect_dma semaphore(%arg18 : memref<!tpu.dma_semaphore, #tpu.memory_space<semaphore_mem>>) src(%dma_wait3A_379 : memref<128x64xf32, #tpu.memory_space<vmem>>) dst(%dma_wait3A_385 : memref<10240x64xf32, #tpu.memory_space<vmem_shared>>)
    %dma_wait3A_386 = arith.constant 0 : i32
    %dma_wait3A_387 = arith.constant 1 : i32
    %dma_wait3A_388 = arith.constant 0 : i32
    %dma_wait3A_389 = arith.constant 0 : i32
    %dma_wait3A_390 = arith.constant 0 : i32
    %dma_wait3A_391 = tpu.memref_slice %arg10[%dma_wait3A_386, %dma_wait3A_389, %dma_wait3A_390] : memref<3x128x64xf32, #tpu.memory_space<vmem>> -> memref<1x128x64xf32, #tpu.memory_space<vmem>>
    %dma_wait3A_392 = tpu.memref_squeeze %dma_wait3A_391 : memref<1x128x64xf32, #tpu.memory_space<vmem>> -> memref<128x64xf32, #tpu.memory_space<vmem>>
    %dma_wait3A_393 = arith.constant 0 : i32
    %dma_wait3A_394 = tpu.memref_slice %arg9[%dma_wait3A_387, %dma_wait3A_388, %dma_wait3A_393] : memref<2x40x128xi32, #tpu.memory_space<vmem>> -> memref<1x1x128xi32, #tpu.memory_space<vmem>>
    %dma_wait3A_395 = tpu.memref_squeeze %dma_wait3A_394 : memref<1x1x128xi32, #tpu.memory_space<vmem>> -> memref<128xi32, #tpu.memory_space<vmem>>
    %dma_wait3A_396 = arith.constant 0 : i32
    %dma_wait3A_397 = arith.constant 0 : i32
    %dma_wait3A_398 = tpu.memref_slice %arg6[%dma_wait3A_396, %dma_wait3A_397] : memref<10240x64xf32, #tpu.memory_space<vmem_shared>> -> memref<10240x64xf32, #tpu.memory_space<vmem_shared>>
    tpu.wait_indirect_dma semaphore(%arg16 : memref<!tpu.dma_semaphore, #tpu.memory_space<semaphore_mem>>) src(%dma_wait3A_392 : memref<128x64xf32, #tpu.memory_space<vmem>>) dst(%dma_wait3A_398 : memref<10240x64xf32, #tpu.memory_space<vmem_shared>>)
    %barrier3A_399 = arith.constant 0 : index
    tpu.barrier barrier_id(%barrier3A_399)
    "tpu.region"() ({
      %run_scoped3A = tpu.sem_alloc : memref<!tpu.dma_semaphore, #tpu.memory_space<semaphore_mem>>
      %dma_start3A_400 = arith.constant 0 : i32
      %dma_start3A_401 = tpu.memref_slice %arg5[%arg0, %mul3A_2, %dma_start3A_400] : memref<2x10240x64xf32, #tpu.memory_space<hbm>> -> memref<1x640x64xf32, #tpu.memory_space<hbm>>
      %dma_start3A_402 = tpu.memref_squeeze %dma_start3A_401 : memref<1x640x64xf32, #tpu.memory_space<hbm>> -> memref<640x64xf32, #tpu.memory_space<hbm>>
      %dma_start3A_403 = arith.constant 0 : i32
      %dma_start3A_404 = tpu.memref_slice %arg6[%mul3A_2, %dma_start3A_403] : memref<10240x64xf32, #tpu.memory_space<vmem_shared>> -> memref<640x64xf32, #tpu.memory_space<vmem_shared>>
      tpu.enqueue_dma source(%dma_start3A_404 : memref<640x64xf32, #tpu.memory_space<vmem_shared>>) target(%dma_start3A_402 : memref<640x64xf32, #tpu.memory_space<hbm>>) target_semaphore(%run_scoped3A : memref<!tpu.dma_semaphore, #tpu.memory_space<semaphore_mem>>)
      %dma_wait3A_405 = arith.constant 0 : i32
      %dma_wait3A_406 = tpu.memref_slice %arg5[%arg0, %mul3A_2, %dma_wait3A_405] : memref<2x10240x64xf32, #tpu.memory_space<hbm>> -> memref<1x640x64xf32, #tpu.memory_space<hbm>>
      %dma_wait3A_407 = tpu.memref_squeeze %dma_wait3A_406 : memref<1x640x64xf32, #tpu.memory_space<hbm>> -> memref<640x64xf32, #tpu.memory_space<hbm>>
      %dma_wait3A_408 = arith.constant 0 : i32
      %dma_wait3A_409 = tpu.memref_slice %arg6[%mul3A_2, %dma_wait3A_408] : memref<10240x64xf32, #tpu.memory_space<vmem_shared>> -> memref<640x64xf32, #tpu.memory_space<vmem_shared>>
      tpu.wait_dma2 semaphore(%run_scoped3A : memref<!tpu.dma_semaphore, #tpu.memory_space<semaphore_mem>>) src(%dma_wait3A_409 : memref<640x64xf32, #tpu.memory_space<vmem_shared>>) dst(%dma_wait3A_407 : memref<640x64xf32, #tpu.memory_space<hbm>>)
      tpu.yield
    }) : () -> ()
    return
  }
}

#map = affine_map<(d0, d1) -> (0, 0)>
#map1 = affine_map<(d0, d1) -> (0)>
module attributes {stable_mosaic.version = 14 : i64} {
  func.func @_deg_kernel(%arg0: i32, %arg1: i32, %arg2: memref<2560x128xi32, #tpu.memory_space<hbm>>, %arg3: memref<10240xf32, #tpu.memory_space<hbm>>, %arg4: memref<2x10240xf32, #tpu.memory_space<hbm>>, %arg5: memref<10240xf32, #tpu.memory_space<vmem_shared>>, %arg6: memref<80x128xi32, #tpu.memory_space<vmem>>, %arg7: memref<128xf32, #tpu.memory_space<vmem>>, %arg8: memref<!tpu.dma_semaphore, #tpu.memory_space<semaphore_mem>>) attributes {dimension_semantics = [#tpu.dimension_semantics<core_parallel>, #tpu.dimension_semantics<subcore_parallel>], iteration_bounds = array<i64: 2, 16>, scalar_prefetch = 0 : i64, scratch_operands = 4 : i64, tpu.core_type = #tpu.core_type<sc_vector_subcore>, window_params = [{transform_indices = #map}, {transform_indices = #map1}, {transform_indices = #map}]} {
    %broadcast_in_dim3A = arith.constant 1.000000e+00 : f32
    %broadcast_in_dim3A_0 = vector.broadcast %broadcast_in_dim3A : f32 to vector<16xf32>
    %swap3A = arith.constant 0 : index
    %swap3A_1 = tpu.vector_load %arg7[%swap3A] {strides = array<i32>} : memref<128xf32, #tpu.memory_space<vmem>>, vector<16xf32>,
    %swap3A_2 = vector.shape_cast %swap3A_1 : vector<16xf32> to vector<16xf32>
    %swap3A_3 = vector.shape_cast %broadcast_in_dim3A_0 : vector<16xf32> to vector<16xf32>
    tpu.vector_store %arg7[%swap3A], %swap3A_3 {strides = array<i32>} : memref<128xf32, #tpu.memory_space<vmem>>, vector<16xf32>,
    %broadcast_in_dim3A_4 = arith.constant 1.000000e+00 : f32
    %broadcast_in_dim3A_5 = vector.broadcast %broadcast_in_dim3A_4 : f32 to vector<16xf32>
    %swap3A_6 = arith.constant 16 : index
    %swap3A_7 = tpu.vector_load %arg7[%swap3A_6] {strides = array<i32>} : memref<128xf32, #tpu.memory_space<vmem>>, vector<16xf32>,
    %swap3A_8 = vector.shape_cast %swap3A_7 : vector<16xf32> to vector<16xf32>
    %swap3A_9 = vector.shape_cast %broadcast_in_dim3A_5 : vector<16xf32> to vector<16xf32>
    tpu.vector_store %arg7[%swap3A_6], %swap3A_9 {strides = array<i32>} : memref<128xf32, #tpu.memory_space<vmem>>, vector<16xf32>,
    %broadcast_in_dim3A_10 = arith.constant 1.000000e+00 : f32
    %broadcast_in_dim3A_11 = vector.broadcast %broadcast_in_dim3A_10 : f32 to vector<16xf32>
    %swap3A_12 = arith.constant 32 : index
    %swap3A_13 = tpu.vector_load %arg7[%swap3A_12] {strides = array<i32>} : memref<128xf32, #tpu.memory_space<vmem>>, vector<16xf32>,
    %swap3A_14 = vector.shape_cast %swap3A_13 : vector<16xf32> to vector<16xf32>
    %swap3A_15 = vector.shape_cast %broadcast_in_dim3A_11 : vector<16xf32> to vector<16xf32>
    tpu.vector_store %arg7[%swap3A_12], %swap3A_15 {strides = array<i32>} : memref<128xf32, #tpu.memory_space<vmem>>, vector<16xf32>,
    %broadcast_in_dim3A_16 = arith.constant 1.000000e+00 : f32
    %broadcast_in_dim3A_17 = vector.broadcast %broadcast_in_dim3A_16 : f32 to vector<16xf32>
    %swap3A_18 = arith.constant 48 : index
    %swap3A_19 = tpu.vector_load %arg7[%swap3A_18] {strides = array<i32>} : memref<128xf32, #tpu.memory_space<vmem>>, vector<16xf32>,
    %swap3A_20 = vector.shape_cast %swap3A_19 : vector<16xf32> to vector<16xf32>
    %swap3A_21 = vector.shape_cast %broadcast_in_dim3A_17 : vector<16xf32> to vector<16xf32>
    tpu.vector_store %arg7[%swap3A_18], %swap3A_21 {strides = array<i32>} : memref<128xf32, #tpu.memory_space<vmem>>, vector<16xf32>,
    %broadcast_in_dim3A_22 = arith.constant 1.000000e+00 : f32
    %broadcast_in_dim3A_23 = vector.broadcast %broadcast_in_dim3A_22 : f32 to vector<16xf32>
    %swap3A_24 = arith.constant 64 : index
    %swap3A_25 = tpu.vector_load %arg7[%swap3A_24] {strides = array<i32>} : memref<128xf32, #tpu.memory_space<vmem>>, vector<16xf32>,
    %swap3A_26 = vector.shape_cast %swap3A_25 : vector<16xf32> to vector<16xf32>
    %swap3A_27 = vector.shape_cast %broadcast_in_dim3A_23 : vector<16xf32> to vector<16xf32>
    tpu.vector_store %arg7[%swap3A_24], %swap3A_27 {strides = array<i32>} : memref<128xf32, #tpu.memory_space<vmem>>, vector<16xf32>,
    %broadcast_in_dim3A_28 = arith.constant 1.000000e+00 : f32
    %broadcast_in_dim3A_29 = vector.broadcast %broadcast_in_dim3A_28 : f32 to vector<16xf32>
    %swap3A_30 = arith.constant 80 : index
    %swap3A_31 = tpu.vector_load %arg7[%swap3A_30] {strides = array<i32>} : memref<128xf32, #tpu.memory_space<vmem>>, vector<16xf32>,
    %swap3A_32 = vector.shape_cast %swap3A_31 : vector<16xf32> to vector<16xf32>
    %swap3A_33 = vector.shape_cast %broadcast_in_dim3A_29 : vector<16xf32> to vector<16xf32>
    tpu.vector_store %arg7[%swap3A_30], %swap3A_33 {strides = array<i32>} : memref<128xf32, #tpu.memory_space<vmem>>, vector<16xf32>,
    %broadcast_in_dim3A_34 = arith.constant 1.000000e+00 : f32
    %broadcast_in_dim3A_35 = vector.broadcast %broadcast_in_dim3A_34 : f32 to vector<16xf32>
    %swap3A_36 = arith.constant 96 : index
    %swap3A_37 = tpu.vector_load %arg7[%swap3A_36] {strides = array<i32>} : memref<128xf32, #tpu.memory_space<vmem>>, vector<16xf32>,
    %swap3A_38 = vector.shape_cast %swap3A_37 : vector<16xf32> to vector<16xf32>
    %swap3A_39 = vector.shape_cast %broadcast_in_dim3A_35 : vector<16xf32> to vector<16xf32>
    tpu.vector_store %arg7[%swap3A_36], %swap3A_39 {strides = array<i32>} : memref<128xf32, #tpu.memory_space<vmem>>, vector<16xf32>,
    %broadcast_in_dim3A_40 = arith.constant 1.000000e+00 : f32
    %broadcast_in_dim3A_41 = vector.broadcast %broadcast_in_dim3A_40 : f32 to vector<16xf32>
    %swap3A_42 = arith.constant 112 : index
    %swap3A_43 = tpu.vector_load %arg7[%swap3A_42] {strides = array<i32>} : memref<128xf32, #tpu.memory_space<vmem>>, vector<16xf32>,
    %swap3A_44 = vector.shape_cast %swap3A_43 : vector<16xf32> to vector<16xf32>
    %swap3A_45 = vector.shape_cast %broadcast_in_dim3A_41 : vector<16xf32> to vector<16xf32>
    tpu.vector_store %arg7[%swap3A_42], %swap3A_45 {strides = array<i32>} : memref<128xf32, #tpu.memory_space<vmem>>, vector<16xf32>,
    %mul3A = arith.constant 16 : i32
    %mul3A_46 = arith.muli %arg0, %mul3A : i32
    %add3A = arith.addi %mul3A_46, %arg1 : i32
    %mul3A_47 = arith.constant 80 : i32
    %mul3A_48 = arith.muli %add3A, %mul3A_47 : i32
    "tpu.region"() ({
      %run_scoped3A = tpu.sem_alloc : memref<!tpu.dma_semaphore, #tpu.memory_space<semaphore_mem>>
      %dma_start3A = arith.constant 0 : i32
      %dma_start3A_67 = tpu.memref_slice %arg2[%mul3A_48, %dma_start3A] : memref<2560x128xi32, #tpu.memory_space<hbm>> -> memref<80x128xi32, #tpu.memory_space<hbm>>
      %dma_start3A_68 = arith.constant 0 : i32
      %dma_start3A_69 = tpu.memref_slice %arg2[%mul3A_48, %dma_start3A_68] : memref<2560x128xi32, #tpu.memory_space<hbm>> -> memref<80x128xi32, #tpu.memory_space<hbm>>
      tpu.enqueue_dma source(%dma_start3A_69 : memref<80x128xi32, #tpu.memory_space<hbm>>) target(%arg6 : memref<80x128xi32, #tpu.memory_space<vmem>>) target_semaphore(%run_scoped3A : memref<!tpu.dma_semaphore, #tpu.memory_space<semaphore_mem>>)
      %dma_wait3A = arith.constant 0 : i32
      %dma_wait3A_70 = tpu.memref_slice %arg2[%mul3A_48, %dma_wait3A] : memref<2560x128xi32, #tpu.memory_space<hbm>> -> memref<80x128xi32, #tpu.memory_space<hbm>>
      %dma_wait3A_71 = arith.constant 0 : i32
      %dma_wait3A_72 = tpu.memref_slice %arg2[%mul3A_48, %dma_wait3A_71] : memref<2560x128xi32, #tpu.memory_space<hbm>> -> memref<80x128xi32, #tpu.memory_space<hbm>>
      tpu.wait_dma2 semaphore(%run_scoped3A : memref<!tpu.dma_semaphore, #tpu.memory_space<semaphore_mem>>) src(%dma_wait3A_72 : memref<80x128xi32, #tpu.memory_space<hbm>>) dst(%arg6 : memref<80x128xi32, #tpu.memory_space<vmem>>)
      tpu.yield
    }) : () -> ()
    %mul3A_49 = arith.constant 640 : i32
    %mul3A_50 = arith.muli %arg1, %mul3A_49 : i32
    %mul3A_51 = arith.constant 640 : i32
    %mul3A_52 = arith.muli %arg1, %mul3A_51 : i32
    "tpu.region"() ({
      %run_scoped3A = tpu.sem_alloc : memref<!tpu.dma_semaphore, #tpu.memory_space<semaphore_mem>>
      %dma_start3A = tpu.memref_slice %arg5[%mul3A_52] : memref<10240xf32, #tpu.memory_space<vmem_shared>> -> memref<640xf32, #tpu.memory_space<vmem_shared>>
      %dma_start3A_67 = tpu.memref_slice %arg3[%mul3A_50] : memref<10240xf32, #tpu.memory_space<hbm>> -> memref<640xf32, #tpu.memory_space<hbm>>
      tpu.enqueue_dma source(%dma_start3A_67 : memref<640xf32, #tpu.memory_space<hbm>>) target(%dma_start3A : memref<640xf32, #tpu.memory_space<vmem_shared>>) target_semaphore(%run_scoped3A : memref<!tpu.dma_semaphore, #tpu.memory_space<semaphore_mem>>)
      %dma_wait3A = tpu.memref_slice %arg5[%mul3A_52] : memref<10240xf32, #tpu.memory_space<vmem_shared>> -> memref<640xf32, #tpu.memory_space<vmem_shared>>
      %dma_wait3A_68 = tpu.memref_slice %arg3[%mul3A_50] : memref<10240xf32, #tpu.memory_space<hbm>> -> memref<640xf32, #tpu.memory_space<hbm>>
      tpu.wait_dma2 semaphore(%run_scoped3A : memref<!tpu.dma_semaphore, #tpu.memory_space<semaphore_mem>>) src(%dma_wait3A_68 : memref<640xf32, #tpu.memory_space<hbm>>) dst(%dma_wait3A : memref<640xf32, #tpu.memory_space<vmem_shared>>)
      tpu.yield
    }) : () -> ()
    %barrier3A = arith.constant 0 : index
    tpu.barrier barrier_id(%barrier3A)
    %scan3A = arith.constant 0 : i32
    %scan3A_53 = arith.constant 80 : i32
    %scan3A_54 = arith.addi %scan3A, %scan3A_53 : i32
    %scan3A_55 = arith.constant 1 : i32
    scf.for %scan3A_67 = %scan3A to %scan3A_54 step %scan3A_55  : i32 {
      %mul3A_68 = arith.constant 1 : i32
      %mul3A_69 = arith.muli %scan3A_67, %mul3A_68 : i32
      %add3A_70 = arith.constant 0 : i32
      %add3A_71 = arith.addi %add3A_70, %mul3A_69 : i32
      %dma_start3A = arith.constant 0 : i32
      %dma_start3A_72 = tpu.memref_slice %arg6[%add3A_71, %dma_start3A] : memref<80x128xi32, #tpu.memory_space<vmem>> -> memref<1x128xi32, #tpu.memory_space<vmem>>
      %dma_start3A_73 = tpu.memref_squeeze %dma_start3A_72 : memref<1x128xi32, #tpu.memory_space<vmem>> -> memref<128xi32, #tpu.memory_space<vmem>>
      %dma_start3A_74 = arith.constant 0 : i32
      %dma_start3A_75 = tpu.memref_slice %arg5[%dma_start3A_74] : memref<10240xf32, #tpu.memory_space<vmem_shared>> -> memref<10240xf32, #tpu.memory_space<vmem_shared>>
      tpu.enqueue_indirect_dma source(%arg7 : memref<128xf32, #tpu.memory_space<vmem>>) target(%dma_start3A_75 : memref<10240xf32, #tpu.memory_space<vmem_shared>>) offsets(%dma_start3A_73 : memref<128xi32, #tpu.memory_space<vmem>>) semaphore(%arg8 : memref<!tpu.dma_semaphore, #tpu.memory_space<semaphore_mem>>) {add = true}
    }
    %scan3A_56 = arith.constant 80 : i32
    %scan3A_57 = arith.constant 0 : i32
    %scan3A_58 = arith.constant 80 : i32
    %scan3A_59 = arith.addi %scan3A_57, %scan3A_58 : i32
    %scan3A_60 = arith.constant 1 : i32
    scf.for %scan3A_67 = %scan3A_57 to %scan3A_59 step %scan3A_60  : i32 {
      %mul3A_68 = arith.constant 1 : i32
      %mul3A_69 = arith.muli %scan3A_67, %mul3A_68 : i32
      %add3A_70 = arith.constant 0 : i32
      %add3A_71 = arith.addi %add3A_70, %mul3A_69 : i32
      %dma_wait3A = arith.constant 0 : i32
      %dma_wait3A_72 = tpu.memref_slice %arg6[%add3A_71, %dma_wait3A] : memref<80x128xi32, #tpu.memory_space<vmem>> -> memref<1x128xi32, #tpu.memory_space<vmem>>
      %dma_wait3A_73 = tpu.memref_squeeze %dma_wait3A_72 : memref<1x128xi32, #tpu.memory_space<vmem>> -> memref<128xi32, #tpu.memory_space<vmem>>
      %dma_wait3A_74 = arith.constant 0 : i32
      %dma_wait3A_75 = tpu.memref_slice %arg5[%dma_wait3A_74] : memref<10240xf32, #tpu.memory_space<vmem_shared>> -> memref<10240xf32, #tpu.memory_space<vmem_shared>>
      tpu.wait_indirect_dma semaphore(%arg8 : memref<!tpu.dma_semaphore, #tpu.memory_space<semaphore_mem>>) src(%arg7 : memref<128xf32, #tpu.memory_space<vmem>>) dst(%dma_wait3A_75 : memref<10240xf32, #tpu.memory_space<vmem_shared>>)
    }
    %scan3A_61 = arith.constant 80 : i32
    %barrier3A_62 = arith.constant 0 : index
    tpu.barrier barrier_id(%barrier3A_62)
    %mul3A_63 = arith.constant 640 : i32
    %mul3A_64 = arith.muli %arg1, %mul3A_63 : i32
    %mul3A_65 = arith.constant 640 : i32
    %mul3A_66 = arith.muli %arg1, %mul3A_65 : i32
    "tpu.region"() ({
      %run_scoped3A = tpu.sem_alloc : memref<!tpu.dma_semaphore, #tpu.memory_space<semaphore_mem>>
      %dma_start3A = tpu.memref_slice %arg4[%arg0, %mul3A_66] : memref<2x10240xf32, #tpu.memory_space<hbm>> -> memref<1x640xf32, #tpu.memory_space<hbm>>
      %dma_start3A_67 = tpu.memref_squeeze %dma_start3A : memref<1x640xf32, #tpu.memory_space<hbm>> -> memref<640xf32, #tpu.memory_space<hbm>>
      %dma_start3A_68 = tpu.memref_slice %arg5[%mul3A_64] : memref<10240xf32, #tpu.memory_space<vmem_shared>> -> memref<640xf32, #tpu.memory_space<vmem_shared>>
      tpu.enqueue_dma source(%dma_start3A_68 : memref<640xf32, #tpu.memory_space<vmem_shared>>) target(%dma_start3A_67 : memref<640xf32, #tpu.memory_space<hbm>>) target_semaphore(%run_scoped3A : memref<!tpu.dma_semaphore, #tpu.memory_space<semaphore_mem>>)
      %dma_wait3A = tpu.memref_slice %arg4[%arg0, %mul3A_66] : memref<2x10240xf32, #tpu.memory_space<hbm>> -> memref<1x640xf32, #tpu.memory_space<hbm>>
      %dma_wait3A_69 = tpu.memref_squeeze %dma_wait3A : memref<1x640xf32, #tpu.memory_space<hbm>> -> memref<640xf32, #tpu.memory_space<hbm>>
      %dma_wait3A_70 = tpu.memref_slice %arg5[%mul3A_64] : memref<10240xf32, #tpu.memory_space<vmem_shared>> -> memref<640xf32, #tpu.memory_space<vmem_shared>>
      tpu.wait_dma2 semaphore(%run_scoped3A : memref<!tpu.dma_semaphore, #tpu.memory_space<semaphore_mem>>) src(%dma_wait3A_70 : memref<640xf32, #tpu.memory_space<vmem_shared>>) dst(%dma_wait3A_69 : memref<640xf32, #tpu.memory_space<hbm>>)
      tpu.yield
    }) : () -> ()
    return
  }
}

module attributes {stable_mosaic.version = 14 : i64} {
  func.func @_tc_a_body(%arg0: i32, %arg1: i32, %arg2: memref<2000x128xf32, #tpu.memory_space<vmem>>, %arg3: memref<1x128x64xf32, #tpu.memory_space<vmem>>, %arg4: memref<2x2000x1xf32, #tpu.memory_space<vmem>>, %arg5: memref<1x2000x64xf32, #tpu.memory_space<vmem>>) attributes {dimension_semantics = [#tpu.dimension_semantics<arbitrary>, #tpu.dimension_semantics<arbitrary>], iteration_bounds = array<i64: 5, 2>, scalar_prefetch = 0 : i64, scratch_operands = 0 : i64, tpu.core_type = #tpu.core_type<tc>, window_params = [{transform_indices = @transform_0, window_bounds = array<i64: 2000, 128>}, {transform_indices = @transform_1, window_bounds = array<i64: 1, 128, 64>}, {transform_indices = @transform_2, window_bounds = array<i64: 2, 2000, 1>}, {transform_indices = @transform_3, window_bounds = array<i64: 1, 2000, 64>}]} {
    %get3A = arith.constant 0 : index
    %get3A_0 = arith.constant 0 : index
    %get3A_1 = arith.constant 0 : index
    %get3A_2 = vector.load %arg4[%get3A, %get3A_0, %get3A_1] : memref<2x2000x1xf32, #tpu.memory_space<vmem>>, vector<1x2000x1xf32>
    %get3A_3 = vector.shape_cast %get3A_2 : vector<1x2000x1xf32> to vector<2000x1xf32>
    %get3A_4 = arith.constant 1 : index
    %get3A_5 = arith.constant 0 : index
    %get3A_6 = arith.constant 0 : index
    %get3A_7 = vector.load %arg4[%get3A_4, %get3A_5, %get3A_6] : memref<2x2000x1xf32, #tpu.memory_space<vmem>>, vector<1x2000x1xf32>
    %get3A_8 = vector.shape_cast %get3A_7 : vector<1x2000x1xf32> to vector<2000x1xf32>
    %add3A = arith.addf %get3A_3, %get3A_8 : vector<2000x1xf32>
    %add3A_9 = arith.constant 1.000000e+00 : f32
    %add3A_10 = vector.broadcast %add3A_9 : f32 to vector<2000x1xf32>
    %add3A_11 = arith.addf %add3A, %add3A_10 : vector<2000x1xf32>
    %rsqrt3A = math.rsqrt %add3A_11 : vector<2000x1xf32>
    %get3A_12 = arith.constant 0 : index
    %get3A_13 = arith.constant 0 : index
    %get3A_14 = vector.load %arg2[%get3A_12, %get3A_13] : memref<2000x128xf32, #tpu.memory_space<vmem>>, vector<2000x128xf32>
    %get3A_15 = arith.constant 0 : index
    %get3A_16 = arith.constant 0 : index
    %get3A_17 = arith.constant 0 : index
    %get3A_18 = vector.load %arg3[%get3A_15, %get3A_16, %get3A_17] : memref<1x128x64xf32, #tpu.memory_space<vmem>>, vector<1x128x64xf32>
    %get3A_19 = vector.shape_cast %get3A_18 : vector<1x128x64xf32> to vector<128x64xf32>
    %dot_general3A = arith.constant dense<0.000000e+00> : vector<2000x64xf32>
    %dot_general3A_20 = tpu.matmul %get3A_14, %get3A_19, %dot_general3A {dimension_numbers = #tpu.dot_dimension_numbers<[1], [0], [0], [1], [0, 0, 1, 1], [], []>, transpose_lhs_hint = false} : vector<2000x128xf32>, vector<128x64xf32>, vector<2000x64xf32> -> vector<2000x64xf32>
    %mul3A = vector.broadcast %rsqrt3A : vector<2000x1xf32> to vector<2000x64xf32>
    %mul3A_21 = arith.mulf %dot_general3A_20, %mul3A : vector<2000x64xf32>
    %swap3A = arith.constant 0 : index
    %swap3A_22 = arith.constant 0 : index
    %swap3A_23 = arith.constant 0 : index
    %swap3A_24 = vector.load %arg5[%swap3A, %swap3A_22, %swap3A_23] : memref<1x2000x64xf32, #tpu.memory_space<vmem>>, vector<1x2000x64xf32>
    %swap3A_25 = vector.shape_cast %swap3A_24 : vector<1x2000x64xf32> to vector<2000x64xf32>
    %swap3A_26 = vector.shape_cast %mul3A_21 : vector<2000x64xf32> to vector<1x2000x64xf32>
    tpu.vector_store %arg5[%swap3A, %swap3A_22, %swap3A_23], %swap3A_26 {strides = array<i32>} : memref<1x2000x64xf32, #tpu.memory_space<vmem>>, vector<1x2000x64xf32>,
    return
  }
  func.func @transform_0(%arg0: i32, %arg1: i32) -> (i32, i32) {
    %c0_i32 = arith.constant 0 : i32
    %c0_i32_0 = arith.constant 0 : i32
    return %arg0, %c0_i32 : i32, i32
  }
  func.func @transform_1(%arg0: i32, %arg1: i32) -> (i32, i32, i32) {
    %c0_i32 = arith.constant 0 : i32
    %c0_i32_0 = arith.constant 0 : i32
    %c0_i32_1 = arith.constant 0 : i32
    return %arg1, %c0_i32, %c0_i32_0 : i32, i32, i32
  }
  func.func @transform_2(%arg0: i32, %arg1: i32) -> (i32, i32, i32) {
    %c0_i32 = arith.constant 0 : i32
    %c0_i32_0 = arith.constant 0 : i32
    %c0_i32_1 = arith.constant 0 : i32
    return %c0_i32, %arg0, %c0_i32_0 : i32, i32, i32
  }
  func.func @transform_3(%arg0: i32, %arg1: i32) -> (i32, i32, i32) {
    %c0_i32 = arith.constant 0 : i32
    %c0_i32_0 = arith.constant 0 : i32
    return %arg1, %arg0, %c0_i32 : i32, i32, i32
  }
}

module attributes {stable_mosaic.version = 14 : i64} {
  func.func @_tc_b_body(%arg0: i32, %arg1: i32, %arg2: memref<2x2000x64xf32, #tpu.memory_space<vmem>>, %arg3: memref<2x2000x1xf32, #tpu.memory_space<vmem>>, %arg4: memref<1x128x64xf32, #tpu.memory_space<vmem>>, %arg5: memref<1x128xf32, #tpu.memory_space<vmem>>, %arg6: memref<1x2000x64xf32, #tpu.memory_space<vmem>>) attributes {dimension_semantics = [#tpu.dimension_semantics<arbitrary>, #tpu.dimension_semantics<arbitrary>], iteration_bounds = array<i64: 5, 2>, scalar_prefetch = 0 : i64, scratch_operands = 0 : i64, tpu.core_type = #tpu.core_type<tc>, window_params = [{transform_indices = @transform_0, window_bounds = array<i64: 2, 2000, 64>}, {transform_indices = @transform_1, window_bounds = array<i64: 2, 2000, 1>}, {transform_indices = @transform_2, window_bounds = array<i64: 1, 128, 64>}, {pipeline_mode = #tpu.pipeline_mode<synchronous>, transform_indices = @transform_3, window_bounds = array<i64: 1, 128>}, {transform_indices = @transform_4, window_bounds = array<i64: 1, 2000, 64>}]} {
    %get3A = arith.constant 0 : index
    %get3A_0 = arith.constant 0 : index
    %get3A_1 = arith.constant 0 : index
    %get3A_2 = vector.load %arg3[%get3A, %get3A_0, %get3A_1] : memref<2x2000x1xf32, #tpu.memory_space<vmem>>, vector<1x2000x1xf32>
    %get3A_3 = vector.shape_cast %get3A_2 : vector<1x2000x1xf32> to vector<2000x1xf32>
    %get3A_4 = arith.constant 1 : index
    %get3A_5 = arith.constant 0 : index
    %get3A_6 = arith.constant 0 : index
    %get3A_7 = vector.load %arg3[%get3A_4, %get3A_5, %get3A_6] : memref<2x2000x1xf32, #tpu.memory_space<vmem>>, vector<1x2000x1xf32>
    %get3A_8 = vector.shape_cast %get3A_7 : vector<1x2000x1xf32> to vector<2000x1xf32>
    %add3A = arith.addf %get3A_3, %get3A_8 : vector<2000x1xf32>
    %add3A_9 = arith.constant 1.000000e+00 : f32
    %add3A_10 = vector.broadcast %add3A_9 : f32 to vector<2000x1xf32>
    %add3A_11 = arith.addf %add3A, %add3A_10 : vector<2000x1xf32>
    %rsqrt3A = math.rsqrt %add3A_11 : vector<2000x1xf32>
    %get3A_12 = arith.constant 0 : index
    %get3A_13 = arith.constant 0 : index
    %get3A_14 = arith.constant 0 : index
    %get3A_15 = vector.load %arg2[%get3A_12, %get3A_13, %get3A_14] : memref<2x2000x64xf32, #tpu.memory_space<vmem>>, vector<1x2000x64xf32>
    %get3A_16 = vector.shape_cast %get3A_15 : vector<1x2000x64xf32> to vector<2000x64xf32>
    %get3A_17 = arith.constant 1 : index
    %get3A_18 = arith.constant 0 : index
    %get3A_19 = arith.constant 0 : index
    %get3A_20 = vector.load %arg2[%get3A_17, %get3A_18, %get3A_19] : memref<2x2000x64xf32, #tpu.memory_space<vmem>>, vector<1x2000x64xf32>
    %get3A_21 = vector.shape_cast %get3A_20 : vector<1x2000x64xf32> to vector<2000x64xf32>
    %concatenate3A = tpu.concatenate %get3A_16, %get3A_21 in 1 : vector<2000x64xf32>, vector<2000x64xf32> -> vector<2000x128xf32>
    %mul3A = vector.broadcast %rsqrt3A : vector<2000x1xf32> to vector<2000x128xf32>
    %mul3A_22 = arith.mulf %concatenate3A, %mul3A : vector<2000x128xf32>
    %get3A_23 = arith.constant 0 : index
    %get3A_24 = arith.constant 0 : index
    %get3A_25 = vector.load %arg5[%get3A_23, %get3A_24] : memref<1x128xf32, #tpu.memory_space<vmem>>, vector<1x128xf32>
    %add3A_26 = vector.broadcast %get3A_25 : vector<1x128xf32> to vector<2000x128xf32>
    %add3A_27 = arith.addf %mul3A_22, %add3A_26 : vector<2000x128xf32>
    %max3A = arith.constant 0.000000e+00 : f32
    %max3A_28 = vector.broadcast %max3A : f32 to vector<2000x128xf32>
    %max3A_29 = arith.maximumf %add3A_27, %max3A_28 : vector<2000x128xf32>
    %get3A_30 = arith.constant 0 : index
    %get3A_31 = arith.constant 0 : index
    %get3A_32 = arith.constant 0 : index
    %get3A_33 = vector.load %arg4[%get3A_30, %get3A_31, %get3A_32] : memref<1x128x64xf32, #tpu.memory_space<vmem>>, vector<1x128x64xf32>
    %get3A_34 = vector.shape_cast %get3A_33 : vector<1x128x64xf32> to vector<128x64xf32>
    %dot_general3A = arith.constant dense<0.000000e+00> : vector<2000x64xf32>
    %dot_general3A_35 = tpu.matmul %max3A_29, %get3A_34, %dot_general3A {dimension_numbers = #tpu.dot_dimension_numbers<[1], [0], [0], [1], [0, 0, 1, 1], [], []>, transpose_lhs_hint = false} : vector<2000x128xf32>, vector<128x64xf32>, vector<2000x64xf32> -> vector<2000x64xf32>
    %mul3A_36 = vector.broadcast %rsqrt3A : vector<2000x1xf32> to vector<2000x64xf32>
    %mul3A_37 = arith.mulf %dot_general3A_35, %mul3A_36 : vector<2000x64xf32>
    %swap3A = arith.constant 0 : index
    %swap3A_38 = arith.constant 0 : index
    %swap3A_39 = arith.constant 0 : index
    %swap3A_40 = vector.load %arg6[%swap3A, %swap3A_38, %swap3A_39] : memref<1x2000x64xf32, #tpu.memory_space<vmem>>, vector<1x2000x64xf32>
    %swap3A_41 = vector.shape_cast %swap3A_40 : vector<1x2000x64xf32> to vector<2000x64xf32>
    %swap3A_42 = vector.shape_cast %mul3A_37 : vector<2000x64xf32> to vector<1x2000x64xf32>
    tpu.vector_store %arg6[%swap3A, %swap3A_38, %swap3A_39], %swap3A_42 {strides = array<i32>} : memref<1x2000x64xf32, #tpu.memory_space<vmem>>, vector<1x2000x64xf32>,
    return
  }
  func.func @transform_0(%arg0: i32, %arg1: i32) -> (i32, i32, i32) {
    %c0_i32 = arith.constant 0 : i32
    %c0_i32_0 = arith.constant 0 : i32
    %c0_i32_1 = arith.constant 0 : i32
    return %c0_i32, %arg0, %c0_i32_0 : i32, i32, i32
  }
  func.func @transform_1(%arg0: i32, %arg1: i32) -> (i32, i32, i32) {
    %c0_i32 = arith.constant 0 : i32
    %c0_i32_0 = arith.constant 0 : i32
    %c0_i32_1 = arith.constant 0 : i32
    return %c0_i32, %arg0, %c0_i32_0 : i32, i32, i32
  }
  func.func @transform_2(%arg0: i32, %arg1: i32) -> (i32, i32, i32) {
    %c0_i32 = arith.constant 0 : i32
    %c0_i32_0 = arith.constant 0 : i32
    %c0_i32_1 = arith.constant 0 : i32
    return %arg1, %c0_i32, %c0_i32_0 : i32, i32, i32
  }
  func.func @transform_3(%arg0: i32, %arg1: i32) -> (i32, i32) {
    %c0_i32 = arith.constant 0 : i32
    %c0_i32_0 = arith.constant 0 : i32
    %c0_i32_1 = arith.constant 0 : i32
    return %c0_i32, %c0_i32_0 : i32, i32
  }
  func.func @transform_4(%arg0: i32, %arg1: i32) -> (i32, i32, i32) {
    %c0_i32 = arith.constant 0 : i32
    %c0_i32_0 = arith.constant 0 : i32
    return %arg1, %arg0, %c0_i32 : i32, i32, i32
  }
}

module attributes {stable_mosaic.version = 14 : i64} {
  func.func @_tc_c_body(%arg0: i32, %arg1: i32, %arg2: memref<2x2000x64xf32, #tpu.memory_space<vmem>>, %arg3: memref<2x2000x1xf32, #tpu.memory_space<vmem>>, %arg4: memref<1x128xf32, #tpu.memory_space<vmem>>, %arg5: memref<2000x128xf32, #tpu.memory_space<vmem>>) attributes {dimension_semantics = [#tpu.dimension_semantics<arbitrary>, #tpu.dimension_semantics<arbitrary>], iteration_bounds = array<i64: 5, 1>, scalar_prefetch = 0 : i64, scratch_operands = 0 : i64, tpu.core_type = #tpu.core_type<tc>, window_params = [{transform_indices = @transform_0, window_bounds = array<i64: 2, 2000, 64>}, {transform_indices = @transform_1, window_bounds = array<i64: 2, 2000, 1>}, {pipeline_mode = #tpu.pipeline_mode<synchronous>, transform_indices = @transform_2, window_bounds = array<i64: 1, 128>}, {transform_indices = @transform_3, window_bounds = array<i64: 2000, 128>}]} {
    %get3A = arith.constant 0 : index
    %get3A_0 = arith.constant 0 : index
    %get3A_1 = arith.constant 0 : index
    %get3A_2 = vector.load %arg3[%get3A, %get3A_0, %get3A_1] : memref<2x2000x1xf32, #tpu.memory_space<vmem>>, vector<1x2000x1xf32>
    %get3A_3 = vector.shape_cast %get3A_2 : vector<1x2000x1xf32> to vector<2000x1xf32>
    %get3A_4 = arith.constant 1 : index
    %get3A_5 = arith.constant 0 : index
    %get3A_6 = arith.constant 0 : index
    %get3A_7 = vector.load %arg3[%get3A_4, %get3A_5, %get3A_6] : memref<2x2000x1xf32, #tpu.memory_space<vmem>>, vector<1x2000x1xf32>
    %get3A_8 = vector.shape_cast %get3A_7 : vector<1x2000x1xf32> to vector<2000x1xf32>
    %add3A = arith.addf %get3A_3, %get3A_8 : vector<2000x1xf32>
    %add3A_9 = arith.constant 1.000000e+00 : f32
    %add3A_10 = vector.broadcast %add3A_9 : f32 to vector<2000x1xf32>
    %add3A_11 = arith.addf %add3A, %add3A_10 : vector<2000x1xf32>
    %rsqrt3A = math.rsqrt %add3A_11 : vector<2000x1xf32>
    %get3A_12 = arith.constant 0 : index
    %get3A_13 = arith.constant 0 : index
    %get3A_14 = arith.constant 0 : index
    %get3A_15 = vector.load %arg2[%get3A_12, %get3A_13, %get3A_14] : memref<2x2000x64xf32, #tpu.memory_space<vmem>>, vector<1x2000x64xf32>
    %get3A_16 = vector.shape_cast %get3A_15 : vector<1x2000x64xf32> to vector<2000x64xf32>
    %get3A_17 = arith.constant 1 : index
    %get3A_18 = arith.constant 0 : index
    %get3A_19 = arith.constant 0 : index
    %get3A_20 = vector.load %arg2[%get3A_17, %get3A_18, %get3A_19] : memref<2x2000x64xf32, #tpu.memory_space<vmem>>, vector<1x2000x64xf32>
    %get3A_21 = vector.shape_cast %get3A_20 : vector<1x2000x64xf32> to vector<2000x64xf32>
    %concatenate3A = tpu.concatenate %get3A_16, %get3A_21 in 1 : vector<2000x64xf32>, vector<2000x64xf32> -> vector<2000x128xf32>
    %mul3A = vector.broadcast %rsqrt3A : vector<2000x1xf32> to vector<2000x128xf32>
    %mul3A_22 = arith.mulf %concatenate3A, %mul3A : vector<2000x128xf32>
    %get3A_23 = arith.constant 0 : index
    %get3A_24 = arith.constant 0 : index
    %get3A_25 = vector.load %arg4[%get3A_23, %get3A_24] : memref<1x128xf32, #tpu.memory_space<vmem>>, vector<1x128xf32>
    %add3A_26 = vector.broadcast %get3A_25 : vector<1x128xf32> to vector<2000x128xf32>
    %add3A_27 = arith.addf %mul3A_22, %add3A_26 : vector<2000x128xf32>
    %max3A = arith.constant 0.000000e+00 : f32
    %max3A_28 = vector.broadcast %max3A : f32 to vector<2000x128xf32>
    %max3A_29 = arith.maximumf %add3A_27, %max3A_28 : vector<2000x128xf32>
    %swap3A = arith.constant 0 : index
    %swap3A_30 = arith.constant 0 : index
    %swap3A_31 = vector.load %arg5[%swap3A, %swap3A_30] : memref<2000x128xf32, #tpu.memory_space<vmem>>, vector<2000x128xf32>
    tpu.vector_store %arg5[%swap3A, %swap3A_30], %max3A_29 {strides = array<i32>} : memref<2000x128xf32, #tpu.memory_space<vmem>>, vector<2000x128xf32>,
    return
  }
  func.func @transform_0(%arg0: i32, %arg1: i32) -> (i32, i32, i32) {
    %c0_i32 = arith.constant 0 : i32
    %c0_i32_0 = arith.constant 0 : i32
    %c0_i32_1 = arith.constant 0 : i32
    return %c0_i32, %arg0, %c0_i32_0 : i32, i32, i32
  }
  func.func @transform_1(%arg0: i32, %arg1: i32) -> (i32, i32, i32) {
    %c0_i32 = arith.constant 0 : i32
    %c0_i32_0 = arith.constant 0 : i32
    %c0_i32_1 = arith.constant 0 : i32
    return %c0_i32, %arg0, %c0_i32_0 : i32, i32, i32
  }
  func.func @transform_2(%arg0: i32, %arg1: i32) -> (i32, i32) {
    %c0_i32 = arith.constant 0 : i32
    %c0_i32_0 = arith.constant 0 : i32
    %c0_i32_1 = arith.constant 0 : i32
    return %c0_i32, %c0_i32_0 : i32, i32
  }
  func.func @transform_3(%arg0: i32, %arg1: i32) -> (i32, i32) {
    %c0_i32 = arith.constant 0 : i32
    %c0_i32_0 = arith.constant 0 : i32
    return %arg0, %c0_i32 : i32, i32
  }
}

</mosaic_0001>

<sc_bundles>
// kernel: kernel.11.cloned.1.call-start
scs
__scs_entry_jumppad:
0x0: {  	(pc) =	sbr.rel $0x88, $3  }
0x1: {  	(tag) =	ssettag $0x0;
	lr =	simm.s32 $0x1  }
0x2: {  	[smem:$0x3F9B] =	sst lr;
	_ =	strace $0xD0000000  }
0x3: {  	_ = 	snop  }
0x4: {  	_ = 	snop  }
0x5: {  	_ = 	snop  }
0x6: {  	_ = 	snop  }
0x7: {  	_ = 	snop  }
__scs_overlays_trampoline_lowered:
0x8: {  	[smem:$0x3FAA] =	sst s0  }
0x9: {  	[smem:$0x3FAB] =	sst s1  }
0xa: {  	[smem:$0x3FAC] =	sst s2  }
0xb: {  	[smem:$0x3FAD] =	sst s3  }
0xc: {  	[smem:$0x3FAE] =	sst s4  }
0xd: {  	[smem:$0x3FAF] =	sst s5  }
0xe: {  	[smem:$0x3FB0] =	sst s6  }
0xf: {  	[smem:$0x3FB1] =	sst s7  }
0x10: {  	[smem:$0x3FB2] =	sst s8  }
0x11: {  	[smem:$0x3FB3] =	sst s9;
	s0 =	simm.s32 @!p0 $0x0  }
0x12: {  	s1 =	sld [smem:$0x3F99];
	s0 =	simm.s32 @p0 $0x1  }
0x13: {  	[smem:$0x3FB4] =	sst s0;
	s0 =	simm.s32 @!p1 $0x0  }
0x14: {  	s2 =	sld [smem:$0x3F98];
	s0 =	simm.s32 @p1 $0x1  }
0x15: {  	[smem:$0x3FB5] =	sst s0;
	s0 =	simm.s32 @!p2 $0x0  }
0x16: {  	s3 =	sld [smem:$0x3FDB];
	s0 =	simm.s32 @p2 $0x1  }
0x17: {  	s4 =	simm.s32 $0x1BF5;
	[smem:$0x3FB7] =	sst s0  }
0x18: {  	s0 =	sld [smem:$0x3F9A];
	_ =	swait.ge [sflag:s4], $0x0  }
0x19: {  	s7 =	sld [smem:$0x3F9B]  }
0x1a: {  	s8 =	sadd.s32 $0xFFFFE003, lr  }
0x1b: {  	s9 =	sadd.s32 $0xFFFFFEF7, lr;
	s5 =	simm.s32 $0xFFFFFFFF;
	p2 =	slt.u32 s8, $0xFFFFF086  }
0x1c: {  	p1 =	slt.u32 s9, $0xF7A;
	s5 =	simm.s32 @!p2 $0x0  }
0x1d: {  	s5 =	simm.s32 @p1 $0x1;
	p0 =	seq.s32 s7, s2  }
0x1e: {  	s7 =	smul.u32 @!p0 $0xF7A, s2;
	p2 =	seq.s32 @!p0 s5, $0x0  }
0x1f: {  	s9 =	smul.u32 $0xF7A, s1;
	s8 =	simm.s32 @!p0 $0x1BF5;
	p2 =	por !p2, p0  }
0x20: {  	[sflag:s8] =	ssyncset.s32 @!p0 $0xFFFFF086;
	s6 =	sadd.s32 @!p0 s3, s7;
	s7 =	simm.s32 @!p0 $0x108  }
0x21: {  	s3 =	sadd.s32 s3, s9;
	s6 =	sadd.s32 @!p0 $0x88, s6;
	s7 =	simm.s32 @p2 $0x1082  }
0x22: {  	[simem:s7], [sflag:s8] =	dma.local @!p0 [hbm:s6], $0xF7A  }
0x23: {  	s9 =	sor.u32 $0xD0000000, s2;
	s6 =	simm.s32 $0x108;
	_ =	swait.ge @!p0 [sflag:s8], $0x0  }
0x24: {  	s3 =	sadd.s32 $0x88, s3;
	s6 =	simm.s32 @!p1 $0x1082;
	[sflag:s4] =	ssyncset.s32 $0xFFFFF086  }
0x25: {  	[simem:s6], [sflag:s4] =	dma.local [hbm:s3], $0xF7A  }
0x26: {  	[smem:$0x3F9B] =	sst s1;
	(tag) =	ssettag s2;
	_ =	strace s9  }
0x27: {  	s1 =	sld [smem:$0x3FAB]  }
0x28: {  	s2 =	sld [smem:$0x3FAC]  }
0x29: {  	s4 =	sld [smem:$0x3FAE]  }
0x2a: {  	p0 =	seq.s32 s5, $0x0;
	s5 =	sld [smem:$0x3FAF]  }
0x2b: {  	s6 =	sld [smem:$0x3FB0]  }
0x2c: {  	s7 =	sld [smem:$0x3FB1]  }
0x2d: {  	s3 =	simm.s32 $0x108;
	s8 =	sld [smem:$0x3FB2]  }
0x2e: {  	s3 =	simm.s32 @!p0 $0x1082;
	s9 =	sld [smem:$0x3FB3]  }
0x2f: {  	lr =	sadd.s32 s0, s3;
	s0 =	sld [smem:$0x3FAA]  }
0x30: {  	s3 =	sld [smem:$0x3FAD]  }
0x31: {  	[smem:$0x3FB6] =	sst s10  }
0x32: {  	s10 =	sld [smem:$0x3FB4];
	_ =	sdelay $0x3  }
0x33: {  	p0 =	seq.s32 s10, $0x1;
	s10 =	sld [smem:$0x3FB6];
	_ =	sdelay $0x3  }
0x34: {  	[smem:$0x3FB6] =	sst s10  }
0x35: {  	s10 =	sld [smem:$0x3FB5];
	_ =	sdelay $0x3  }
0x36: {  	p1 =	seq.s32 s10, $0x1;
	s10 =	sld [smem:$0x3FB6];
	_ =	sdelay $0x3  }
0x37: {  	[smem:$0x3FB6] =	sst s10  }
0x38: {  	s10 =	sld [smem:$0x3FB7]  }
0x39: {  	_ = 	snop;
	(pc) =	sbr.ind lr, $3  }
0x3a: {  	_ = 	snop  }
0x3b: {  	_ = 	snop  }
0x3c: {  	p2 =	seq.s32 s10, $0x1;
	s10 =	sld [smem:$0x3FB6]  }
0x3d: {  	_ =	shalt  }
0x3e: {  	_ =	shalt  }
0x3f: {  	_ =	shalt  }
0x40: {  	_ =	shalt  }
0x41: {  	_ =	shalt  }
0x42: {  	_ =	shalt  }
0x43: {  	_ =	shalt  }
0x44: {  	_ =	shalt  }
0x45: {  	_ =	shalt  }
0x46: {  	_ =	shalt  }
0x47: {  	_ =	shalt  }
0x48: {  	_ =	shalt  }
0x49: {  	_ =	shalt  }
0x4a: {  	_ =	shalt  }
0x4b: {  	_ =	shalt  }
0x4c: {  	_ =	shalt  }
0x4d: {  	_ =	shalt  }
0x4e: {  	_ =	shalt  }
0x4f: {  	_ =	shalt  }
0x50: {  	_ =	shalt  }
0x51: {  	_ =	shalt  }
0x52: {  	_ =	shalt  }
0x53: {  	_ =	shalt  }
0x54: {  	_ =	shalt  }
0x55: {  	_ =	shalt  }
0x56: {  	_ =	shalt  }
0x57: {  	_ =	shalt  }
0x58: {  	_ =	shalt  }
0x59: {  	_ =	shalt  }
0x5a: {  	_ =	shalt  }
0x5b: {  	_ =	shalt  }
0x5c: {  	_ =	shalt  }
0x5d: {  	_ =	shalt  }
0x5e: {  	_ =	shalt  }
0x5f: {  	_ =	shalt  }
0x60: {  	_ =	shalt  }
0x61: {  	_ =	shalt  }
0x62: {  	_ =	shalt  }
0x63: {  	_ =	shalt  }
0x64: {  	_ =	shalt  }
0x65: {  	_ =	shalt  }
0x66: {  	_ =	shalt  }
0x67: {  	_ =	shalt  }
0x68: {  	_ =	shalt  }
0x69: {  	_ =	shalt  }
0x6a: {  	_ =	shalt  }
0x6b: {  	_ =	shalt  }
0x6c: {  	_ =	shalt  }
0x6d: {  	_ =	shalt  }
0x6e: {  	_ =	shalt  }
0x6f: {  	_ =	shalt  }
0x70: {  	_ =	shalt  }
0x71: {  	_ =	shalt  }
0x72: {  	_ =	shalt  }
0x73: {  	_ =	shalt  }
0x74: {  	_ =	shalt  }
0x75: {  	_ =	shalt  }
0x76: {  	_ =	shalt  }
0x77: {  	_ =	shalt  }
0x78: {  	_ =	shalt  }
0x79: {  	_ =	shalt  }
0x7a: {  	_ =	shalt  }
0x7b: {  	_ =	shalt  }
0x7c: {  	_ =	shalt  }
0x7d: {  	_ =	shalt  }
0x7e: {  	_ =	shalt  }
0x7f: {  	_ =	shalt  }
0x80: {  	_ =	shalt  }
0x81: {  	_ =	shalt  }
0x82: {  	_ =	shalt  }
0x83: {  	_ =	shalt  }
0x84: {  	_ =	shalt  }
0x85: {  	_ =	shalt  }
0x86: {  	_ =	shalt  }
0x87: {  	_ =	shalt  }
.Lfunc_end0:
.L_simem_size_0:
called_computation.1_lowered:
.L_overlay_start_0:
0x88: {  	s2 =	sld [smem:$0x3FD9]  }
0x89: {  	s3 =	sld [smem:$0x3FFE];
	_ =	sdelay $0x1  }
0x8a: {  	s1 =	srdreg.scid  }
0x8b: {  	s0 =	sand.u32 $0x1, s1  }
0x8c: {  	s17 =	sshll.u32 s0, $0xA;
	s2 =	sadd.s32 s3, s2  }
0x8d: {  	s2 =	sadd.s32 s2, s17  }
0x8e: {  	[smem:$0x3FC2] =	sst s2  }
0x8f: {  	_ = 	snop  }
0x90: {  	s2 =	sld [smem:$0x3FD0];
	(tm) =	ssettm $0x1  }
0x91: {  	s18 =	sld [smem:$0x3FFB];
	_ =	sdelay $0x3  }
0x92: {  	_ =	strace s18  }
0x93: {  	s3 =	sld [smem:$0x3FFC];
	_ =	sdelay $0x3  }
0x94: {  	_ =	strace s3  }
0x95: {  	s3 =	sld [smem:$0x3FFD];
	_ =	sdelay $0x3  }
0x96: {  	_ =	strace s3  }
0x97: {  	_ =	strace $0x8FFFFFFF  }
0x98: {  	s19 =	sld [smem:$0x3FDB];
	_ =	sdelay $0x1  }
0x99: {  	s4 =	simm.s32 $_scs_section_size  }
0x9a: {  	s5 =	simm.s32 $_size__tile_overlayer_lowered;
	s6 =	simm.s32 $_tile_overlayer_lowered  }
0x9b: {  	s22 =	simm.s32 $0x1BFF;
	s21 =	sshll.u32 s6, $0x1;
	s3 =	sadd.s32 s4, s19  }
0x9c: {  	s7 =	simm.s32 $0x0;
	s20 =	sshll.u32 s5, $0x1;
	s5 =	sadd.s32 s21, s3  }
0x9d: {  	[timem:s7], [sflag:s22] =	dma.local [hbm:s5], s20  }
0x9e: {  	_ =	swait.ge [sflag:s22], s20  }
0x9f: {  	s4 =	ssub.s32 $0x0, s20;
	[sflag:s22] =	ssyncset.done $0x0  }
0xa0: {  	[sflag:s22] =	ssyncadd.s32 s4;
	_ =	sdelay $0x1  }
0xa1: {  	s23 =	simm.s32 $0x1B8B  }
0xa2: {  	_ =	swait.ge [sflag:s23], $0x1  }
0xa3: {  	[sflag:s23] =	ssyncset.done $0x0  }
0xa4: {  	s25 =	simm.s32 $0x1B8E;
	s24 =	sld [smem:$0x3FFE];
	[sflag:s23] =	ssyncadd.s32 $0xFFFFFFFF  }
0xa5: {  	s26 =	simm.s32 $execute0_lowered;
	[smem:$0x3FD2] =	sst s25  }
0xa6: {  	s5 =	sshll.u32 s26, $0x1;
	_ =	strace $0x80000049;
	[dreg:$0x1] =	wrdreg $0xFFFFFFFF  }
0xa7: {  	s28 =	simm.s32 $_size_execute0_lowered;
	s3 =	sadd.s32 s3, s5;
	[dreg:$0x0] =	wrdreg $0x0  }
0xa8: {  	s5 =	sshll.u32 s28, $0x1;
	[dreg:$0x2] =	wrdreg s3  }
0xa9: {  	[dreg:$0x3] =	wrdreg s5  }
0xaa: {  	[dreg:$0x4] =	wrdreg $0xC0  }
0xab: {  	_ =	task [dreg:s7], $0x5FFFF  }
0xac: {  	[dreg:$0x1] =	wrdreg $0xFFFFFFFF  }
0xad: {  	[dreg:$0x0] =	wrdreg $0x60  }
0xae: {  	[dreg:$0x2] =	wrdreg s24  }
0xaf: {  	[dreg:$0x3] =	wrdreg s2  }
0xb0: {  	[dreg:$0x4] =	wrdreg $0xA0000  }
0xb1: {  	[dreg:$0x5] =	wrdreg $0x0  }
0xb2: {  	[dreg:$0x6] =	wrdreg $0x9  }
0xb3: {  	_ =	task.clear_ibuf [dreg:s7], $0x7FFFF;
	_ =	strace $0x90000049  }
0xb4: {  	s29 =	simm.s32 $0x9;
	_ =	strace $0x8000004B  }
0xb5: {  	_ =	swait.ge [sflag:s29], $0x1  }
0xb6: {  	[sflag:s29] =	ssyncadd.s32 $0xFFFFFFFF  }
0xb7: {  	_ =	strace $0x9000004B  }
0xb8: {  	_ =	sfence  }
0xb9: {  	s30 =	sld [smem:$0x0];
	_ =	sdelay $0x2  }
0xba: {  	s31 =	sshll.u32 s1, $0xD;
	s1 =	sshrl.u32 s1, $0x2  }
0xbb: {  	s3 =	sand.u32 $0x4000, s31;
	s1 =	sadd.s32 s1, s30  }
0xbc: {  	s0 =	sor.u32 s3, s0;
	s1 =	sshll.u32 s1, $0x11  }
0xbd: {  	s0 =	sor.u32 s1, s0  }
0xbe: {  	s0 =	sadd.s32 $0x8F2B, s0  }
0xbf: {  	[sflag:s0] =	ssyncadd.remote.s32 $0x1  }
0xc0: {  	_ =	sfence.sel $0xFFFF  }
0xc1: {  	[dreg:$0x0] =	wrdreg $0xFFFFFFFF;
	(pc) =	sbr.abs _section_cstart, $3  }
0xc2: {  	[dreg:$0x1] =	wrdreg $0xFFFFFFFF  }
0xc3: {  	_ =	task.clear_ibuf [dreg:s7], $0x2FFFF;
	_ =	strace $0x9FFFFFFF  }
0xc4: {  	(tm) =	ssettm $0x7FFFFFFF  }
0xc5: {  	_ =	shalt  }
tec
execute0_lowered:
.L_overlay_start_1:
0x0: {  	(tag) =	ssettag $0x1  }
0x1: {  	s0 =	rddreg [dreg:$0x0]  }
0x2: {  	s2 =	rddreg [dreg:$0x1]  }
0x3: {  	s3 =	srdreg.scid;
	s1 =	rddreg [dreg:$0x2]  }
0x4: {  	s4 =	simm.s32 $0x0;
	s12 =	stileid.u32;
	s28 =	simm.s32 $0x6  }
0x5: {  	s29 =	simm.s32 $0x5;
	s30 =	simm.s32 $0x1D000;
	s9 =	smul.u32 $0xA000, s12  }
0x6: {  	s5 =	sand.u32 $0x1, s3;
	s3 =	rddreg [dreg:$0x3];
	s11 =	smul.u32 $0xA00, s12  }
0x7: {  	s31 =	simm.s32 $0x8;
	[smem:$0x7FF] =	sst s4;
	s15 =	smul.u32 $0x5000, s12  }
0x8: {  	s10 =	sadd.s32 $0xD200, s0;
	s6 =	smul.u32 $0xA0000, s5;
	s5 =	ssub.s32 $0x2, s5  }
0x9: {  	s20 =	sshll.u32 s12, $0x6;
	_ =	strace $0x8000004A;
	s8 =	sshrl.u32 s5, $0x1  }
0xa: {  	s16 =	sadd.s32 s10, s11;
	s17 =	sadd.s32 s2, s11;
	s18 =	sshrl.u32 s9, $0x3  }
0xb: {  	s19 =	sadd.s32 s9, s1;
	s7 =	sshrl.u32 s6, $0x3;
	[dreg:$0x5] =	wrdreg s16  }
0xc: {  	s6 =	sadd.s32 s9, s6;
	s5 =	ssub.s32 s5, s8;
	[dreg:$0x6] =	wrdreg s17  }
0xd: {  	s8 =	sor.u32 $0x1C09, s20;
	s9 =	sadd.s32 s9, s3;
	s20 =	sshrl.u32 s19, $0x3  }
0xe: {  	s7 =	sadd.s32 s7, s0;
	s6 =	sshrl.u32 s6, $0x3;
	[dreg:$0x7] =	wrdreg s9  }
0xf: {  	s17 =	smax.u32 s5, $0x1;
	s5 =	simm.s32 $0x1B000;
	s0 =	sadd.s32 s6, s0  }
0x10: {  	s7 =	sadd.s32 s18, s7;
	s6 =	sshrl.u32 s15, $0x3;
	s18 =	simm.s32 $0x14000  }
0x11: {  	s7 =	sadd.s32 $0x67200, s7;
	s21 =	sadd.s32 $0x280, s6;
	s24 =	sadd.s32 $0x500, s6  }
0x12: {  	s6 =	sadd.s32 $0x780, s6;
	s16 =	sadd.s32 $0x8F200, s0;
	s0 =	simm.s32 $0x2  }
0x13: {  	s22 =	sadd.s32 s10, s21;
	s23 =	sadd.s32 s2, s21;
	s25 =	sadd.s32 s10, s24  }
0x14: {  	s9 =	sadd.s32 s2, s24;
	s26 =	sadd.s32 s10, s6;
	[dreg:$0x8] =	wrdreg s22  }
.Ltmp0:
0x15: {  	s15 =	sadd.s32 s2, s6;
	[dreg:$0x9] =	wrdreg s23;
	(pc) =	sbr.rel .LBB2_1-.Ltmp0, $4  }
0x16: {  	s21 =	simm.s32 $0x9;
	s24 =	simm.s32 $0x17C00;
	[dreg:$0xa] =	wrdreg s25  }
0x17: {  	s2 =	simm.s32 $0x4;
	s6 =	simm.s32 $0x3;
	[dreg:$0xb] =	wrdreg s9  }
0x18: {  	[dreg:$0xc] =	wrdreg s26;
	s22 =	simm.s32 $0x1;
	s23 =	simm.s32 $0x15400  }
0x19: {  	s25 =	simm.s32 $0x80;
	s26 =	simm.s32 $0x19000;
	s9 =	simm.s32 $0x0  }
.LBB2_29:
0x1a: {  	_ =	swait.ge [sflag:s31], $0x2000  }
0x1b: {  	[sflag:s31] =	ssyncset.done $0x0  }
0x1c: {  	[sflag:s31] =	ssyncadd.s32 $0xFFFFE000  }
0x1d: {  	_ =	swait.ge [sflag:s28], $0x2000  }
0x1e: {  	s9 =	sadd.s32 $0x1, s9;
	[sflag:s28] =	ssyncset.done $0x0  }
0x1f: {  	p0 =	sne.s32 s9, s17;
	[sflag:s28] =	ssyncadd.s32 $0xFFFFE000  }
.Ltmp1:
0x20: {  	[bflag:$0x0] =	sbarrier.arrive $0xFFFF;
	(pc) =	sbr.rel @!p0 .LBB2_30-.Ltmp1, $4  }
0x21: {  	[hbm:s16], [sflag:s8] =	dma.local [spmem:s10], $0x1400  }
0x22: {  	_ =	swait.ge [sflag:s21], $0x1400  }
0x23: {  	[sflag:s21] =	ssyncset.done $0x0  }
0x24: {  	[sflag:s21] =	ssyncadd.s32 $0xFFFFEC00  }
.LBB2_1:
0x25: {  	s10 =	rddreg [dreg:$0x5]  }
0x26: {  	[tilespmem:s18], [sflag:$0x1] =	stream.linear.gather [hbm4b:s10+s4], $0x1400, $0x38;
	[tilespmem:$0x1F000] =	vst v63  }
0x27: {  	s12 =	rddreg [dreg:$0x6];
	s11 =	simm.s32 $0x16800  }
0x28: {  	[tilespmem:s11], [sflag:$0x1] =	stream.linear.gather [hbm4b:s12+s4], $0x1400, $0x38;
	[tilespmem:$0x1F000] =	vst v63  }
0x29: {  	[spmem:s20], [sflag:s8] =	dma.local [hbm:s7], $0x1400  }
0x2a: {  	_ =	swait.ge [sflag:s21], $0x1400  }
0x2b: {  	[sflag:s21] =	ssyncset.done $0x0;
	s13 =	rddreg [dreg:$0x7]  }
0x2c: {  	[sflag:s21] =	ssyncadd.s32 $0xFFFFEC00;
	s10 =	sshrl.u32 s13, $0x3  }
0x2d: {  	[spmem:s10], [sflag:s8] =	dma.local [hbm:s7], $0x1400  }
0x2e: {  	_ =	swait.ge [sflag:s21], $0x1400  }
0x2f: {  	[sflag:s21] =	ssyncset.done $0x0  }
0x30: {  	[sflag:s21] =	ssyncadd.s32 $0xFFFFEC00  }
0x31: {  	[bflag:$0x0] =	sbarrier.arrive $0xFFFF  }
0x32: {  	_ =	swait.ge [sflag:s22], $0x1400  }
0x33: {  	[sflag:s22] =	ssyncset.done $0x0  }
0x34: {  	[sflag:s22] =	ssyncadd.s32 $0xFFFFEC00  }
0x35: {  	_ =	swait.ge [sflag:s22], $0x1400  }
0x36: {  	[sflag:s22] =	ssyncset.done $0x0  }
0x37: {  	s14 =	rddreg [dreg:$0x8];
	[sflag:s22] =	ssyncadd.s32 $0xFFFFEC00  }
0x38: {  	[tilespmem:s23], [sflag:$0x2] =	stream.linear.gather [hbm4b:s14+s4], $0x1400, $0x38;
	[tilespmem:$0x1F000] =	vst v63  }
.Ltmp2:
0x39: {  	_ = 	snop;
	(pc) =	sbr.rel .LBB2_2-.Ltmp2, $4  }
0x3a: {  	s19 =	rddreg [dreg:$0x9]  }
0x3b: {  	[tilespmem:s24], [sflag:$0x2] =	stream.linear.gather [hbm4b:s19+s4], $0x1400, $0x38;
	[tilespmem:$0x1F000] =	vst v63  }
0x3c: {  	s11 =	simm.s32 $0x0;
	s19 =	simm.s32 $0x0  }
0x3d: {  	[tilespmem:s26], [sflag:$0x3] =	stream.indirect.gather [spmem:s1], $0x40, s18, s25, $0xb8;
	[tilespmem:$0x1F000] =	vst v63  }
.LBB2_6:
0x3e: {  	_ =	swait.ge [sflag:s28], $0x2000;
	p0 =	seq.s32 s11, $0x4E00  }
0x3f: {  	[sflag:s28] =	ssyncset.done $0x0;
	s12 =	sshra.s32 @!p0 s11, $0x2;
	s13 =	simm.s32 @!p0 $0x80  }
0x40: {  	s14 =	simm.s32 @!p0 $0x19000;
	[sflag:s28] =	ssyncadd.s32 $0xFFFFE000;
	s12 =	sadd.s32 @!p0 $0x14080, s12  }
0x41: {  	[tilespmem:s14], [sflag:$0x3] =	stream.indirect.gather @!p0 [spmem:s1], $0x40, s12, s13, $0xb8;
	[tilespmem:$0x1F000] =	vst v63  }
0x42: {  	s12 =	smov.u32 s11  }
0x43: {  	s12 =	simm.s32 @p0 $0x4E00;
	_ =	swait.ge [sflag:s29], $0x2000  }
0x44: {  	[sflag:s29] =	ssyncset.done $0x0;
	s12 =	sshra.s32 s12, $0x2  }
0x45: {  	[sflag:s29] =	ssyncadd.s32 $0xFFFFE000;
	s12 =	sadd.s32 $0x16800, s12  }
0x46: {  	[spmem:s3] =	stream.indirect.scatter.add.f32 [tilespmem:s30], [sflag:$0x8], $0x40, s12, s25, $0xb8;
	[tilespmem:$0x1F000] =	vst v63  }
.LBB2_7:
0x47: {  	s11 =	sadd.s32 $0x200, s11  }
0x48: {  	p0 =	sne.s32 s11, $0x5000  }
.Ltmp3:
0x49: {  	_ = 	snop;
	(pc) =	sbr.rel @!p0 .LBB2_8-.Ltmp3, $2  }
0x4a: {  	_ =	sdelay $0x2  }
0x4b: {  	s19 =	sadd.s32 $0x1, s19  }
.LBB2_2:
0x4c: {  	s12 =	smul.u32 $0xAB, s19;
	_ =	sdelay $0x1  }
0x4d: {  	s12 =	sshrl.u32 s12, $0x9  }
0x4e: {  	s12 =	sand.u32 $0x7F, s12  }
0x4f: {  	s12 =	smul.u32 $0x3, s12;
	_ =	sdelay $0x1  }
0x50: {  	s12 =	ssub.s32 s19, s12  }
0x51: {  	s12 =	sand.u32 $0xFF, s12  }
0x52: {  	p0 =	seq.s32 s12, $0x2  }
.Ltmp4:
0x53: {  	_ = 	snop;
	(pc) =	sbr.rel @p0 .LBB2_6-.Ltmp4, $1  }
0x54: {  	_ =	sdelay $0x3  }
0x55: {  	p0 =	seq.s32 s12, $0x1  }
.Ltmp5:
0x56: {  	_ = 	snop;
	(pc) =	sbr.rel @!p0 .LBB2_4-.Ltmp5, $1  }
0x57: {  	_ =	sdelay $0x3  }
0x58: {  	p0 =	slt.u32 s19, $0x2  }
0x59: {  	s12 =	simm.s32 @!p0 $0x8  }
0x5a: {  	_ =	swait.ge @!p0 [sflag:s12], $0x2000  }
0x5b: {  	p1 =	seq.s32 @!p0 s11, $0x4E00;
	[sflag:s12] =	ssyncset.done @!p0 $0x0  }
0x5c: {  	p1 =	por p0, !p1;
	[sflag:s12] =	ssyncadd.s32 @!p0 $0xFFFFE000;
	s12 =	simm.s32 @!p0 $0x4E00  }
0x5d: {  	s12 =	sshra.s32 @p1 s11, $0x2  }
0x5e: {  	s12 =	sadd.s32 @p1 $0x14080, s12  }
0x5f: {  	[tilespmem:s30], [sflag:$0x5] =	stream.indirect.gather @p1 [spmem:s1], $0x40, s12, s25, $0xb8;
	[tilespmem:$0x1F000] =	vst v63  }
.Ltmp6:
0x60: {  	_ = 	snop;
	(pc) =	sbr.rel .LBB2_7-.Ltmp6, $4  }
0x61: {  	s12 =	smov.u32 @p1 s11;
	_ =	swait.ge [sflag:s2], $0x2000  }
0x62: {  	s12 =	sshra.s32 s12, $0x2;
	[sflag:s2] =	ssyncset.done $0x0  }
0x63: {  	s12 =	sadd.s32 $0x16800, s12;
	[sflag:s2] =	ssyncadd.s32 $0xFFFFE000  }
0x64: {  	[spmem:s3] =	stream.indirect.scatter.add.f32 [tilespmem:s5], [sflag:$0x7], $0x40, s12, s25, $0xb8;
	[tilespmem:$0x1F000] =	vst v63  }
.LBB2_4:
0x65: {  	p0 =	slt.u32 s19, $0x2  }
0x66: {  	s12 =	simm.s32 @!p0 $0x7  }
0x67: {  	_ =	swait.ge @!p0 [sflag:s12], $0x2000  }
0x68: {  	p1 =	seq.s32 @!p0 s11, $0x4E00;
	[sflag:s12] =	ssyncset.done @!p0 $0x0  }
0x69: {  	p1 =	por p0, !p1;
	[sflag:s12] =	ssyncadd.s32 @!p0 $0xFFFFE000;
	s12 =	simm.s32 @!p0 $0x4E00  }
0x6a: {  	s12 =	sshra.s32 @p1 s11, $0x2  }
0x6b: {  	s12 =	sadd.s32 @p1 $0x14080, s12  }
0x6c: {  	[tilespmem:s5], [sflag:$0x4] =	stream.indirect.gather @p1 [spmem:s1], $0x40, s12, s25, $0xb8;
	[tilespmem:$0x1F000] =	vst v63  }
.Ltmp7:
0x6d: {  	_ = 	snop;
	(pc) =	sbr.rel .LBB2_7-.Ltmp7, $4  }
0x6e: {  	s12 =	smov.u32 @p1 s11;
	_ =	swait.ge [sflag:s6], $0x2000  }
0x6f: {  	s12 =	sshra.s32 s12, $0x2;
	[sflag:s6] =	ssyncset.done $0x0  }
0x70: {  	s12 =	sadd.s32 $0x16800, s12;
	[sflag:s6] =	ssyncadd.s32 $0xFFFFE000  }
0x71: {  	[spmem:s3] =	stream.indirect.scatter.add.f32 [tilespmem:s26], [sflag:$0x6], $0x40, s12, s25, $0xb8;
	[tilespmem:$0x1F000] =	vst v63  }
.LBB2_8:
0x72: {  	_ =	swait.ge [sflag:s31], $0x2000  }
0x73: {  	[sflag:s31] =	ssyncset.done $0x0  }
0x74: {  	[sflag:s31] =	ssyncadd.s32 $0xFFFFE000  }
0x75: {  	_ =	swait.ge [sflag:s28], $0x2000  }
0x76: {  	[sflag:s28] =	ssyncset.done $0x0  }
0x77: {  	[sflag:s28] =	ssyncadd.s32 $0xFFFFE000  }
0x78: {  	_ =	swait.ge [sflag:s0], $0x1400  }
0x79: {  	[sflag:s0] =	ssyncset.done $0x0  }
0x7a: {  	[sflag:s0] =	ssyncadd.s32 $0xFFFFEC00  }
0x7b: {  	_ =	swait.ge [sflag:s0], $0x1400  }
0x7c: {  	[sflag:s0] =	ssyncset.done $0x0  }
0x7d: {  	s11 =	simm.s32 $0x0;
	s12 =	rddreg [dreg:$0xa];
	[sflag:s0] =	ssyncadd.s32 $0xFFFFEC00  }
0x7e: {  	[tilespmem:s18], [sflag:$0x1] =	stream.linear.gather [hbm4b:s12+s11], $0x1400, $0x38;
	[tilespmem:$0x1F000] =	vst v63  }
.Ltmp8:
0x7f: {  	_ = 	snop;
	(pc) =	sbr.rel .LBB2_9-.Ltmp8, $4  }
0x80: {  	s13 =	simm.s32 $0x16800;
	s19 =	rddreg [dreg:$0xb]  }
0x81: {  	[tilespmem:s13], [sflag:$0x1] =	stream.linear.gather [hbm4b:s19+s11], $0x1400, $0x38;
	[tilespmem:$0x1F000] =	vst v63  }
0x82: {  	s19 =	simm.s32 $0x0  }
0x83: {  	[tilespmem:s26], [sflag:$0x3] =	stream.indirect.gather [spmem:s1], $0x40, s23, s25, $0xb8;
	[tilespmem:$0x1F000] =	vst v63  }
.LBB2_13:
0x84: {  	_ =	swait.ge [sflag:s28], $0x2000;
	p0 =	seq.s32 s11, $0x4E00  }
0x85: {  	[sflag:s28] =	ssyncset.done $0x0;
	s12 =	sshra.s32 @!p0 s11, $0x2;
	s13 =	simm.s32 @!p0 $0x80  }
0x86: {  	s14 =	simm.s32 @!p0 $0x19000;
	[sflag:s28] =	ssyncadd.s32 $0xFFFFE000;
	s12 =	sadd.s32 @!p0 $0x15480, s12  }
0x87: {  	[tilespmem:s14], [sflag:$0x3] =	stream.indirect.gather @!p0 [spmem:s1], $0x40, s12, s13, $0xb8;
	[tilespmem:$0x1F000] =	vst v63  }
0x88: {  	s12 =	smov.u32 s11  }
0x89: {  	s12 =	simm.s32 @p0 $0x4E00;
	_ =	swait.ge [sflag:s29], $0x2000  }
0x8a: {  	[sflag:s29] =	ssyncset.done $0x0;
	s12 =	sshra.s32 s12, $0x2  }
0x8b: {  	[sflag:s29] =	ssyncadd.s32 $0xFFFFE000;
	s12 =	sadd.s32 $0x17C00, s12  }
0x8c: {  	[spmem:s3] =	stream.indirect.scatter.add.f32 [tilespmem:s30], [sflag:$0x8], $0x40, s12, s25, $0xb8;
	[tilespmem:$0x1F000] =	vst v63  }
.LBB2_14:
0x8d: {  	s11 =	sadd.s32 $0x200, s11  }
0x8e: {  	p0 =	sne.s32 s11, $0x5000  }
.Ltmp9:
0x8f: {  	_ = 	snop;
	(pc) =	sbr.rel @!p0 .LBB2_15-.Ltmp9, $2  }
0x90: {  	_ =	sdelay $0x2  }
0x91: {  	s19 =	sadd.s32 $0x1, s19  }
.LBB2_9:
0x92: {  	s12 =	smul.u32 $0xAB, s19;
	_ =	sdelay $0x1  }
0x93: {  	s12 =	sshrl.u32 s12, $0x9  }
0x94: {  	s12 =	sand.u32 $0x7F, s12  }
0x95: {  	s12 =	smul.u32 $0x3, s12;
	_ =	sdelay $0x1  }
0x96: {  	s12 =	ssub.s32 s19, s12  }
0x97: {  	s12 =	sand.u32 $0xFF, s12  }
0x98: {  	p0 =	seq.s32 s12, $0x2  }
.Ltmp10:
0x99: {  	_ = 	snop;
	(pc) =	sbr.rel @p0 .LBB2_13-.Ltmp10, $1  }
0x9a: {  	_ =	sdelay $0x3  }
0x9b: {  	p0 =	seq.s32 s12, $0x1  }
.Ltmp11:
0x9c: {  	_ = 	snop;
	(pc) =	sbr.rel @!p0 .LBB2_11-.Ltmp11, $1  }
0x9d: {  	_ =	sdelay $0x3  }
0x9e: {  	p0 =	slt.u32 s19, $0x2  }
0x9f: {  	s12 =	simm.s32 @!p0 $0x8  }
0xa0: {  	_ =	swait.ge @!p0 [sflag:s12], $0x2000  }
0xa1: {  	p1 =	seq.s32 @!p0 s11, $0x4E00;
	[sflag:s12] =	ssyncset.done @!p0 $0x0  }
0xa2: {  	p1 =	por p0, !p1;
	[sflag:s12] =	ssyncadd.s32 @!p0 $0xFFFFE000;
	s12 =	simm.s32 @!p0 $0x4E00  }
0xa3: {  	s12 =	sshra.s32 @p1 s11, $0x2  }
0xa4: {  	s12 =	sadd.s32 @p1 $0x15480, s12  }
0xa5: {  	[tilespmem:s30], [sflag:$0x5] =	stream.indirect.gather @p1 [spmem:s1], $0x40, s12, s25, $0xb8;
	[tilespmem:$0x1F000] =	vst v63  }
.Ltmp12:
0xa6: {  	_ = 	snop;
	(pc) =	sbr.rel .LBB2_14-.Ltmp12, $4  }
0xa7: {  	s12 =	smov.u32 @p1 s11;
	_ =	swait.ge [sflag:s2], $0x2000  }
0xa8: {  	s12 =	sshra.s32 s12, $0x2;
	[sflag:s2] =	ssyncset.done $0x0  }
0xa9: {  	s12 =	sadd.s32 $0x17C00, s12;
	[sflag:s2] =	ssyncadd.s32 $0xFFFFE000  }
0xaa: {  	[spmem:s3] =	stream.indirect.scatter.add.f32 [tilespmem:s5], [sflag:$0x7], $0x40, s12, s25, $0xb8;
	[tilespmem:$0x1F000] =	vst v63  }
.LBB2_11:
0xab: {  	p0 =	slt.u32 s19, $0x2  }
0xac: {  	s12 =	simm.s32 @!p0 $0x7  }
0xad: {  	_ =	swait.ge @!p0 [sflag:s12], $0x2000  }
0xae: {  	p1 =	seq.s32 @!p0 s11, $0x4E00;
	[sflag:s12] =	ssyncset.done @!p0 $0x0  }
0xaf: {  	p1 =	por p0, !p1;
	[sflag:s12] =	ssyncadd.s32 @!p0 $0xFFFFE000;
	s12 =	simm.s32 @!p0 $0x4E00  }
0xb0: {  	s12 =	sshra.s32 @p1 s11, $0x2  }
0xb1: {  	s12 =	sadd.s32 @p1 $0x15480, s12  }
0xb2: {  	[tilespmem:s5], [sflag:$0x4] =	stream.indirect.gather @p1 [spmem:s1], $0x40, s12, s25, $0xb8;
	[tilespmem:$0x1F000] =	vst v63  }
.Ltmp13:
0xb3: {  	_ = 	snop;
	(pc) =	sbr.rel .LBB2_14-.Ltmp13, $4  }
0xb4: {  	s12 =	smov.u32 @p1 s11;
	_ =	swait.ge [sflag:s6], $0x2000  }
0xb5: {  	s12 =	sshra.s32 s12, $0x2;
	[sflag:s6] =	ssyncset.done $0x0  }
0xb6: {  	s12 =	sadd.s32 $0x17C00, s12;
	[sflag:s6] =	ssyncadd.s32 $0xFFFFE000  }
0xb7: {  	[spmem:s3] =	stream.indirect.scatter.add.f32 [tilespmem:s26], [sflag:$0x6], $0x40, s12, s25, $0xb8;
	[tilespmem:$0x1F000] =	vst v63  }
.LBB2_15:
0xb8: {  	_ =	swait.ge [sflag:s31], $0x2000  }
0xb9: {  	[sflag:s31] =	ssyncset.done $0x0  }
0xba: {  	[sflag:s31] =	ssyncadd.s32 $0xFFFFE000  }
0xbb: {  	_ =	swait.ge [sflag:s28], $0x2000  }
0xbc: {  	[sflag:s28] =	ssyncset.done $0x0  }
0xbd: {  	[sflag:s28] =	ssyncadd.s32 $0xFFFFE000  }
0xbe: {  	_ =	swait.ge [sflag:s22], $0x1400  }
0xbf: {  	[sflag:s22] =	ssyncset.done $0x0  }
0xc0: {  	[sflag:s22] =	ssyncadd.s32 $0xFFFFEC00  }
0xc1: {  	_ =	swait.ge [sflag:s22], $0x1400  }
0xc2: {  	[sflag:s22] =	ssyncset.done $0x0  }
0xc3: {  	s11 =	simm.s32 $0x0;
	s12 =	rddreg [dreg:$0xc];
	[sflag:s22] =	ssyncadd.s32 $0xFFFFEC00  }
0xc4: {  	[tilespmem:s23], [sflag:$0x2] =	stream.linear.gather [hbm4b:s12+s11], $0x1400, $0x38;
	[tilespmem:$0x1F000] =	vst v63  }
.Ltmp14:
0xc5: {  	_ = 	snop;
	(pc) =	sbr.rel .LBB2_16-.Ltmp14, $4  }
0xc6: {  	_ = 	snop  }
0xc7: {  	[tilespmem:s24], [sflag:$0x2] =	stream.linear.gather [hbm4b:s15+s11], $0x1400, $0x38;
	[tilespmem:$0x1F000] =	vst v63  }
0xc8: {  	s19 =	simm.s32 $0x0  }
0xc9: {  	[tilespmem:s26], [sflag:$0x3] =	stream.indirect.gather [spmem:s1], $0x40, s18, s25, $0xb8;
	[tilespmem:$0x1F000] =	vst v63  }
.LBB2_20:
0xca: {  	_ =	swait.ge [sflag:s28], $0x2000;
	p0 =	seq.s32 s11, $0x4E00  }
0xcb: {  	[sflag:s28] =	ssyncset.done $0x0;
	s12 =	sshra.s32 @!p0 s11, $0x2;
	s13 =	simm.s32 @!p0 $0x80  }
0xcc: {  	s14 =	simm.s32 @!p0 $0x19000;
	[sflag:s28] =	ssyncadd.s32 $0xFFFFE000;
	s12 =	sadd.s32 @!p0 $0x14080, s12  }
0xcd: {  	[tilespmem:s14], [sflag:$0x3] =	stream.indirect.gather @!p0 [spmem:s1], $0x40, s12, s13, $0xb8;
	[tilespmem:$0x1F000] =	vst v63  }
0xce: {  	s12 =	smov.u32 s11  }
0xcf: {  	s12 =	simm.s32 @p0 $0x4E00;
	_ =	swait.ge [sflag:s29], $0x2000  }
0xd0: {  	[sflag:s29] =	ssyncset.done $0x0;
	s12 =	sshra.s32 s12, $0x2  }
0xd1: {  	[sflag:s29] =	ssyncadd.s32 $0xFFFFE000;
	s12 =	sadd.s32 $0x16800, s12  }
0xd2: {  	[spmem:s3] =	stream.indirect.scatter.add.f32 [tilespmem:s30], [sflag:$0x8], $0x40, s12, s25, $0xb8;
	[tilespmem:$0x1F000] =	vst v63  }
.LBB2_21:
0xd3: {  	s11 =	sadd.s32 $0x200, s11  }
0xd4: {  	p0 =	sne.s32 s11, $0x5000  }
.Ltmp15:
0xd5: {  	_ = 	snop;
	(pc) =	sbr.rel @!p0 .LBB2_22-.Ltmp15, $2  }
0xd6: {  	_ =	sdelay $0x2  }
0xd7: {  	s19 =	sadd.s32 $0x1, s19  }
.LBB2_16:
0xd8: {  	s12 =	smul.u32 $0xAB, s19;
	_ =	sdelay $0x1  }
0xd9: {  	s12 =	sshrl.u32 s12, $0x9  }
0xda: {  	s12 =	sand.u32 $0x7F, s12  }
0xdb: {  	s12 =	smul.u32 $0x3, s12;
	_ =	sdelay $0x1  }
0xdc: {  	s12 =	ssub.s32 s19, s12  }
0xdd: {  	s12 =	sand.u32 $0xFF, s12  }
0xde: {  	p0 =	seq.s32 s12, $0x2  }
.Ltmp16:
0xdf: {  	_ = 	snop;
	(pc) =	sbr.rel @p0 .LBB2_20-.Ltmp16, $1  }
0xe0: {  	_ =	sdelay $0x3  }
0xe1: {  	p0 =	seq.s32 s12, $0x1  }
.Ltmp17:
0xe2: {  	_ = 	snop;
	(pc) =	sbr.rel @!p0 .LBB2_18-.Ltmp17, $1  }
0xe3: {  	_ =	sdelay $0x3  }
0xe4: {  	p0 =	slt.u32 s19, $0x2  }
0xe5: {  	s12 =	simm.s32 @!p0 $0x8  }
0xe6: {  	_ =	swait.ge @!p0 [sflag:s12], $0x2000  }
0xe7: {  	p1 =	seq.s32 @!p0 s11, $0x4E00;
	[sflag:s12] =	ssyncset.done @!p0 $0x0  }
0xe8: {  	p1 =	por p0, !p1;
	[sflag:s12] =	ssyncadd.s32 @!p0 $0xFFFFE000;
	s12 =	simm.s32 @!p0 $0x4E00  }
0xe9: {  	s12 =	sshra.s32 @p1 s11, $0x2  }
0xea: {  	s12 =	sadd.s32 @p1 $0x14080, s12  }
0xeb: {  	[tilespmem:s30], [sflag:$0x5] =	stream.indirect.gather @p1 [spmem:s1], $0x40, s12, s25, $0xb8;
	[tilespmem:$0x1F000] =	vst v63  }
.Ltmp18:
0xec: {  	_ = 	snop;
	(pc) =	sbr.rel .LBB2_21-.Ltmp18, $4  }
0xed: {  	s12 =	smov.u32 @p1 s11;
	_ =	swait.ge [sflag:s2], $0x2000  }
0xee: {  	s12 =	sshra.s32 s12, $0x2;
	[sflag:s2] =	ssyncset.done $0x0  }
0xef: {  	s12 =	sadd.s32 $0x16800, s12;
	[sflag:s2] =	ssyncadd.s32 $0xFFFFE000  }
0xf0: {  	[spmem:s3] =	stream.indirect.scatter.add.f32 [tilespmem:s5], [sflag:$0x7], $0x40, s12, s25, $0xb8;
	[tilespmem:$0x1F000] =	vst v63  }
.LBB2_18:
0xf1: {  	p0 =	slt.u32 s19, $0x2  }
0xf2: {  	s12 =	simm.s32 @!p0 $0x7  }
0xf3: {  	_ =	swait.ge @!p0 [sflag:s12], $0x2000  }
0xf4: {  	p1 =	seq.s32 @!p0 s11, $0x4E00;
	[sflag:s12] =	ssyncset.done @!p0 $0x0  }
0xf5: {  	p1 =	por p0, !p1;
	[sflag:s12] =	ssyncadd.s32 @!p0 $0xFFFFE000;
	s12 =	simm.s32 @!p0 $0x4E00  }
0xf6: {  	s12 =	sshra.s32 @p1 s11, $0x2  }
0xf7: {  	s12 =	sadd.s32 @p1 $0x14080, s12  }
0xf8: {  	[tilespmem:s5], [sflag:$0x4] =	stream.indirect.gather @p1 [spmem:s1], $0x40, s12, s25, $0xb8;
	[tilespmem:$0x1F000] =	vst v63  }
.Ltmp19:
0xf9: {  	_ = 	snop;
	(pc) =	sbr.rel .LBB2_21-.Ltmp19, $4  }
0xfa: {  	s12 =	smov.u32 @p1 s11;
	_ =	swait.ge [sflag:s6], $0x2000  }
0xfb: {  	s12 =	sshra.s32 s12, $0x2;
	[sflag:s6] =	ssyncset.done $0x0  }
0xfc: {  	s12 =	sadd.s32 $0x16800, s12;
	[sflag:s6] =	ssyncadd.s32 $0xFFFFE000  }
0xfd: {  	[spmem:s3] =	stream.indirect.scatter.add.f32 [tilespmem:s26], [sflag:$0x6], $0x40, s12, s25, $0xb8;
	[tilespmem:$0x1F000] =	vst v63  }
.LBB2_22:
0xfe: {  	_ =	swait.ge [sflag:s31], $0x2000  }
0xff: {  	[sflag:s31] =	ssyncset.done $0x0  }
0x100: {  	[sflag:s31] =	ssyncadd.s32 $0xFFFFE000  }
0x101: {  	_ =	swait.ge [sflag:s28], $0x2000  }
0x102: {  	[sflag:s28] =	ssyncset.done $0x0  }
0x103: {  	[sflag:s28] =	ssyncadd.s32 $0xFFFFE000  }
0x104: {  	_ =	swait.ge [sflag:s0], $0x1400  }
0x105: {  	[sflag:s0] =	ssyncset.done $0x0  }
.Ltmp20:
0x106: {  	[sflag:s0] =	ssyncadd.s32 $0xFFFFEC00;
	(pc) =	sbr.rel .LBB2_23-.Ltmp20, $4  }
0x107: {  	_ =	swait.ge [sflag:s0], $0x1400  }
0x108: {  	[sflag:s0] =	ssyncset.done $0x0  }
0x109: {  	s11 =	simm.s32 $0x0;
	s19 =	simm.s32 $0x0;
	[sflag:s0] =	ssyncadd.s32 $0xFFFFEC00  }
0x10a: {  	[tilespmem:s26], [sflag:$0x3] =	stream.indirect.gather [spmem:s1], $0x40, s23, s25, $0xb8;
	[tilespmem:$0x1F000] =	vst v63  }
.LBB2_27:
0x10b: {  	_ =	swait.ge [sflag:s28], $0x2000;
	p0 =	seq.s32 s11, $0x4E00  }
0x10c: {  	[sflag:s28] =	ssyncset.done $0x0;
	s12 =	sshra.s32 @!p0 s11, $0x2;
	s13 =	simm.s32 @!p0 $0x80  }
0x10d: {  	s14 =	simm.s32 @!p0 $0x19000;
	[sflag:s28] =	ssyncadd.s32 $0xFFFFE000;
	s12 =	sadd.s32 @!p0 $0x15480, s12  }
0x10e: {  	[tilespmem:s14], [sflag:$0x3] =	stream.indirect.gather @!p0 [spmem:s1], $0x40, s12, s13, $0xb8;
	[tilespmem:$0x1F000] =	vst v63  }
0x10f: {  	s12 =	smov.u32 s11  }
0x110: {  	s12 =	simm.s32 @p0 $0x4E00;
	_ =	swait.ge [sflag:s29], $0x2000  }
0x111: {  	[sflag:s29] =	ssyncset.done $0x0;
	s12 =	sshra.s32 s12, $0x2  }
0x112: {  	[sflag:s29] =	ssyncadd.s32 $0xFFFFE000;
	s12 =	sadd.s32 $0x17C00, s12  }
0x113: {  	[spmem:s3] =	stream.indirect.scatter.add.f32 [tilespmem:s30], [sflag:$0x8], $0x40, s12, s25, $0xb8;
	[tilespmem:$0x1F000] =	vst v63  }
.LBB2_28:
0x114: {  	s11 =	sadd.s32 $0x200, s11  }
0x115: {  	p0 =	sne.s32 s11, $0x5000  }
.Ltmp21:
0x116: {  	_ = 	snop;
	(pc) =	sbr.rel @!p0 .LBB2_29-.Ltmp21, $2  }
0x117: {  	_ =	sdelay $0x2  }
0x118: {  	s19 =	sadd.s32 $0x1, s19  }
.LBB2_23:
0x119: {  	s12 =	smul.u32 $0xAB, s19;
	_ =	sdelay $0x1  }
0x11a: {  	s12 =	sshrl.u32 s12, $0x9  }
0x11b: {  	s12 =	sand.u32 $0x7F, s12  }
0x11c: {  	s12 =	smul.u32 $0x3, s12;
	_ =	sdelay $0x1  }
0x11d: {  	s12 =	ssub.s32 s19, s12  }
0x11e: {  	s12 =	sand.u32 $0xFF, s12  }
0x11f: {  	p0 =	seq.s32 s12, $0x2  }
.Ltmp22:
0x120: {  	_ = 	snop;
	(pc) =	sbr.rel @p0 .LBB2_27-.Ltmp22, $1  }
0x121: {  	_ =	sdelay $0x3  }
0x122: {  	p0 =	seq.s32 s12, $0x1  }
.Ltmp23:
0x123: {  	_ = 	snop;
	(pc) =	sbr.rel @!p0 .LBB2_25-.Ltmp23, $1  }
0x124: {  	_ =	sdelay $0x3  }
0x125: {  	p0 =	slt.u32 s19, $0x2  }
0x126: {  	s12 =	simm.s32 @!p0 $0x8  }
0x127: {  	_ =	swait.ge @!p0 [sflag:s12], $0x2000  }
0x128: {  	p1 =	seq.s32 @!p0 s11, $0x4E00;
	[sflag:s12] =	ssyncset.done @!p0 $0x0  }
0x129: {  	p1 =	por p0, !p1;
	[sflag:s12] =	ssyncadd.s32 @!p0 $0xFFFFE000;
	s12 =	simm.s32 @!p0 $0x4E00  }
0x12a: {  	s12 =	sshra.s32 @p1 s11, $0x2  }
0x12b: {  	s12 =	sadd.s32 @p1 $0x15480, s12  }
0x12c: {  	[tilespmem:s30], [sflag:$0x5] =	stream.indirect.gather @p1 [spmem:s1], $0x40, s12, s25, $0xb8;
	[tilespmem:$0x1F000] =	vst v63  }
.Ltmp24:
0x12d: {  	_ = 	snop;
	(pc) =	sbr.rel .LBB2_28-.Ltmp24, $4  }
0x12e: {  	s12 =	smov.u32 @p1 s11;
	_ =	swait.ge [sflag:s2], $0x2000  }
0x12f: {  	s12 =	sshra.s32 s12, $0x2;
	[sflag:s2] =	ssyncset.done $0x0  }
0x130: {  	s12 =	sadd.s32 $0x17C00, s12;
	[sflag:s2] =	ssyncadd.s32 $0xFFFFE000  }
0x131: {  	[spmem:s3] =	stream.indirect.scatter.add.f32 [tilespmem:s5], [sflag:$0x7], $0x40, s12, s25, $0xb8;
	[tilespmem:$0x1F000] =	vst v63  }
.LBB2_25:
0x132: {  	p0 =	slt.u32 s19, $0x2  }
0x133: {  	s12 =	simm.s32 @!p0 $0x7  }
0x134: {  	_ =	swait.ge @!p0 [sflag:s12], $0x2000  }
0x135: {  	p1 =	seq.s32 @!p0 s11, $0x4E00;
	[sflag:s12] =	ssyncset.done @!p0 $0x0  }
0x136: {  	p1 =	por p0, !p1;
	[sflag:s12] =	ssyncadd.s32 @!p0 $0xFFFFE000;
	s12 =	simm.s32 @!p0 $0x4E00  }
0x137: {  	s12 =	sshra.s32 @p1 s11, $0x2  }
0x138: {  	s12 =	sadd.s32 @p1 $0x15480, s12  }
0x139: {  	[tilespmem:s5], [sflag:$0x4] =	stream.indirect.gather @p1 [spmem:s1], $0x40, s12, s25, $0xb8;
	[tilespmem:$0x1F000] =	vst v63  }
.Ltmp25:
0x13a: {  	_ = 	snop;
	(pc) =	sbr.rel .LBB2_28-.Ltmp25, $4  }
0x13b: {  	s12 =	smov.u32 @p1 s11;
	_ =	swait.ge [sflag:s6], $0x2000  }
0x13c: {  	s12 =	sshra.s32 s12, $0x2;
	[sflag:s6] =	ssyncset.done $0x0  }
0x13d: {  	s12 =	sadd.s32 $0x17C00, s12;
	[sflag:s6] =	ssyncadd.s32 $0xFFFFE000  }
0x13e: {  	[spmem:s3] =	stream.indirect.scatter.add.f32 [tilespmem:s26], [sflag:$0x6], $0x40, s12, s25, $0xb8;
	[tilespmem:$0x1F000] =	vst v63  }
.LBB2_30:
0x13f: {  	_ =	sfence.sel $0x180000  }
0x140: {  	[bflag:$0x0] =	sbarrier.arrive $0xFFFF  }
0x141: {  	_ =	strace $0x9000004A  }
0x142: {  	s0 =	stileid.u32;
	[bflag:$0x2] =	sbarrier.arrive $0xFFFF  }
0x143: {  	p0 =	sne.s32 s0, $0x0;
	s0 =	rddreg [dreg:$0x4]  }
0x144: {  	s0 =	sadd.s32 @!p0 $0x100000, s0  }
0x145: {  	[sflag:s0] =	ssyncadd.tile.s32 @!p0 $0x1;
	_ =	shalt  }
.Lfunc_end2:
_tile_overlayer_lowered:
.L_overlay_start_2:
0x146: {  	(tag) =	ssettag $0x2  }
0x147: {  	s0 =	rddreg [dreg:$0x0];
	s2 =	stileid.u32  }
0x148: {  	s1 =	rddreg [dreg:$0x1];
	p0 =	sne.s32 s2, $0x0  }
0x149: {  	s3 =	rddreg [dreg:$0x2];
	[bflag:$0x3] =	sbarrier.arrive $0xFFFF;
	s2 =	simm.s32 @!p0 $0x1C09  }
0x14a: {  	[timem:s3], [sflag:s2] =	dma.local @!p0 [hbm:s0], s1  }
0x14b: {  	s0 =	simm.s32 @!p0 $0x9  }
0x14c: {  	_ =	swait.ge @!p0 [sflag:s0], s1  }
0x14d: {  	s1 =	ssub.s32 @!p0 $0x0, s1;
	[sflag:s0] =	ssyncset.done @!p0 $0x0  }
0x14e: {  	[sflag:s0] =	ssyncadd.s32 @!p0 s1  }
0x14f: {  	[bflag:$0x3] =	sbarrier.arrive $0xFFFF  }
0x150: {  	_ =	shalt  }

// kernel: kernel.14.cloned.1.call-start
scs
__scs_entry_jumppad:
0x0: {  	(pc) =	sbr.rel $0x88, $3  }
0x1: {  	(tag) =	ssettag $0x0;
	lr =	simm.s32 $0x1  }
0x2: {  	[smem:$0x3F9B] =	sst lr;
	_ =	strace $0xD0000000  }
0x3: {  	_ = 	snop  }
0x4: {  	_ = 	snop  }
0x5: {  	_ = 	snop  }
0x6: {  	_ = 	snop  }
0x7: {  	_ = 	snop  }
__scs_overlays_trampoline_lowered:
0x8: {  	[smem:$0x3FAA] =	sst s0  }
0x9: {  	[smem:$0x3FAB] =	sst s1  }
0xa: {  	[smem:$0x3FAC] =	sst s2  }
0xb: {  	[smem:$0x3FAD] =	sst s3  }
0xc: {  	[smem:$0x3FAE] =	sst s4  }
0xd: {  	[smem:$0x3FAF] =	sst s5  }
0xe: {  	[smem:$0x3FB0] =	sst s6  }
0xf: {  	[smem:$0x3FB1] =	sst s7  }
0x10: {  	[smem:$0x3FB2] =	sst s8  }
0x11: {  	[smem:$0x3FB3] =	sst s9;
	s0 =	simm.s32 @!p0 $0x0  }
0x12: {  	s1 =	sld [smem:$0x3F99];
	s0 =	simm.s32 @p0 $0x1  }
0x13: {  	[smem:$0x3FB4] =	sst s0;
	s0 =	simm.s32 @!p1 $0x0  }
0x14: {  	s2 =	sld [smem:$0x3F98];
	s0 =	simm.s32 @p1 $0x1  }
0x15: {  	[smem:$0x3FB5] =	sst s0;
	s0 =	simm.s32 @!p2 $0x0  }
0x16: {  	s3 =	sld [smem:$0x3FDB];
	s0 =	simm.s32 @p2 $0x1  }
0x17: {  	s4 =	simm.s32 $0x1BF5;
	[smem:$0x3FB7] =	sst s0  }
0x18: {  	s0 =	sld [smem:$0x3F9A];
	_ =	swait.ge [sflag:s4], $0x0  }
0x19: {  	s7 =	sld [smem:$0x3F9B]  }
0x1a: {  	s8 =	sadd.s32 $0xFFFFE003, lr  }
0x1b: {  	s9 =	sadd.s32 $0xFFFFFEF7, lr;
	s5 =	simm.s32 $0xFFFFFFFF;
	p2 =	slt.u32 s8, $0xFFFFF086  }
0x1c: {  	p1 =	slt.u32 s9, $0xF7A;
	s5 =	simm.s32 @!p2 $0x0  }
0x1d: {  	s5 =	simm.s32 @p1 $0x1;
	p0 =	seq.s32 s7, s2  }
0x1e: {  	s7 =	smul.u32 @!p0 $0xF7A, s2;
	p2 =	seq.s32 @!p0 s5, $0x0  }
0x1f: {  	s9 =	smul.u32 $0xF7A, s1;
	s8 =	simm.s32 @!p0 $0x1BF5;
	p2 =	por !p2, p0  }
0x20: {  	[sflag:s8] =	ssyncset.s32 @!p0 $0xFFFFF086;
	s6 =	sadd.s32 @!p0 s3, s7;
	s7 =	simm.s32 @!p0 $0x108  }
0x21: {  	s3 =	sadd.s32 s3, s9;
	s6 =	sadd.s32 @!p0 $0x88, s6;
	s7 =	simm.s32 @p2 $0x1082  }
0x22: {  	[simem:s7], [sflag:s8] =	dma.local @!p0 [hbm:s6], $0xF7A  }
0x23: {  	s9 =	sor.u32 $0xD0000000, s2;
	s6 =	simm.s32 $0x108;
	_ =	swait.ge @!p0 [sflag:s8], $0x0  }
0x24: {  	s3 =	sadd.s32 $0x88, s3;
	s6 =	simm.s32 @!p1 $0x1082;
	[sflag:s4] =	ssyncset.s32 $0xFFFFF086  }
0x25: {  	[simem:s6], [sflag:s4] =	dma.local [hbm:s3], $0xF7A  }
0x26: {  	[smem:$0x3F9B] =	sst s1;
	(tag) =	ssettag s2;
	_ =	strace s9  }
0x27: {  	s1 =	sld [smem:$0x3FAB]  }
0x28: {  	s2 =	sld [smem:$0x3FAC]  }
0x29: {  	s4 =	sld [smem:$0x3FAE]  }
0x2a: {  	p0 =	seq.s32 s5, $0x0;
	s5 =	sld [smem:$0x3FAF]  }
0x2b: {  	s6 =	sld [smem:$0x3FB0]  }
0x2c: {  	s7 =	sld [smem:$0x3FB1]  }
0x2d: {  	s3 =	simm.s32 $0x108;
	s8 =	sld [smem:$0x3FB2]  }
0x2e: {  	s3 =	simm.s32 @!p0 $0x1082;
	s9 =	sld [smem:$0x3FB3]  }
0x2f: {  	lr =	sadd.s32 s0, s3;
	s0 =	sld [smem:$0x3FAA]  }
0x30: {  	s3 =	sld [smem:$0x3FAD]  }
0x31: {  	[smem:$0x3FB6] =	sst s10  }
0x32: {  	s10 =	sld [smem:$0x3FB4];
	_ =	sdelay $0x3  }
0x33: {  	p0 =	seq.s32 s10, $0x1;
	s10 =	sld [smem:$0x3FB6];
	_ =	sdelay $0x3  }
0x34: {  	[smem:$0x3FB6] =	sst s10  }
0x35: {  	s10 =	sld [smem:$0x3FB5];
	_ =	sdelay $0x3  }
0x36: {  	p1 =	seq.s32 s10, $0x1;
	s10 =	sld [smem:$0x3FB6];
	_ =	sdelay $0x3  }
0x37: {  	[smem:$0x3FB6] =	sst s10  }
0x38: {  	s10 =	sld [smem:$0x3FB7]  }
0x39: {  	_ = 	snop;
	(pc) =	sbr.ind lr, $3  }
0x3a: {  	_ = 	snop  }
0x3b: {  	_ = 	snop  }
0x3c: {  	p2 =	seq.s32 s10, $0x1;
	s10 =	sld [smem:$0x3FB6]  }
0x3d: {  	_ =	shalt  }
0x3e: {  	_ =	shalt  }
0x3f: {  	_ =	shalt  }
0x40: {  	_ =	shalt  }
0x41: {  	_ =	shalt  }
0x42: {  	_ =	shalt  }
0x43: {  	_ =	shalt  }
0x44: {  	_ =	shalt  }
0x45: {  	_ =	shalt  }
0x46: {  	_ =	shalt  }
0x47: {  	_ =	shalt  }
0x48: {  	_ =	shalt  }
0x49: {  	_ =	shalt  }
0x4a: {  	_ =	shalt  }
0x4b: {  	_ =	shalt  }
0x4c: {  	_ =	shalt  }
0x4d: {  	_ =	shalt  }
0x4e: {  	_ =	shalt  }
0x4f: {  	_ =	shalt  }
0x50: {  	_ =	shalt  }
0x51: {  	_ =	shalt  }
0x52: {  	_ =	shalt  }
0x53: {  	_ =	shalt  }
0x54: {  	_ =	shalt  }
0x55: {  	_ =	shalt  }
0x56: {  	_ =	shalt  }
0x57: {  	_ =	shalt  }
0x58: {  	_ =	shalt  }
0x59: {  	_ =	shalt  }
0x5a: {  	_ =	shalt  }
0x5b: {  	_ =	shalt  }
0x5c: {  	_ =	shalt  }
0x5d: {  	_ =	shalt  }
0x5e: {  	_ =	shalt  }
0x5f: {  	_ =	shalt  }
0x60: {  	_ =	shalt  }
0x61: {  	_ =	shalt  }
0x62: {  	_ =	shalt  }
0x63: {  	_ =	shalt  }
0x64: {  	_ =	shalt  }
0x65: {  	_ =	shalt  }
0x66: {  	_ =	shalt  }
0x67: {  	_ =	shalt  }
0x68: {  	_ =	shalt  }
0x69: {  	_ =	shalt  }
0x6a: {  	_ =	shalt  }
0x6b: {  	_ =	shalt  }
0x6c: {  	_ =	shalt  }
0x6d: {  	_ =	shalt  }
0x6e: {  	_ =	shalt  }
0x6f: {  	_ =	shalt  }
0x70: {  	_ =	shalt  }
0x71: {  	_ =	shalt  }
0x72: {  	_ =	shalt  }
0x73: {  	_ =	shalt  }
0x74: {  	_ =	shalt  }
0x75: {  	_ =	shalt  }
0x76: {  	_ =	shalt  }
0x77: {  	_ =	shalt  }
0x78: {  	_ =	shalt  }
0x79: {  	_ =	shalt  }
0x7a: {  	_ =	shalt  }
0x7b: {  	_ =	shalt  }
0x7c: {  	_ =	shalt  }
0x7d: {  	_ =	shalt  }
0x7e: {  	_ =	shalt  }
0x7f: {  	_ =	shalt  }
0x80: {  	_ =	shalt  }
0x81: {  	_ =	shalt  }
0x82: {  	_ =	shalt  }
0x83: {  	_ =	shalt  }
0x84: {  	_ =	shalt  }
0x85: {  	_ =	shalt  }
0x86: {  	_ =	shalt  }
0x87: {  	_ =	shalt  }
.Lfunc_end0:
.L_simem_size_0:
called_computation.2_lowered:
.L_overlay_start_0:
0x88: {  	s2 =	sld [smem:$0x3FD9]  }
0x89: {  	s3 =	sld [smem:$0x3FFE];
	_ =	sdelay $0x1  }
0x8a: {  	s1 =	srdreg.scid  }
0x8b: {  	s0 =	sand.u32 $0x1, s1  }
0x8c: {  	s17 =	sshll.u32 s0, $0xA;
	s2 =	sadd.s32 s3, s2  }
0x8d: {  	s2 =	sadd.s32 s2, s17  }
0x8e: {  	[smem:$0x3FC2] =	sst s2  }
0x8f: {  	_ = 	snop  }
0x90: {  	s2 =	sld [smem:$0x3FD0];
	(tm) =	ssettm $0x1  }
0x91: {  	s18 =	sld [smem:$0x3FFB];
	_ =	sdelay $0x3  }
0x92: {  	_ =	strace s18  }
0x93: {  	s3 =	sld [smem:$0x3FFC];
	_ =	sdelay $0x3  }
0x94: {  	_ =	strace s3  }
0x95: {  	s3 =	sld [smem:$0x3FFD];
	_ =	sdelay $0x3  }
0x96: {  	_ =	strace s3  }
0x97: {  	_ =	strace $0x8FFFFFFF  }
0x98: {  	s19 =	sld [smem:$0x3FDB];
	_ =	sdelay $0x1  }
0x99: {  	s4 =	simm.s32 $_scs_section_size  }
0x9a: {  	s5 =	simm.s32 $_size__tile_overlayer_lowered;
	s6 =	simm.s32 $_tile_overlayer_lowered  }
0x9b: {  	s22 =	simm.s32 $0x1BFF;
	s21 =	sshll.u32 s6, $0x1;
	s3 =	sadd.s32 s4, s19  }
0x9c: {  	s7 =	simm.s32 $0x0;
	s20 =	sshll.u32 s5, $0x1;
	s5 =	sadd.s32 s21, s3  }
0x9d: {  	[timem:s7], [sflag:s22] =	dma.local [hbm:s5], s20  }
0x9e: {  	_ =	swait.ge [sflag:s22], s20  }
0x9f: {  	s4 =	ssub.s32 $0x0, s20;
	[sflag:s22] =	ssyncset.done $0x0  }
0xa0: {  	[sflag:s22] =	ssyncadd.s32 s4;
	_ =	sdelay $0x1  }
0xa1: {  	s23 =	simm.s32 $0x1B8B  }
0xa2: {  	_ =	swait.ge [sflag:s23], $0x1  }
0xa3: {  	[sflag:s23] =	ssyncset.done $0x0  }
0xa4: {  	s25 =	simm.s32 $0x1B8E;
	s24 =	sld [smem:$0x3FFE];
	[sflag:s23] =	ssyncadd.s32 $0xFFFFFFFF  }
0xa5: {  	s26 =	simm.s32 $execute0_lowered;
	[smem:$0x3FD2] =	sst s25  }
0xa6: {  	s5 =	sshll.u32 s26, $0x1;
	_ =	strace $0x8000004C;
	[dreg:$0x1] =	wrdreg $0xFFFFFFFF  }
0xa7: {  	s28 =	simm.s32 $_size_execute0_lowered;
	s3 =	sadd.s32 s3, s5;
	[dreg:$0x0] =	wrdreg $0x0  }
0xa8: {  	s5 =	sshll.u32 s28, $0x1;
	[dreg:$0x2] =	wrdreg s3  }
0xa9: {  	[dreg:$0x3] =	wrdreg s5  }
0xaa: {  	[dreg:$0x4] =	wrdreg $0xC0  }
0xab: {  	_ =	task [dreg:s7], $0x5FFFF  }
0xac: {  	[dreg:$0x1] =	wrdreg $0xFFFFFFFF  }
0xad: {  	[dreg:$0x0] =	wrdreg $0x60  }
0xae: {  	[dreg:$0x2] =	wrdreg s24  }
0xaf: {  	[dreg:$0x3] =	wrdreg s2  }
0xb0: {  	[dreg:$0x4] =	wrdreg $0xA0000  }
0xb1: {  	[dreg:$0x5] =	wrdreg $0x0  }
0xb2: {  	[dreg:$0x6] =	wrdreg $0x9  }
0xb3: {  	_ =	task.clear_ibuf [dreg:s7], $0x7FFFF;
	_ =	strace $0x9000004C  }
0xb4: {  	s29 =	simm.s32 $0x9;
	_ =	strace $0x8000004E  }
0xb5: {  	_ =	swait.ge [sflag:s29], $0x1  }
0xb6: {  	[sflag:s29] =	ssyncadd.s32 $0xFFFFFFFF  }
0xb7: {  	_ =	strace $0x9000004E  }
0xb8: {  	_ =	sfence  }
0xb9: {  	s30 =	sld [smem:$0x0];
	_ =	sdelay $0x2  }
0xba: {  	s31 =	sshll.u32 s1, $0xD;
	s1 =	sshrl.u32 s1, $0x2  }
0xbb: {  	s3 =	sand.u32 $0x4000, s31;
	s1 =	sadd.s32 s1, s30  }
0xbc: {  	s0 =	sor.u32 s3, s0;
	s1 =	sshll.u32 s1, $0x11  }
0xbd: {  	s0 =	sor.u32 s1, s0  }
0xbe: {  	s0 =	sadd.s32 $0x8F2B, s0  }
0xbf: {  	[sflag:s0] =	ssyncadd.remote.s32 $0x1  }
0xc0: {  	_ =	sfence.sel $0xFFFF  }
0xc1: {  	[dreg:$0x0] =	wrdreg $0xFFFFFFFF;
	(pc) =	sbr.abs _section_cstart, $3  }
0xc2: {  	[dreg:$0x1] =	wrdreg $0xFFFFFFFF  }
0xc3: {  	_ =	task.clear_ibuf [dreg:s7], $0x2FFFF;
	_ =	strace $0x9FFFFFFF  }
0xc4: {  	(tm) =	ssettm $0x7FFFFFFF  }
0xc5: {  	_ =	shalt  }
tec
execute0_lowered:
.L_overlay_start_1:
0x0: {  	(tag) =	ssettag $0x1  }
0x1: {  	s0 =	rddreg [dreg:$0x0]  }
0x2: {  	s2 =	rddreg [dreg:$0x1]  }
0x3: {  	s3 =	srdreg.scid;
	s1 =	rddreg [dreg:$0x2]  }
0x4: {  	s4 =	simm.s32 $0x0;
	s12 =	stileid.u32;
	s28 =	simm.s32 $0x6  }
0x5: {  	s29 =	simm.s32 $0x5;
	s30 =	simm.s32 $0x1D000;
	s9 =	smul.u32 $0xA000, s12  }
0x6: {  	s5 =	sand.u32 $0x1, s3;
	s3 =	rddreg [dreg:$0x3];
	s11 =	smul.u32 $0xA00, s12  }
0x7: {  	s31 =	simm.s32 $0x8;
	[smem:$0x7FF] =	sst s4;
	s15 =	smul.u32 $0x5000, s12  }
0x8: {  	s10 =	sadd.s32 $0xD200, s0;
	s6 =	smul.u32 $0xA0000, s5;
	s5 =	ssub.s32 $0x2, s5  }
0x9: {  	s20 =	sshll.u32 s12, $0x6;
	_ =	strace $0x8000004D;
	s8 =	sshrl.u32 s5, $0x1  }
0xa: {  	s16 =	sadd.s32 s10, s11;
	s17 =	sadd.s32 s2, s11;
	s18 =	sshrl.u32 s9, $0x3  }
0xb: {  	s19 =	sadd.s32 s9, s1;
	s7 =	sshrl.u32 s6, $0x3;
	[dreg:$0x5] =	wrdreg s16  }
0xc: {  	s6 =	sadd.s32 s9, s6;
	s5 =	ssub.s32 s5, s8;
	[dreg:$0x6] =	wrdreg s17  }
0xd: {  	s8 =	sor.u32 $0x1C09, s20;
	s9 =	sadd.s32 s9, s3;
	s20 =	sshrl.u32 s19, $0x3  }
0xe: {  	s7 =	sadd.s32 s7, s0;
	s6 =	sshrl.u32 s6, $0x3;
	[dreg:$0x7] =	wrdreg s9  }
0xf: {  	s17 =	smax.u32 s5, $0x1;
	s5 =	simm.s32 $0x1B000;
	s0 =	sadd.s32 s6, s0  }
0x10: {  	s7 =	sadd.s32 s18, s7;
	s6 =	sshrl.u32 s15, $0x3;
	s18 =	simm.s32 $0x14000  }
0x11: {  	s7 =	sadd.s32 $0x67200, s7;
	s21 =	sadd.s32 $0x280, s6;
	s24 =	sadd.s32 $0x500, s6  }
0x12: {  	s6 =	sadd.s32 $0x780, s6;
	s16 =	sadd.s32 $0x8F200, s0;
	s0 =	simm.s32 $0x2  }
0x13: {  	s22 =	sadd.s32 s10, s21;
	s23 =	sadd.s32 s2, s21;
	s25 =	sadd.s32 s10, s24  }
0x14: {  	s9 =	sadd.s32 s2, s24;
	s26 =	sadd.s32 s10, s6;
	[dreg:$0x8] =	wrdreg s22  }
.Ltmp0:
0x15: {  	s15 =	sadd.s32 s2, s6;
	[dreg:$0x9] =	wrdreg s23;
	(pc) =	sbr.rel .LBB2_1-.Ltmp0, $4  }
0x16: {  	s21 =	simm.s32 $0x9;
	s24 =	simm.s32 $0x17C00;
	[dreg:$0xa] =	wrdreg s25  }
0x17: {  	s2 =	simm.s32 $0x4;
	s6 =	simm.s32 $0x3;
	[dreg:$0xb] =	wrdreg s9  }
0x18: {  	[dreg:$0xc] =	wrdreg s26;
	s22 =	simm.s32 $0x1;
	s23 =	simm.s32 $0x15400  }
0x19: {  	s25 =	simm.s32 $0x80;
	s26 =	simm.s32 $0x19000;
	s9 =	simm.s32 $0x0  }
.LBB2_29:
0x1a: {  	_ =	swait.ge [sflag:s31], $0x2000  }
0x1b: {  	[sflag:s31] =	ssyncset.done $0x0  }
0x1c: {  	[sflag:s31] =	ssyncadd.s32 $0xFFFFE000  }
0x1d: {  	_ =	swait.ge [sflag:s28], $0x2000  }
0x1e: {  	s9 =	sadd.s32 $0x1, s9;
	[sflag:s28] =	ssyncset.done $0x0  }
0x1f: {  	p0 =	sne.s32 s9, s17;
	[sflag:s28] =	ssyncadd.s32 $0xFFFFE000  }
.Ltmp1:
0x20: {  	[bflag:$0x0] =	sbarrier.arrive $0xFFFF;
	(pc) =	sbr.rel @!p0 .LBB2_30-.Ltmp1, $4  }
0x21: {  	[hbm:s16], [sflag:s8] =	dma.local [spmem:s10], $0x1400  }
0x22: {  	_ =	swait.ge [sflag:s21], $0x1400  }
0x23: {  	[sflag:s21] =	ssyncset.done $0x0  }
0x24: {  	[sflag:s21] =	ssyncadd.s32 $0xFFFFEC00  }
.LBB2_1:
0x25: {  	s10 =	rddreg [dreg:$0x5]  }
0x26: {  	[tilespmem:s18], [sflag:$0x1] =	stream.linear.gather [hbm4b:s10+s4], $0x1400, $0x38;
	[tilespmem:$0x1F000] =	vst v63  }
0x27: {  	s12 =	rddreg [dreg:$0x6];
	s11 =	simm.s32 $0x16800  }
0x28: {  	[tilespmem:s11], [sflag:$0x1] =	stream.linear.gather [hbm4b:s12+s4], $0x1400, $0x38;
	[tilespmem:$0x1F000] =	vst v63  }
0x29: {  	[spmem:s20], [sflag:s8] =	dma.local [hbm:s7], $0x1400  }
0x2a: {  	_ =	swait.ge [sflag:s21], $0x1400  }
0x2b: {  	[sflag:s21] =	ssyncset.done $0x0;
	s13 =	rddreg [dreg:$0x7]  }
0x2c: {  	[sflag:s21] =	ssyncadd.s32 $0xFFFFEC00;
	s10 =	sshrl.u32 s13, $0x3  }
0x2d: {  	[spmem:s10], [sflag:s8] =	dma.local [hbm:s7], $0x1400  }
0x2e: {  	_ =	swait.ge [sflag:s21], $0x1400  }
0x2f: {  	[sflag:s21] =	ssyncset.done $0x0  }
0x30: {  	[sflag:s21] =	ssyncadd.s32 $0xFFFFEC00  }
0x31: {  	[bflag:$0x0] =	sbarrier.arrive $0xFFFF  }
0x32: {  	_ =	swait.ge [sflag:s22], $0x1400  }
0x33: {  	[sflag:s22] =	ssyncset.done $0x0  }
0x34: {  	[sflag:s22] =	ssyncadd.s32 $0xFFFFEC00  }
0x35: {  	_ =	swait.ge [sflag:s22], $0x1400  }
0x36: {  	[sflag:s22] =	ssyncset.done $0x0  }
0x37: {  	s14 =	rddreg [dreg:$0x8];
	[sflag:s22] =	ssyncadd.s32 $0xFFFFEC00  }
0x38: {  	[tilespmem:s23], [sflag:$0x2] =	stream.linear.gather [hbm4b:s14+s4], $0x1400, $0x38;
	[tilespmem:$0x1F000] =	vst v63  }
.Ltmp2:
0x39: {  	_ = 	snop;
	(pc) =	sbr.rel .LBB2_2-.Ltmp2, $4  }
0x3a: {  	s19 =	rddreg [dreg:$0x9]  }
0x3b: {  	[tilespmem:s24], [sflag:$0x2] =	stream.linear.gather [hbm4b:s19+s4], $0x1400, $0x38;
	[tilespmem:$0x1F000] =	vst v63  }
0x3c: {  	s11 =	simm.s32 $0x0;
	s19 =	simm.s32 $0x0  }
0x3d: {  	[tilespmem:s26], [sflag:$0x3] =	stream.indirect.gather [spmem:s1], $0x40, s18, s25, $0xb8;
	[tilespmem:$0x1F000] =	vst v63  }
.LBB2_6:
0x3e: {  	_ =	swait.ge [sflag:s28], $0x2000;
	p0 =	seq.s32 s11, $0x4E00  }
0x3f: {  	[sflag:s28] =	ssyncset.done $0x0;
	s12 =	sshra.s32 @!p0 s11, $0x2;
	s13 =	simm.s32 @!p0 $0x80  }
0x40: {  	s14 =	simm.s32 @!p0 $0x19000;
	[sflag:s28] =	ssyncadd.s32 $0xFFFFE000;
	s12 =	sadd.s32 @!p0 $0x14080, s12  }
0x41: {  	[tilespmem:s14], [sflag:$0x3] =	stream.indirect.gather @!p0 [spmem:s1], $0x40, s12, s13, $0xb8;
	[tilespmem:$0x1F000] =	vst v63  }
0x42: {  	s12 =	smov.u32 s11  }
0x43: {  	s12 =	simm.s32 @p0 $0x4E00;
	_ =	swait.ge [sflag:s29], $0x2000  }
0x44: {  	[sflag:s29] =	ssyncset.done $0x0;
	s12 =	sshra.s32 s12, $0x2  }
0x45: {  	[sflag:s29] =	ssyncadd.s32 $0xFFFFE000;
	s12 =	sadd.s32 $0x16800, s12  }
0x46: {  	[spmem:s3] =	stream.indirect.scatter.add.f32 [tilespmem:s30], [sflag:$0x8], $0x40, s12, s25, $0xb8;
	[tilespmem:$0x1F000] =	vst v63  }
.LBB2_7:
0x47: {  	s11 =	sadd.s32 $0x200, s11  }
0x48: {  	p0 =	sne.s32 s11, $0x5000  }
.Ltmp3:
0x49: {  	_ = 	snop;
	(pc) =	sbr.rel @!p0 .LBB2_8-.Ltmp3, $2  }
0x4a: {  	_ =	sdelay $0x2  }
0x4b: {  	s19 =	sadd.s32 $0x1, s19  }
.LBB2_2:
0x4c: {  	s12 =	smul.u32 $0xAB, s19;
	_ =	sdelay $0x1  }
0x4d: {  	s12 =	sshrl.u32 s12, $0x9  }
0x4e: {  	s12 =	sand.u32 $0x7F, s12  }
0x4f: {  	s12 =	smul.u32 $0x3, s12;
	_ =	sdelay $0x1  }
0x50: {  	s12 =	ssub.s32 s19, s12  }
0x51: {  	s12 =	sand.u32 $0xFF, s12  }
0x52: {  	p0 =	seq.s32 s12, $0x2  }
.Ltmp4:
0x53: {  	_ = 	snop;
	(pc) =	sbr.rel @p0 .LBB2_6-.Ltmp4, $1  }
0x54: {  	_ =	sdelay $0x3  }
0x55: {  	p0 =	seq.s32 s12, $0x1  }
.Ltmp5:
0x56: {  	_ = 	snop;
	(pc) =	sbr.rel @!p0 .LBB2_4-.Ltmp5, $1  }
0x57: {  	_ =	sdelay $0x3  }
0x58: {  	p0 =	slt.u32 s19, $0x2  }
0x59: {  	s12 =	simm.s32 @!p0 $0x8  }
0x5a: {  	_ =	swait.ge @!p0 [sflag:s12], $0x2000  }
0x5b: {  	p1 =	seq.s32 @!p0 s11, $0x4E00;
	[sflag:s12] =	ssyncset.done @!p0 $0x0  }
0x5c: {  	p1 =	por p0, !p1;
	[sflag:s12] =	ssyncadd.s32 @!p0 $0xFFFFE000;
	s12 =	simm.s32 @!p0 $0x4E00  }
0x5d: {  	s12 =	sshra.s32 @p1 s11, $0x2  }
0x5e: {  	s12 =	sadd.s32 @p1 $0x14080, s12  }
0x5f: {  	[tilespmem:s30], [sflag:$0x5] =	stream.indirect.gather @p1 [spmem:s1], $0x40, s12, s25, $0xb8;
	[tilespmem:$0x1F000] =	vst v63  }
.Ltmp6:
0x60: {  	_ = 	snop;
	(pc) =	sbr.rel .LBB2_7-.Ltmp6, $4  }
0x61: {  	s12 =	smov.u32 @p1 s11;
	_ =	swait.ge [sflag:s2], $0x2000  }
0x62: {  	s12 =	sshra.s32 s12, $0x2;
	[sflag:s2] =	ssyncset.done $0x0  }
0x63: {  	s12 =	sadd.s32 $0x16800, s12;
	[sflag:s2] =	ssyncadd.s32 $0xFFFFE000  }
0x64: {  	[spmem:s3] =	stream.indirect.scatter.add.f32 [tilespmem:s5], [sflag:$0x7], $0x40, s12, s25, $0xb8;
	[tilespmem:$0x1F000] =	vst v63  }
.LBB2_4:
0x65: {  	p0 =	slt.u32 s19, $0x2  }
0x66: {  	s12 =	simm.s32 @!p0 $0x7  }
0x67: {  	_ =	swait.ge @!p0 [sflag:s12], $0x2000  }
0x68: {  	p1 =	seq.s32 @!p0 s11, $0x4E00;
	[sflag:s12] =	ssyncset.done @!p0 $0x0  }
0x69: {  	p1 =	por p0, !p1;
	[sflag:s12] =	ssyncadd.s32 @!p0 $0xFFFFE000;
	s12 =	simm.s32 @!p0 $0x4E00  }
0x6a: {  	s12 =	sshra.s32 @p1 s11, $0x2  }
0x6b: {  	s12 =	sadd.s32 @p1 $0x14080, s12  }
0x6c: {  	[tilespmem:s5], [sflag:$0x4] =	stream.indirect.gather @p1 [spmem:s1], $0x40, s12, s25, $0xb8;
	[tilespmem:$0x1F000] =	vst v63  }
.Ltmp7:
0x6d: {  	_ = 	snop;
	(pc) =	sbr.rel .LBB2_7-.Ltmp7, $4  }
0x6e: {  	s12 =	smov.u32 @p1 s11;
	_ =	swait.ge [sflag:s6], $0x2000  }
0x6f: {  	s12 =	sshra.s32 s12, $0x2;
	[sflag:s6] =	ssyncset.done $0x0  }
0x70: {  	s12 =	sadd.s32 $0x16800, s12;
	[sflag:s6] =	ssyncadd.s32 $0xFFFFE000  }
0x71: {  	[spmem:s3] =	stream.indirect.scatter.add.f32 [tilespmem:s26], [sflag:$0x6], $0x40, s12, s25, $0xb8;
	[tilespmem:$0x1F000] =	vst v63  }
.LBB2_8:
0x72: {  	_ =	swait.ge [sflag:s31], $0x2000  }
0x73: {  	[sflag:s31] =	ssyncset.done $0x0  }
0x74: {  	[sflag:s31] =	ssyncadd.s32 $0xFFFFE000  }
0x75: {  	_ =	swait.ge [sflag:s28], $0x2000  }
0x76: {  	[sflag:s28] =	ssyncset.done $0x0  }
0x77: {  	[sflag:s28] =	ssyncadd.s32 $0xFFFFE000  }
0x78: {  	_ =	swait.ge [sflag:s0], $0x1400  }
0x79: {  	[sflag:s0] =	ssyncset.done $0x0  }
0x7a: {  	[sflag:s0] =	ssyncadd.s32 $0xFFFFEC00  }
0x7b: {  	_ =	swait.ge [sflag:s0], $0x1400  }
0x7c: {  	[sflag:s0] =	ssyncset.done $0x0  }
0x7d: {  	s11 =	simm.s32 $0x0;
	s12 =	rddreg [dreg:$0xa];
	[sflag:s0] =	ssyncadd.s32 $0xFFFFEC00  }
0x7e: {  	[tilespmem:s18], [sflag:$0x1] =	stream.linear.gather [hbm4b:s12+s11], $0x1400, $0x38;
	[tilespmem:$0x1F000] =	vst v63  }
.Ltmp8:
0x7f: {  	_ = 	snop;
	(pc) =	sbr.rel .LBB2_9-.Ltmp8, $4  }
0x80: {  	s13 =	simm.s32 $0x16800;
	s19 =	rddreg [dreg:$0xb]  }
0x81: {  	[tilespmem:s13], [sflag:$0x1] =	stream.linear.gather [hbm4b:s19+s11], $0x1400, $0x38;
	[tilespmem:$0x1F000] =	vst v63  }
0x82: {  	s19 =	simm.s32 $0x0  }
0x83: {  	[tilespmem:s26], [sflag:$0x3] =	stream.indirect.gather [spmem:s1], $0x40, s23, s25, $0xb8;
	[tilespmem:$0x1F000] =	vst v63  }
.LBB2_13:
0x84: {  	_ =	swait.ge [sflag:s28], $0x2000;
	p0 =	seq.s32 s11, $0x4E00  }
0x85: {  	[sflag:s28] =	ssyncset.done $0x0;
	s12 =	sshra.s32 @!p0 s11, $0x2;
	s13 =	simm.s32 @!p0 $0x80  }
0x86: {  	s14 =	simm.s32 @!p0 $0x19000;
	[sflag:s28] =	ssyncadd.s32 $0xFFFFE000;
	s12 =	sadd.s32 @!p0 $0x15480, s12  }
0x87: {  	[tilespmem:s14], [sflag:$0x3] =	stream.indirect.gather @!p0 [spmem:s1], $0x40, s12, s13, $0xb8;
	[tilespmem:$0x1F000] =	vst v63  }
0x88: {  	s12 =	smov.u32 s11  }
0x89: {  	s12 =	simm.s32 @p0 $0x4E00;
	_ =	swait.ge [sflag:s29], $0x2000  }
0x8a: {  	[sflag:s29] =	ssyncset.done $0x0;
	s12 =	sshra.s32 s12, $0x2  }
0x8b: {  	[sflag:s29] =	ssyncadd.s32 $0xFFFFE000;
	s12 =	sadd.s32 $0x17C00, s12  }
0x8c: {  	[spmem:s3] =	stream.indirect.scatter.add.f32 [tilespmem:s30], [sflag:$0x8], $0x40, s12, s25, $0xb8;
	[tilespmem:$0x1F000] =	vst v63  }
.LBB2_14:
0x8d: {  	s11 =	sadd.s32 $0x200, s11  }
0x8e: {  	p0 =	sne.s32 s11, $0x5000  }
.Ltmp9:
0x8f: {  	_ = 	snop;
	(pc) =	sbr.rel @!p0 .LBB2_15-.Ltmp9, $2  }
0x90: {  	_ =	sdelay $0x2  }
0x91: {  	s19 =	sadd.s32 $0x1, s19  }
.LBB2_9:
0x92: {  	s12 =	smul.u32 $0xAB, s19;
	_ =	sdelay $0x1  }
0x93: {  	s12 =	sshrl.u32 s12, $0x9  }
0x94: {  	s12 =	sand.u32 $0x7F, s12  }
0x95: {  	s12 =	smul.u32 $0x3, s12;
	_ =	sdelay $0x1  }
0x96: {  	s12 =	ssub.s32 s19, s12  }
0x97: {  	s12 =	sand.u32 $0xFF, s12  }
0x98: {  	p0 =	seq.s32 s12, $0x2  }
.Ltmp10:
0x99: {  	_ = 	snop;
	(pc) =	sbr.rel @p0 .LBB2_13-.Ltmp10, $1  }
0x9a: {  	_ =	sdelay $0x3  }
0x9b: {  	p0 =	seq.s32 s12, $0x1  }
.Ltmp11:
0x9c: {  	_ = 	snop;
	(pc) =	sbr.rel @!p0 .LBB2_11-.Ltmp11, $1  }
0x9d: {  	_ =	sdelay $0x3  }
0x9e: {  	p0 =	slt.u32 s19, $0x2  }
0x9f: {  	s12 =	simm.s32 @!p0 $0x8  }
0xa0: {  	_ =	swait.ge @!p0 [sflag:s12], $0x2000  }
0xa1: {  	p1 =	seq.s32 @!p0 s11, $0x4E00;
	[sflag:s12] =	ssyncset.done @!p0 $0x0  }
0xa2: {  	p1 =	por p0, !p1;
	[sflag:s12] =	ssyncadd.s32 @!p0 $0xFFFFE000;
	s12 =	simm.s32 @!p0 $0x4E00  }
0xa3: {  	s12 =	sshra.s32 @p1 s11, $0x2  }
0xa4: {  	s12 =	sadd.s32 @p1 $0x15480, s12  }
0xa5: {  	[tilespmem:s30], [sflag:$0x5] =	stream.indirect.gather @p1 [spmem:s1], $0x40, s12, s25, $0xb8;
	[tilespmem:$0x1F000] =	vst v63  }
.Ltmp12:
0xa6: {  	_ = 	snop;
	(pc) =	sbr.rel .LBB2_14-.Ltmp12, $4  }
0xa7: {  	s12 =	smov.u32 @p1 s11;
	_ =	swait.ge [sflag:s2], $0x2000  }
0xa8: {  	s12 =	sshra.s32 s12, $0x2;
	[sflag:s2] =	ssyncset.done $0x0  }
0xa9: {  	s12 =	sadd.s32 $0x17C00, s12;
	[sflag:s2] =	ssyncadd.s32 $0xFFFFE000  }
0xaa: {  	[spmem:s3] =	stream.indirect.scatter.add.f32 [tilespmem:s5], [sflag:$0x7], $0x40, s12, s25, $0xb8;
	[tilespmem:$0x1F000] =	vst v63  }
.LBB2_11:
0xab: {  	p0 =	slt.u32 s19, $0x2  }
0xac: {  	s12 =	simm.s32 @!p0 $0x7  }
0xad: {  	_ =	swait.ge @!p0 [sflag:s12], $0x2000  }
0xae: {  	p1 =	seq.s32 @!p0 s11, $0x4E00;
	[sflag:s12] =	ssyncset.done @!p0 $0x0  }
0xaf: {  	p1 =	por p0, !p1;
	[sflag:s12] =	ssyncadd.s32 @!p0 $0xFFFFE000;
	s12 =	simm.s32 @!p0 $0x4E00  }
0xb0: {  	s12 =	sshra.s32 @p1 s11, $0x2  }
0xb1: {  	s12 =	sadd.s32 @p1 $0x15480, s12  }
0xb2: {  	[tilespmem:s5], [sflag:$0x4] =	stream.indirect.gather @p1 [spmem:s1], $0x40, s12, s25, $0xb8;
	[tilespmem:$0x1F000] =	vst v63  }
.Ltmp13:
0xb3: {  	_ = 	snop;
	(pc) =	sbr.rel .LBB2_14-.Ltmp13, $4  }
0xb4: {  	s12 =	smov.u32 @p1 s11;
	_ =	swait.ge [sflag:s6], $0x2000  }
0xb5: {  	s12 =	sshra.s32 s12, $0x2;
	[sflag:s6] =	ssyncset.done $0x0  }
0xb6: {  	s12 =	sadd.s32 $0x17C00, s12;
	[sflag:s6] =	ssyncadd.s32 $0xFFFFE000  }
0xb7: {  	[spmem:s3] =	stream.indirect.scatter.add.f32 [tilespmem:s26], [sflag:$0x6], $0x40, s12, s25, $0xb8;
	[tilespmem:$0x1F000] =	vst v63  }
.LBB2_15:
0xb8: {  	_ =	swait.ge [sflag:s31], $0x2000  }
0xb9: {  	[sflag:s31] =	ssyncset.done $0x0  }
0xba: {  	[sflag:s31] =	ssyncadd.s32 $0xFFFFE000  }
0xbb: {  	_ =	swait.ge [sflag:s28], $0x2000  }
0xbc: {  	[sflag:s28] =	ssyncset.done $0x0  }
0xbd: {  	[sflag:s28] =	ssyncadd.s32 $0xFFFFE000  }
0xbe: {  	_ =	swait.ge [sflag:s22], $0x1400  }
0xbf: {  	[sflag:s22] =	ssyncset.done $0x0  }
0xc0: {  	[sflag:s22] =	ssyncadd.s32 $0xFFFFEC00  }
0xc1: {  	_ =	swait.ge [sflag:s22], $0x1400  }
0xc2: {  	[sflag:s22] =	ssyncset.done $0x0  }
0xc3: {  	s11 =	simm.s32 $0x0;
	s12 =	rddreg [dreg:$0xc];
	[sflag:s22] =	ssyncadd.s32 $0xFFFFEC00  }
0xc4: {  	[tilespmem:s23], [sflag:$0x2] =	stream.linear.gather [hbm4b:s12+s11], $0x1400, $0x38;
	[tilespmem:$0x1F000] =	vst v63  }
.Ltmp14:
0xc5: {  	_ = 	snop;
	(pc) =	sbr.rel .LBB2_16-.Ltmp14, $4  }
0xc6: {  	_ = 	snop  }
0xc7: {  	[tilespmem:s24], [sflag:$0x2] =	stream.linear.gather [hbm4b:s15+s11], $0x1400, $0x38;
	[tilespmem:$0x1F000] =	vst v63  }
0xc8: {  	s19 =	simm.s32 $0x0  }
0xc9: {  	[tilespmem:s26], [sflag:$0x3] =	stream.indirect.gather [spmem:s1], $0x40, s18, s25, $0xb8;
	[tilespmem:$0x1F000] =	vst v63  }
.LBB2_20:
0xca: {  	_ =	swait.ge [sflag:s28], $0x2000;
	p0 =	seq.s32 s11, $0x4E00  }
0xcb: {  	[sflag:s28] =	ssyncset.done $0x0;
	s12 =	sshra.s32 @!p0 s11, $0x2;
	s13 =	simm.s32 @!p0 $0x80  }
0xcc: {  	s14 =	simm.s32 @!p0 $0x19000;
	[sflag:s28] =	ssyncadd.s32 $0xFFFFE000;
	s12 =	sadd.s32 @!p0 $0x14080, s12  }
0xcd: {  	[tilespmem:s14], [sflag:$0x3] =	stream.indirect.gather @!p0 [spmem:s1], $0x40, s12, s13, $0xb8;
	[tilespmem:$0x1F000] =	vst v63  }
0xce: {  	s12 =	smov.u32 s11  }
0xcf: {  	s12 =	simm.s32 @p0 $0x4E00;
	_ =	swait.ge [sflag:s29], $0x2000  }
0xd0: {  	[sflag:s29] =	ssyncset.done $0x0;
	s12 =	sshra.s32 s12, $0x2  }
0xd1: {  	[sflag:s29] =	ssyncadd.s32 $0xFFFFE000;
	s12 =	sadd.s32 $0x16800, s12  }
0xd2: {  	[spmem:s3] =	stream.indirect.scatter.add.f32 [tilespmem:s30], [sflag:$0x8], $0x40, s12, s25, $0xb8;
	[tilespmem:$0x1F000] =	vst v63  }
.LBB2_21:
0xd3: {  	s11 =	sadd.s32 $0x200, s11  }
0xd4: {  	p0 =	sne.s32 s11, $0x5000  }
.Ltmp15:
0xd5: {  	_ = 	snop;
	(pc) =	sbr.rel @!p0 .LBB2_22-.Ltmp15, $2  }
0xd6: {  	_ =	sdelay $0x2  }
0xd7: {  	s19 =	sadd.s32 $0x1, s19  }
.LBB2_16:
0xd8: {  	s12 =	smul.u32 $0xAB, s19;
	_ =	sdelay $0x1  }
0xd9: {  	s12 =	sshrl.u32 s12, $0x9  }
0xda: {  	s12 =	sand.u32 $0x7F, s12  }
0xdb: {  	s12 =	smul.u32 $0x3, s12;
	_ =	sdelay $0x1  }
0xdc: {  	s12 =	ssub.s32 s19, s12  }
0xdd: {  	s12 =	sand.u32 $0xFF, s12  }
0xde: {  	p0 =	seq.s32 s12, $0x2  }
.Ltmp16:
0xdf: {  	_ = 	snop;
	(pc) =	sbr.rel @p0 .LBB2_20-.Ltmp16, $1  }
0xe0: {  	_ =	sdelay $0x3  }
0xe1: {  	p0 =	seq.s32 s12, $0x1  }
.Ltmp17:
0xe2: {  	_ = 	snop;
	(pc) =	sbr.rel @!p0 .LBB2_18-.Ltmp17, $1  }
0xe3: {  	_ =	sdelay $0x3  }
0xe4: {  	p0 =	slt.u32 s19, $0x2  }
0xe5: {  	s12 =	simm.s32 @!p0 $0x8  }
0xe6: {  	_ =	swait.ge @!p0 [sflag:s12], $0x2000  }
0xe7: {  	p1 =	seq.s32 @!p0 s11, $0x4E00;
	[sflag:s12] =	ssyncset.done @!p0 $0x0  }
0xe8: {  	p1 =	por p0, !p1;
	[sflag:s12] =	ssyncadd.s32 @!p0 $0xFFFFE000;
	s12 =	simm.s32 @!p0 $0x4E00  }
0xe9: {  	s12 =	sshra.s32 @p1 s11, $0x2  }
0xea: {  	s12 =	sadd.s32 @p1 $0x14080, s12  }
0xeb: {  	[tilespmem:s30], [sflag:$0x5] =	stream.indirect.gather @p1 [spmem:s1], $0x40, s12, s25, $0xb8;
	[tilespmem:$0x1F000] =	vst v63  }
.Ltmp18:
0xec: {  	_ = 	snop;
	(pc) =	sbr.rel .LBB2_21-.Ltmp18, $4  }
0xed: {  	s12 =	smov.u32 @p1 s11;
	_ =	swait.ge [sflag:s2], $0x2000  }
0xee: {  	s12 =	sshra.s32 s12, $0x2;
	[sflag:s2] =	ssyncset.done $0x0  }
0xef: {  	s12 =	sadd.s32 $0x16800, s12;
	[sflag:s2] =	ssyncadd.s32 $0xFFFFE000  }
0xf0: {  	[spmem:s3] =	stream.indirect.scatter.add.f32 [tilespmem:s5], [sflag:$0x7], $0x40, s12, s25, $0xb8;
	[tilespmem:$0x1F000] =	vst v63  }
.LBB2_18:
0xf1: {  	p0 =	slt.u32 s19, $0x2  }
0xf2: {  	s12 =	simm.s32 @!p0 $0x7  }
0xf3: {  	_ =	swait.ge @!p0 [sflag:s12], $0x2000  }
0xf4: {  	p1 =	seq.s32 @!p0 s11, $0x4E00;
	[sflag:s12] =	ssyncset.done @!p0 $0x0  }
0xf5: {  	p1 =	por p0, !p1;
	[sflag:s12] =	ssyncadd.s32 @!p0 $0xFFFFE000;
	s12 =	simm.s32 @!p0 $0x4E00  }
0xf6: {  	s12 =	sshra.s32 @p1 s11, $0x2  }
0xf7: {  	s12 =	sadd.s32 @p1 $0x14080, s12  }
0xf8: {  	[tilespmem:s5], [sflag:$0x4] =	stream.indirect.gather @p1 [spmem:s1], $0x40, s12, s25, $0xb8;
	[tilespmem:$0x1F000] =	vst v63  }
.Ltmp19:
0xf9: {  	_ = 	snop;
	(pc) =	sbr.rel .LBB2_21-.Ltmp19, $4  }
0xfa: {  	s12 =	smov.u32 @p1 s11;
	_ =	swait.ge [sflag:s6], $0x2000  }
0xfb: {  	s12 =	sshra.s32 s12, $0x2;
	[sflag:s6] =	ssyncset.done $0x0  }
0xfc: {  	s12 =	sadd.s32 $0x16800, s12;
	[sflag:s6] =	ssyncadd.s32 $0xFFFFE000  }
0xfd: {  	[spmem:s3] =	stream.indirect.scatter.add.f32 [tilespmem:s26], [sflag:$0x6], $0x40, s12, s25, $0xb8;
	[tilespmem:$0x1F000] =	vst v63  }
.LBB2_22:
0xfe: {  	_ =	swait.ge [sflag:s31], $0x2000  }
0xff: {  	[sflag:s31] =	ssyncset.done $0x0  }
0x100: {  	[sflag:s31] =	ssyncadd.s32 $0xFFFFE000  }
0x101: {  	_ =	swait.ge [sflag:s28], $0x2000  }
0x102: {  	[sflag:s28] =	ssyncset.done $0x0  }
0x103: {  	[sflag:s28] =	ssyncadd.s32 $0xFFFFE000  }
0x104: {  	_ =	swait.ge [sflag:s0], $0x1400  }
0x105: {  	[sflag:s0] =	ssyncset.done $0x0  }
.Ltmp20:
0x106: {  	[sflag:s0] =	ssyncadd.s32 $0xFFFFEC00;
	(pc) =	sbr.rel .LBB2_23-.Ltmp20, $4  }
0x107: {  	_ =	swait.ge [sflag:s0], $0x1400  }
0x108: {  	[sflag:s0] =	ssyncset.done $0x0  }
0x109: {  	s11 =	simm.s32 $0x0;
	s19 =	simm.s32 $0x0;
	[sflag:s0] =	ssyncadd.s32 $0xFFFFEC00  }
0x10a: {  	[tilespmem:s26], [sflag:$0x3] =	stream.indirect.gather [spmem:s1], $0x40, s23, s25, $0xb8;
	[tilespmem:$0x1F000] =	vst v63  }
.LBB2_27:
0x10b: {  	_ =	swait.ge [sflag:s28], $0x2000;
	p0 =	seq.s32 s11, $0x4E00  }
0x10c: {  	[sflag:s28] =	ssyncset.done $0x0;
	s12 =	sshra.s32 @!p0 s11, $0x2;
	s13 =	simm.s32 @!p0 $0x80  }
0x10d: {  	s14 =	simm.s32 @!p0 $0x19000;
	[sflag:s28] =	ssyncadd.s32 $0xFFFFE000;
	s12 =	sadd.s32 @!p0 $0x15480, s12  }
0x10e: {  	[tilespmem:s14], [sflag:$0x3] =	stream.indirect.gather @!p0 [spmem:s1], $0x40, s12, s13, $0xb8;
	[tilespmem:$0x1F000] =	vst v63  }
0x10f: {  	s12 =	smov.u32 s11  }
0x110: {  	s12 =	simm.s32 @p0 $0x4E00;
	_ =	swait.ge [sflag:s29], $0x2000  }
0x111: {  	[sflag:s29] =	ssyncset.done $0x0;
	s12 =	sshra.s32 s12, $0x2  }
0x112: {  	[sflag:s29] =	ssyncadd.s32 $0xFFFFE000;
	s12 =	sadd.s32 $0x17C00, s12  }
0x113: {  	[spmem:s3] =	stream.indirect.scatter.add.f32 [tilespmem:s30], [sflag:$0x8], $0x40, s12, s25, $0xb8;
	[tilespmem:$0x1F000] =	vst v63  }
.LBB2_28:
0x114: {  	s11 =	sadd.s32 $0x200, s11  }
0x115: {  	p0 =	sne.s32 s11, $0x5000  }
.Ltmp21:
0x116: {  	_ = 	snop;
	(pc) =	sbr.rel @!p0 .LBB2_29-.Ltmp21, $2  }
0x117: {  	_ =	sdelay $0x2  }
0x118: {  	s19 =	sadd.s32 $0x1, s19  }
.LBB2_23:
0x119: {  	s12 =	smul.u32 $0xAB, s19;
	_ =	sdelay $0x1  }
0x11a: {  	s12 =	sshrl.u32 s12, $0x9  }
0x11b: {  	s12 =	sand.u32 $0x7F, s12  }
0x11c: {  	s12 =	smul.u32 $0x3, s12;
	_ =	sdelay $0x1  }
0x11d: {  	s12 =	ssub.s32 s19, s12  }
0x11e: {  	s12 =	sand.u32 $0xFF, s12  }
0x11f: {  	p0 =	seq.s32 s12, $0x2  }
.Ltmp22:
0x120: {  	_ = 	snop;
	(pc) =	sbr.rel @p0 .LBB2_27-.Ltmp22, $1  }
0x121: {  	_ =	sdelay $0x3  }
0x122: {  	p0 =	seq.s32 s12, $0x1  }
.Ltmp23:
0x123: {  	_ = 	snop;
	(pc) =	sbr.rel @!p0 .LBB2_25-.Ltmp23, $1  }
0x124: {  	_ =	sdelay $0x3  }
0x125: {  	p0 =	slt.u32 s19, $0x2  }
0x126: {  	s12 =	simm.s32 @!p0 $0x8  }
0x127: {  	_ =	swait.ge @!p0 [sflag:s12], $0x2000  }
0x128: {  	p1 =	seq.s32 @!p0 s11, $0x4E00;
	[sflag:s12] =	ssyncset.done @!p0 $0x0  }
0x129: {  	p1 =	por p0, !p1;
	[sflag:s12] =	ssyncadd.s32 @!p0 $0xFFFFE000;
	s12 =	simm.s32 @!p0 $0x4E00  }
0x12a: {  	s12 =	sshra.s32 @p1 s11, $0x2  }
0x12b: {  	s12 =	sadd.s32 @p1 $0x15480, s12  }
0x12c: {  	[tilespmem:s30], [sflag:$0x5] =	stream.indirect.gather @p1 [spmem:s1], $0x40, s12, s25, $0xb8;
	[tilespmem:$0x1F000] =	vst v63  }
.Ltmp24:
0x12d: {  	_ = 	snop;
	(pc) =	sbr.rel .LBB2_28-.Ltmp24, $4  }
0x12e: {  	s12 =	smov.u32 @p1 s11;
	_ =	swait.ge [sflag:s2], $0x2000  }
0x12f: {  	s12 =	sshra.s32 s12, $0x2;
	[sflag:s2] =	ssyncset.done $0x0  }
0x130: {  	s12 =	sadd.s32 $0x17C00, s12;
	[sflag:s2] =	ssyncadd.s32 $0xFFFFE000  }
0x131: {  	[spmem:s3] =	stream.indirect.scatter.add.f32 [tilespmem:s5], [sflag:$0x7], $0x40, s12, s25, $0xb8;
	[tilespmem:$0x1F000] =	vst v63  }
.LBB2_25:
0x132: {  	p0 =	slt.u32 s19, $0x2  }
0x133: {  	s12 =	simm.s32 @!p0 $0x7  }
0x134: {  	_ =	swait.ge @!p0 [sflag:s12], $0x2000  }
0x135: {  	p1 =	seq.s32 @!p0 s11, $0x4E00;
	[sflag:s12] =	ssyncset.done @!p0 $0x0  }
0x136: {  	p1 =	por p0, !p1;
	[sflag:s12] =	ssyncadd.s32 @!p0 $0xFFFFE000;
	s12 =	simm.s32 @!p0 $0x4E00  }
0x137: {  	s12 =	sshra.s32 @p1 s11, $0x2  }
0x138: {  	s12 =	sadd.s32 @p1 $0x15480, s12  }
0x139: {  	[tilespmem:s5], [sflag:$0x4] =	stream.indirect.gather @p1 [spmem:s1], $0x40, s12, s25, $0xb8;
	[tilespmem:$0x1F000] =	vst v63  }
.Ltmp25:
0x13a: {  	_ = 	snop;
	(pc) =	sbr.rel .LBB2_28-.Ltmp25, $4  }
0x13b: {  	s12 =	smov.u32 @p1 s11;
	_ =	swait.ge [sflag:s6], $0x2000  }
0x13c: {  	s12 =	sshra.s32 s12, $0x2;
	[sflag:s6] =	ssyncset.done $0x0  }
0x13d: {  	s12 =	sadd.s32 $0x17C00, s12;
	[sflag:s6] =	ssyncadd.s32 $0xFFFFE000  }
0x13e: {  	[spmem:s3] =	stream.indirect.scatter.add.f32 [tilespmem:s26], [sflag:$0x6], $0x40, s12, s25, $0xb8;
	[tilespmem:$0x1F000] =	vst v63  }
.LBB2_30:
0x13f: {  	_ =	sfence.sel $0x180000  }
0x140: {  	[bflag:$0x0] =	sbarrier.arrive $0xFFFF  }
0x141: {  	_ =	strace $0x9000004D  }
0x142: {  	s0 =	stileid.u32;
	[bflag:$0x2] =	sbarrier.arrive $0xFFFF  }
0x143: {  	p0 =	sne.s32 s0, $0x0;
	s0 =	rddreg [dreg:$0x4]  }
0x144: {  	s0 =	sadd.s32 @!p0 $0x100000, s0  }
0x145: {  	[sflag:s0] =	ssyncadd.tile.s32 @!p0 $0x1;
	_ =	shalt  }
.Lfunc_end2:
_tile_overlayer_lowered:
.L_overlay_start_2:
0x146: {  	(tag) =	ssettag $0x2  }
0x147: {  	s0 =	rddreg [dreg:$0x0];
	s2 =	stileid.u32  }
0x148: {  	s1 =	rddreg [dreg:$0x1];
	p0 =	sne.s32 s2, $0x0  }
0x149: {  	s3 =	rddreg [dreg:$0x2];
	[bflag:$0x3] =	sbarrier.arrive $0xFFFF;
	s2 =	simm.s32 @!p0 $0x1C09  }
0x14a: {  	[timem:s3], [sflag:s2] =	dma.local @!p0 [hbm:s0], s1  }
0x14b: {  	s0 =	simm.s32 @!p0 $0x9  }
0x14c: {  	_ =	swait.ge @!p0 [sflag:s0], s1  }
0x14d: {  	s1 =	ssub.s32 @!p0 $0x0, s1;
	[sflag:s0] =	ssyncset.done @!p0 $0x0  }
0x14e: {  	[sflag:s0] =	ssyncadd.s32 @!p0 s1  }
0x14f: {  	[bflag:$0x3] =	sbarrier.arrive $0xFFFF  }
0x150: {  	_ =	shalt  }

// kernel: kernel.8.cloned.1.call-start
scs
__scs_entry_jumppad:
0x0: {  	(pc) =	sbr.rel $0x88, $3  }
0x1: {  	(tag) =	ssettag $0x0;
	lr =	simm.s32 $0x1  }
0x2: {  	[smem:$0x3F9B] =	sst lr;
	_ =	strace $0xD0000000  }
0x3: {  	_ = 	snop  }
0x4: {  	_ = 	snop  }
0x5: {  	_ = 	snop  }
0x6: {  	_ = 	snop  }
0x7: {  	_ = 	snop  }
__scs_overlays_trampoline_lowered:
0x8: {  	[smem:$0x3FAA] =	sst s0  }
0x9: {  	[smem:$0x3FAB] =	sst s1  }
0xa: {  	[smem:$0x3FAC] =	sst s2  }
0xb: {  	[smem:$0x3FAD] =	sst s3  }
0xc: {  	[smem:$0x3FAE] =	sst s4  }
0xd: {  	[smem:$0x3FAF] =	sst s5  }
0xe: {  	[smem:$0x3FB0] =	sst s6  }
0xf: {  	[smem:$0x3FB1] =	sst s7  }
0x10: {  	[smem:$0x3FB2] =	sst s8  }
0x11: {  	[smem:$0x3FB3] =	sst s9;
	s0 =	simm.s32 @!p0 $0x0  }
0x12: {  	s1 =	sld [smem:$0x3F99];
	s0 =	simm.s32 @p0 $0x1  }
0x13: {  	[smem:$0x3FB4] =	sst s0;
	s0 =	simm.s32 @!p1 $0x0  }
0x14: {  	s2 =	sld [smem:$0x3F98];
	s0 =	simm.s32 @p1 $0x1  }
0x15: {  	[smem:$0x3FB5] =	sst s0;
	s0 =	simm.s32 @!p2 $0x0  }
0x16: {  	s3 =	sld [smem:$0x3FDB];
	s0 =	simm.s32 @p2 $0x1  }
0x17: {  	s4 =	simm.s32 $0x1BF5;
	[smem:$0x3FB7] =	sst s0  }
0x18: {  	s0 =	sld [smem:$0x3F9A];
	_ =	swait.ge [sflag:s4], $0x0  }
0x19: {  	s7 =	sld [smem:$0x3F9B]  }
0x1a: {  	s8 =	sadd.s32 $0xFFFFE003, lr  }
0x1b: {  	s9 =	sadd.s32 $0xFFFFFEF7, lr;
	s5 =	simm.s32 $0xFFFFFFFF;
	p2 =	slt.u32 s8, $0xFFFFF086  }
0x1c: {  	p1 =	slt.u32 s9, $0xF7A;
	s5 =	simm.s32 @!p2 $0x0  }
0x1d: {  	s5 =	simm.s32 @p1 $0x1;
	p0 =	seq.s32 s7, s2  }
0x1e: {  	s7 =	smul.u32 @!p0 $0xF7A, s2;
	p2 =	seq.s32 @!p0 s5, $0x0  }
0x1f: {  	s9 =	smul.u32 $0xF7A, s1;
	s8 =	simm.s32 @!p0 $0x1BF5;
	p2 =	por !p2, p0  }
0x20: {  	[sflag:s8] =	ssyncset.s32 @!p0 $0xFFFFF086;
	s6 =	sadd.s32 @!p0 s3, s7;
	s7 =	simm.s32 @!p0 $0x108  }
0x21: {  	s3 =	sadd.s32 s3, s9;
	s6 =	sadd.s32 @!p0 $0x88, s6;
	s7 =	simm.s32 @p2 $0x1082  }
0x22: {  	[simem:s7], [sflag:s8] =	dma.local @!p0 [hbm:s6], $0xF7A  }
0x23: {  	s9 =	sor.u32 $0xD0000000, s2;
	s6 =	simm.s32 $0x108;
	_ =	swait.ge @!p0 [sflag:s8], $0x0  }
0x24: {  	s3 =	sadd.s32 $0x88, s3;
	s6 =	simm.s32 @!p1 $0x1082;
	[sflag:s4] =	ssyncset.s32 $0xFFFFF086  }
0x25: {  	[simem:s6], [sflag:s4] =	dma.local [hbm:s3], $0xF7A  }
0x26: {  	[smem:$0x3F9B] =	sst s1;
	(tag) =	ssettag s2;
	_ =	strace s9  }
0x27: {  	s1 =	sld [smem:$0x3FAB]  }
0x28: {  	s2 =	sld [smem:$0x3FAC]  }
0x29: {  	s4 =	sld [smem:$0x3FAE]  }
0x2a: {  	p0 =	seq.s32 s5, $0x0;
	s5 =	sld [smem:$0x3FAF]  }
0x2b: {  	s6 =	sld [smem:$0x3FB0]  }
0x2c: {  	s7 =	sld [smem:$0x3FB1]  }
0x2d: {  	s3 =	simm.s32 $0x108;
	s8 =	sld [smem:$0x3FB2]  }
0x2e: {  	s3 =	simm.s32 @!p0 $0x1082;
	s9 =	sld [smem:$0x3FB3]  }
0x2f: {  	lr =	sadd.s32 s0, s3;
	s0 =	sld [smem:$0x3FAA]  }
0x30: {  	s3 =	sld [smem:$0x3FAD]  }
0x31: {  	[smem:$0x3FB6] =	sst s10  }
0x32: {  	s10 =	sld [smem:$0x3FB4];
	_ =	sdelay $0x3  }
0x33: {  	p0 =	seq.s32 s10, $0x1;
	s10 =	sld [smem:$0x3FB6];
	_ =	sdelay $0x3  }
0x34: {  	[smem:$0x3FB6] =	sst s10  }
0x35: {  	s10 =	sld [smem:$0x3FB5];
	_ =	sdelay $0x3  }
0x36: {  	p1 =	seq.s32 s10, $0x1;
	s10 =	sld [smem:$0x3FB6];
	_ =	sdelay $0x3  }
0x37: {  	[smem:$0x3FB6] =	sst s10  }
0x38: {  	s10 =	sld [smem:$0x3FB7]  }
0x39: {  	_ = 	snop;
	(pc) =	sbr.ind lr, $3  }
0x3a: {  	_ = 	snop  }
0x3b: {  	_ = 	snop  }
0x3c: {  	p2 =	seq.s32 s10, $0x1;
	s10 =	sld [smem:$0x3FB6]  }
0x3d: {  	_ =	shalt  }
0x3e: {  	_ =	shalt  }
0x3f: {  	_ =	shalt  }
0x40: {  	_ =	shalt  }
0x41: {  	_ =	shalt  }
0x42: {  	_ =	shalt  }
0x43: {  	_ =	shalt  }
0x44: {  	_ =	shalt  }
0x45: {  	_ =	shalt  }
0x46: {  	_ =	shalt  }
0x47: {  	_ =	shalt  }
0x48: {  	_ =	shalt  }
0x49: {  	_ =	shalt  }
0x4a: {  	_ =	shalt  }
0x4b: {  	_ =	shalt  }
0x4c: {  	_ =	shalt  }
0x4d: {  	_ =	shalt  }
0x4e: {  	_ =	shalt  }
0x4f: {  	_ =	shalt  }
0x50: {  	_ =	shalt  }
0x51: {  	_ =	shalt  }
0x52: {  	_ =	shalt  }
0x53: {  	_ =	shalt  }
0x54: {  	_ =	shalt  }
0x55: {  	_ =	shalt  }
0x56: {  	_ =	shalt  }
0x57: {  	_ =	shalt  }
0x58: {  	_ =	shalt  }
0x59: {  	_ =	shalt  }
0x5a: {  	_ =	shalt  }
0x5b: {  	_ =	shalt  }
0x5c: {  	_ =	shalt  }
0x5d: {  	_ =	shalt  }
0x5e: {  	_ =	shalt  }
0x5f: {  	_ =	shalt  }
0x60: {  	_ =	shalt  }
0x61: {  	_ =	shalt  }
0x62: {  	_ =	shalt  }
0x63: {  	_ =	shalt  }
0x64: {  	_ =	shalt  }
0x65: {  	_ =	shalt  }
0x66: {  	_ =	shalt  }
0x67: {  	_ =	shalt  }
0x68: {  	_ =	shalt  }
0x69: {  	_ =	shalt  }
0x6a: {  	_ =	shalt  }
0x6b: {  	_ =	shalt  }
0x6c: {  	_ =	shalt  }
0x6d: {  	_ =	shalt  }
0x6e: {  	_ =	shalt  }
0x6f: {  	_ =	shalt  }
0x70: {  	_ =	shalt  }
0x71: {  	_ =	shalt  }
0x72: {  	_ =	shalt  }
0x73: {  	_ =	shalt  }
0x74: {  	_ =	shalt  }
0x75: {  	_ =	shalt  }
0x76: {  	_ =	shalt  }
0x77: {  	_ =	shalt  }
0x78: {  	_ =	shalt  }
0x79: {  	_ =	shalt  }
0x7a: {  	_ =	shalt  }
0x7b: {  	_ =	shalt  }
0x7c: {  	_ =	shalt  }
0x7d: {  	_ =	shalt  }
0x7e: {  	_ =	shalt  }
0x7f: {  	_ =	shalt  }
0x80: {  	_ =	shalt  }
0x81: {  	_ =	shalt  }
0x82: {  	_ =	shalt  }
0x83: {  	_ =	shalt  }
0x84: {  	_ =	shalt  }
0x85: {  	_ =	shalt  }
0x86: {  	_ =	shalt  }
0x87: {  	_ =	shalt  }
.Lfunc_end0:
.L_simem_size_0:
called_computation_lowered:
.L_overlay_start_0:
0x88: {  	s2 =	sld [smem:$0x3FD9]  }
0x89: {  	s3 =	sld [smem:$0x3FFE];
	_ =	sdelay $0x1  }
0x8a: {  	s1 =	srdreg.scid  }
0x8b: {  	s0 =	sand.u32 $0x1, s1  }
0x8c: {  	s16 =	sshll.u32 s0, $0xA;
	s2 =	sadd.s32 s3, s2  }
0x8d: {  	s2 =	sadd.s32 s2, s16  }
0x8e: {  	[smem:$0x3FC2] =	sst s2  }
0x8f: {  	_ = 	snop  }
0x90: {  	(tm) =	ssettm $0x1  }
0x91: {  	s17 =	sld [smem:$0x3FFB];
	_ =	sdelay $0x3  }
0x92: {  	_ =	strace s17  }
0x93: {  	s2 =	sld [smem:$0x3FFC];
	_ =	sdelay $0x3  }
0x94: {  	_ =	strace s2  }
0x95: {  	s2 =	sld [smem:$0x3FFD];
	_ =	sdelay $0x3  }
0x96: {  	_ =	strace s2  }
0x97: {  	_ =	strace $0x8FFFFFFF  }
0x98: {  	s18 =	sld [smem:$0x3FDB];
	_ =	sdelay $0x1  }
0x99: {  	s19 =	simm.s32 $_scs_section_size  }
0x9a: {  	s4 =	simm.s32 $_size__tile_overlayer_lowered;
	s5 =	simm.s32 $_tile_overlayer_lowered  }
0x9b: {  	s22 =	simm.s32 $0x1BFF;
	s21 =	sshll.u32 s5, $0x1;
	s2 =	sadd.s32 s19, s18  }
0x9c: {  	s6 =	simm.s32 $0x0;
	s20 =	sshll.u32 s4, $0x1;
	s4 =	sadd.s32 s21, s2  }
0x9d: {  	[timem:s6], [sflag:s22] =	dma.local [hbm:s4], s20  }
0x9e: {  	_ =	swait.ge [sflag:s22], s20  }
0x9f: {  	s3 =	ssub.s32 $0x0, s20;
	[sflag:s22] =	ssyncset.done $0x0  }
0xa0: {  	[sflag:s22] =	ssyncadd.s32 s3;
	_ =	sdelay $0x1  }
0xa1: {  	s23 =	simm.s32 $0x1B8B  }
0xa2: {  	_ =	swait.ge [sflag:s23], $0x1  }
0xa3: {  	[sflag:s23] =	ssyncset.done $0x0  }
0xa4: {  	s25 =	simm.s32 $0x1B8E;
	s24 =	sld [smem:$0x3FFE];
	[sflag:s23] =	ssyncadd.s32 $0xFFFFFFFF  }
0xa5: {  	s26 =	simm.s32 $execute0_lowered;
	[smem:$0x3FD2] =	sst s25  }
0xa6: {  	s4 =	sshll.u32 s26, $0x1;
	_ =	strace $0x80000046;
	[dreg:$0x1] =	wrdreg $0xFFFFFFFF  }
0xa7: {  	s28 =	simm.s32 $_size_execute0_lowered;
	s2 =	sadd.s32 s2, s4;
	[dreg:$0x0] =	wrdreg $0x0  }
0xa8: {  	s4 =	sshll.u32 s28, $0x1;
	[dreg:$0x2] =	wrdreg s2  }
0xa9: {  	[dreg:$0x3] =	wrdreg s4  }
0xaa: {  	[dreg:$0x4] =	wrdreg $0xC0  }
0xab: {  	_ =	task [dreg:s6], $0x5FFFF  }
0xac: {  	[dreg:$0x1] =	wrdreg $0xFFFFFFFF  }
0xad: {  	[dreg:$0x0] =	wrdreg $0x60  }
0xae: {  	[dreg:$0x2] =	wrdreg s24  }
0xaf: {  	[dreg:$0x3] =	wrdreg $0x0  }
0xb0: {  	[dreg:$0x4] =	wrdreg $0x9  }
0xb1: {  	_ =	task.clear_ibuf [dreg:s6], $0x5FFFF;
	_ =	strace $0x90000046  }
0xb2: {  	s29 =	simm.s32 $0x9;
	_ =	strace $0x80000048  }
0xb3: {  	_ =	swait.ge [sflag:s29], $0x1  }
0xb4: {  	[sflag:s29] =	ssyncadd.s32 $0xFFFFFFFF  }
0xb5: {  	_ =	strace $0x90000048  }
0xb6: {  	_ =	sfence  }
0xb7: {  	s30 =	sld [smem:$0x0];
	_ =	sdelay $0x2  }
0xb8: {  	s31 =	sshll.u32 s1, $0xD;
	s1 =	sshrl.u32 s1, $0x2  }
0xb9: {  	s3 =	sand.u32 $0x4000, s31;
	s1 =	sadd.s32 s1, s30  }
0xba: {  	s0 =	sor.u32 s3, s0;
	s1 =	sshll.u32 s1, $0x11  }
0xbb: {  	s0 =	sor.u32 s1, s0  }
0xbc: {  	s0 =	sadd.s32 $0x8F2B, s0  }
0xbd: {  	[sflag:s0] =	ssyncadd.remote.s32 $0x1  }
0xbe: {  	_ =	sfence.sel $0xFFFF  }
0xbf: {  	[dreg:$0x0] =	wrdreg $0xFFFFFFFF;
	(pc) =	sbr.abs _section_cstart, $3  }
0xc0: {  	[dreg:$0x1] =	wrdreg $0xFFFFFFFF  }
0xc1: {  	_ =	task.clear_ibuf [dreg:s6], $0x2FFFF;
	_ =	strace $0x9FFFFFFF  }
0xc2: {  	(tm) =	ssettm $0x7FFFFFFF  }
0xc3: {  	_ =	shalt  }
tec
execute0_lowered:
.L_overlay_start_1:
0x0: {  	(tag) =	ssettag $0x1  }
0x1: {  	s5 =	rddreg [dreg:$0x0]  }
0x2: {  	s0 =	srdreg.scid;
	s2 =	rddreg [dreg:$0x1];
	s3 =	simm.s32 $0x0  }
0x3: {  	s12 =	simm.s32 $0x80;
	s13 =	simm.s32 $0x2A80;
	s14 =	simm.s32 $0x1  }
0x4: {  	s15 =	simm.s32 $0x20;
	s4 =	sand.u32 $0x1, s0;
	s0 =	stileid.u32  }
0x5: {  	s16 =	simm.s32 $0x10;
	s17 =	simm.s32 $0x0;
	s7 =	smul.u32 $0x280, s0  }
0x6: {  	[smem:$0x7FF] =	sst s3;
	s1 =	sshll.u32 s4, $0x4;
	s8 =	smul.u32 $0x500, s0  }
0x7: {  	s9 =	sshll.u32 s4, $0x7;
	s4 =	ssub.s32 $0x2, s4;
	s1 =	sor.u32 s0, s1  }
0x8: {  	s31 =	sshll.u32 s0, $0x6;
	s30 =	sshrl.u32 s4, $0x1;
	s6 =	smul.u32 $0x500, s1  }
0x9: {  	s1 =	rddreg [dreg:$0x2];
	_ =	strace $0x80000047;
	s10 =	sshrl.u32 s7, $0x3  }
0xa: {  	s8 =	sor.u32 s9, s8;
	s11 =	sadd.s32 s7, s2;
	s9 =	simm.s32 $0x2  }
0xb: {  	s29 =	sadd.s32 s10, s5;
	s8 =	sshrl.u32 s8, $0x3;
	s10 =	ssub.s32 s4, s30  }
0xc: {  	s11 =	sshrl.u32 s11, $0x3;
	s6 =	sadd.s32 s6, s5;
	s8 =	sadd.s32 s8, s5  }
0xd: {  	s5 =	sadd.s32 $0xC200, s29;
	s7 =	smax.u32 s10, $0x1;
	s10 =	sor.u32 $0x1C02, s31  }
0xe: {  	v0 =	vimm.f32 $1.000000000e+00;
	s4 =	sadd.s32 $0x2200, s6;
	s6 =	sadd.s32 $0xC800, s8;
	s8 =	simm.s32 $0x280  }
.LBB2_1:
0xf: {  	[tilespmem:$0x2A80] =	vst v0  }
0x10: {  	[tilespmem:$0x2A90] =	vst v0  }
0x11: {  	[tilespmem:$0x2AA0] =	vst v0  }
0x12: {  	[tilespmem:$0x2AB0] =	vst v0  }
0x13: {  	[tilespmem:$0x2AC0] =	vst v0  }
0x14: {  	[tilespmem:$0x2AD0] =	vst v0  }
0x15: {  	[tilespmem:$0x2AE0] =	vst v0  }
0x16: {  	[tilespmem:$0x2AF0] =	vst v0  }
0x17: {  	[tilespmem:s8], [sflag:$0x2] =	stream.linear.gather [hbm4b:s4+s3], $0x2800, $0x38;
	[tilespmem:$0x2B00] =	vst v63  }
0x18: {  	_ =	swait.ge [sflag:s9], $0x2800  }
0x19: {  	[sflag:s9] =	ssyncset.done $0x0  }
0x1a: {  	[sflag:s9] =	ssyncadd.s32 $0xFFFFD800  }
0x1b: {  	[spmem:s11], [sflag:s10] =	dma.local [hbm:s5], $0x50  }
0x1c: {  	_ =	swait.ge [sflag:s9], $0x50  }
0x1d: {  	[sflag:s9] =	ssyncset.done $0x0  }
0x1e: {  	[sflag:s9] =	ssyncadd.s32 $0xFFFFFFB0  }
0x1f: {  	s18 =	simm.s32 $0x0;
	[bflag:$0x0] =	sbarrier.arrive $0xFFFF  }
.LBB2_2:
0x20: {  	p0 =	sne.s32 s18, $0x9E00  }
.Ltmp0:
0x21: {  	_ = 	snop;
	(pc) =	sbr.rel @p0 .LBB2_2-.Ltmp0, $4  }
0x22: {  	_ = 	snop  }
0x23: {  	s19 =	sshra.s32 s18, $0x2  }
0x24: {  	s18 =	sadd.s32 $0x200, s18;
	s19 =	sadd.s32 $0x280, s19  }
0x25: {  	[spmem:s2] =	stream.indirect.scatter.add.f32 [tilespmem:s13], [sflag:$0x1], $0x1, s19, s12, $0xb8;
	[tilespmem:$0x2B00] =	vst v63  }
0x26: {  	_ =	swait.ge [sflag:s14], $0x80  }
0x27: {  	s18 =	simm.s32 $0x4F;
	[sflag:s14] =	ssyncset.done $0x0  }
.LBB2_4:
0x28: {  	p0 =	sne.s32 s18, $0x1;
	s18 =	sadd.s32 $0xFFFFFFFF, s18;
	[sflag:s14] =	ssyncadd.s32 $0xFFFFFF80  }
.Ltmp1:
0x29: {  	(pc) =	sbr.rel @p0 .LBB2_4-.Ltmp1, $3  }
0x2a: {  	_ =	sdelay $0x1  }
0x2b: {  	_ =	swait.ge [sflag:s14], $0x80  }
0x2c: {  	[sflag:s14] =	ssyncset.done $0x0  }
0x2d: {  	s17 =	sadd.s32 $0x1, s17  }
0x2e: {  	[sflag:s14] =	ssyncadd.s32 $0xFFFFFF80;
	p0 =	sne.s32 s17, s7  }
.Ltmp2:
0x2f: {  	[bflag:$0x0] =	sbarrier.arrive $0xFFFF;
	(pc) =	sbr.rel @p0 .LBB2_1-.Ltmp2, $4  }
0x30: {  	[hbm:s6@s15], [sflag:s10] =	dma.strided [spmem:s11@s16], $0x50, s14, $0x10   }
0x31: {  	_ =	swait.ge [sflag:s9], $0x50  }
0x32: {  	[sflag:s9] =	ssyncset.done $0x0  }
0x33: {  	[sflag:s9] =	ssyncadd.s32 $0xFFFFFFB0  }
0x34: {  	_ =	sfence.sel $0x180000  }
0x35: {  	[bflag:$0x0] =	sbarrier.arrive $0xFFFF  }
0x36: {  	p0 =	sne.s32 s0, $0x0;
	_ =	strace $0x90000047  }
0x37: {  	s0 =	sadd.s32 @!p0 $0x100000, s1;
	[bflag:$0x2] =	sbarrier.arrive $0xFFFF  }
0x38: {  	[sflag:s0] =	ssyncadd.tile.s32 @!p0 $0x1;
	_ =	shalt  }
.Lfunc_end2:
_tile_overlayer_lowered:
.L_overlay_start_2:
0x39: {  	(tag) =	ssettag $0x2  }
0x3a: {  	s0 =	rddreg [dreg:$0x0];
	s2 =	stileid.u32  }
0x3b: {  	s1 =	rddreg [dreg:$0x1];
	p0 =	sne.s32 s2, $0x0  }
0x3c: {  	s3 =	rddreg [dreg:$0x2];
	[bflag:$0x3] =	sbarrier.arrive $0xFFFF;
	s2 =	simm.s32 @!p0 $0x1C02  }
0x3d: {  	[timem:s3], [sflag:s2] =	dma.local @!p0 [hbm:s0], s1  }
0x3e: {  	s0 =	simm.s32 @!p0 $0x2  }
0x3f: {  	_ =	swait.ge @!p0 [sflag:s0], s1  }
0x40: {  	s1 =	ssub.s32 @!p0 $0x0, s1;
	[sflag:s0] =	ssyncset.done @!p0 $0x0  }
0x41: {  	[sflag:s0] =	ssyncadd.s32 @!p0 s1  }
0x42: {  	[bflag:$0x3] =	sbarrier.arrive $0xFFFF  }
0x43: {  	_ =	shalt  }

</sc_bundles>
